<compile_context>
chip_gen: v7x
topology: tpu7x:2x2x1
jax: 0.10.2.dev20260603
libtpu: 0.0.44.dev20260713+nightly
codegen_flags: <defaults>
</compile_context>

<pallas_src>
import functools

import jax
import jax.numpy as jnp
from jax import lax
from jax.experimental import pallas as pl
from jax.experimental.pallas import tpu as pltpu
from jax.experimental.pallas import tpu_sc as plsc

NC = 2
NS = 16
NW = NC * NS
CHUNK = 128
GRP = 8


def _sc_degree(nnodes, npad, epad):
    stripe = npad // NS
    ndrain = stripe // CHUNK
    nchunks = epad // (NW * CHUNK)
    ngrp = nchunks // GRP
    mesh = plsc.VectorSubcoreMesh(core_axis_name="c", subcore_axis_name="s")

    @functools.partial(
        pl.kernel,
        out_type=jax.ShapeDtypeStruct((NC, npad, 16), jnp.float32),
        mesh=mesh,
        scratch_types=[
            pltpu.VMEM_SHARED((npad, 16), jnp.float32),
            pltpu.VMEM((CHUNK, 16), jnp.float32),
            pltpu.VMEM((CHUNK, 16), jnp.float32),
            pltpu.VMEM((CHUNK,), jnp.int32),
            pltpu.VMEM((CHUNK,), jnp.int32),
            pltpu.SemaphoreType.DMA,
            pltpu.SemaphoreType.DMA,
            pltpu.SemaphoreType.DMA,
            pltpu.SemaphoreType.DMA,
        ],
    )
    def deg_kernel(dst_hbm, out_hbm, acc_sh, ones_v, tmp_v, f0, f1,
                   ss0, ss1, sif0, sif1):
        cid = lax.axis_index("c")
        sid = lax.axis_index("s")
        wid = sid * NC + cid
        cbase = wid * nchunks

        def init_bufs(i, _):
            ones_v[i, :] = jnp.ones((16,), jnp.float32)
            tmp_v[i, :] = jnp.zeros((16,), jnp.float32)
            return 0
        lax.fori_loop(0, CHUNK, init_bufs, 0)
        for k in range(ndrain):
            pltpu.sync_copy(tmp_v, acc_sh.at[pl.ds(sid * stripe + k * CHUNK, CHUNK)])
        plsc.subcore_barrier()

        def idxd(t, f, sem):
            return pltpu.make_async_copy(
                dst_hbm.at[pl.ds((cbase + t) * CHUNK, CHUNK)], f, sem)

        def s_wait(f, sem):
            pltpu.make_async_copy(ones_v, acc_sh.at[f], sem).wait()

        def body(m, _):
            t0 = 2 * m
            t1 = t0 + 1

            idxd(t0, f0, sif0).start()
            idxd(t1, f1, sif1).start()
            idxd(t0, f0, sif0).wait()
            pltpu.sync_copy(ones_v, acc_sh.at[f0], add=True)
            idxd(t1, f1, sif1).wait()
            pltpu.sync_copy(ones_v, acc_sh.at[f1], add=True)
            return 0
        lax.fori_loop(0, nchunks // 2, body, 0)
        plsc.subcore_barrier()

        for k in range(ndrain):
            pltpu.sync_copy(acc_sh.at[pl.ds(sid * stripe + k * CHUNK, CHUNK)], tmp_v)
            pltpu.sync_copy(tmp_v, out_hbm.at[cid, pl.ds(sid * stripe + k * CHUNK, CHUNK)])

    return deg_kernel


def _sc_segment_sum(nnodes, npad, epad, width, c0, c1):
    stripe = npad // NS
    ndrain = stripe // CHUNK
    assert NS * (c0 + c1) * CHUNK == epad and c0 % GRP == 0 and c1 % GRP == 0
    mesh = plsc.VectorSubcoreMesh(core_axis_name="c", subcore_axis_name="s")

    @functools.partial(
        pl.kernel,
        out_type=jax.ShapeDtypeStruct((NC, npad, width), jnp.float32),
        mesh=mesh,
        scratch_types=[
            pltpu.VMEM_SHARED((npad, width), jnp.float32),
            pltpu.VMEM((CHUNK, width), jnp.float32),
            pltpu.VMEM((CHUNK, width), jnp.float32),
            pltpu.VMEM((2, GRP * CHUNK), jnp.int32),
            pltpu.VMEM((CHUNK,), jnp.int32),
            pltpu.VMEM((CHUNK,), jnp.int32),
            pltpu.SemaphoreType.DMA,
            pltpu.SemaphoreType.DMA,
            pltpu.SemaphoreType.DMA,
            pltpu.SemaphoreType.DMA,
            pltpu.SemaphoreType.DMA,
            pltpu.SemaphoreType.DMA,
            pltpu.SemaphoreType.DMA,
        ],
    )
    def seg_kernel(y_hbm, src_hbm, dst_hbm, out_hbm,
                   acc_sh, rows0, rows1, sidx, f0, f1,
                   sg0, sg1, ss0, ss1, sig, sif0, sif1):
        cid = lax.axis_index("c")
        sid = lax.axis_index("s")
        wlanes = width // 16
        nch = jnp.where(cid == 0, c0, c1)
        cbase = jnp.where(cid == 0, sid * c0, NS * c0 + sid * c1)
        ngrp_t = nch // GRP

        def init_zero(i, _):
            for k in range(wlanes):
                rows0[i, pl.ds(k * 16, 16)] = jnp.zeros((16,), jnp.float32)
            return 0
        lax.fori_loop(0, CHUNK, init_zero, 0)
        for k in range(ndrain):
            pltpu.sync_copy(rows0, acc_sh.at[pl.ds(sid * stripe + k * CHUNK, CHUNK)])
        plsc.subcore_barrier()

        def g_copy(slot, k, rows, sem):
            return pltpu.make_async_copy(
                y_hbm.at[sidx.at[slot, pl.ds(k * CHUNK, CHUNK)]], rows, sem)

        def idxd(t, f, sem):
            return pltpu.make_async_copy(
                dst_hbm.at[pl.ds((cbase + t) * CHUNK, CHUNK)], f, sem)

        def s_start(f, rows, sem):
            pltpu.async_copy(rows, acc_sh.at[f], sem, add=True)

        def s_wait(f, rows, sem):
            pltpu.make_async_copy(rows, acc_sh.at[f], sem).wait()

        def i_copy(g, slot):
            return pltpu.make_async_copy(
                src_hbm.at[pl.ds((cbase + g * GRP) * CHUNK, GRP * CHUNK)],
                sidx.at[slot], sig)

        i_copy(0, 0).start()
        i_copy(0, 0).wait()

        def body(m, _):
            t0 = 2 * m
            t1 = t0 + 1
            g = m // (GRP // 2)
            slot = lax.rem(g, 2)
            k0 = t0 - g * GRP
            k1 = k0 + 1

            @pl.when(jnp.logical_and(lax.rem(m, GRP // 2) == 0, m > 0))
            def _():
                i_copy(g, slot).wait()

            idxd(t0, f0, sif0).start()
            g_copy(slot, k0, rows0, sg0).start()
            idxd(t1, f1, sif1).start()
            g_copy(slot, k1, rows1, sg1).start()

            @pl.when(jnp.logical_and(lax.rem(m, GRP // 2) == 1, g + 1 < ngrp_t))
            def _():
                i_copy(g + 1, 1 - slot).start()

            g_copy(slot, k0, rows0, sg0).wait()
            idxd(t0, f0, sif0).wait()
            pltpu.sync_copy(rows0, acc_sh.at[f0], add=True)
            g_copy(slot, k1, rows1, sg1).wait()
            idxd(t1, f1, sif1).wait()
            pltpu.sync_copy(rows1, acc_sh.at[f1], add=True)
            return 0
        lax.fori_loop(0, nch // 2, body, 0)
        plsc.subcore_barrier()

        for k in range(ndrain):
            rows = rows0 if k % 2 == 0 else rows1
            sem = ss0 if k % 2 == 0 else ss1
            if k >= 2:
                pltpu.make_async_copy(
                    rows, out_hbm.at[cid, pl.ds(sid * stripe + (k - 2) * CHUNK, CHUNK)],
                    sem).wait()
            pltpu.sync_copy(acc_sh.at[pl.ds(sid * stripe + k * CHUNK, CHUNK)], rows)
            pltpu.make_async_copy(
                rows, out_hbm.at[cid, pl.ds(sid * stripe + k * CHUNK, CHUNK)],
                sem).start()
        for k in range(max(0, ndrain - 2), ndrain):
            rows = rows0 if k % 2 == 0 else rows1
            sem = ss0 if k % 2 == 0 else ss1
            pltpu.make_async_copy(
                rows, out_hbm.at[cid, pl.ds(sid * stripe + k * CHUNK, CHUNK)],
                sem).wait()

    return seg_kernel


def _dis_from(deg_ref):
    degv = deg_ref[0] + deg_ref[1]
    deg = degv[:, 0:1] + 1.0
    return lax.rsqrt(deg)


def _tc_b1(deg_ref, x_ref, w_ref, y_ref):
    dis = _dis_from(deg_ref)
    xw = jnp.dot(x_ref[...], w_ref[...], preferred_element_type=jnp.float32)
    y_ref[...] = xw * dis


def _tc_b2(deg_ref, acc_ref, y1_ref, b1_ref, w2_ref, y2_ref):
    dis = _dis_from(deg_ref)
    z = (acc_ref[0] + acc_ref[1] + y1_ref[...]) * dis + b1_ref[...]
    xo = jnp.maximum(z, 0.0)
    y2_ref[...] = jnp.dot(xo, w2_ref[...],
                          preferred_element_type=jnp.float32) * dis


def _gru(x, h, wih_t, whh_t, bi, bh, hdim):
    gi = jnp.dot(x, wih_t, preferred_element_type=jnp.float32) + bi
    gh = jnp.dot(h, whh_t, preferred_element_type=jnp.float32) + bh
    ir, iz, inn = (gi[:, :hdim], gi[:, hdim:2 * hdim], gi[:, 2 * hdim:])
    hr, hz, hn = (gh[:, :hdim], gh[:, hdim:2 * hdim], gh[:, 2 * hdim:])
    r = jax.nn.sigmoid(ir + hr)
    z = jax.nn.sigmoid(iz + hz)
    n = jnp.tanh(inn + r * hn)
    return (1.0 - z) * n + z * h


def _tc_b3(hdim, deg_ref, acc_ref, y2_ref, b2_ref, h1_ref, h2_ref, h3_ref,
           wih1_ref, whh1_ref, bih1_ref, bhh1_ref,
           wih2_ref, whh2_ref, bih2_ref, bhh2_ref,
           wih3_ref, whh3_ref, bih3_ref, bhh3_ref,
           o1_ref, o2_ref, o3_ref):
    dis = _dis_from(deg_ref)
    z = (acc_ref[0] + acc_ref[1] + y2_ref[...]) * dis + b2_ref[...]
    xo = jnp.maximum(z, 0.0)
    o1 = _gru(xo, h1_ref[...], wih1_ref[...], whh1_ref[...],
              bih1_ref[...], bhh1_ref[...], hdim)
    o2 = _gru(o1, h2_ref[...], wih2_ref[...], whh2_ref[...],
              bih2_ref[...], bhh2_ref[...], hdim)
    o3 = _gru(o2, h3_ref[...], wih3_ref[...], whh3_ref[...],
              bih3_ref[...], bhh3_ref[...], hdim)
    o1_ref[...] = o1
    o2_ref[...] = o2
    o3_ref[...] = o3


def kernel(x, edge_index, h1, h2, h3, W1, b1, W2, b2,
           Wih1, Whh1, bih1, bhh1,
           Wih2, Whh2, bih2, bhh2,
           Wih3, Whh3, bih3, bhh3):
    n, d = x.shape
    hdim = h1.shape[1]
    e = edge_index.shape[1]
    stripe = ((n + 1 + NS * CHUNK - 1) // (NS * CHUNK)) * CHUNK
    npad = NS * stripe
    nchunks = -(-(-(-e // (NW * CHUNK))) // GRP) * GRP
    epad = nchunks * NW * CHUNK
    padn = epad - e

    src = edge_index[0]
    dst = edge_index[1]
    if padn:
        src = jnp.concatenate([src, jnp.zeros((padn,), jnp.int32)])
        dst = jnp.concatenate([dst, jnp.full((padn,), n, jnp.int32)])
    c0 = min(2 * nchunks - GRP, ((17 * 2 * nchunks // 20) // GRP) * GRP)
    c1 = 2 * nchunks - c0

    r = n // 10
    grid = n // r

    deg_p = _sc_degree(n, npad, epad)(dst)[:, :n, :]

    y1 = pl.pallas_call(
        _tc_b1,
        grid=(grid,),
        in_specs=[
            pl.BlockSpec((NC, r, 16), lambda i: (0, i, 0)),
            pl.BlockSpec((r, d), lambda i: (i, 0)),
            pl.BlockSpec((d, hdim), lambda i: (0, 0)),
        ],
        out_specs=pl.BlockSpec((r, hdim), lambda i: (i, 0)),
        out_shape=jax.ShapeDtypeStruct((n, hdim), jnp.float32),
    )(deg_p, x, W1)

    seg = _sc_segment_sum(n, npad, epad, hdim, c0, c1)
    acc1 = seg(y1, src, dst)[:, :n, :]

    y2 = pl.pallas_call(
        _tc_b2,
        grid=(grid,),
        in_specs=[
            pl.BlockSpec((NC, r, 16), lambda i: (0, i, 0)),
            pl.BlockSpec((NC, r, hdim), lambda i: (0, i, 0)),
            pl.BlockSpec((r, hdim), lambda i: (i, 0)),
            pl.BlockSpec((1, hdim), lambda i: (0, 0)),
            pl.BlockSpec((hdim, hdim), lambda i: (0, 0)),
        ],
        out_specs=pl.BlockSpec((r, hdim), lambda i: (i, 0)),
        out_shape=jax.ShapeDtypeStruct((n, hdim), jnp.float32),
    )(deg_p, acc1, y1, b1.reshape(1, hdim), W2)

    acc2 = seg(y2, src, dst)[:, :n, :]

    wspec = pl.BlockSpec((hdim, 3 * hdim), lambda i: (0, 0))
    bspec = pl.BlockSpec((1, 3 * hdim), lambda i: (0, 0))
    hspec = pl.BlockSpec((r, hdim), lambda i: (i, 0))
    o1, o2, o3 = pl.pallas_call(
        functools.partial(_tc_b3, hdim),
        grid=(grid,),
        in_specs=[
            pl.BlockSpec((NC, r, 16), lambda i: (0, i, 0)),
            pl.BlockSpec((NC, r, hdim), lambda i: (0, i, 0)),
            hspec,
            pl.BlockSpec((1, hdim), lambda i: (0, 0)),
            hspec, hspec, hspec,
            wspec, wspec, bspec, bspec,
            wspec, wspec, bspec, bspec,
            wspec, wspec, bspec, bspec,
        ],
        out_specs=[hspec, hspec, hspec],
        out_shape=[jax.ShapeDtypeStruct((n, hdim), jnp.float32)] * 3,
    )(deg_p, acc2, y2, b2.reshape(1, hdim), h1, h2, h3,
      Wih1.T, Whh1.T, bih1.reshape(1, -1), bhh1.reshape(1, -1),
      Wih2.T, Whh2.T, bih2.reshape(1, -1), bhh2.reshape(1, -1),
      Wih3.T, Whh3.T, bih3.reshape(1, -1), bhh3.reshape(1, -1))

    return (o1, o2, o3)

# --- scband reference (transcript-rebuilt; emitter-appended) ---
"""Pipeline reference for scband-deep-gcngrucell-71159018160981 (READ-ONLY COPY).

The authoritative reference and input builder live on the scoring server;
editing this copy changes nothing except your own understanding.
"""

import jax, jax.numpy as jnp
import numpy as np

N = 10000
D = 128
H = 128
E = 320000


def gcn_conv(x, edge_index, W, b):
    num_nodes = x.shape[0]
    # PyG GCNConv: linear transform first
    xw = x @ W
    # add self-loops
    loop = jnp.arange(num_nodes, dtype=edge_index.dtype)
    src = jnp.concatenate([edge_index[0], loop])
    dst = jnp.concatenate([edge_index[1], loop])
    # symmetric normalization (gcn_norm with edge_weight = 1)
    ones = jnp.ones(src.shape[0], dtype=xw.dtype)
    deg = jax.ops.segment_sum(ones, dst, num_segments=num_nodes)
    deg_inv_sqrt = jnp.where(deg > 0, jax.lax.rsqrt(jnp.maximum(deg, 1e-12)), 0.0)
    norm = deg_inv_sqrt[src] * deg_inv_sqrt[dst]
    # message = x_j * norm, aggregate sum at dst
    msg = xw[src] * norm[:, None]
    out = jax.ops.segment_sum(msg, dst, num_segments=num_nodes)
    return out + b


def gru_cell(x, h, Wih, Whh, bih, bhh):
    gi = x @ Wih.T + bih
    gh = h @ Whh.T + bhh
    ir, iz, inn = jnp.split(gi, 3, axis=1)
    hr, hz, hn = jnp.split(gh, 3, axis=1)
    r = jax.nn.sigmoid(ir + hr)
    z = jax.nn.sigmoid(iz + hz)
    n = jnp.tanh(inn + r * hn)
    return (1.0 - z) * n + z * h


def setup_inputs(seed: int = 0) -> dict:
    key = jax.random.key(seed)
    ks = jax.random.split(key, 24)
    inp = {}
    inp['x'] = jax.random.normal(ks[0], (N, D), dtype=jnp.float32)
    inp['edge_index'] = jax.random.randint(ks[1], (2, E), 0, N, dtype=jnp.int64 if jax.config.jax_enable_x64 else jnp.int32).astype(jnp.int32)
    inp['h1'] = jax.random.normal(ks[2], (N, H), dtype=jnp.float32)
    inp['h2'] = jax.random.normal(ks[3], (N, H), dtype=jnp.float32)
    inp['h3'] = jax.random.normal(ks[4], (N, H), dtype=jnp.float32)
    s = 1.0 / np.sqrt(D)
    inp['W1'] = jax.random.uniform(ks[5], (D, H), minval=-s, maxval=s, dtype=jnp.float32)
    inp['b1'] = jnp.zeros((H,), dtype=jnp.float32)
    s2 = 1.0 / np.sqrt(H)
    inp['W2'] = jax.random.uniform(ks[6], (H, H), minval=-s2, maxval=s2, dtype=jnp.float32)
    inp['b2'] = jnp.zeros((H,), dtype=jnp.float32)
    for i, base in [(1, 8), (2, 12), (3, 16)]:
        inp[f'Wih{i}'] = jax.random.uniform(ks[base], (3 * H, H), minval=-s2, maxval=s2, dtype=jnp.float32)
        inp[f'Whh{i}'] = jax.random.uniform(ks[base + 1], (3 * H, H), minval=-s2, maxval=s2, dtype=jnp.float32)
        inp[f'bih{i}'] = jax.random.uniform(ks[base + 2], (3 * H,), minval=-s2, maxval=s2, dtype=jnp.float32)
        inp[f'bhh{i}'] = jax.random.uniform(ks[base + 3], (3 * H,), minval=-s2, maxval=s2, dtype=jnp.float32)
    return inp


def reference(x, edge_index, h1, h2, h3, W1, b1, W2, b2,
              Wih1, Whh1, bih1, bhh1,
              Wih2, Whh2, bih2, bhh2,
              Wih3, Whh3, bih3, bhh3):
    # dropout in eval/inference mode -> identity
    xo = jax.nn.relu(gcn_conv(x, edge_index, W1, b1))
    xo = jax.nn.relu(gcn_conv(xo, edge_index, W2, b2))
    o1 = gru_cell(xo, h1, Wih1, Whh1, bih1, bhh1)
    o2 = gru_cell(o1, h2, Wih2, Whh2, bih2, bhh2)
    o3 = gru_cell(o2, h3, Wih3, Whh3, bih3, bhh3)
    return (o1, o2, o3)

if __name__ == "__main__":
    import jax
    _d = setup_inputs()
    print(jax.jit(kernel)(*tuple(_d.values())))

</pallas_src>

<mosaic_0001>
#map = affine_map<(d0, d1) -> (0, 0)>
#map1 = affine_map<(d0, d1) -> (0)>
#map2 = affine_map<(d0, d1) -> (0, 0, 0)>
module attributes {stable_mosaic.version = 14 : i64} {
  func.func @seg_kernel(%arg0: i32, %arg1: i32, %arg2: memref<10000x128xf32, #tpu.memory_space<hbm>>, %arg3: memref<327680xi32, #tpu.memory_space<hbm>>, %arg4: memref<327680xi32, #tpu.memory_space<hbm>>, %arg5: memref<2x10240x128xf32, #tpu.memory_space<hbm>>, %arg6: memref<10240x128xf32, #tpu.memory_space<vmem_shared>>, %arg7: memref<128x128xf32, #tpu.memory_space<vmem>>, %arg8: memref<128x128xf32, #tpu.memory_space<vmem>>, %arg9: memref<2x1024xi32, #tpu.memory_space<vmem>>, %arg10: memref<128xi32, #tpu.memory_space<vmem>>, %arg11: memref<128xi32, #tpu.memory_space<vmem>>, %arg12: memref<!tpu.dma_semaphore, #tpu.memory_space<semaphore_mem>>, %arg13: memref<!tpu.dma_semaphore, #tpu.memory_space<semaphore_mem>>, %arg14: memref<!tpu.dma_semaphore, #tpu.memory_space<semaphore_mem>>, %arg15: memref<!tpu.dma_semaphore, #tpu.memory_space<semaphore_mem>>, %arg16: memref<!tpu.dma_semaphore, #tpu.memory_space<semaphore_mem>>, %arg17: memref<!tpu.dma_semaphore, #tpu.memory_space<semaphore_mem>>, %arg18: memref<!tpu.dma_semaphore, #tpu.memory_space<semaphore_mem>>) attributes {dimension_semantics = [#tpu.dimension_semantics<core_parallel>, #tpu.dimension_semantics<subcore_parallel>], iteration_bounds = array<i64: 2, 16>, scalar_prefetch = 0 : i64, scratch_operands = 13 : i64, tpu.core_type = #tpu.core_type<sc_vector_subcore>, window_params = [{transform_indices = #map}, {transform_indices = #map1}, {transform_indices = #map1}, {transform_indices = #map2}]} {
    %eq3A = arith.constant 0 : i32
    %eq3A_0 = arith.cmpi eq, %arg0, %eq3A : i32
    %jit3A = arith.constant 136 : i32
    %jit3A_1 = arith.constant 24 : i32
    %select_n3A = arith.select %eq3A_0, %jit3A, %jit3A_1 : i32
    %eq3A_2 = arith.constant 0 : i32
    %eq3A_3 = arith.cmpi eq, %arg0, %eq3A_2 : i32
    %mul3A = arith.constant 136 : i32
    %mul3A_4 = arith.muli %arg1, %mul3A : i32
    %mul3A_5 = arith.constant 24 : i32
    %mul3A_6 = arith.muli %arg1, %mul3A_5 : i32
    %add3A = arith.constant 2176 : i32
    %add3A_7 = arith.addi %add3A, %mul3A_6 : i32
    %select_n3A_8 = arith.select %eq3A_3, %mul3A_4, %add3A_7 : i32
    %jit3A_9 = arith.constant 8 : i32
    %div3A = arith.divsi %select_n3A, %jit3A_9 : i32
    %sign3A = arith.constant 0 : i32
    %sign3A_10 = arith.cmpi sgt, %select_n3A, %sign3A : i32
    %sign3A_11 = arith.extui %sign3A_10 : i1 to i32
    %sign3A_12 = arith.constant 0 : i32
    %sign3A_13 = arith.cmpi slt, %select_n3A, %sign3A_12 : i32
    %sign3A_14 = arith.extui %sign3A_13 : i1 to i32
    %sign3A_15 = arith.subi %sign3A_11, %sign3A_14 : i32
    %sign3A_16 = arith.constant 0 : i32
    %sign3A_17 = arith.cmpi sgt, %jit3A_9, %sign3A_16 : i32
    %sign3A_18 = arith.extui %sign3A_17 : i1 to i32
    %sign3A_19 = arith.constant 0 : i32
    %sign3A_20 = arith.cmpi slt, %jit3A_9, %sign3A_19 : i32
    %sign3A_21 = arith.extui %sign3A_20 : i1 to i32
    %sign3A_22 = arith.subi %sign3A_18, %sign3A_21 : i32
    %ne3A = arith.cmpi ne, %sign3A_15, %sign3A_22 : i32
    %rem3A = arith.remsi %select_n3A, %jit3A_9 : i32
    %ne3A_23 = arith.constant 0 : i32
    %ne3A_24 = arith.cmpi ne, %rem3A, %ne3A_23 : i32
    %and3A = arith.andi %ne3A, %ne3A_24 : i1
    %sub3A = arith.constant 1 : i32
    %sub3A_25 = arith.subi %div3A, %sub3A : i32
    %select_n3A_26 = arith.select %and3A, %sub3A_25, %div3A : i32
    %scan3A = arith.constant 0 : i32
    %scan3A_27 = arith.constant 0 : i32
    %scan3A_28 = arith.constant 128 : i32
    %scan3A_29 = arith.addi %scan3A_27, %scan3A_28 : i32
    %scan3A_30 = arith.constant 1 : i32
    %scan3A_31 = scf.for %scan3A_233 = %scan3A_27 to %scan3A_29 step %scan3A_30 iter_args(%scan3A_234 = %scan3A) -> (i32)  : i32 {
      %broadcast_in_dim3A = arith.constant 0.000000e+00 : f32
      %broadcast_in_dim3A_235 = vector.broadcast %broadcast_in_dim3A : f32 to vector<16xf32>
      %swap3A = arith.index_cast %scan3A_233 : i32 to index
      %swap3A_236 = arith.constant 0 : index
      %swap3A_237 = tpu.vector_load %arg7[%swap3A, %swap3A_236] {strides = array<i32>} : memref<128x128xf32, #tpu.memory_space<vmem>>, vector<1x16xf32>,
      %swap3A_238 = vector.shape_cast %swap3A_237 : vector<1x16xf32> to vector<16xf32>
      %swap3A_239 = vector.shape_cast %broadcast_in_dim3A_235 : vector<16xf32> to vector<1x16xf32>
      tpu.vector_store %arg7[%swap3A, %swap3A_236], %swap3A_239 {strides = array<i32>} : memref<128x128xf32, #tpu.memory_space<vmem>>, vector<1x16xf32>,
      %broadcast_in_dim3A_240 = arith.constant 0.000000e+00 : f32
      %broadcast_in_dim3A_241 = vector.broadcast %broadcast_in_dim3A_240 : f32 to vector<16xf32>
      %swap3A_242 = arith.index_cast %scan3A_233 : i32 to index
      %swap3A_243 = arith.constant 16 : index
      %swap3A_244 = tpu.vector_load %arg7[%swap3A_242, %swap3A_243] {strides = array<i32>} : memref<128x128xf32, #tpu.memory_space<vmem>>, vector<1x16xf32>,
      %swap3A_245 = vector.shape_cast %swap3A_244 : vector<1x16xf32> to vector<16xf32>
      %swap3A_246 = vector.shape_cast %broadcast_in_dim3A_241 : vector<16xf32> to vector<1x16xf32>
      tpu.vector_store %arg7[%swap3A_242, %swap3A_243], %swap3A_246 {strides = array<i32>} : memref<128x128xf32, #tpu.memory_space<vmem>>, vector<1x16xf32>,
      %broadcast_in_dim3A_247 = arith.constant 0.000000e+00 : f32
      %broadcast_in_dim3A_248 = vector.broadcast %broadcast_in_dim3A_247 : f32 to vector<16xf32>
      %swap3A_249 = arith.index_cast %scan3A_233 : i32 to index
      %swap3A_250 = arith.constant 32 : index
      %swap3A_251 = tpu.vector_load %arg7[%swap3A_249, %swap3A_250] {strides = array<i32>} : memref<128x128xf32, #tpu.memory_space<vmem>>, vector<1x16xf32>,
      %swap3A_252 = vector.shape_cast %swap3A_251 : vector<1x16xf32> to vector<16xf32>
      %swap3A_253 = vector.shape_cast %broadcast_in_dim3A_248 : vector<16xf32> to vector<1x16xf32>
      tpu.vector_store %arg7[%swap3A_249, %swap3A_250], %swap3A_253 {strides = array<i32>} : memref<128x128xf32, #tpu.memory_space<vmem>>, vector<1x16xf32>,
      %broadcast_in_dim3A_254 = arith.constant 0.000000e+00 : f32
      %broadcast_in_dim3A_255 = vector.broadcast %broadcast_in_dim3A_254 : f32 to vector<16xf32>
      %swap3A_256 = arith.index_cast %scan3A_233 : i32 to index
      %swap3A_257 = arith.constant 48 : index
      %swap3A_258 = tpu.vector_load %arg7[%swap3A_256, %swap3A_257] {strides = array<i32>} : memref<128x128xf32, #tpu.memory_space<vmem>>, vector<1x16xf32>,
      %swap3A_259 = vector.shape_cast %swap3A_258 : vector<1x16xf32> to vector<16xf32>
      %swap3A_260 = vector.shape_cast %broadcast_in_dim3A_255 : vector<16xf32> to vector<1x16xf32>
      tpu.vector_store %arg7[%swap3A_256, %swap3A_257], %swap3A_260 {strides = array<i32>} : memref<128x128xf32, #tpu.memory_space<vmem>>, vector<1x16xf32>,
      %broadcast_in_dim3A_261 = arith.constant 0.000000e+00 : f32
      %broadcast_in_dim3A_262 = vector.broadcast %broadcast_in_dim3A_261 : f32 to vector<16xf32>
      %swap3A_263 = arith.index_cast %scan3A_233 : i32 to index
      %swap3A_264 = arith.constant 64 : index
      %swap3A_265 = tpu.vector_load %arg7[%swap3A_263, %swap3A_264] {strides = array<i32>} : memref<128x128xf32, #tpu.memory_space<vmem>>, vector<1x16xf32>,
      %swap3A_266 = vector.shape_cast %swap3A_265 : vector<1x16xf32> to vector<16xf32>
      %swap3A_267 = vector.shape_cast %broadcast_in_dim3A_262 : vector<16xf32> to vector<1x16xf32>
      tpu.vector_store %arg7[%swap3A_263, %swap3A_264], %swap3A_267 {strides = array<i32>} : memref<128x128xf32, #tpu.memory_space<vmem>>, vector<1x16xf32>,
      %broadcast_in_dim3A_268 = arith.constant 0.000000e+00 : f32
      %broadcast_in_dim3A_269 = vector.broadcast %broadcast_in_dim3A_268 : f32 to vector<16xf32>
      %swap3A_270 = arith.index_cast %scan3A_233 : i32 to index
      %swap3A_271 = arith.constant 80 : index
      %swap3A_272 = tpu.vector_load %arg7[%swap3A_270, %swap3A_271] {strides = array<i32>} : memref<128x128xf32, #tpu.memory_space<vmem>>, vector<1x16xf32>,
      %swap3A_273 = vector.shape_cast %swap3A_272 : vector<1x16xf32> to vector<16xf32>
      %swap3A_274 = vector.shape_cast %broadcast_in_dim3A_269 : vector<16xf32> to vector<1x16xf32>
      tpu.vector_store %arg7[%swap3A_270, %swap3A_271], %swap3A_274 {strides = array<i32>} : memref<128x128xf32, #tpu.memory_space<vmem>>, vector<1x16xf32>,
      %broadcast_in_dim3A_275 = arith.constant 0.000000e+00 : f32
      %broadcast_in_dim3A_276 = vector.broadcast %broadcast_in_dim3A_275 : f32 to vector<16xf32>
      %swap3A_277 = arith.index_cast %scan3A_233 : i32 to index
      %swap3A_278 = arith.constant 96 : index
      %swap3A_279 = tpu.vector_load %arg7[%swap3A_277, %swap3A_278] {strides = array<i32>} : memref<128x128xf32, #tpu.memory_space<vmem>>, vector<1x16xf32>,
      %swap3A_280 = vector.shape_cast %swap3A_279 : vector<1x16xf32> to vector<16xf32>
      %swap3A_281 = vector.shape_cast %broadcast_in_dim3A_276 : vector<16xf32> to vector<1x16xf32>
      tpu.vector_store %arg7[%swap3A_277, %swap3A_278], %swap3A_281 {strides = array<i32>} : memref<128x128xf32, #tpu.memory_space<vmem>>, vector<1x16xf32>,
      %broadcast_in_dim3A_282 = arith.constant 0.000000e+00 : f32
      %broadcast_in_dim3A_283 = vector.broadcast %broadcast_in_dim3A_282 : f32 to vector<16xf32>
      %swap3A_284 = arith.index_cast %scan3A_233 : i32 to index
      %swap3A_285 = arith.constant 112 : index
      %swap3A_286 = tpu.vector_load %arg7[%swap3A_284, %swap3A_285] {strides = array<i32>} : memref<128x128xf32, #tpu.memory_space<vmem>>, vector<1x16xf32>,
      %swap3A_287 = vector.shape_cast %swap3A_286 : vector<1x16xf32> to vector<16xf32>
      %swap3A_288 = vector.shape_cast %broadcast_in_dim3A_283 : vector<16xf32> to vector<1x16xf32>
      tpu.vector_store %arg7[%swap3A_284, %swap3A_285], %swap3A_288 {strides = array<i32>} : memref<128x128xf32, #tpu.memory_space<vmem>>, vector<1x16xf32>,
      %scan3A_289 = arith.constant 0 : i32
      scf.yield %scan3A_289 : i32
    }
    %scan3A_32 = arith.constant 128 : i32
    %mul3A_33 = arith.constant 640 : i32
    %mul3A_34 = arith.muli %arg1, %mul3A_33 : i32
    %add3A_35 = arith.constant 0 : i32
    %add3A_36 = arith.addi %mul3A_34, %add3A_35 : i32
    "tpu.region"() ({
      %run_scoped3A = tpu.sem_alloc : memref<!tpu.dma_semaphore, #tpu.memory_space<semaphore_mem>>
      %dma_start3A_233 = arith.constant 0 : i32
      %dma_start3A_234 = tpu.memref_slice %arg6[%add3A_36, %dma_start3A_233] : memref<10240x128xf32, #tpu.memory_space<vmem_shared>> -> memref<128x128xf32, #tpu.memory_space<vmem_shared>>
      %dma_start3A_235 = arith.constant 0 : i32
      %dma_start3A_236 = tpu.memref_slice %arg6[%add3A_36, %dma_start3A_235] : memref<10240x128xf32, #tpu.memory_space<vmem_shared>> -> memref<128x128xf32, #tpu.memory_space<vmem_shared>>
      tpu.enqueue_dma source(%arg7 : memref<128x128xf32, #tpu.memory_space<vmem>>) target(%dma_start3A_236 : memref<128x128xf32, #tpu.memory_space<vmem_shared>>) target_semaphore(%run_scoped3A : memref<!tpu.dma_semaphore, #tpu.memory_space<semaphore_mem>>)
      %dma_wait3A_237 = arith.constant 0 : i32
      %dma_wait3A_238 = tpu.memref_slice %arg6[%add3A_36, %dma_wait3A_237] : memref<10240x128xf32, #tpu.memory_space<vmem_shared>> -> memref<128x128xf32, #tpu.memory_space<vmem_shared>>
      %dma_wait3A_239 = arith.constant 0 : i32
      %dma_wait3A_240 = tpu.memref_slice %arg6[%add3A_36, %dma_wait3A_239] : memref<10240x128xf32, #tpu.memory_space<vmem_shared>> -> memref<128x128xf32, #tpu.memory_space<vmem_shared>>
      tpu.wait_dma2 semaphore(%run_scoped3A : memref<!tpu.dma_semaphore, #tpu.memory_space<semaphore_mem>>) src(%arg7 : memref<128x128xf32, #tpu.memory_space<vmem>>) dst(%dma_wait3A_240 : memref<128x128xf32, #tpu.memory_space<vmem_shared>>)
      tpu.yield
    }) : () -> ()
    %mul3A_37 = arith.constant 640 : i32
    %mul3A_38 = arith.muli %arg1, %mul3A_37 : i32
    %add3A_39 = arith.constant 128 : i32
    %add3A_40 = arith.addi %mul3A_38, %add3A_39 : i32
    "tpu.region"() ({
      %run_scoped3A = tpu.sem_alloc : memref<!tpu.dma_semaphore, #tpu.memory_space<semaphore_mem>>
      %dma_start3A_233 = arith.constant 0 : i32
      %dma_start3A_234 = tpu.memref_slice %arg6[%add3A_40, %dma_start3A_233] : memref<10240x128xf32, #tpu.memory_space<vmem_shared>> -> memref<128x128xf32, #tpu.memory_space<vmem_shared>>
      %dma_start3A_235 = arith.constant 0 : i32
      %dma_start3A_236 = tpu.memref_slice %arg6[%add3A_40, %dma_start3A_235] : memref<10240x128xf32, #tpu.memory_space<vmem_shared>> -> memref<128x128xf32, #tpu.memory_space<vmem_shared>>
      tpu.enqueue_dma source(%arg7 : memref<128x128xf32, #tpu.memory_space<vmem>>) target(%dma_start3A_236 : memref<128x128xf32, #tpu.memory_space<vmem_shared>>) target_semaphore(%run_scoped3A : memref<!tpu.dma_semaphore, #tpu.memory_space<semaphore_mem>>)
      %dma_wait3A_237 = arith.constant 0 : i32
      %dma_wait3A_238 = tpu.memref_slice %arg6[%add3A_40, %dma_wait3A_237] : memref<10240x128xf32, #tpu.memory_space<vmem_shared>> -> memref<128x128xf32, #tpu.memory_space<vmem_shared>>
      %dma_wait3A_239 = arith.constant 0 : i32
      %dma_wait3A_240 = tpu.memref_slice %arg6[%add3A_40, %dma_wait3A_239] : memref<10240x128xf32, #tpu.memory_space<vmem_shared>> -> memref<128x128xf32, #tpu.memory_space<vmem_shared>>
      tpu.wait_dma2 semaphore(%run_scoped3A : memref<!tpu.dma_semaphore, #tpu.memory_space<semaphore_mem>>) src(%arg7 : memref<128x128xf32, #tpu.memory_space<vmem>>) dst(%dma_wait3A_240 : memref<128x128xf32, #tpu.memory_space<vmem_shared>>)
      tpu.yield
    }) : () -> ()
    %mul3A_41 = arith.constant 640 : i32
    %mul3A_42 = arith.muli %arg1, %mul3A_41 : i32
    %add3A_43 = arith.constant 256 : i32
    %add3A_44 = arith.addi %mul3A_42, %add3A_43 : i32
    "tpu.region"() ({
      %run_scoped3A = tpu.sem_alloc : memref<!tpu.dma_semaphore, #tpu.memory_space<semaphore_mem>>
      %dma_start3A_233 = arith.constant 0 : i32
      %dma_start3A_234 = tpu.memref_slice %arg6[%add3A_44, %dma_start3A_233] : memref<10240x128xf32, #tpu.memory_space<vmem_shared>> -> memref<128x128xf32, #tpu.memory_space<vmem_shared>>
      %dma_start3A_235 = arith.constant 0 : i32
      %dma_start3A_236 = tpu.memref_slice %arg6[%add3A_44, %dma_start3A_235] : memref<10240x128xf32, #tpu.memory_space<vmem_shared>> -> memref<128x128xf32, #tpu.memory_space<vmem_shared>>
      tpu.enqueue_dma source(%arg7 : memref<128x128xf32, #tpu.memory_space<vmem>>) target(%dma_start3A_236 : memref<128x128xf32, #tpu.memory_space<vmem_shared>>) target_semaphore(%run_scoped3A : memref<!tpu.dma_semaphore, #tpu.memory_space<semaphore_mem>>)
      %dma_wait3A_237 = arith.constant 0 : i32
      %dma_wait3A_238 = tpu.memref_slice %arg6[%add3A_44, %dma_wait3A_237] : memref<10240x128xf32, #tpu.memory_space<vmem_shared>> -> memref<128x128xf32, #tpu.memory_space<vmem_shared>>
      %dma_wait3A_239 = arith.constant 0 : i32
      %dma_wait3A_240 = tpu.memref_slice %arg6[%add3A_44, %dma_wait3A_239] : memref<10240x128xf32, #tpu.memory_space<vmem_shared>> -> memref<128x128xf32, #tpu.memory_space<vmem_shared>>
      tpu.wait_dma2 semaphore(%run_scoped3A : memref<!tpu.dma_semaphore, #tpu.memory_space<semaphore_mem>>) src(%arg7 : memref<128x128xf32, #tpu.memory_space<vmem>>) dst(%dma_wait3A_240 : memref<128x128xf32, #tpu.memory_space<vmem_shared>>)
      tpu.yield
    }) : () -> ()
    %mul3A_45 = arith.constant 640 : i32
    %mul3A_46 = arith.muli %arg1, %mul3A_45 : i32
    %add3A_47 = arith.constant 384 : i32
    %add3A_48 = arith.addi %mul3A_46, %add3A_47 : i32
    "tpu.region"() ({
      %run_scoped3A = tpu.sem_alloc : memref<!tpu.dma_semaphore, #tpu.memory_space<semaphore_mem>>
      %dma_start3A_233 = arith.constant 0 : i32
      %dma_start3A_234 = tpu.memref_slice %arg6[%add3A_48, %dma_start3A_233] : memref<10240x128xf32, #tpu.memory_space<vmem_shared>> -> memref<128x128xf32, #tpu.memory_space<vmem_shared>>
      %dma_start3A_235 = arith.constant 0 : i32
      %dma_start3A_236 = tpu.memref_slice %arg6[%add3A_48, %dma_start3A_235] : memref<10240x128xf32, #tpu.memory_space<vmem_shared>> -> memref<128x128xf32, #tpu.memory_space<vmem_shared>>
      tpu.enqueue_dma source(%arg7 : memref<128x128xf32, #tpu.memory_space<vmem>>) target(%dma_start3A_236 : memref<128x128xf32, #tpu.memory_space<vmem_shared>>) target_semaphore(%run_scoped3A : memref<!tpu.dma_semaphore, #tpu.memory_space<semaphore_mem>>)
      %dma_wait3A_237 = arith.constant 0 : i32
      %dma_wait3A_238 = tpu.memref_slice %arg6[%add3A_48, %dma_wait3A_237] : memref<10240x128xf32, #tpu.memory_space<vmem_shared>> -> memref<128x128xf32, #tpu.memory_space<vmem_shared>>
      %dma_wait3A_239 = arith.constant 0 : i32
      %dma_wait3A_240 = tpu.memref_slice %arg6[%add3A_48, %dma_wait3A_239] : memref<10240x128xf32, #tpu.memory_space<vmem_shared>> -> memref<128x128xf32, #tpu.memory_space<vmem_shared>>
      tpu.wait_dma2 semaphore(%run_scoped3A : memref<!tpu.dma_semaphore, #tpu.memory_space<semaphore_mem>>) src(%arg7 : memref<128x128xf32, #tpu.memory_space<vmem>>) dst(%dma_wait3A_240 : memref<128x128xf32, #tpu.memory_space<vmem_shared>>)
      tpu.yield
    }) : () -> ()
    %mul3A_49 = arith.constant 640 : i32
    %mul3A_50 = arith.muli %arg1, %mul3A_49 : i32
    %add3A_51 = arith.constant 512 : i32
    %add3A_52 = arith.addi %mul3A_50, %add3A_51 : i32
    "tpu.region"() ({
      %run_scoped3A = tpu.sem_alloc : memref<!tpu.dma_semaphore, #tpu.memory_space<semaphore_mem>>
      %dma_start3A_233 = arith.constant 0 : i32
      %dma_start3A_234 = tpu.memref_slice %arg6[%add3A_52, %dma_start3A_233] : memref<10240x128xf32, #tpu.memory_space<vmem_shared>> -> memref<128x128xf32, #tpu.memory_space<vmem_shared>>
      %dma_start3A_235 = arith.constant 0 : i32
      %dma_start3A_236 = tpu.memref_slice %arg6[%add3A_52, %dma_start3A_235] : memref<10240x128xf32, #tpu.memory_space<vmem_shared>> -> memref<128x128xf32, #tpu.memory_space<vmem_shared>>
      tpu.enqueue_dma source(%arg7 : memref<128x128xf32, #tpu.memory_space<vmem>>) target(%dma_start3A_236 : memref<128x128xf32, #tpu.memory_space<vmem_shared>>) target_semaphore(%run_scoped3A : memref<!tpu.dma_semaphore, #tpu.memory_space<semaphore_mem>>)
      %dma_wait3A_237 = arith.constant 0 : i32
      %dma_wait3A_238 = tpu.memref_slice %arg6[%add3A_52, %dma_wait3A_237] : memref<10240x128xf32, #tpu.memory_space<vmem_shared>> -> memref<128x128xf32, #tpu.memory_space<vmem_shared>>
      %dma_wait3A_239 = arith.constant 0 : i32
      %dma_wait3A_240 = tpu.memref_slice %arg6[%add3A_52, %dma_wait3A_239] : memref<10240x128xf32, #tpu.memory_space<vmem_shared>> -> memref<128x128xf32, #tpu.memory_space<vmem_shared>>
      tpu.wait_dma2 semaphore(%run_scoped3A : memref<!tpu.dma_semaphore, #tpu.memory_space<semaphore_mem>>) src(%arg7 : memref<128x128xf32, #tpu.memory_space<vmem>>) dst(%dma_wait3A_240 : memref<128x128xf32, #tpu.memory_space<vmem_shared>>)
      tpu.yield
    }) : () -> ()
    %barrier3A = arith.constant 0 : index
    tpu.barrier barrier_id(%barrier3A)
    %add3A_53 = arith.constant 0 : i32
    %add3A_54 = arith.addi %select_n3A_8, %add3A_53 : i32
    %mul3A_55 = arith.constant 128 : i32
    %mul3A_56 = arith.muli %add3A_54, %mul3A_55 : i32
    %dma_start3A = arith.constant 0 : i32
    %dma_start3A_57 = arith.constant 0 : i32
    %dma_start3A_58 = tpu.memref_slice %arg9[%dma_start3A, %dma_start3A_57] : memref<2x1024xi32, #tpu.memory_space<vmem>> -> memref<1x1024xi32, #tpu.memory_space<vmem>>
    %dma_start3A_59 = tpu.memref_squeeze %dma_start3A_58 : memref<1x1024xi32, #tpu.memory_space<vmem>> -> memref<1024xi32, #tpu.memory_space<vmem>>
    %dma_start3A_60 = tpu.memref_slice %arg3[%mul3A_56] : memref<327680xi32, #tpu.memory_space<hbm>> -> memref<1024xi32, #tpu.memory_space<hbm>>
    %dma_start3A_61 = arith.constant 0 : i32
    %dma_start3A_62 = tpu.memref_slice %arg9[%dma_start3A, %dma_start3A_61] : memref<2x1024xi32, #tpu.memory_space<vmem>> -> memref<1x1024xi32, #tpu.memory_space<vmem>>
    %dma_start3A_63 = tpu.memref_squeeze %dma_start3A_62 : memref<1x1024xi32, #tpu.memory_space<vmem>> -> memref<1024xi32, #tpu.memory_space<vmem>>
    %dma_start3A_64 = tpu.memref_slice %arg3[%mul3A_56] : memref<327680xi32, #tpu.memory_space<hbm>> -> memref<1024xi32, #tpu.memory_space<hbm>>
    tpu.enqueue_dma source(%dma_start3A_64 : memref<1024xi32, #tpu.memory_space<hbm>>) target(%dma_start3A_63 : memref<1024xi32, #tpu.memory_space<vmem>>) target_semaphore(%arg16 : memref<!tpu.dma_semaphore, #tpu.memory_space<semaphore_mem>>)
    %add3A_65 = arith.constant 0 : i32
    %add3A_66 = arith.addi %select_n3A_8, %add3A_65 : i32
    %mul3A_67 = arith.constant 128 : i32
    %mul3A_68 = arith.muli %add3A_66, %mul3A_67 : i32
    %dma_wait3A = arith.constant 0 : i32
    %dma_wait3A_69 = arith.constant 0 : i32
    %dma_wait3A_70 = tpu.memref_slice %arg9[%dma_wait3A, %dma_wait3A_69] : memref<2x1024xi32, #tpu.memory_space<vmem>> -> memref<1x1024xi32, #tpu.memory_space<vmem>>
    %dma_wait3A_71 = tpu.memref_squeeze %dma_wait3A_70 : memref<1x1024xi32, #tpu.memory_space<vmem>> -> memref<1024xi32, #tpu.memory_space<vmem>>
    %dma_wait3A_72 = tpu.memref_slice %arg3[%mul3A_68] : memref<327680xi32, #tpu.memory_space<hbm>> -> memref<1024xi32, #tpu.memory_space<hbm>>
    %dma_wait3A_73 = arith.constant 0 : i32
    %dma_wait3A_74 = tpu.memref_slice %arg9[%dma_wait3A, %dma_wait3A_73] : memref<2x1024xi32, #tpu.memory_space<vmem>> -> memref<1x1024xi32, #tpu.memory_space<vmem>>
    %dma_wait3A_75 = tpu.memref_squeeze %dma_wait3A_74 : memref<1x1024xi32, #tpu.memory_space<vmem>> -> memref<1024xi32, #tpu.memory_space<vmem>>
    %dma_wait3A_76 = tpu.memref_slice %arg3[%mul3A_68] : memref<327680xi32, #tpu.memory_space<hbm>> -> memref<1024xi32, #tpu.memory_space<hbm>>
    tpu.wait_dma2 semaphore(%arg16 : memref<!tpu.dma_semaphore, #tpu.memory_space<semaphore_mem>>) src(%dma_wait3A_76 : memref<1024xi32, #tpu.memory_space<hbm>>) dst(%dma_wait3A_75 : memref<1024xi32, #tpu.memory_space<vmem>>)
    %jit3A_77 = arith.constant 2 : i32
    %div3A_78 = arith.divsi %select_n3A, %jit3A_77 : i32
    %sign3A_79 = arith.constant 0 : i32
    %sign3A_80 = arith.cmpi sgt, %select_n3A, %sign3A_79 : i32
    %sign3A_81 = arith.extui %sign3A_80 : i1 to i32
    %sign3A_82 = arith.constant 0 : i32
    %sign3A_83 = arith.cmpi slt, %select_n3A, %sign3A_82 : i32
    %sign3A_84 = arith.extui %sign3A_83 : i1 to i32
    %sign3A_85 = arith.subi %sign3A_81, %sign3A_84 : i32
    %sign3A_86 = arith.constant 0 : i32
    %sign3A_87 = arith.cmpi sgt, %jit3A_77, %sign3A_86 : i32
    %sign3A_88 = arith.extui %sign3A_87 : i1 to i32
    %sign3A_89 = arith.constant 0 : i32
    %sign3A_90 = arith.cmpi slt, %jit3A_77, %sign3A_89 : i32
    %sign3A_91 = arith.extui %sign3A_90 : i1 to i32
    %sign3A_92 = arith.subi %sign3A_88, %sign3A_91 : i32
    %ne3A_93 = arith.cmpi ne, %sign3A_85, %sign3A_92 : i32
    %rem3A_94 = arith.remsi %select_n3A, %jit3A_77 : i32
    %ne3A_95 = arith.constant 0 : i32
    %ne3A_96 = arith.cmpi ne, %rem3A_94, %ne3A_95 : i32
    %and3A_97 = arith.andi %ne3A_93, %ne3A_96 : i1
    %sub3A_98 = arith.constant 1 : i32
    %sub3A_99 = arith.subi %div3A_78, %sub3A_98 : i32
    %select_n3A_100 = arith.select %and3A_97, %sub3A_99, %div3A_78 : i32
    %while3A = arith.constant 0 : i32
    %while3A_101 = arith.constant 0 : i32
    %while3A_102 = arith.subi %select_n3A_100, %while3A : i32
    %while3A_103 = arith.addi %while3A, %while3A_102 : i32
    %while3A_104 = arith.constant 1 : i32
    %while3A_105 = arith.divsi %while3A_102, %while3A_104 : i32
    %while3A_106 = arith.muli %while3A_105, %while3A_104 : i32
    %while3A_107 = arith.addi %while3A, %while3A_106 : i32
    %while3A_108 = arith.constant 1 : i32
    %while3A_109 = scf.for %while3A_233 = %while3A to %while3A_107 step %while3A_108 iter_args(%while3A_234 = %while3A_101) -> (i32)  : i32 {
      %mul3A_235 = arith.constant 2 : i32
      %mul3A_236 = arith.muli %mul3A_235, %while3A_233 : i32
      %add3A_237 = arith.constant 1 : i32
      %add3A_238 = arith.addi %mul3A_236, %add3A_237 : i32
      %jit3A_239 = arith.constant 4 : i32
      %div3A_240 = arith.divsi %while3A_233, %jit3A_239 : i32
      %sign3A_241 = arith.constant 0 : i32
      %sign3A_242 = arith.cmpi sgt, %while3A_233, %sign3A_241 : i32
      %sign3A_243 = arith.extui %sign3A_242 : i1 to i32
      %sign3A_244 = arith.constant 0 : i32
      %sign3A_245 = arith.cmpi slt, %while3A_233, %sign3A_244 : i32
      %sign3A_246 = arith.extui %sign3A_245 : i1 to i32
      %sign3A_247 = arith.subi %sign3A_243, %sign3A_246 : i32
      %sign3A_248 = arith.constant 0 : i32
      %sign3A_249 = arith.cmpi sgt, %jit3A_239, %sign3A_248 : i32
      %sign3A_250 = arith.extui %sign3A_249 : i1 to i32
      %sign3A_251 = arith.constant 0 : i32
      %sign3A_252 = arith.cmpi slt, %jit3A_239, %sign3A_251 : i32
      %sign3A_253 = arith.extui %sign3A_252 : i1 to i32
      %sign3A_254 = arith.subi %sign3A_250, %sign3A_253 : i32
      %ne3A_255 = arith.cmpi ne, %sign3A_247, %sign3A_254 : i32
      %rem3A_256 = arith.remsi %while3A_233, %jit3A_239 : i32
      %ne3A_257 = arith.constant 0 : i32
      %ne3A_258 = arith.cmpi ne, %rem3A_256, %ne3A_257 : i32
      %and3A_259 = arith.andi %ne3A_255, %ne3A_258 : i1
      %sub3A_260 = arith.constant 1 : i32
      %sub3A_261 = arith.subi %div3A_240, %sub3A_260 : i32
      %select_n3A_262 = arith.select %and3A_259, %sub3A_261, %div3A_240 : i32
      %rem3A_263 = arith.constant 2 : i32
      %rem3A_264 = arith.remsi %select_n3A_262, %rem3A_263 : i32
      %mul3A_265 = arith.constant 8 : i32
      %mul3A_266 = arith.muli %select_n3A_262, %mul3A_265 : i32
      %sub3A_267 = arith.subi %mul3A_236, %mul3A_266 : i32
      %add3A_268 = arith.constant 1 : i32
      %add3A_269 = arith.addi %sub3A_267, %add3A_268 : i32
      %rem3A_270 = arith.constant 4 : i32
      %rem3A_271 = arith.remsi %while3A_233, %rem3A_270 : i32
      %eq3A_272 = arith.constant 0 : i32
      %eq3A_273 = arith.cmpi eq, %rem3A_271, %eq3A_272 : i32
      %gt3A = arith.constant 0 : i32
      %gt3A_274 = arith.cmpi sgt, %while3A_233, %gt3A : i32
      %and3A_275 = arith.andi %eq3A_273, %gt3A_274 : i1
      %convert_element_type3A = arith.extui %and3A_275 : i1 to i32
      %cond3A = arith.constant 0 : i32
      %cond3A_276 = arith.cmpi ne, %convert_element_type3A, %cond3A : i32
      scf.if %cond3A_276 {
        %mul3A_336 = arith.constant 8 : i32
        %mul3A_337 = arith.muli %select_n3A_262, %mul3A_336 : i32
        %add3A_338 = arith.addi %select_n3A_8, %mul3A_337 : i32
        %mul3A_339 = arith.constant 128 : i32
        %mul3A_340 = arith.muli %add3A_338, %mul3A_339 : i32
        %dma_wait3A_341 = arith.constant 0 : i32
        %dma_wait3A_342 = tpu.memref_slice %arg9[%rem3A_264, %dma_wait3A_341] : memref<2x1024xi32, #tpu.memory_space<vmem>> -> memref<1x1024xi32, #tpu.memory_space<vmem>>
        %dma_wait3A_343 = tpu.memref_squeeze %dma_wait3A_342 : memref<1x1024xi32, #tpu.memory_space<vmem>> -> memref<1024xi32, #tpu.memory_space<vmem>>
        %dma_wait3A_344 = tpu.memref_slice %arg3[%mul3A_340] : memref<327680xi32, #tpu.memory_space<hbm>> -> memref<1024xi32, #tpu.memory_space<hbm>>
        %dma_wait3A_345 = arith.constant 0 : i32
        %dma_wait3A_346 = tpu.memref_slice %arg9[%rem3A_264, %dma_wait3A_345] : memref<2x1024xi32, #tpu.memory_space<vmem>> -> memref<1x1024xi32, #tpu.memory_space<vmem>>
        %dma_wait3A_347 = tpu.memref_squeeze %dma_wait3A_346 : memref<1x1024xi32, #tpu.memory_space<vmem>> -> memref<1024xi32, #tpu.memory_space<vmem>>
        %dma_wait3A_348 = tpu.memref_slice %arg3[%mul3A_340] : memref<327680xi32, #tpu.memory_space<hbm>> -> memref<1024xi32, #tpu.memory_space<hbm>>
        tpu.wait_dma2 semaphore(%arg16 : memref<!tpu.dma_semaphore, #tpu.memory_space<semaphore_mem>>) src(%dma_wait3A_348 : memref<1024xi32, #tpu.memory_space<hbm>>) dst(%dma_wait3A_347 : memref<1024xi32, #tpu.memory_space<vmem>>)
      } else {
      }
      %add3A_277 = arith.addi %select_n3A_8, %mul3A_236 : i32
      %mul3A_278 = arith.constant 128 : i32
      %mul3A_279 = arith.muli %add3A_277, %mul3A_278 : i32
      %dma_start3A_280 = tpu.memref_slice %arg4[%mul3A_279] : memref<327680xi32, #tpu.memory_space<hbm>> -> memref<128xi32, #tpu.memory_space<hbm>>
      %dma_start3A_281 = tpu.memref_slice %arg4[%mul3A_279] : memref<327680xi32, #tpu.memory_space<hbm>> -> memref<128xi32, #tpu.memory_space<hbm>>
      tpu.enqueue_dma source(%dma_start3A_281 : memref<128xi32, #tpu.memory_space<hbm>>) target(%arg10 : memref<128xi32, #tpu.memory_space<vmem>>) target_semaphore(%arg17 : memref<!tpu.dma_semaphore, #tpu.memory_space<semaphore_mem>>)
      %mul3A_282 = arith.constant 128 : i32
      %mul3A_283 = arith.muli %sub3A_267, %mul3A_282 : i32
      %dma_start3A_284 = tpu.memref_slice %arg9[%rem3A_264, %mul3A_283] : memref<2x1024xi32, #tpu.memory_space<vmem>> -> memref<1x128xi32, #tpu.memory_space<vmem>>
      %dma_start3A_285 = tpu.memref_squeeze %dma_start3A_284 : memref<1x128xi32, #tpu.memory_space<vmem>> -> memref<128xi32, #tpu.memory_space<vmem>>
      %dma_start3A_286 = arith.constant 0 : i32
      %dma_start3A_287 = arith.constant 0 : i32
      %dma_start3A_288 = tpu.memref_slice %arg2[%dma_start3A_286, %dma_start3A_287] : memref<10000x128xf32, #tpu.memory_space<hbm>> -> memref<10000x128xf32, #tpu.memory_space<hbm>>
      tpu.enqueue_indirect_dma source(%dma_start3A_288 : memref<10000x128xf32, #tpu.memory_space<hbm>>) target(%arg7 : memref<128x128xf32, #tpu.memory_space<vmem>>) offsets(%dma_start3A_285 : memref<128xi32, #tpu.memory_space<vmem>>) semaphore(%arg12 : memref<!tpu.dma_semaphore, #tpu.memory_space<semaphore_mem>>)
      %add3A_289 = arith.addi %select_n3A_8, %add3A_238 : i32
      %mul3A_290 = arith.constant 128 : i32
      %mul3A_291 = arith.muli %add3A_289, %mul3A_290 : i32
      %dma_start3A_292 = tpu.memref_slice %arg4[%mul3A_291] : memref<327680xi32, #tpu.memory_space<hbm>> -> memref<128xi32, #tpu.memory_space<hbm>>
      %dma_start3A_293 = tpu.memref_slice %arg4[%mul3A_291] : memref<327680xi32, #tpu.memory_space<hbm>> -> memref<128xi32, #tpu.memory_space<hbm>>
      tpu.enqueue_dma source(%dma_start3A_293 : memref<128xi32, #tpu.memory_space<hbm>>) target(%arg11 : memref<128xi32, #tpu.memory_space<vmem>>) target_semaphore(%arg18 : memref<!tpu.dma_semaphore, #tpu.memory_space<semaphore_mem>>)
      %mul3A_294 = arith.constant 128 : i32
      %mul3A_295 = arith.muli %add3A_269, %mul3A_294 : i32
      %dma_start3A_296 = tpu.memref_slice %arg9[%rem3A_264, %mul3A_295] : memref<2x1024xi32, #tpu.memory_space<vmem>> -> memref<1x128xi32, #tpu.memory_space<vmem>>
      %dma_start3A_297 = tpu.memref_squeeze %dma_start3A_296 : memref<1x128xi32, #tpu.memory_space<vmem>> -> memref<128xi32, #tpu.memory_space<vmem>>
      %dma_start3A_298 = arith.constant 0 : i32
      %dma_start3A_299 = arith.constant 0 : i32
      %dma_start3A_300 = tpu.memref_slice %arg2[%dma_start3A_298, %dma_start3A_299] : memref<10000x128xf32, #tpu.memory_space<hbm>> -> memref<10000x128xf32, #tpu.memory_space<hbm>>
      tpu.enqueue_indirect_dma source(%dma_start3A_300 : memref<10000x128xf32, #tpu.memory_space<hbm>>) target(%arg8 : memref<128x128xf32, #tpu.memory_space<vmem>>) offsets(%dma_start3A_297 : memref<128xi32, #tpu.memory_space<vmem>>) semaphore(%arg13 : memref<!tpu.dma_semaphore, #tpu.memory_space<semaphore_mem>>)
      %rem3A_301 = arith.constant 4 : i32
      %rem3A_302 = arith.remsi %while3A_233, %rem3A_301 : i32
      %eq3A_303 = arith.constant 1 : i32
      %eq3A_304 = arith.cmpi eq, %rem3A_302, %eq3A_303 : i32
      %add3A_305 = arith.constant 1 : i32
      %add3A_306 = arith.addi %select_n3A_262, %add3A_305 : i32
      %lt3A = arith.cmpi slt, %add3A_306, %select_n3A_26 : i32
      %and3A_307 = arith.andi %eq3A_304, %lt3A : i1
      %convert_element_type3A_308 = arith.extui %and3A_307 : i1 to i32
      %cond3A_309 = arith.constant 0 : i32
      %cond3A_310 = arith.cmpi ne, %convert_element_type3A_308, %cond3A_309 : i32
      scf.if %cond3A_310 {
        %add3A_336 = arith.constant 1 : i32
        %add3A_337 = arith.addi %select_n3A_262, %add3A_336 : i32
        %sub3A_338 = arith.constant 1 : i32
        %sub3A_339 = arith.subi %sub3A_338, %rem3A_264 : i32
        %mul3A_340 = arith.constant 8 : i32
        %mul3A_341 = arith.muli %add3A_337, %mul3A_340 : i32
        %add3A_342 = arith.addi %select_n3A_8, %mul3A_341 : i32
        %mul3A_343 = arith.constant 128 : i32
        %mul3A_344 = arith.muli %add3A_342, %mul3A_343 : i32
        %dma_start3A_345 = arith.constant 0 : i32
        %dma_start3A_346 = tpu.memref_slice %arg9[%sub3A_339, %dma_start3A_345] : memref<2x1024xi32, #tpu.memory_space<vmem>> -> memref<1x1024xi32, #tpu.memory_space<vmem>>
        %dma_start3A_347 = tpu.memref_squeeze %dma_start3A_346 : memref<1x1024xi32, #tpu.memory_space<vmem>> -> memref<1024xi32, #tpu.memory_space<vmem>>
        %dma_start3A_348 = tpu.memref_slice %arg3[%mul3A_344] : memref<327680xi32, #tpu.memory_space<hbm>> -> memref<1024xi32, #tpu.memory_space<hbm>>
        %dma_start3A_349 = arith.constant 0 : i32
        %dma_start3A_350 = tpu.memref_slice %arg9[%sub3A_339, %dma_start3A_349] : memref<2x1024xi32, #tpu.memory_space<vmem>> -> memref<1x1024xi32, #tpu.memory_space<vmem>>
        %dma_start3A_351 = tpu.memref_squeeze %dma_start3A_350 : memref<1x1024xi32, #tpu.memory_space<vmem>> -> memref<1024xi32, #tpu.memory_space<vmem>>
        %dma_start3A_352 = tpu.memref_slice %arg3[%mul3A_344] : memref<327680xi32, #tpu.memory_space<hbm>> -> memref<1024xi32, #tpu.memory_space<hbm>>
        tpu.enqueue_dma source(%dma_start3A_352 : memref<1024xi32, #tpu.memory_space<hbm>>) target(%dma_start3A_351 : memref<1024xi32, #tpu.memory_space<vmem>>) target_semaphore(%arg16 : memref<!tpu.dma_semaphore, #tpu.memory_space<semaphore_mem>>)
      } else {
      }
      %mul3A_311 = arith.constant 128 : i32
      %mul3A_312 = arith.muli %sub3A_267, %mul3A_311 : i32
      %dma_wait3A_313 = tpu.memref_slice %arg9[%rem3A_264, %mul3A_312] : memref<2x1024xi32, #tpu.memory_space<vmem>> -> memref<1x128xi32, #tpu.memory_space<vmem>>
      %dma_wait3A_314 = tpu.memref_squeeze %dma_wait3A_313 : memref<1x128xi32, #tpu.memory_space<vmem>> -> memref<128xi32, #tpu.memory_space<vmem>>
      %dma_wait3A_315 = arith.constant 0 : i32
      %dma_wait3A_316 = arith.constant 0 : i32
      %dma_wait3A_317 = tpu.memref_slice %arg2[%dma_wait3A_315, %dma_wait3A_316] : memref<10000x128xf32, #tpu.memory_space<hbm>> -> memref<10000x128xf32, #tpu.memory_space<hbm>>
      tpu.wait_indirect_dma semaphore(%arg12 : memref<!tpu.dma_semaphore, #tpu.memory_space<semaphore_mem>>) src(%dma_wait3A_317 : memref<10000x128xf32, #tpu.memory_space<hbm>>) dst(%arg7 : memref<128x128xf32, #tpu.memory_space<vmem>>)
      %add3A_318 = arith.addi %select_n3A_8, %mul3A_236 : i32
      %mul3A_319 = arith.constant 128 : i32
      %mul3A_320 = arith.muli %add3A_318, %mul3A_319 : i32
      %dma_wait3A_321 = tpu.memref_slice %arg4[%mul3A_320] : memref<327680xi32, #tpu.memory_space<hbm>> -> memref<128xi32, #tpu.memory_space<hbm>>
      %dma_wait3A_322 = tpu.memref_slice %arg4[%mul3A_320] : memref<327680xi32, #tpu.memory_space<hbm>> -> memref<128xi32, #tpu.memory_space<hbm>>
      tpu.wait_dma2 semaphore(%arg17 : memref<!tpu.dma_semaphore, #tpu.memory_space<semaphore_mem>>) src(%dma_wait3A_322 : memref<128xi32, #tpu.memory_space<hbm>>) dst(%arg10 : memref<128xi32, #tpu.memory_space<vmem>>)
      "tpu.region"() ({
        %run_scoped3A = tpu.sem_alloc : memref<!tpu.dma_semaphore, #tpu.memory_space<semaphore_mem>>
        %dma_start3A_336 = arith.constant 0 : i32
        %dma_start3A_337 = arith.constant 0 : i32
        %dma_start3A_338 = tpu.memref_slice %arg6[%dma_start3A_336, %dma_start3A_337] : memref<10240x128xf32, #tpu.memory_space<vmem_shared>> -> memref<10240x128xf32, #tpu.memory_space<vmem_shared>>
        tpu.enqueue_indirect_dma source(%arg7 : memref<128x128xf32, #tpu.memory_space<vmem>>) target(%dma_start3A_338 : memref<10240x128xf32, #tpu.memory_space<vmem_shared>>) offsets(%arg10 : memref<128xi32, #tpu.memory_space<vmem>>) semaphore(%run_scoped3A : memref<!tpu.dma_semaphore, #tpu.memory_space<semaphore_mem>>) {add = true}
        %dma_wait3A_339 = arith.constant 0 : i32
        %dma_wait3A_340 = arith.constant 0 : i32
        %dma_wait3A_341 = tpu.memref_slice %arg6[%dma_wait3A_339, %dma_wait3A_340] : memref<10240x128xf32, #tpu.memory_space<vmem_shared>> -> memref<10240x128xf32, #tpu.memory_space<vmem_shared>>
        tpu.wait_indirect_dma semaphore(%run_scoped3A : memref<!tpu.dma_semaphore, #tpu.memory_space<semaphore_mem>>) src(%arg7 : memref<128x128xf32, #tpu.memory_space<vmem>>) dst(%dma_wait3A_341 : memref<10240x128xf32, #tpu.memory_space<vmem_shared>>)
        tpu.yield
      }) : () -> ()
      %mul3A_323 = arith.constant 128 : i32
      %mul3A_324 = arith.muli %add3A_269, %mul3A_323 : i32
      %dma_wait3A_325 = tpu.memref_slice %arg9[%rem3A_264, %mul3A_324] : memref<2x1024xi32, #tpu.memory_space<vmem>> -> memref<1x128xi32, #tpu.memory_space<vmem>>
      %dma_wait3A_326 = tpu.memref_squeeze %dma_wait3A_325 : memref<1x128xi32, #tpu.memory_space<vmem>> -> memref<128xi32, #tpu.memory_space<vmem>>
      %dma_wait3A_327 = arith.constant 0 : i32
      %dma_wait3A_328 = arith.constant 0 : i32
      %dma_wait3A_329 = tpu.memref_slice %arg2[%dma_wait3A_327, %dma_wait3A_328] : memref<10000x128xf32, #tpu.memory_space<hbm>> -> memref<10000x128xf32, #tpu.memory_space<hbm>>
      tpu.wait_indirect_dma semaphore(%arg13 : memref<!tpu.dma_semaphore, #tpu.memory_space<semaphore_mem>>) src(%dma_wait3A_329 : memref<10000x128xf32, #tpu.memory_space<hbm>>) dst(%arg8 : memref<128x128xf32, #tpu.memory_space<vmem>>)
      %add3A_330 = arith.addi %select_n3A_8, %add3A_238 : i32
      %mul3A_331 = arith.constant 128 : i32
      %mul3A_332 = arith.muli %add3A_330, %mul3A_331 : i32
      %dma_wait3A_333 = tpu.memref_slice %arg4[%mul3A_332] : memref<327680xi32, #tpu.memory_space<hbm>> -> memref<128xi32, #tpu.memory_space<hbm>>
      %dma_wait3A_334 = tpu.memref_slice %arg4[%mul3A_332] : memref<327680xi32, #tpu.memory_space<hbm>> -> memref<128xi32, #tpu.memory_space<hbm>>
      tpu.wait_dma2 semaphore(%arg18 : memref<!tpu.dma_semaphore, #tpu.memory_space<semaphore_mem>>) src(%dma_wait3A_334 : memref<128xi32, #tpu.memory_space<hbm>>) dst(%arg11 : memref<128xi32, #tpu.memory_space<vmem>>)
      "tpu.region"() ({
        %run_scoped3A = tpu.sem_alloc : memref<!tpu.dma_semaphore, #tpu.memory_space<semaphore_mem>>
        %dma_start3A_336 = arith.constant 0 : i32
        %dma_start3A_337 = arith.constant 0 : i32
        %dma_start3A_338 = tpu.memref_slice %arg6[%dma_start3A_336, %dma_start3A_337] : memref<10240x128xf32, #tpu.memory_space<vmem_shared>> -> memref<10240x128xf32, #tpu.memory_space<vmem_shared>>
        tpu.enqueue_indirect_dma source(%arg8 : memref<128x128xf32, #tpu.memory_space<vmem>>) target(%dma_start3A_338 : memref<10240x128xf32, #tpu.memory_space<vmem_shared>>) offsets(%arg11 : memref<128xi32, #tpu.memory_space<vmem>>) semaphore(%run_scoped3A : memref<!tpu.dma_semaphore, #tpu.memory_space<semaphore_mem>>) {add = true}
        %dma_wait3A_339 = arith.constant 0 : i32
        %dma_wait3A_340 = arith.constant 0 : i32
        %dma_wait3A_341 = tpu.memref_slice %arg6[%dma_wait3A_339, %dma_wait3A_340] : memref<10240x128xf32, #tpu.memory_space<vmem_shared>> -> memref<10240x128xf32, #tpu.memory_space<vmem_shared>>
        tpu.wait_indirect_dma semaphore(%run_scoped3A : memref<!tpu.dma_semaphore, #tpu.memory_space<semaphore_mem>>) src(%arg8 : memref<128x128xf32, #tpu.memory_space<vmem>>) dst(%dma_wait3A_341 : memref<10240x128xf32, #tpu.memory_space<vmem_shared>>)
        tpu.yield
      }) : () -> ()
      %while3A_335 = arith.constant 0 : i32
      scf.yield %while3A_335 : i32
    }
    %while3A_110 = arith.constant 1 : i32
    %while3A_111 = scf.for %while3A_233 = %while3A_107 to %while3A_103 step %while3A_110 iter_args(%while3A_234 = %while3A_109) -> (i32)  : i32 {
      %mul3A_235 = arith.constant 2 : i32
      %mul3A_236 = arith.muli %mul3A_235, %while3A_233 : i32
      %add3A_237 = arith.constant 1 : i32
      %add3A_238 = arith.addi %mul3A_236, %add3A_237 : i32
      %jit3A_239 = arith.constant 4 : i32
      %div3A_240 = arith.divsi %while3A_233, %jit3A_239 : i32
      %sign3A_241 = arith.constant 0 : i32
      %sign3A_242 = arith.cmpi sgt, %while3A_233, %sign3A_241 : i32
      %sign3A_243 = arith.extui %sign3A_242 : i1 to i32
      %sign3A_244 = arith.constant 0 : i32
      %sign3A_245 = arith.cmpi slt, %while3A_233, %sign3A_244 : i32
      %sign3A_246 = arith.extui %sign3A_245 : i1 to i32
      %sign3A_247 = arith.subi %sign3A_243, %sign3A_246 : i32
      %sign3A_248 = arith.constant 0 : i32
      %sign3A_249 = arith.cmpi sgt, %jit3A_239, %sign3A_248 : i32
      %sign3A_250 = arith.extui %sign3A_249 : i1 to i32
      %sign3A_251 = arith.constant 0 : i32
      %sign3A_252 = arith.cmpi slt, %jit3A_239, %sign3A_251 : i32
      %sign3A_253 = arith.extui %sign3A_252 : i1 to i32
      %sign3A_254 = arith.subi %sign3A_250, %sign3A_253 : i32
      %ne3A_255 = arith.cmpi ne, %sign3A_247, %sign3A_254 : i32
      %rem3A_256 = arith.remsi %while3A_233, %jit3A_239 : i32
      %ne3A_257 = arith.constant 0 : i32
      %ne3A_258 = arith.cmpi ne, %rem3A_256, %ne3A_257 : i32
      %and3A_259 = arith.andi %ne3A_255, %ne3A_258 : i1
      %sub3A_260 = arith.constant 1 : i32
      %sub3A_261 = arith.subi %div3A_240, %sub3A_260 : i32
      %select_n3A_262 = arith.select %and3A_259, %sub3A_261, %div3A_240 : i32
      %rem3A_263 = arith.constant 2 : i32
      %rem3A_264 = arith.remsi %select_n3A_262, %rem3A_263 : i32
      %mul3A_265 = arith.constant 8 : i32
      %mul3A_266 = arith.muli %select_n3A_262, %mul3A_265 : i32
      %sub3A_267 = arith.subi %mul3A_236, %mul3A_266 : i32
      %add3A_268 = arith.constant 1 : i32
      %add3A_269 = arith.addi %sub3A_267, %add3A_268 : i32
      %rem3A_270 = arith.constant 4 : i32
      %rem3A_271 = arith.remsi %while3A_233, %rem3A_270 : i32
      %eq3A_272 = arith.constant 0 : i32
      %eq3A_273 = arith.cmpi eq, %rem3A_271, %eq3A_272 : i32
      %gt3A = arith.constant 0 : i32
      %gt3A_274 = arith.cmpi sgt, %while3A_233, %gt3A : i32
      %and3A_275 = arith.andi %eq3A_273, %gt3A_274 : i1
      %convert_element_type3A = arith.extui %and3A_275 : i1 to i32
      %cond3A = arith.constant 0 : i32
      %cond3A_276 = arith.cmpi ne, %convert_element_type3A, %cond3A : i32
      scf.if %cond3A_276 {
        %mul3A_336 = arith.constant 8 : i32
        %mul3A_337 = arith.muli %select_n3A_262, %mul3A_336 : i32
        %add3A_338 = arith.addi %select_n3A_8, %mul3A_337 : i32
        %mul3A_339 = arith.constant 128 : i32
        %mul3A_340 = arith.muli %add3A_338, %mul3A_339 : i32
        %dma_wait3A_341 = arith.constant 0 : i32
        %dma_wait3A_342 = tpu.memref_slice %arg9[%rem3A_264, %dma_wait3A_341] : memref<2x1024xi32, #tpu.memory_space<vmem>> -> memref<1x1024xi32, #tpu.memory_space<vmem>>
        %dma_wait3A_343 = tpu.memref_squeeze %dma_wait3A_342 : memref<1x1024xi32, #tpu.memory_space<vmem>> -> memref<1024xi32, #tpu.memory_space<vmem>>
        %dma_wait3A_344 = tpu.memref_slice %arg3[%mul3A_340] : memref<327680xi32, #tpu.memory_space<hbm>> -> memref<1024xi32, #tpu.memory_space<hbm>>
        %dma_wait3A_345 = arith.constant 0 : i32
        %dma_wait3A_346 = tpu.memref_slice %arg9[%rem3A_264, %dma_wait3A_345] : memref<2x1024xi32, #tpu.memory_space<vmem>> -> memref<1x1024xi32, #tpu.memory_space<vmem>>
        %dma_wait3A_347 = tpu.memref_squeeze %dma_wait3A_346 : memref<1x1024xi32, #tpu.memory_space<vmem>> -> memref<1024xi32, #tpu.memory_space<vmem>>
        %dma_wait3A_348 = tpu.memref_slice %arg3[%mul3A_340] : memref<327680xi32, #tpu.memory_space<hbm>> -> memref<1024xi32, #tpu.memory_space<hbm>>
        tpu.wait_dma2 semaphore(%arg16 : memref<!tpu.dma_semaphore, #tpu.memory_space<semaphore_mem>>) src(%dma_wait3A_348 : memref<1024xi32, #tpu.memory_space<hbm>>) dst(%dma_wait3A_347 : memref<1024xi32, #tpu.memory_space<vmem>>)
      } else {
      }
      %add3A_277 = arith.addi %select_n3A_8, %mul3A_236 : i32
      %mul3A_278 = arith.constant 128 : i32
      %mul3A_279 = arith.muli %add3A_277, %mul3A_278 : i32
      %dma_start3A_280 = tpu.memref_slice %arg4[%mul3A_279] : memref<327680xi32, #tpu.memory_space<hbm>> -> memref<128xi32, #tpu.memory_space<hbm>>
      %dma_start3A_281 = tpu.memref_slice %arg4[%mul3A_279] : memref<327680xi32, #tpu.memory_space<hbm>> -> memref<128xi32, #tpu.memory_space<hbm>>
      tpu.enqueue_dma source(%dma_start3A_281 : memref<128xi32, #tpu.memory_space<hbm>>) target(%arg10 : memref<128xi32, #tpu.memory_space<vmem>>) target_semaphore(%arg17 : memref<!tpu.dma_semaphore, #tpu.memory_space<semaphore_mem>>)
      %mul3A_282 = arith.constant 128 : i32
      %mul3A_283 = arith.muli %sub3A_267, %mul3A_282 : i32
      %dma_start3A_284 = tpu.memref_slice %arg9[%rem3A_264, %mul3A_283] : memref<2x1024xi32, #tpu.memory_space<vmem>> -> memref<1x128xi32, #tpu.memory_space<vmem>>
      %dma_start3A_285 = tpu.memref_squeeze %dma_start3A_284 : memref<1x128xi32, #tpu.memory_space<vmem>> -> memref<128xi32, #tpu.memory_space<vmem>>
      %dma_start3A_286 = arith.constant 0 : i32
      %dma_start3A_287 = arith.constant 0 : i32
      %dma_start3A_288 = tpu.memref_slice %arg2[%dma_start3A_286, %dma_start3A_287] : memref<10000x128xf32, #tpu.memory_space<hbm>> -> memref<10000x128xf32, #tpu.memory_space<hbm>>
      tpu.enqueue_indirect_dma source(%dma_start3A_288 : memref<10000x128xf32, #tpu.memory_space<hbm>>) target(%arg7 : memref<128x128xf32, #tpu.memory_space<vmem>>) offsets(%dma_start3A_285 : memref<128xi32, #tpu.memory_space<vmem>>) semaphore(%arg12 : memref<!tpu.dma_semaphore, #tpu.memory_space<semaphore_mem>>)
      %add3A_289 = arith.addi %select_n3A_8, %add3A_238 : i32
      %mul3A_290 = arith.constant 128 : i32
      %mul3A_291 = arith.muli %add3A_289, %mul3A_290 : i32
      %dma_start3A_292 = tpu.memref_slice %arg4[%mul3A_291] : memref<327680xi32, #tpu.memory_space<hbm>> -> memref<128xi32, #tpu.memory_space<hbm>>
      %dma_start3A_293 = tpu.memref_slice %arg4[%mul3A_291] : memref<327680xi32, #tpu.memory_space<hbm>> -> memref<128xi32, #tpu.memory_space<hbm>>
      tpu.enqueue_dma source(%dma_start3A_293 : memref<128xi32, #tpu.memory_space<hbm>>) target(%arg11 : memref<128xi32, #tpu.memory_space<vmem>>) target_semaphore(%arg18 : memref<!tpu.dma_semaphore, #tpu.memory_space<semaphore_mem>>)
      %mul3A_294 = arith.constant 128 : i32
      %mul3A_295 = arith.muli %add3A_269, %mul3A_294 : i32
      %dma_start3A_296 = tpu.memref_slice %arg9[%rem3A_264, %mul3A_295] : memref<2x1024xi32, #tpu.memory_space<vmem>> -> memref<1x128xi32, #tpu.memory_space<vmem>>
      %dma_start3A_297 = tpu.memref_squeeze %dma_start3A_296 : memref<1x128xi32, #tpu.memory_space<vmem>> -> memref<128xi32, #tpu.memory_space<vmem>>
      %dma_start3A_298 = arith.constant 0 : i32
      %dma_start3A_299 = arith.constant 0 : i32
      %dma_start3A_300 = tpu.memref_slice %arg2[%dma_start3A_298, %dma_start3A_299] : memref<10000x128xf32, #tpu.memory_space<hbm>> -> memref<10000x128xf32, #tpu.memory_space<hbm>>
      tpu.enqueue_indirect_dma source(%dma_start3A_300 : memref<10000x128xf32, #tpu.memory_space<hbm>>) target(%arg8 : memref<128x128xf32, #tpu.memory_space<vmem>>) offsets(%dma_start3A_297 : memref<128xi32, #tpu.memory_space<vmem>>) semaphore(%arg13 : memref<!tpu.dma_semaphore, #tpu.memory_space<semaphore_mem>>)
      %rem3A_301 = arith.constant 4 : i32
      %rem3A_302 = arith.remsi %while3A_233, %rem3A_301 : i32
      %eq3A_303 = arith.constant 1 : i32
      %eq3A_304 = arith.cmpi eq, %rem3A_302, %eq3A_303 : i32
      %add3A_305 = arith.constant 1 : i32
      %add3A_306 = arith.addi %select_n3A_262, %add3A_305 : i32
      %lt3A = arith.cmpi slt, %add3A_306, %select_n3A_26 : i32
      %and3A_307 = arith.andi %eq3A_304, %lt3A : i1
      %convert_element_type3A_308 = arith.extui %and3A_307 : i1 to i32
      %cond3A_309 = arith.constant 0 : i32
      %cond3A_310 = arith.cmpi ne, %convert_element_type3A_308, %cond3A_309 : i32
      scf.if %cond3A_310 {
        %add3A_336 = arith.constant 1 : i32
        %add3A_337 = arith.addi %select_n3A_262, %add3A_336 : i32
        %sub3A_338 = arith.constant 1 : i32
        %sub3A_339 = arith.subi %sub3A_338, %rem3A_264 : i32
        %mul3A_340 = arith.constant 8 : i32
        %mul3A_341 = arith.muli %add3A_337, %mul3A_340 : i32
        %add3A_342 = arith.addi %select_n3A_8, %mul3A_341 : i32
        %mul3A_343 = arith.constant 128 : i32
        %mul3A_344 = arith.muli %add3A_342, %mul3A_343 : i32
        %dma_start3A_345 = arith.constant 0 : i32
        %dma_start3A_346 = tpu.memref_slice %arg9[%sub3A_339, %dma_start3A_345] : memref<2x1024xi32, #tpu.memory_space<vmem>> -> memref<1x1024xi32, #tpu.memory_space<vmem>>
        %dma_start3A_347 = tpu.memref_squeeze %dma_start3A_346 : memref<1x1024xi32, #tpu.memory_space<vmem>> -> memref<1024xi32, #tpu.memory_space<vmem>>
        %dma_start3A_348 = tpu.memref_slice %arg3[%mul3A_344] : memref<327680xi32, #tpu.memory_space<hbm>> -> memref<1024xi32, #tpu.memory_space<hbm>>
        %dma_start3A_349 = arith.constant 0 : i32
        %dma_start3A_350 = tpu.memref_slice %arg9[%sub3A_339, %dma_start3A_349] : memref<2x1024xi32, #tpu.memory_space<vmem>> -> memref<1x1024xi32, #tpu.memory_space<vmem>>
        %dma_start3A_351 = tpu.memref_squeeze %dma_start3A_350 : memref<1x1024xi32, #tpu.memory_space<vmem>> -> memref<1024xi32, #tpu.memory_space<vmem>>
        %dma_start3A_352 = tpu.memref_slice %arg3[%mul3A_344] : memref<327680xi32, #tpu.memory_space<hbm>> -> memref<1024xi32, #tpu.memory_space<hbm>>
        tpu.enqueue_dma source(%dma_start3A_352 : memref<1024xi32, #tpu.memory_space<hbm>>) target(%dma_start3A_351 : memref<1024xi32, #tpu.memory_space<vmem>>) target_semaphore(%arg16 : memref<!tpu.dma_semaphore, #tpu.memory_space<semaphore_mem>>)
      } else {
      }
      %mul3A_311 = arith.constant 128 : i32
      %mul3A_312 = arith.muli %sub3A_267, %mul3A_311 : i32
      %dma_wait3A_313 = tpu.memref_slice %arg9[%rem3A_264, %mul3A_312] : memref<2x1024xi32, #tpu.memory_space<vmem>> -> memref<1x128xi32, #tpu.memory_space<vmem>>
      %dma_wait3A_314 = tpu.memref_squeeze %dma_wait3A_313 : memref<1x128xi32, #tpu.memory_space<vmem>> -> memref<128xi32, #tpu.memory_space<vmem>>
      %dma_wait3A_315 = arith.constant 0 : i32
      %dma_wait3A_316 = arith.constant 0 : i32
      %dma_wait3A_317 = tpu.memref_slice %arg2[%dma_wait3A_315, %dma_wait3A_316] : memref<10000x128xf32, #tpu.memory_space<hbm>> -> memref<10000x128xf32, #tpu.memory_space<hbm>>
      tpu.wait_indirect_dma semaphore(%arg12 : memref<!tpu.dma_semaphore, #tpu.memory_space<semaphore_mem>>) src(%dma_wait3A_317 : memref<10000x128xf32, #tpu.memory_space<hbm>>) dst(%arg7 : memref<128x128xf32, #tpu.memory_space<vmem>>)
      %add3A_318 = arith.addi %select_n3A_8, %mul3A_236 : i32
      %mul3A_319 = arith.constant 128 : i32
      %mul3A_320 = arith.muli %add3A_318, %mul3A_319 : i32
      %dma_wait3A_321 = tpu.memref_slice %arg4[%mul3A_320] : memref<327680xi32, #tpu.memory_space<hbm>> -> memref<128xi32, #tpu.memory_space<hbm>>
      %dma_wait3A_322 = tpu.memref_slice %arg4[%mul3A_320] : memref<327680xi32, #tpu.memory_space<hbm>> -> memref<128xi32, #tpu.memory_space<hbm>>
      tpu.wait_dma2 semaphore(%arg17 : memref<!tpu.dma_semaphore, #tpu.memory_space<semaphore_mem>>) src(%dma_wait3A_322 : memref<128xi32, #tpu.memory_space<hbm>>) dst(%arg10 : memref<128xi32, #tpu.memory_space<vmem>>)
      "tpu.region"() ({
        %run_scoped3A = tpu.sem_alloc : memref<!tpu.dma_semaphore, #tpu.memory_space<semaphore_mem>>
        %dma_start3A_336 = arith.constant 0 : i32
        %dma_start3A_337 = arith.constant 0 : i32
        %dma_start3A_338 = tpu.memref_slice %arg6[%dma_start3A_336, %dma_start3A_337] : memref<10240x128xf32, #tpu.memory_space<vmem_shared>> -> memref<10240x128xf32, #tpu.memory_space<vmem_shared>>
        tpu.enqueue_indirect_dma source(%arg7 : memref<128x128xf32, #tpu.memory_space<vmem>>) target(%dma_start3A_338 : memref<10240x128xf32, #tpu.memory_space<vmem_shared>>) offsets(%arg10 : memref<128xi32, #tpu.memory_space<vmem>>) semaphore(%run_scoped3A : memref<!tpu.dma_semaphore, #tpu.memory_space<semaphore_mem>>) {add = true}
        %dma_wait3A_339 = arith.constant 0 : i32
        %dma_wait3A_340 = arith.constant 0 : i32
        %dma_wait3A_341 = tpu.memref_slice %arg6[%dma_wait3A_339, %dma_wait3A_340] : memref<10240x128xf32, #tpu.memory_space<vmem_shared>> -> memref<10240x128xf32, #tpu.memory_space<vmem_shared>>
        tpu.wait_indirect_dma semaphore(%run_scoped3A : memref<!tpu.dma_semaphore, #tpu.memory_space<semaphore_mem>>) src(%arg7 : memref<128x128xf32, #tpu.memory_space<vmem>>) dst(%dma_wait3A_341 : memref<10240x128xf32, #tpu.memory_space<vmem_shared>>)
        tpu.yield
      }) : () -> ()
      %mul3A_323 = arith.constant 128 : i32
      %mul3A_324 = arith.muli %add3A_269, %mul3A_323 : i32
      %dma_wait3A_325 = tpu.memref_slice %arg9[%rem3A_264, %mul3A_324] : memref<2x1024xi32, #tpu.memory_space<vmem>> -> memref<1x128xi32, #tpu.memory_space<vmem>>
      %dma_wait3A_326 = tpu.memref_squeeze %dma_wait3A_325 : memref<1x128xi32, #tpu.memory_space<vmem>> -> memref<128xi32, #tpu.memory_space<vmem>>
      %dma_wait3A_327 = arith.constant 0 : i32
      %dma_wait3A_328 = arith.constant 0 : i32
      %dma_wait3A_329 = tpu.memref_slice %arg2[%dma_wait3A_327, %dma_wait3A_328] : memref<10000x128xf32, #tpu.memory_space<hbm>> -> memref<10000x128xf32, #tpu.memory_space<hbm>>
      tpu.wait_indirect_dma semaphore(%arg13 : memref<!tpu.dma_semaphore, #tpu.memory_space<semaphore_mem>>) src(%dma_wait3A_329 : memref<10000x128xf32, #tpu.memory_space<hbm>>) dst(%arg8 : memref<128x128xf32, #tpu.memory_space<vmem>>)
      %add3A_330 = arith.addi %select_n3A_8, %add3A_238 : i32
      %mul3A_331 = arith.constant 128 : i32
      %mul3A_332 = arith.muli %add3A_330, %mul3A_331 : i32
      %dma_wait3A_333 = tpu.memref_slice %arg4[%mul3A_332] : memref<327680xi32, #tpu.memory_space<hbm>> -> memref<128xi32, #tpu.memory_space<hbm>>
      %dma_wait3A_334 = tpu.memref_slice %arg4[%mul3A_332] : memref<327680xi32, #tpu.memory_space<hbm>> -> memref<128xi32, #tpu.memory_space<hbm>>
      tpu.wait_dma2 semaphore(%arg18 : memref<!tpu.dma_semaphore, #tpu.memory_space<semaphore_mem>>) src(%dma_wait3A_334 : memref<128xi32, #tpu.memory_space<hbm>>) dst(%arg11 : memref<128xi32, #tpu.memory_space<vmem>>)
      "tpu.region"() ({
        %run_scoped3A = tpu.sem_alloc : memref<!tpu.dma_semaphore, #tpu.memory_space<semaphore_mem>>
        %dma_start3A_336 = arith.constant 0 : i32
        %dma_start3A_337 = arith.constant 0 : i32
        %dma_start3A_338 = tpu.memref_slice %arg6[%dma_start3A_336, %dma_start3A_337] : memref<10240x128xf32, #tpu.memory_space<vmem_shared>> -> memref<10240x128xf32, #tpu.memory_space<vmem_shared>>
        tpu.enqueue_indirect_dma source(%arg8 : memref<128x128xf32, #tpu.memory_space<vmem>>) target(%dma_start3A_338 : memref<10240x128xf32, #tpu.memory_space<vmem_shared>>) offsets(%arg11 : memref<128xi32, #tpu.memory_space<vmem>>) semaphore(%run_scoped3A : memref<!tpu.dma_semaphore, #tpu.memory_space<semaphore_mem>>) {add = true}
        %dma_wait3A_339 = arith.constant 0 : i32
        %dma_wait3A_340 = arith.constant 0 : i32
        %dma_wait3A_341 = tpu.memref_slice %arg6[%dma_wait3A_339, %dma_wait3A_340] : memref<10240x128xf32, #tpu.memory_space<vmem_shared>> -> memref<10240x128xf32, #tpu.memory_space<vmem_shared>>
        tpu.wait_indirect_dma semaphore(%run_scoped3A : memref<!tpu.dma_semaphore, #tpu.memory_space<semaphore_mem>>) src(%arg8 : memref<128x128xf32, #tpu.memory_space<vmem>>) dst(%dma_wait3A_341 : memref<10240x128xf32, #tpu.memory_space<vmem_shared>>)
        tpu.yield
      }) : () -> ()
      %while3A_335 = arith.constant 0 : i32
      scf.yield %while3A_335 : i32
    }
    %barrier3A_112 = arith.constant 0 : index
    tpu.barrier barrier_id(%barrier3A_112)
    %mul3A_113 = arith.constant 640 : i32
    %mul3A_114 = arith.muli %arg1, %mul3A_113 : i32
    %add3A_115 = arith.constant 0 : i32
    %add3A_116 = arith.addi %mul3A_114, %add3A_115 : i32
    "tpu.region"() ({
      %run_scoped3A = tpu.sem_alloc : memref<!tpu.dma_semaphore, #tpu.memory_space<semaphore_mem>>
      %dma_start3A_233 = arith.constant 0 : i32
      %dma_start3A_234 = tpu.memref_slice %arg6[%add3A_116, %dma_start3A_233] : memref<10240x128xf32, #tpu.memory_space<vmem_shared>> -> memref<128x128xf32, #tpu.memory_space<vmem_shared>>
      %dma_start3A_235 = arith.constant 0 : i32
      %dma_start3A_236 = tpu.memref_slice %arg6[%add3A_116, %dma_start3A_235] : memref<10240x128xf32, #tpu.memory_space<vmem_shared>> -> memref<128x128xf32, #tpu.memory_space<vmem_shared>>
      tpu.enqueue_dma source(%dma_start3A_236 : memref<128x128xf32, #tpu.memory_space<vmem_shared>>) target(%arg7 : memref<128x128xf32, #tpu.memory_space<vmem>>) target_semaphore(%run_scoped3A : memref<!tpu.dma_semaphore, #tpu.memory_space<semaphore_mem>>)
      %dma_wait3A_237 = arith.constant 0 : i32
      %dma_wait3A_238 = tpu.memref_slice %arg6[%add3A_116, %dma_wait3A_237] : memref<10240x128xf32, #tpu.memory_space<vmem_shared>> -> memref<128x128xf32, #tpu.memory_space<vmem_shared>>
      %dma_wait3A_239 = arith.constant 0 : i32
      %dma_wait3A_240 = tpu.memref_slice %arg6[%add3A_116, %dma_wait3A_239] : memref<10240x128xf32, #tpu.memory_space<vmem_shared>> -> memref<128x128xf32, #tpu.memory_space<vmem_shared>>
      tpu.wait_dma2 semaphore(%run_scoped3A : memref<!tpu.dma_semaphore, #tpu.memory_space<semaphore_mem>>) src(%dma_wait3A_240 : memref<128x128xf32, #tpu.memory_space<vmem_shared>>) dst(%arg7 : memref<128x128xf32, #tpu.memory_space<vmem>>)
      tpu.yield
    }) : () -> ()
    %mul3A_117 = arith.constant 640 : i32
    %mul3A_118 = arith.muli %arg1, %mul3A_117 : i32
    %add3A_119 = arith.constant 0 : i32
    %add3A_120 = arith.addi %mul3A_118, %add3A_119 : i32
    %dma_start3A_121 = arith.constant 0 : i32
    %dma_start3A_122 = tpu.memref_slice %arg5[%arg0, %add3A_120, %dma_start3A_121] : memref<2x10240x128xf32, #tpu.memory_space<hbm>> -> memref<1x128x128xf32, #tpu.memory_space<hbm>>
    %dma_start3A_123 = tpu.memref_squeeze %dma_start3A_122 : memref<1x128x128xf32, #tpu.memory_space<hbm>> -> memref<128x128xf32, #tpu.memory_space<hbm>>
    %dma_start3A_124 = arith.constant 0 : i32
    %dma_start3A_125 = tpu.memref_slice %arg5[%arg0, %add3A_120, %dma_start3A_124] : memref<2x10240x128xf32, #tpu.memory_space<hbm>> -> memref<1x128x128xf32, #tpu.memory_space<hbm>>
    %dma_start3A_126 = tpu.memref_squeeze %dma_start3A_125 : memref<1x128x128xf32, #tpu.memory_space<hbm>> -> memref<128x128xf32, #tpu.memory_space<hbm>>
    tpu.enqueue_dma source(%arg7 : memref<128x128xf32, #tpu.memory_space<vmem>>) target(%dma_start3A_126 : memref<128x128xf32, #tpu.memory_space<hbm>>) target_semaphore(%arg14 : memref<!tpu.dma_semaphore, #tpu.memory_space<semaphore_mem>>)
    %mul3A_127 = arith.constant 640 : i32
    %mul3A_128 = arith.muli %arg1, %mul3A_127 : i32
    %add3A_129 = arith.constant 128 : i32
    %add3A_130 = arith.addi %mul3A_128, %add3A_129 : i32
    "tpu.region"() ({
      %run_scoped3A = tpu.sem_alloc : memref<!tpu.dma_semaphore, #tpu.memory_space<semaphore_mem>>
      %dma_start3A_233 = arith.constant 0 : i32
      %dma_start3A_234 = tpu.memref_slice %arg6[%add3A_130, %dma_start3A_233] : memref<10240x128xf32, #tpu.memory_space<vmem_shared>> -> memref<128x128xf32, #tpu.memory_space<vmem_shared>>
      %dma_start3A_235 = arith.constant 0 : i32
      %dma_start3A_236 = tpu.memref_slice %arg6[%add3A_130, %dma_start3A_235] : memref<10240x128xf32, #tpu.memory_space<vmem_shared>> -> memref<128x128xf32, #tpu.memory_space<vmem_shared>>
      tpu.enqueue_dma source(%dma_start3A_236 : memref<128x128xf32, #tpu.memory_space<vmem_shared>>) target(%arg8 : memref<128x128xf32, #tpu.memory_space<vmem>>) target_semaphore(%run_scoped3A : memref<!tpu.dma_semaphore, #tpu.memory_space<semaphore_mem>>)
      %dma_wait3A_237 = arith.constant 0 : i32
      %dma_wait3A_238 = tpu.memref_slice %arg6[%add3A_130, %dma_wait3A_237] : memref<10240x128xf32, #tpu.memory_space<vmem_shared>> -> memref<128x128xf32, #tpu.memory_space<vmem_shared>>
      %dma_wait3A_239 = arith.constant 0 : i32
      %dma_wait3A_240 = tpu.memref_slice %arg6[%add3A_130, %dma_wait3A_239] : memref<10240x128xf32, #tpu.memory_space<vmem_shared>> -> memref<128x128xf32, #tpu.memory_space<vmem_shared>>
      tpu.wait_dma2 semaphore(%run_scoped3A : memref<!tpu.dma_semaphore, #tpu.memory_space<semaphore_mem>>) src(%dma_wait3A_240 : memref<128x128xf32, #tpu.memory_space<vmem_shared>>) dst(%arg8 : memref<128x128xf32, #tpu.memory_space<vmem>>)
      tpu.yield
    }) : () -> ()
    %mul3A_131 = arith.constant 640 : i32
    %mul3A_132 = arith.muli %arg1, %mul3A_131 : i32
    %add3A_133 = arith.constant 128 : i32
    %add3A_134 = arith.addi %mul3A_132, %add3A_133 : i32
    %dma_start3A_135 = arith.constant 0 : i32
    %dma_start3A_136 = tpu.memref_slice %arg5[%arg0, %add3A_134, %dma_start3A_135] : memref<2x10240x128xf32, #tpu.memory_space<hbm>> -> memref<1x128x128xf32, #tpu.memory_space<hbm>>
    %dma_start3A_137 = tpu.memref_squeeze %dma_start3A_136 : memref<1x128x128xf32, #tpu.memory_space<hbm>> -> memref<128x128xf32, #tpu.memory_space<hbm>>
    %dma_start3A_138 = arith.constant 0 : i32
    %dma_start3A_139 = tpu.memref_slice %arg5[%arg0, %add3A_134, %dma_start3A_138] : memref<2x10240x128xf32, #tpu.memory_space<hbm>> -> memref<1x128x128xf32, #tpu.memory_space<hbm>>
    %dma_start3A_140 = tpu.memref_squeeze %dma_start3A_139 : memref<1x128x128xf32, #tpu.memory_space<hbm>> -> memref<128x128xf32, #tpu.memory_space<hbm>>
    tpu.enqueue_dma source(%arg8 : memref<128x128xf32, #tpu.memory_space<vmem>>) target(%dma_start3A_140 : memref<128x128xf32, #tpu.memory_space<hbm>>) target_semaphore(%arg15 : memref<!tpu.dma_semaphore, #tpu.memory_space<semaphore_mem>>)
    %mul3A_141 = arith.constant 640 : i32
    %mul3A_142 = arith.muli %arg1, %mul3A_141 : i32
    %add3A_143 = arith.constant 0 : i32
    %add3A_144 = arith.addi %mul3A_142, %add3A_143 : i32
    %dma_wait3A_145 = arith.constant 0 : i32
    %dma_wait3A_146 = tpu.memref_slice %arg5[%arg0, %add3A_144, %dma_wait3A_145] : memref<2x10240x128xf32, #tpu.memory_space<hbm>> -> memref<1x128x128xf32, #tpu.memory_space<hbm>>
    %dma_wait3A_147 = tpu.memref_squeeze %dma_wait3A_146 : memref<1x128x128xf32, #tpu.memory_space<hbm>> -> memref<128x128xf32, #tpu.memory_space<hbm>>
    %dma_wait3A_148 = arith.constant 0 : i32
    %dma_wait3A_149 = tpu.memref_slice %arg5[%arg0, %add3A_144, %dma_wait3A_148] : memref<2x10240x128xf32, #tpu.memory_space<hbm>> -> memref<1x128x128xf32, #tpu.memory_space<hbm>>
    %dma_wait3A_150 = tpu.memref_squeeze %dma_wait3A_149 : memref<1x128x128xf32, #tpu.memory_space<hbm>> -> memref<128x128xf32, #tpu.memory_space<hbm>>
    tpu.wait_dma2 semaphore(%arg14 : memref<!tpu.dma_semaphore, #tpu.memory_space<semaphore_mem>>) src(%arg7 : memref<128x128xf32, #tpu.memory_space<vmem>>) dst(%dma_wait3A_150 : memref<128x128xf32, #tpu.memory_space<hbm>>)
    %mul3A_151 = arith.constant 640 : i32
    %mul3A_152 = arith.muli %arg1, %mul3A_151 : i32
    %add3A_153 = arith.constant 256 : i32
    %add3A_154 = arith.addi %mul3A_152, %add3A_153 : i32
    "tpu.region"() ({
      %run_scoped3A = tpu.sem_alloc : memref<!tpu.dma_semaphore, #tpu.memory_space<semaphore_mem>>
      %dma_start3A_233 = arith.constant 0 : i32
      %dma_start3A_234 = tpu.memref_slice %arg6[%add3A_154, %dma_start3A_233] : memref<10240x128xf32, #tpu.memory_space<vmem_shared>> -> memref<128x128xf32, #tpu.memory_space<vmem_shared>>
      %dma_start3A_235 = arith.constant 0 : i32
      %dma_start3A_236 = tpu.memref_slice %arg6[%add3A_154, %dma_start3A_235] : memref<10240x128xf32, #tpu.memory_space<vmem_shared>> -> memref<128x128xf32, #tpu.memory_space<vmem_shared>>
      tpu.enqueue_dma source(%dma_start3A_236 : memref<128x128xf32, #tpu.memory_space<vmem_shared>>) target(%arg7 : memref<128x128xf32, #tpu.memory_space<vmem>>) target_semaphore(%run_scoped3A : memref<!tpu.dma_semaphore, #tpu.memory_space<semaphore_mem>>)
      %dma_wait3A_237 = arith.constant 0 : i32
      %dma_wait3A_238 = tpu.memref_slice %arg6[%add3A_154, %dma_wait3A_237] : memref<10240x128xf32, #tpu.memory_space<vmem_shared>> -> memref<128x128xf32, #tpu.memory_space<vmem_shared>>
      %dma_wait3A_239 = arith.constant 0 : i32
      %dma_wait3A_240 = tpu.memref_slice %arg6[%add3A_154, %dma_wait3A_239] : memref<10240x128xf32, #tpu.memory_space<vmem_shared>> -> memref<128x128xf32, #tpu.memory_space<vmem_shared>>
      tpu.wait_dma2 semaphore(%run_scoped3A : memref<!tpu.dma_semaphore, #tpu.memory_space<semaphore_mem>>) src(%dma_wait3A_240 : memref<128x128xf32, #tpu.memory_space<vmem_shared>>) dst(%arg7 : memref<128x128xf32, #tpu.memory_space<vmem>>)
      tpu.yield
    }) : () -> ()
    %mul3A_155 = arith.constant 640 : i32
    %mul3A_156 = arith.muli %arg1, %mul3A_155 : i32
    %add3A_157 = arith.constant 256 : i32
    %add3A_158 = arith.addi %mul3A_156, %add3A_157 : i32
    %dma_start3A_159 = arith.constant 0 : i32
    %dma_start3A_160 = tpu.memref_slice %arg5[%arg0, %add3A_158, %dma_start3A_159] : memref<2x10240x128xf32, #tpu.memory_space<hbm>> -> memref<1x128x128xf32, #tpu.memory_space<hbm>>
    %dma_start3A_161 = tpu.memref_squeeze %dma_start3A_160 : memref<1x128x128xf32, #tpu.memory_space<hbm>> -> memref<128x128xf32, #tpu.memory_space<hbm>>
    %dma_start3A_162 = arith.constant 0 : i32
    %dma_start3A_163 = tpu.memref_slice %arg5[%arg0, %add3A_158, %dma_start3A_162] : memref<2x10240x128xf32, #tpu.memory_space<hbm>> -> memref<1x128x128xf32, #tpu.memory_space<hbm>>
    %dma_start3A_164 = tpu.memref_squeeze %dma_start3A_163 : memref<1x128x128xf32, #tpu.memory_space<hbm>> -> memref<128x128xf32, #tpu.memory_space<hbm>>
    tpu.enqueue_dma source(%arg7 : memref<128x128xf32, #tpu.memory_space<vmem>>) target(%dma_start3A_164 : memref<128x128xf32, #tpu.memory_space<hbm>>) target_semaphore(%arg14 : memref<!tpu.dma_semaphore, #tpu.memory_space<semaphore_mem>>)
    %mul3A_165 = arith.constant 640 : i32
    %mul3A_166 = arith.muli %arg1, %mul3A_165 : i32
    %add3A_167 = arith.constant 128 : i32
    %add3A_168 = arith.addi %mul3A_166, %add3A_167 : i32
    %dma_wait3A_169 = arith.constant 0 : i32
    %dma_wait3A_170 = tpu.memref_slice %arg5[%arg0, %add3A_168, %dma_wait3A_169] : memref<2x10240x128xf32, #tpu.memory_space<hbm>> -> memref<1x128x128xf32, #tpu.memory_space<hbm>>
    %dma_wait3A_171 = tpu.memref_squeeze %dma_wait3A_170 : memref<1x128x128xf32, #tpu.memory_space<hbm>> -> memref<128x128xf32, #tpu.memory_space<hbm>>
    %dma_wait3A_172 = arith.constant 0 : i32
    %dma_wait3A_173 = tpu.memref_slice %arg5[%arg0, %add3A_168, %dma_wait3A_172] : memref<2x10240x128xf32, #tpu.memory_space<hbm>> -> memref<1x128x128xf32, #tpu.memory_space<hbm>>
    %dma_wait3A_174 = tpu.memref_squeeze %dma_wait3A_173 : memref<1x128x128xf32, #tpu.memory_space<hbm>> -> memref<128x128xf32, #tpu.memory_space<hbm>>
    tpu.wait_dma2 semaphore(%arg15 : memref<!tpu.dma_semaphore, #tpu.memory_space<semaphore_mem>>) src(%arg8 : memref<128x128xf32, #tpu.memory_space<vmem>>) dst(%dma_wait3A_174 : memref<128x128xf32, #tpu.memory_space<hbm>>)
    %mul3A_175 = arith.constant 640 : i32
    %mul3A_176 = arith.muli %arg1, %mul3A_175 : i32
    %add3A_177 = arith.constant 384 : i32
    %add3A_178 = arith.addi %mul3A_176, %add3A_177 : i32
    "tpu.region"() ({
      %run_scoped3A = tpu.sem_alloc : memref<!tpu.dma_semaphore, #tpu.memory_space<semaphore_mem>>
      %dma_start3A_233 = arith.constant 0 : i32
      %dma_start3A_234 = tpu.memref_slice %arg6[%add3A_178, %dma_start3A_233] : memref<10240x128xf32, #tpu.memory_space<vmem_shared>> -> memref<128x128xf32, #tpu.memory_space<vmem_shared>>
      %dma_start3A_235 = arith.constant 0 : i32
      %dma_start3A_236 = tpu.memref_slice %arg6[%add3A_178, %dma_start3A_235] : memref<10240x128xf32, #tpu.memory_space<vmem_shared>> -> memref<128x128xf32, #tpu.memory_space<vmem_shared>>
      tpu.enqueue_dma source(%dma_start3A_236 : memref<128x128xf32, #tpu.memory_space<vmem_shared>>) target(%arg8 : memref<128x128xf32, #tpu.memory_space<vmem>>) target_semaphore(%run_scoped3A : memref<!tpu.dma_semaphore, #tpu.memory_space<semaphore_mem>>)
      %dma_wait3A_237 = arith.constant 0 : i32
      %dma_wait3A_238 = tpu.memref_slice %arg6[%add3A_178, %dma_wait3A_237] : memref<10240x128xf32, #tpu.memory_space<vmem_shared>> -> memref<128x128xf32, #tpu.memory_space<vmem_shared>>
      %dma_wait3A_239 = arith.constant 0 : i32
      %dma_wait3A_240 = tpu.memref_slice %arg6[%add3A_178, %dma_wait3A_239] : memref<10240x128xf32, #tpu.memory_space<vmem_shared>> -> memref<128x128xf32, #tpu.memory_space<vmem_shared>>
      tpu.wait_dma2 semaphore(%run_scoped3A : memref<!tpu.dma_semaphore, #tpu.memory_space<semaphore_mem>>) src(%dma_wait3A_240 : memref<128x128xf32, #tpu.memory_space<vmem_shared>>) dst(%arg8 : memref<128x128xf32, #tpu.memory_space<vmem>>)
      tpu.yield
    }) : () -> ()
    %mul3A_179 = arith.constant 640 : i32
    %mul3A_180 = arith.muli %arg1, %mul3A_179 : i32
    %add3A_181 = arith.constant 384 : i32
    %add3A_182 = arith.addi %mul3A_180, %add3A_181 : i32
    %dma_start3A_183 = arith.constant 0 : i32
    %dma_start3A_184 = tpu.memref_slice %arg5[%arg0, %add3A_182, %dma_start3A_183] : memref<2x10240x128xf32, #tpu.memory_space<hbm>> -> memref<1x128x128xf32, #tpu.memory_space<hbm>>
    %dma_start3A_185 = tpu.memref_squeeze %dma_start3A_184 : memref<1x128x128xf32, #tpu.memory_space<hbm>> -> memref<128x128xf32, #tpu.memory_space<hbm>>
    %dma_start3A_186 = arith.constant 0 : i32
    %dma_start3A_187 = tpu.memref_slice %arg5[%arg0, %add3A_182, %dma_start3A_186] : memref<2x10240x128xf32, #tpu.memory_space<hbm>> -> memref<1x128x128xf32, #tpu.memory_space<hbm>>
    %dma_start3A_188 = tpu.memref_squeeze %dma_start3A_187 : memref<1x128x128xf32, #tpu.memory_space<hbm>> -> memref<128x128xf32, #tpu.memory_space<hbm>>
    tpu.enqueue_dma source(%arg8 : memref<128x128xf32, #tpu.memory_space<vmem>>) target(%dma_start3A_188 : memref<128x128xf32, #tpu.memory_space<hbm>>) target_semaphore(%arg15 : memref<!tpu.dma_semaphore, #tpu.memory_space<semaphore_mem>>)
    %mul3A_189 = arith.constant 640 : i32
    %mul3A_190 = arith.muli %arg1, %mul3A_189 : i32
    %add3A_191 = arith.constant 256 : i32
    %add3A_192 = arith.addi %mul3A_190, %add3A_191 : i32
    %dma_wait3A_193 = arith.constant 0 : i32
    %dma_wait3A_194 = tpu.memref_slice %arg5[%arg0, %add3A_192, %dma_wait3A_193] : memref<2x10240x128xf32, #tpu.memory_space<hbm>> -> memref<1x128x128xf32, #tpu.memory_space<hbm>>
    %dma_wait3A_195 = tpu.memref_squeeze %dma_wait3A_194 : memref<1x128x128xf32, #tpu.memory_space<hbm>> -> memref<128x128xf32, #tpu.memory_space<hbm>>
    %dma_wait3A_196 = arith.constant 0 : i32
    %dma_wait3A_197 = tpu.memref_slice %arg5[%arg0, %add3A_192, %dma_wait3A_196] : memref<2x10240x128xf32, #tpu.memory_space<hbm>> -> memref<1x128x128xf32, #tpu.memory_space<hbm>>
    %dma_wait3A_198 = tpu.memref_squeeze %dma_wait3A_197 : memref<1x128x128xf32, #tpu.memory_space<hbm>> -> memref<128x128xf32, #tpu.memory_space<hbm>>
    tpu.wait_dma2 semaphore(%arg14 : memref<!tpu.dma_semaphore, #tpu.memory_space<semaphore_mem>>) src(%arg7 : memref<128x128xf32, #tpu.memory_space<vmem>>) dst(%dma_wait3A_198 : memref<128x128xf32, #tpu.memory_space<hbm>>)
    %mul3A_199 = arith.constant 640 : i32
    %mul3A_200 = arith.muli %arg1, %mul3A_199 : i32
    %add3A_201 = arith.constant 512 : i32
    %add3A_202 = arith.addi %mul3A_200, %add3A_201 : i32
    "tpu.region"() ({
      %run_scoped3A = tpu.sem_alloc : memref<!tpu.dma_semaphore, #tpu.memory_space<semaphore_mem>>
      %dma_start3A_233 = arith.constant 0 : i32
      %dma_start3A_234 = tpu.memref_slice %arg6[%add3A_202, %dma_start3A_233] : memref<10240x128xf32, #tpu.memory_space<vmem_shared>> -> memref<128x128xf32, #tpu.memory_space<vmem_shared>>
      %dma_start3A_235 = arith.constant 0 : i32
      %dma_start3A_236 = tpu.memref_slice %arg6[%add3A_202, %dma_start3A_235] : memref<10240x128xf32, #tpu.memory_space<vmem_shared>> -> memref<128x128xf32, #tpu.memory_space<vmem_shared>>
      tpu.enqueue_dma source(%dma_start3A_236 : memref<128x128xf32, #tpu.memory_space<vmem_shared>>) target(%arg7 : memref<128x128xf32, #tpu.memory_space<vmem>>) target_semaphore(%run_scoped3A : memref<!tpu.dma_semaphore, #tpu.memory_space<semaphore_mem>>)
      %dma_wait3A_237 = arith.constant 0 : i32
      %dma_wait3A_238 = tpu.memref_slice %arg6[%add3A_202, %dma_wait3A_237] : memref<10240x128xf32, #tpu.memory_space<vmem_shared>> -> memref<128x128xf32, #tpu.memory_space<vmem_shared>>
      %dma_wait3A_239 = arith.constant 0 : i32
      %dma_wait3A_240 = tpu.memref_slice %arg6[%add3A_202, %dma_wait3A_239] : memref<10240x128xf32, #tpu.memory_space<vmem_shared>> -> memref<128x128xf32, #tpu.memory_space<vmem_shared>>
      tpu.wait_dma2 semaphore(%run_scoped3A : memref<!tpu.dma_semaphore, #tpu.memory_space<semaphore_mem>>) src(%dma_wait3A_240 : memref<128x128xf32, #tpu.memory_space<vmem_shared>>) dst(%arg7 : memref<128x128xf32, #tpu.memory_space<vmem>>)
      tpu.yield
    }) : () -> ()
    %mul3A_203 = arith.constant 640 : i32
    %mul3A_204 = arith.muli %arg1, %mul3A_203 : i32
    %add3A_205 = arith.constant 512 : i32
    %add3A_206 = arith.addi %mul3A_204, %add3A_205 : i32
    %dma_start3A_207 = arith.constant 0 : i32
    %dma_start3A_208 = tpu.memref_slice %arg5[%arg0, %add3A_206, %dma_start3A_207] : memref<2x10240x128xf32, #tpu.memory_space<hbm>> -> memref<1x128x128xf32, #tpu.memory_space<hbm>>
    %dma_start3A_209 = tpu.memref_squeeze %dma_start3A_208 : memref<1x128x128xf32, #tpu.memory_space<hbm>> -> memref<128x128xf32, #tpu.memory_space<hbm>>
    %dma_start3A_210 = arith.constant 0 : i32
    %dma_start3A_211 = tpu.memref_slice %arg5[%arg0, %add3A_206, %dma_start3A_210] : memref<2x10240x128xf32, #tpu.memory_space<hbm>> -> memref<1x128x128xf32, #tpu.memory_space<hbm>>
    %dma_start3A_212 = tpu.memref_squeeze %dma_start3A_211 : memref<1x128x128xf32, #tpu.memory_space<hbm>> -> memref<128x128xf32, #tpu.memory_space<hbm>>
    tpu.enqueue_dma source(%arg7 : memref<128x128xf32, #tpu.memory_space<vmem>>) target(%dma_start3A_212 : memref<128x128xf32, #tpu.memory_space<hbm>>) target_semaphore(%arg14 : memref<!tpu.dma_semaphore, #tpu.memory_space<semaphore_mem>>)
    %mul3A_213 = arith.constant 640 : i32
    %mul3A_214 = arith.muli %arg1, %mul3A_213 : i32
    %add3A_215 = arith.constant 384 : i32
    %add3A_216 = arith.addi %mul3A_214, %add3A_215 : i32
    %dma_wait3A_217 = arith.constant 0 : i32
    %dma_wait3A_218 = tpu.memref_slice %arg5[%arg0, %add3A_216, %dma_wait3A_217] : memref<2x10240x128xf32, #tpu.memory_space<hbm>> -> memref<1x128x128xf32, #tpu.memory_space<hbm>>
    %dma_wait3A_219 = tpu.memref_squeeze %dma_wait3A_218 : memref<1x128x128xf32, #tpu.memory_space<hbm>> -> memref<128x128xf32, #tpu.memory_space<hbm>>
    %dma_wait3A_220 = arith.constant 0 : i32
    %dma_wait3A_221 = tpu.memref_slice %arg5[%arg0, %add3A_216, %dma_wait3A_220] : memref<2x10240x128xf32, #tpu.memory_space<hbm>> -> memref<1x128x128xf32, #tpu.memory_space<hbm>>
    %dma_wait3A_222 = tpu.memref_squeeze %dma_wait3A_221 : memref<1x128x128xf32, #tpu.memory_space<hbm>> -> memref<128x128xf32, #tpu.memory_space<hbm>>
    tpu.wait_dma2 semaphore(%arg15 : memref<!tpu.dma_semaphore, #tpu.memory_space<semaphore_mem>>) src(%arg8 : memref<128x128xf32, #tpu.memory_space<vmem>>) dst(%dma_wait3A_222 : memref<128x128xf32, #tpu.memory_space<hbm>>)
    %mul3A_223 = arith.constant 640 : i32
    %mul3A_224 = arith.muli %arg1, %mul3A_223 : i32
    %add3A_225 = arith.constant 512 : i32
    %add3A_226 = arith.addi %mul3A_224, %add3A_225 : i32
    %dma_wait3A_227 = arith.constant 0 : i32
    %dma_wait3A_228 = tpu.memref_slice %arg5[%arg0, %add3A_226, %dma_wait3A_227] : memref<2x10240x128xf32, #tpu.memory_space<hbm>> -> memref<1x128x128xf32, #tpu.memory_space<hbm>>
    %dma_wait3A_229 = tpu.memref_squeeze %dma_wait3A_228 : memref<1x128x128xf32, #tpu.memory_space<hbm>> -> memref<128x128xf32, #tpu.memory_space<hbm>>
    %dma_wait3A_230 = arith.constant 0 : i32
    %dma_wait3A_231 = tpu.memref_slice %arg5[%arg0, %add3A_226, %dma_wait3A_230] : memref<2x10240x128xf32, #tpu.memory_space<hbm>> -> memref<1x128x128xf32, #tpu.memory_space<hbm>>
    %dma_wait3A_232 = tpu.memref_squeeze %dma_wait3A_231 : memref<1x128x128xf32, #tpu.memory_space<hbm>> -> memref<128x128xf32, #tpu.memory_space<hbm>>
    tpu.wait_dma2 semaphore(%arg14 : memref<!tpu.dma_semaphore, #tpu.memory_space<semaphore_mem>>) src(%arg7 : memref<128x128xf32, #tpu.memory_space<vmem>>) dst(%dma_wait3A_232 : memref<128x128xf32, #tpu.memory_space<hbm>>)
    return
  }
}

#map = affine_map<(d0, d1) -> (0)>
#map1 = affine_map<(d0, d1) -> (0, 0, 0)>
module attributes {stable_mosaic.version = 14 : i64} {
  func.func @deg_kernel(%arg0: i32, %arg1: i32, %arg2: memref<327680xi32, #tpu.memory_space<hbm>>, %arg3: memref<2x10240x16xf32, #tpu.memory_space<hbm>>, %arg4: memref<10240x16xf32, #tpu.memory_space<vmem_shared>>, %arg5: memref<128x16xf32, #tpu.memory_space<vmem>>, %arg6: memref<128x16xf32, #tpu.memory_space<vmem>>, %arg7: memref<128xi32, #tpu.memory_space<vmem>>, %arg8: memref<128xi32, #tpu.memory_space<vmem>>, %arg9: memref<!tpu.dma_semaphore, #tpu.memory_space<semaphore_mem>>, %arg10: memref<!tpu.dma_semaphore, #tpu.memory_space<semaphore_mem>>, %arg11: memref<!tpu.dma_semaphore, #tpu.memory_space<semaphore_mem>>, %arg12: memref<!tpu.dma_semaphore, #tpu.memory_space<semaphore_mem>>) attributes {dimension_semantics = [#tpu.dimension_semantics<core_parallel>, #tpu.dimension_semantics<subcore_parallel>], iteration_bounds = array<i64: 2, 16>, scalar_prefetch = 0 : i64, scratch_operands = 9 : i64, tpu.core_type = #tpu.core_type<sc_vector_subcore>, window_params = [{transform_indices = #map}, {transform_indices = #map1}]} {
    %mul3A = arith.constant 2 : i32
    %mul3A_0 = arith.muli %arg1, %mul3A : i32
    %add3A = arith.addi %mul3A_0, %arg0 : i32
    %mul3A_1 = arith.constant 80 : i32
    %mul3A_2 = arith.muli %add3A, %mul3A_1 : i32
    %scan3A = arith.constant 0 : i32
    %scan3A_3 = arith.constant 0 : i32
    %scan3A_4 = arith.constant 128 : i32
    %scan3A_5 = arith.addi %scan3A_3, %scan3A_4 : i32
    %scan3A_6 = arith.constant 1 : i32
    %scan3A_7 = scf.for %scan3A_77 = %scan3A_3 to %scan3A_5 step %scan3A_6 iter_args(%scan3A_78 = %scan3A) -> (i32)  : i32 {
      %broadcast_in_dim3A = arith.constant 1.000000e+00 : f32
      %broadcast_in_dim3A_79 = vector.broadcast %broadcast_in_dim3A : f32 to vector<16xf32>
      %swap3A = arith.index_cast %scan3A_77 : i32 to index
      %swap3A_80 = arith.constant 0 : index
      %swap3A_81 = tpu.vector_load %arg5[%swap3A, %swap3A_80] {strides = array<i32>} : memref<128x16xf32, #tpu.memory_space<vmem>>, vector<1x16xf32>,
      %swap3A_82 = vector.shape_cast %swap3A_81 : vector<1x16xf32> to vector<16xf32>
      %swap3A_83 = vector.shape_cast %broadcast_in_dim3A_79 : vector<16xf32> to vector<1x16xf32>
      tpu.vector_store %arg5[%swap3A, %swap3A_80], %swap3A_83 {strides = array<i32>} : memref<128x16xf32, #tpu.memory_space<vmem>>, vector<1x16xf32>,
      %broadcast_in_dim3A_84 = arith.constant 0.000000e+00 : f32
      %broadcast_in_dim3A_85 = vector.broadcast %broadcast_in_dim3A_84 : f32 to vector<16xf32>
      %swap3A_86 = arith.index_cast %scan3A_77 : i32 to index
      %swap3A_87 = arith.constant 0 : index
      %swap3A_88 = tpu.vector_load %arg6[%swap3A_86, %swap3A_87] {strides = array<i32>} : memref<128x16xf32, #tpu.memory_space<vmem>>, vector<1x16xf32>,
      %swap3A_89 = vector.shape_cast %swap3A_88 : vector<1x16xf32> to vector<16xf32>
      %swap3A_90 = vector.shape_cast %broadcast_in_dim3A_85 : vector<16xf32> to vector<1x16xf32>
      tpu.vector_store %arg6[%swap3A_86, %swap3A_87], %swap3A_90 {strides = array<i32>} : memref<128x16xf32, #tpu.memory_space<vmem>>, vector<1x16xf32>,
      %scan3A_91 = arith.constant 0 : i32
      scf.yield %scan3A_91 : i32
    }
    %scan3A_8 = arith.constant 128 : i32
    %mul3A_9 = arith.constant 640 : i32
    %mul3A_10 = arith.muli %arg1, %mul3A_9 : i32
    %add3A_11 = arith.constant 0 : i32
    %add3A_12 = arith.addi %mul3A_10, %add3A_11 : i32
    "tpu.region"() ({
      %run_scoped3A = tpu.sem_alloc : memref<!tpu.dma_semaphore, #tpu.memory_space<semaphore_mem>>
      %dma_start3A = arith.constant 0 : i32
      %dma_start3A_77 = tpu.memref_slice %arg4[%add3A_12, %dma_start3A] : memref<10240x16xf32, #tpu.memory_space<vmem_shared>> -> memref<128x16xf32, #tpu.memory_space<vmem_shared>>
      %dma_start3A_78 = arith.constant 0 : i32
      %dma_start3A_79 = tpu.memref_slice %arg4[%add3A_12, %dma_start3A_78] : memref<10240x16xf32, #tpu.memory_space<vmem_shared>> -> memref<128x16xf32, #tpu.memory_space<vmem_shared>>
      tpu.enqueue_dma source(%arg6 : memref<128x16xf32, #tpu.memory_space<vmem>>) target(%dma_start3A_79 : memref<128x16xf32, #tpu.memory_space<vmem_shared>>) target_semaphore(%run_scoped3A : memref<!tpu.dma_semaphore, #tpu.memory_space<semaphore_mem>>)
      %dma_wait3A = arith.constant 0 : i32
      %dma_wait3A_80 = tpu.memref_slice %arg4[%add3A_12, %dma_wait3A] : memref<10240x16xf32, #tpu.memory_space<vmem_shared>> -> memref<128x16xf32, #tpu.memory_space<vmem_shared>>
      %dma_wait3A_81 = arith.constant 0 : i32
      %dma_wait3A_82 = tpu.memref_slice %arg4[%add3A_12, %dma_wait3A_81] : memref<10240x16xf32, #tpu.memory_space<vmem_shared>> -> memref<128x16xf32, #tpu.memory_space<vmem_shared>>
      tpu.wait_dma2 semaphore(%run_scoped3A : memref<!tpu.dma_semaphore, #tpu.memory_space<semaphore_mem>>) src(%arg6 : memref<128x16xf32, #tpu.memory_space<vmem>>) dst(%dma_wait3A_82 : memref<128x16xf32, #tpu.memory_space<vmem_shared>>)
      tpu.yield
    }) : () -> ()
    %mul3A_13 = arith.constant 640 : i32
    %mul3A_14 = arith.muli %arg1, %mul3A_13 : i32
    %add3A_15 = arith.constant 128 : i32
    %add3A_16 = arith.addi %mul3A_14, %add3A_15 : i32
    "tpu.region"() ({
      %run_scoped3A = tpu.sem_alloc : memref<!tpu.dma_semaphore, #tpu.memory_space<semaphore_mem>>
      %dma_start3A = arith.constant 0 : i32
      %dma_start3A_77 = tpu.memref_slice %arg4[%add3A_16, %dma_start3A] : memref<10240x16xf32, #tpu.memory_space<vmem_shared>> -> memref<128x16xf32, #tpu.memory_space<vmem_shared>>
      %dma_start3A_78 = arith.constant 0 : i32
      %dma_start3A_79 = tpu.memref_slice %arg4[%add3A_16, %dma_start3A_78] : memref<10240x16xf32, #tpu.memory_space<vmem_shared>> -> memref<128x16xf32, #tpu.memory_space<vmem_shared>>
      tpu.enqueue_dma source(%arg6 : memref<128x16xf32, #tpu.memory_space<vmem>>) target(%dma_start3A_79 : memref<128x16xf32, #tpu.memory_space<vmem_shared>>) target_semaphore(%run_scoped3A : memref<!tpu.dma_semaphore, #tpu.memory_space<semaphore_mem>>)
      %dma_wait3A = arith.constant 0 : i32
      %dma_wait3A_80 = tpu.memref_slice %arg4[%add3A_16, %dma_wait3A] : memref<10240x16xf32, #tpu.memory_space<vmem_shared>> -> memref<128x16xf32, #tpu.memory_space<vmem_shared>>
      %dma_wait3A_81 = arith.constant 0 : i32
      %dma_wait3A_82 = tpu.memref_slice %arg4[%add3A_16, %dma_wait3A_81] : memref<10240x16xf32, #tpu.memory_space<vmem_shared>> -> memref<128x16xf32, #tpu.memory_space<vmem_shared>>
      tpu.wait_dma2 semaphore(%run_scoped3A : memref<!tpu.dma_semaphore, #tpu.memory_space<semaphore_mem>>) src(%arg6 : memref<128x16xf32, #tpu.memory_space<vmem>>) dst(%dma_wait3A_82 : memref<128x16xf32, #tpu.memory_space<vmem_shared>>)
      tpu.yield
    }) : () -> ()
    %mul3A_17 = arith.constant 640 : i32
    %mul3A_18 = arith.muli %arg1, %mul3A_17 : i32
    %add3A_19 = arith.constant 256 : i32
    %add3A_20 = arith.addi %mul3A_18, %add3A_19 : i32
    "tpu.region"() ({
      %run_scoped3A = tpu.sem_alloc : memref<!tpu.dma_semaphore, #tpu.memory_space<semaphore_mem>>
      %dma_start3A = arith.constant 0 : i32
      %dma_start3A_77 = tpu.memref_slice %arg4[%add3A_20, %dma_start3A] : memref<10240x16xf32, #tpu.memory_space<vmem_shared>> -> memref<128x16xf32, #tpu.memory_space<vmem_shared>>
      %dma_start3A_78 = arith.constant 0 : i32
      %dma_start3A_79 = tpu.memref_slice %arg4[%add3A_20, %dma_start3A_78] : memref<10240x16xf32, #tpu.memory_space<vmem_shared>> -> memref<128x16xf32, #tpu.memory_space<vmem_shared>>
      tpu.enqueue_dma source(%arg6 : memref<128x16xf32, #tpu.memory_space<vmem>>) target(%dma_start3A_79 : memref<128x16xf32, #tpu.memory_space<vmem_shared>>) target_semaphore(%run_scoped3A : memref<!tpu.dma_semaphore, #tpu.memory_space<semaphore_mem>>)
      %dma_wait3A = arith.constant 0 : i32
      %dma_wait3A_80 = tpu.memref_slice %arg4[%add3A_20, %dma_wait3A] : memref<10240x16xf32, #tpu.memory_space<vmem_shared>> -> memref<128x16xf32, #tpu.memory_space<vmem_shared>>
      %dma_wait3A_81 = arith.constant 0 : i32
      %dma_wait3A_82 = tpu.memref_slice %arg4[%add3A_20, %dma_wait3A_81] : memref<10240x16xf32, #tpu.memory_space<vmem_shared>> -> memref<128x16xf32, #tpu.memory_space<vmem_shared>>
      tpu.wait_dma2 semaphore(%run_scoped3A : memref<!tpu.dma_semaphore, #tpu.memory_space<semaphore_mem>>) src(%arg6 : memref<128x16xf32, #tpu.memory_space<vmem>>) dst(%dma_wait3A_82 : memref<128x16xf32, #tpu.memory_space<vmem_shared>>)
      tpu.yield
    }) : () -> ()
    %mul3A_21 = arith.constant 640 : i32
    %mul3A_22 = arith.muli %arg1, %mul3A_21 : i32
    %add3A_23 = arith.constant 384 : i32
    %add3A_24 = arith.addi %mul3A_22, %add3A_23 : i32
    "tpu.region"() ({
      %run_scoped3A = tpu.sem_alloc : memref<!tpu.dma_semaphore, #tpu.memory_space<semaphore_mem>>
      %dma_start3A = arith.constant 0 : i32
      %dma_start3A_77 = tpu.memref_slice %arg4[%add3A_24, %dma_start3A] : memref<10240x16xf32, #tpu.memory_space<vmem_shared>> -> memref<128x16xf32, #tpu.memory_space<vmem_shared>>
      %dma_start3A_78 = arith.constant 0 : i32
      %dma_start3A_79 = tpu.memref_slice %arg4[%add3A_24, %dma_start3A_78] : memref<10240x16xf32, #tpu.memory_space<vmem_shared>> -> memref<128x16xf32, #tpu.memory_space<vmem_shared>>
      tpu.enqueue_dma source(%arg6 : memref<128x16xf32, #tpu.memory_space<vmem>>) target(%dma_start3A_79 : memref<128x16xf32, #tpu.memory_space<vmem_shared>>) target_semaphore(%run_scoped3A : memref<!tpu.dma_semaphore, #tpu.memory_space<semaphore_mem>>)
      %dma_wait3A = arith.constant 0 : i32
      %dma_wait3A_80 = tpu.memref_slice %arg4[%add3A_24, %dma_wait3A] : memref<10240x16xf32, #tpu.memory_space<vmem_shared>> -> memref<128x16xf32, #tpu.memory_space<vmem_shared>>
      %dma_wait3A_81 = arith.constant 0 : i32
      %dma_wait3A_82 = tpu.memref_slice %arg4[%add3A_24, %dma_wait3A_81] : memref<10240x16xf32, #tpu.memory_space<vmem_shared>> -> memref<128x16xf32, #tpu.memory_space<vmem_shared>>
      tpu.wait_dma2 semaphore(%run_scoped3A : memref<!tpu.dma_semaphore, #tpu.memory_space<semaphore_mem>>) src(%arg6 : memref<128x16xf32, #tpu.memory_space<vmem>>) dst(%dma_wait3A_82 : memref<128x16xf32, #tpu.memory_space<vmem_shared>>)
      tpu.yield
    }) : () -> ()
    %mul3A_25 = arith.constant 640 : i32
    %mul3A_26 = arith.muli %arg1, %mul3A_25 : i32
    %add3A_27 = arith.constant 512 : i32
    %add3A_28 = arith.addi %mul3A_26, %add3A_27 : i32
    "tpu.region"() ({
      %run_scoped3A = tpu.sem_alloc : memref<!tpu.dma_semaphore, #tpu.memory_space<semaphore_mem>>
      %dma_start3A = arith.constant 0 : i32
      %dma_start3A_77 = tpu.memref_slice %arg4[%add3A_28, %dma_start3A] : memref<10240x16xf32, #tpu.memory_space<vmem_shared>> -> memref<128x16xf32, #tpu.memory_space<vmem_shared>>
      %dma_start3A_78 = arith.constant 0 : i32
      %dma_start3A_79 = tpu.memref_slice %arg4[%add3A_28, %dma_start3A_78] : memref<10240x16xf32, #tpu.memory_space<vmem_shared>> -> memref<128x16xf32, #tpu.memory_space<vmem_shared>>
      tpu.enqueue_dma source(%arg6 : memref<128x16xf32, #tpu.memory_space<vmem>>) target(%dma_start3A_79 : memref<128x16xf32, #tpu.memory_space<vmem_shared>>) target_semaphore(%run_scoped3A : memref<!tpu.dma_semaphore, #tpu.memory_space<semaphore_mem>>)
      %dma_wait3A = arith.constant 0 : i32
      %dma_wait3A_80 = tpu.memref_slice %arg4[%add3A_28, %dma_wait3A] : memref<10240x16xf32, #tpu.memory_space<vmem_shared>> -> memref<128x16xf32, #tpu.memory_space<vmem_shared>>
      %dma_wait3A_81 = arith.constant 0 : i32
      %dma_wait3A_82 = tpu.memref_slice %arg4[%add3A_28, %dma_wait3A_81] : memref<10240x16xf32, #tpu.memory_space<vmem_shared>> -> memref<128x16xf32, #tpu.memory_space<vmem_shared>>
      tpu.wait_dma2 semaphore(%run_scoped3A : memref<!tpu.dma_semaphore, #tpu.memory_space<semaphore_mem>>) src(%arg6 : memref<128x16xf32, #tpu.memory_space<vmem>>) dst(%dma_wait3A_82 : memref<128x16xf32, #tpu.memory_space<vmem_shared>>)
      tpu.yield
    }) : () -> ()
    %barrier3A = arith.constant 0 : index
    tpu.barrier barrier_id(%barrier3A)
    %scan3A_29 = arith.constant 0 : i32
    %scan3A_30 = arith.constant 0 : i32
    %scan3A_31 = arith.constant 40 : i32
    %scan3A_32 = arith.addi %scan3A_30, %scan3A_31 : i32
    %scan3A_33 = arith.constant 1 : i32
    %scan3A_34 = scf.for %scan3A_77 = %scan3A_30 to %scan3A_32 step %scan3A_33 iter_args(%scan3A_78 = %scan3A_29) -> (i32)  : i32 {
      %mul3A_79 = arith.constant 2 : i32
      %mul3A_80 = arith.muli %mul3A_79, %scan3A_77 : i32
      %add3A_81 = arith.constant 1 : i32
      %add3A_82 = arith.addi %mul3A_80, %add3A_81 : i32
      %add3A_83 = arith.addi %mul3A_2, %mul3A_80 : i32
      %mul3A_84 = arith.constant 128 : i32
      %mul3A_85 = arith.muli %add3A_83, %mul3A_84 : i32
      %dma_start3A = tpu.memref_slice %arg2[%mul3A_85] : memref<327680xi32, #tpu.memory_space<hbm>> -> memref<128xi32, #tpu.memory_space<hbm>>
      %dma_start3A_86 = tpu.memref_slice %arg2[%mul3A_85] : memref<327680xi32, #tpu.memory_space<hbm>> -> memref<128xi32, #tpu.memory_space<hbm>>
      tpu.enqueue_dma source(%dma_start3A_86 : memref<128xi32, #tpu.memory_space<hbm>>) target(%arg7 : memref<128xi32, #tpu.memory_space<vmem>>) target_semaphore(%arg11 : memref<!tpu.dma_semaphore, #tpu.memory_space<semaphore_mem>>)
      %add3A_87 = arith.addi %mul3A_2, %add3A_82 : i32
      %mul3A_88 = arith.constant 128 : i32
      %mul3A_89 = arith.muli %add3A_87, %mul3A_88 : i32
      %dma_start3A_90 = tpu.memref_slice %arg2[%mul3A_89] : memref<327680xi32, #tpu.memory_space<hbm>> -> memref<128xi32, #tpu.memory_space<hbm>>
      %dma_start3A_91 = tpu.memref_slice %arg2[%mul3A_89] : memref<327680xi32, #tpu.memory_space<hbm>> -> memref<128xi32, #tpu.memory_space<hbm>>
      tpu.enqueue_dma source(%dma_start3A_91 : memref<128xi32, #tpu.memory_space<hbm>>) target(%arg8 : memref<128xi32, #tpu.memory_space<vmem>>) target_semaphore(%arg12 : memref<!tpu.dma_semaphore, #tpu.memory_space<semaphore_mem>>)
      %add3A_92 = arith.addi %mul3A_2, %mul3A_80 : i32
      %mul3A_93 = arith.constant 128 : i32
      %mul3A_94 = arith.muli %add3A_92, %mul3A_93 : i32
      %dma_wait3A = tpu.memref_slice %arg2[%mul3A_94] : memref<327680xi32, #tpu.memory_space<hbm>> -> memref<128xi32, #tpu.memory_space<hbm>>
      %dma_wait3A_95 = tpu.memref_slice %arg2[%mul3A_94] : memref<327680xi32, #tpu.memory_space<hbm>> -> memref<128xi32, #tpu.memory_space<hbm>>
      tpu.wait_dma2 semaphore(%arg11 : memref<!tpu.dma_semaphore, #tpu.memory_space<semaphore_mem>>) src(%dma_wait3A_95 : memref<128xi32, #tpu.memory_space<hbm>>) dst(%arg7 : memref<128xi32, #tpu.memory_space<vmem>>)
      "tpu.region"() ({
        %run_scoped3A = tpu.sem_alloc : memref<!tpu.dma_semaphore, #tpu.memory_space<semaphore_mem>>
        %dma_start3A_102 = arith.constant 0 : i32
        %dma_start3A_103 = arith.constant 0 : i32
        %dma_start3A_104 = tpu.memref_slice %arg4[%dma_start3A_102, %dma_start3A_103] : memref<10240x16xf32, #tpu.memory_space<vmem_shared>> -> memref<10240x16xf32, #tpu.memory_space<vmem_shared>>
        tpu.enqueue_indirect_dma source(%arg5 : memref<128x16xf32, #tpu.memory_space<vmem>>) target(%dma_start3A_104 : memref<10240x16xf32, #tpu.memory_space<vmem_shared>>) offsets(%arg7 : memref<128xi32, #tpu.memory_space<vmem>>) semaphore(%run_scoped3A : memref<!tpu.dma_semaphore, #tpu.memory_space<semaphore_mem>>) {add = true}
        %dma_wait3A_105 = arith.constant 0 : i32
        %dma_wait3A_106 = arith.constant 0 : i32
        %dma_wait3A_107 = tpu.memref_slice %arg4[%dma_wait3A_105, %dma_wait3A_106] : memref<10240x16xf32, #tpu.memory_space<vmem_shared>> -> memref<10240x16xf32, #tpu.memory_space<vmem_shared>>
        tpu.wait_indirect_dma semaphore(%run_scoped3A : memref<!tpu.dma_semaphore, #tpu.memory_space<semaphore_mem>>) src(%arg5 : memref<128x16xf32, #tpu.memory_space<vmem>>) dst(%dma_wait3A_107 : memref<10240x16xf32, #tpu.memory_space<vmem_shared>>)
        tpu.yield
      }) : () -> ()
      %add3A_96 = arith.addi %mul3A_2, %add3A_82 : i32
      %mul3A_97 = arith.constant 128 : i32
      %mul3A_98 = arith.muli %add3A_96, %mul3A_97 : i32
      %dma_wait3A_99 = tpu.memref_slice %arg2[%mul3A_98] : memref<327680xi32, #tpu.memory_space<hbm>> -> memref<128xi32, #tpu.memory_space<hbm>>
      %dma_wait3A_100 = tpu.memref_slice %arg2[%mul3A_98] : memref<327680xi32, #tpu.memory_space<hbm>> -> memref<128xi32, #tpu.memory_space<hbm>>
      tpu.wait_dma2 semaphore(%arg12 : memref<!tpu.dma_semaphore, #tpu.memory_space<semaphore_mem>>) src(%dma_wait3A_100 : memref<128xi32, #tpu.memory_space<hbm>>) dst(%arg8 : memref<128xi32, #tpu.memory_space<vmem>>)
      "tpu.region"() ({
        %run_scoped3A = tpu.sem_alloc : memref<!tpu.dma_semaphore, #tpu.memory_space<semaphore_mem>>
        %dma_start3A_102 = arith.constant 0 : i32
        %dma_start3A_103 = arith.constant 0 : i32
        %dma_start3A_104 = tpu.memref_slice %arg4[%dma_start3A_102, %dma_start3A_103] : memref<10240x16xf32, #tpu.memory_space<vmem_shared>> -> memref<10240x16xf32, #tpu.memory_space<vmem_shared>>
        tpu.enqueue_indirect_dma source(%arg5 : memref<128x16xf32, #tpu.memory_space<vmem>>) target(%dma_start3A_104 : memref<10240x16xf32, #tpu.memory_space<vmem_shared>>) offsets(%arg8 : memref<128xi32, #tpu.memory_space<vmem>>) semaphore(%run_scoped3A : memref<!tpu.dma_semaphore, #tpu.memory_space<semaphore_mem>>) {add = true}
        %dma_wait3A_105 = arith.constant 0 : i32
        %dma_wait3A_106 = arith.constant 0 : i32
        %dma_wait3A_107 = tpu.memref_slice %arg4[%dma_wait3A_105, %dma_wait3A_106] : memref<10240x16xf32, #tpu.memory_space<vmem_shared>> -> memref<10240x16xf32, #tpu.memory_space<vmem_shared>>
        tpu.wait_indirect_dma semaphore(%run_scoped3A : memref<!tpu.dma_semaphore, #tpu.memory_space<semaphore_mem>>) src(%arg5 : memref<128x16xf32, #tpu.memory_space<vmem>>) dst(%dma_wait3A_107 : memref<10240x16xf32, #tpu.memory_space<vmem_shared>>)
        tpu.yield
      }) : () -> ()
      %scan3A_101 = arith.constant 0 : i32
      scf.yield %scan3A_101 : i32
    }
    %scan3A_35 = arith.constant 40 : i32
    %barrier3A_36 = arith.constant 0 : index
    tpu.barrier barrier_id(%barrier3A_36)
    %mul3A_37 = arith.constant 640 : i32
    %mul3A_38 = arith.muli %arg1, %mul3A_37 : i32
    %add3A_39 = arith.constant 0 : i32
    %add3A_40 = arith.addi %mul3A_38, %add3A_39 : i32
    "tpu.region"() ({
      %run_scoped3A = tpu.sem_alloc : memref<!tpu.dma_semaphore, #tpu.memory_space<semaphore_mem>>
      %dma_start3A = arith.constant 0 : i32
      %dma_start3A_77 = tpu.memref_slice %arg4[%add3A_40, %dma_start3A] : memref<10240x16xf32, #tpu.memory_space<vmem_shared>> -> memref<128x16xf32, #tpu.memory_space<vmem_shared>>
      %dma_start3A_78 = arith.constant 0 : i32
      %dma_start3A_79 = tpu.memref_slice %arg4[%add3A_40, %dma_start3A_78] : memref<10240x16xf32, #tpu.memory_space<vmem_shared>> -> memref<128x16xf32, #tpu.memory_space<vmem_shared>>
      tpu.enqueue_dma source(%dma_start3A_79 : memref<128x16xf32, #tpu.memory_space<vmem_shared>>) target(%arg6 : memref<128x16xf32, #tpu.memory_space<vmem>>) target_semaphore(%run_scoped3A : memref<!tpu.dma_semaphore, #tpu.memory_space<semaphore_mem>>)
      %dma_wait3A = arith.constant 0 : i32
      %dma_wait3A_80 = tpu.memref_slice %arg4[%add3A_40, %dma_wait3A] : memref<10240x16xf32, #tpu.memory_space<vmem_shared>> -> memref<128x16xf32, #tpu.memory_space<vmem_shared>>
      %dma_wait3A_81 = arith.constant 0 : i32
      %dma_wait3A_82 = tpu.memref_slice %arg4[%add3A_40, %dma_wait3A_81] : memref<10240x16xf32, #tpu.memory_space<vmem_shared>> -> memref<128x16xf32, #tpu.memory_space<vmem_shared>>
      tpu.wait_dma2 semaphore(%run_scoped3A : memref<!tpu.dma_semaphore, #tpu.memory_space<semaphore_mem>>) src(%dma_wait3A_82 : memref<128x16xf32, #tpu.memory_space<vmem_shared>>) dst(%arg6 : memref<128x16xf32, #tpu.memory_space<vmem>>)
      tpu.yield
    }) : () -> ()
    %mul3A_41 = arith.constant 640 : i32
    %mul3A_42 = arith.muli %arg1, %mul3A_41 : i32
    %add3A_43 = arith.constant 0 : i32
    %add3A_44 = arith.addi %mul3A_42, %add3A_43 : i32
    "tpu.region"() ({
      %run_scoped3A = tpu.sem_alloc : memref<!tpu.dma_semaphore, #tpu.memory_space<semaphore_mem>>
      %dma_start3A = arith.constant 0 : i32
      %dma_start3A_77 = tpu.memref_slice %arg3[%arg0, %add3A_44, %dma_start3A] : memref<2x10240x16xf32, #tpu.memory_space<hbm>> -> memref<1x128x16xf32, #tpu.memory_space<hbm>>
      %dma_start3A_78 = tpu.memref_squeeze %dma_start3A_77 : memref<1x128x16xf32, #tpu.memory_space<hbm>> -> memref<128x16xf32, #tpu.memory_space<hbm>>
      %dma_start3A_79 = arith.constant 0 : i32
      %dma_start3A_80 = tpu.memref_slice %arg3[%arg0, %add3A_44, %dma_start3A_79] : memref<2x10240x16xf32, #tpu.memory_space<hbm>> -> memref<1x128x16xf32, #tpu.memory_space<hbm>>
      %dma_start3A_81 = tpu.memref_squeeze %dma_start3A_80 : memref<1x128x16xf32, #tpu.memory_space<hbm>> -> memref<128x16xf32, #tpu.memory_space<hbm>>
      tpu.enqueue_dma source(%arg6 : memref<128x16xf32, #tpu.memory_space<vmem>>) target(%dma_start3A_81 : memref<128x16xf32, #tpu.memory_space<hbm>>) target_semaphore(%run_scoped3A : memref<!tpu.dma_semaphore, #tpu.memory_space<semaphore_mem>>)
      %dma_wait3A = arith.constant 0 : i32
      %dma_wait3A_82 = tpu.memref_slice %arg3[%arg0, %add3A_44, %dma_wait3A] : memref<2x10240x16xf32, #tpu.memory_space<hbm>> -> memref<1x128x16xf32, #tpu.memory_space<hbm>>
      %dma_wait3A_83 = tpu.memref_squeeze %dma_wait3A_82 : memref<1x128x16xf32, #tpu.memory_space<hbm>> -> memref<128x16xf32, #tpu.memory_space<hbm>>
      %dma_wait3A_84 = arith.constant 0 : i32
      %dma_wait3A_85 = tpu.memref_slice %arg3[%arg0, %add3A_44, %dma_wait3A_84] : memref<2x10240x16xf32, #tpu.memory_space<hbm>> -> memref<1x128x16xf32, #tpu.memory_space<hbm>>
      %dma_wait3A_86 = tpu.memref_squeeze %dma_wait3A_85 : memref<1x128x16xf32, #tpu.memory_space<hbm>> -> memref<128x16xf32, #tpu.memory_space<hbm>>
      tpu.wait_dma2 semaphore(%run_scoped3A : memref<!tpu.dma_semaphore, #tpu.memory_space<semaphore_mem>>) src(%arg6 : memref<128x16xf32, #tpu.memory_space<vmem>>) dst(%dma_wait3A_86 : memref<128x16xf32, #tpu.memory_space<hbm>>)
      tpu.yield
    }) : () -> ()
    %mul3A_45 = arith.constant 640 : i32
    %mul3A_46 = arith.muli %arg1, %mul3A_45 : i32
    %add3A_47 = arith.constant 128 : i32
    %add3A_48 = arith.addi %mul3A_46, %add3A_47 : i32
    "tpu.region"() ({
      %run_scoped3A = tpu.sem_alloc : memref<!tpu.dma_semaphore, #tpu.memory_space<semaphore_mem>>
      %dma_start3A = arith.constant 0 : i32
      %dma_start3A_77 = tpu.memref_slice %arg4[%add3A_48, %dma_start3A] : memref<10240x16xf32, #tpu.memory_space<vmem_shared>> -> memref<128x16xf32, #tpu.memory_space<vmem_shared>>
      %dma_start3A_78 = arith.constant 0 : i32
      %dma_start3A_79 = tpu.memref_slice %arg4[%add3A_48, %dma_start3A_78] : memref<10240x16xf32, #tpu.memory_space<vmem_shared>> -> memref<128x16xf32, #tpu.memory_space<vmem_shared>>
      tpu.enqueue_dma source(%dma_start3A_79 : memref<128x16xf32, #tpu.memory_space<vmem_shared>>) target(%arg6 : memref<128x16xf32, #tpu.memory_space<vmem>>) target_semaphore(%run_scoped3A : memref<!tpu.dma_semaphore, #tpu.memory_space<semaphore_mem>>)
      %dma_wait3A = arith.constant 0 : i32
      %dma_wait3A_80 = tpu.memref_slice %arg4[%add3A_48, %dma_wait3A] : memref<10240x16xf32, #tpu.memory_space<vmem_shared>> -> memref<128x16xf32, #tpu.memory_space<vmem_shared>>
      %dma_wait3A_81 = arith.constant 0 : i32
      %dma_wait3A_82 = tpu.memref_slice %arg4[%add3A_48, %dma_wait3A_81] : memref<10240x16xf32, #tpu.memory_space<vmem_shared>> -> memref<128x16xf32, #tpu.memory_space<vmem_shared>>
      tpu.wait_dma2 semaphore(%run_scoped3A : memref<!tpu.dma_semaphore, #tpu.memory_space<semaphore_mem>>) src(%dma_wait3A_82 : memref<128x16xf32, #tpu.memory_space<vmem_shared>>) dst(%arg6 : memref<128x16xf32, #tpu.memory_space<vmem>>)
      tpu.yield
    }) : () -> ()
    %mul3A_49 = arith.constant 640 : i32
    %mul3A_50 = arith.muli %arg1, %mul3A_49 : i32
    %add3A_51 = arith.constant 128 : i32
    %add3A_52 = arith.addi %mul3A_50, %add3A_51 : i32
    "tpu.region"() ({
      %run_scoped3A = tpu.sem_alloc : memref<!tpu.dma_semaphore, #tpu.memory_space<semaphore_mem>>
      %dma_start3A = arith.constant 0 : i32
      %dma_start3A_77 = tpu.memref_slice %arg3[%arg0, %add3A_52, %dma_start3A] : memref<2x10240x16xf32, #tpu.memory_space<hbm>> -> memref<1x128x16xf32, #tpu.memory_space<hbm>>
      %dma_start3A_78 = tpu.memref_squeeze %dma_start3A_77 : memref<1x128x16xf32, #tpu.memory_space<hbm>> -> memref<128x16xf32, #tpu.memory_space<hbm>>
      %dma_start3A_79 = arith.constant 0 : i32
      %dma_start3A_80 = tpu.memref_slice %arg3[%arg0, %add3A_52, %dma_start3A_79] : memref<2x10240x16xf32, #tpu.memory_space<hbm>> -> memref<1x128x16xf32, #tpu.memory_space<hbm>>
      %dma_start3A_81 = tpu.memref_squeeze %dma_start3A_80 : memref<1x128x16xf32, #tpu.memory_space<hbm>> -> memref<128x16xf32, #tpu.memory_space<hbm>>
      tpu.enqueue_dma source(%arg6 : memref<128x16xf32, #tpu.memory_space<vmem>>) target(%dma_start3A_81 : memref<128x16xf32, #tpu.memory_space<hbm>>) target_semaphore(%run_scoped3A : memref<!tpu.dma_semaphore, #tpu.memory_space<semaphore_mem>>)
      %dma_wait3A = arith.constant 0 : i32
      %dma_wait3A_82 = tpu.memref_slice %arg3[%arg0, %add3A_52, %dma_wait3A] : memref<2x10240x16xf32, #tpu.memory_space<hbm>> -> memref<1x128x16xf32, #tpu.memory_space<hbm>>
      %dma_wait3A_83 = tpu.memref_squeeze %dma_wait3A_82 : memref<1x128x16xf32, #tpu.memory_space<hbm>> -> memref<128x16xf32, #tpu.memory_space<hbm>>
      %dma_wait3A_84 = arith.constant 0 : i32
      %dma_wait3A_85 = tpu.memref_slice %arg3[%arg0, %add3A_52, %dma_wait3A_84] : memref<2x10240x16xf32, #tpu.memory_space<hbm>> -> memref<1x128x16xf32, #tpu.memory_space<hbm>>
      %dma_wait3A_86 = tpu.memref_squeeze %dma_wait3A_85 : memref<1x128x16xf32, #tpu.memory_space<hbm>> -> memref<128x16xf32, #tpu.memory_space<hbm>>
      tpu.wait_dma2 semaphore(%run_scoped3A : memref<!tpu.dma_semaphore, #tpu.memory_space<semaphore_mem>>) src(%arg6 : memref<128x16xf32, #tpu.memory_space<vmem>>) dst(%dma_wait3A_86 : memref<128x16xf32, #tpu.memory_space<hbm>>)
      tpu.yield
    }) : () -> ()
    %mul3A_53 = arith.constant 640 : i32
    %mul3A_54 = arith.muli %arg1, %mul3A_53 : i32
    %add3A_55 = arith.constant 256 : i32
    %add3A_56 = arith.addi %mul3A_54, %add3A_55 : i32
    "tpu.region"() ({
      %run_scoped3A = tpu.sem_alloc : memref<!tpu.dma_semaphore, #tpu.memory_space<semaphore_mem>>
      %dma_start3A = arith.constant 0 : i32
      %dma_start3A_77 = tpu.memref_slice %arg4[%add3A_56, %dma_start3A] : memref<10240x16xf32, #tpu.memory_space<vmem_shared>> -> memref<128x16xf32, #tpu.memory_space<vmem_shared>>
      %dma_start3A_78 = arith.constant 0 : i32
      %dma_start3A_79 = tpu.memref_slice %arg4[%add3A_56, %dma_start3A_78] : memref<10240x16xf32, #tpu.memory_space<vmem_shared>> -> memref<128x16xf32, #tpu.memory_space<vmem_shared>>
      tpu.enqueue_dma source(%dma_start3A_79 : memref<128x16xf32, #tpu.memory_space<vmem_shared>>) target(%arg6 : memref<128x16xf32, #tpu.memory_space<vmem>>) target_semaphore(%run_scoped3A : memref<!tpu.dma_semaphore, #tpu.memory_space<semaphore_mem>>)
      %dma_wait3A = arith.constant 0 : i32
      %dma_wait3A_80 = tpu.memref_slice %arg4[%add3A_56, %dma_wait3A] : memref<10240x16xf32, #tpu.memory_space<vmem_shared>> -> memref<128x16xf32, #tpu.memory_space<vmem_shared>>
      %dma_wait3A_81 = arith.constant 0 : i32
      %dma_wait3A_82 = tpu.memref_slice %arg4[%add3A_56, %dma_wait3A_81] : memref<10240x16xf32, #tpu.memory_space<vmem_shared>> -> memref<128x16xf32, #tpu.memory_space<vmem_shared>>
      tpu.wait_dma2 semaphore(%run_scoped3A : memref<!tpu.dma_semaphore, #tpu.memory_space<semaphore_mem>>) src(%dma_wait3A_82 : memref<128x16xf32, #tpu.memory_space<vmem_shared>>) dst(%arg6 : memref<128x16xf32, #tpu.memory_space<vmem>>)
      tpu.yield
    }) : () -> ()
    %mul3A_57 = arith.constant 640 : i32
    %mul3A_58 = arith.muli %arg1, %mul3A_57 : i32
    %add3A_59 = arith.constant 256 : i32
    %add3A_60 = arith.addi %mul3A_58, %add3A_59 : i32
    "tpu.region"() ({
      %run_scoped3A = tpu.sem_alloc : memref<!tpu.dma_semaphore, #tpu.memory_space<semaphore_mem>>
      %dma_start3A = arith.constant 0 : i32
      %dma_start3A_77 = tpu.memref_slice %arg3[%arg0, %add3A_60, %dma_start3A] : memref<2x10240x16xf32, #tpu.memory_space<hbm>> -> memref<1x128x16xf32, #tpu.memory_space<hbm>>
      %dma_start3A_78 = tpu.memref_squeeze %dma_start3A_77 : memref<1x128x16xf32, #tpu.memory_space<hbm>> -> memref<128x16xf32, #tpu.memory_space<hbm>>
      %dma_start3A_79 = arith.constant 0 : i32
      %dma_start3A_80 = tpu.memref_slice %arg3[%arg0, %add3A_60, %dma_start3A_79] : memref<2x10240x16xf32, #tpu.memory_space<hbm>> -> memref<1x128x16xf32, #tpu.memory_space<hbm>>
      %dma_start3A_81 = tpu.memref_squeeze %dma_start3A_80 : memref<1x128x16xf32, #tpu.memory_space<hbm>> -> memref<128x16xf32, #tpu.memory_space<hbm>>
      tpu.enqueue_dma source(%arg6 : memref<128x16xf32, #tpu.memory_space<vmem>>) target(%dma_start3A_81 : memref<128x16xf32, #tpu.memory_space<hbm>>) target_semaphore(%run_scoped3A : memref<!tpu.dma_semaphore, #tpu.memory_space<semaphore_mem>>)
      %dma_wait3A = arith.constant 0 : i32
      %dma_wait3A_82 = tpu.memref_slice %arg3[%arg0, %add3A_60, %dma_wait3A] : memref<2x10240x16xf32, #tpu.memory_space<hbm>> -> memref<1x128x16xf32, #tpu.memory_space<hbm>>
      %dma_wait3A_83 = tpu.memref_squeeze %dma_wait3A_82 : memref<1x128x16xf32, #tpu.memory_space<hbm>> -> memref<128x16xf32, #tpu.memory_space<hbm>>
      %dma_wait3A_84 = arith.constant 0 : i32
      %dma_wait3A_85 = tpu.memref_slice %arg3[%arg0, %add3A_60, %dma_wait3A_84] : memref<2x10240x16xf32, #tpu.memory_space<hbm>> -> memref<1x128x16xf32, #tpu.memory_space<hbm>>
      %dma_wait3A_86 = tpu.memref_squeeze %dma_wait3A_85 : memref<1x128x16xf32, #tpu.memory_space<hbm>> -> memref<128x16xf32, #tpu.memory_space<hbm>>
      tpu.wait_dma2 semaphore(%run_scoped3A : memref<!tpu.dma_semaphore, #tpu.memory_space<semaphore_mem>>) src(%arg6 : memref<128x16xf32, #tpu.memory_space<vmem>>) dst(%dma_wait3A_86 : memref<128x16xf32, #tpu.memory_space<hbm>>)
      tpu.yield
    }) : () -> ()
    %mul3A_61 = arith.constant 640 : i32
    %mul3A_62 = arith.muli %arg1, %mul3A_61 : i32
    %add3A_63 = arith.constant 384 : i32
    %add3A_64 = arith.addi %mul3A_62, %add3A_63 : i32
    "tpu.region"() ({
      %run_scoped3A = tpu.sem_alloc : memref<!tpu.dma_semaphore, #tpu.memory_space<semaphore_mem>>
      %dma_start3A = arith.constant 0 : i32
      %dma_start3A_77 = tpu.memref_slice %arg4[%add3A_64, %dma_start3A] : memref<10240x16xf32, #tpu.memory_space<vmem_shared>> -> memref<128x16xf32, #tpu.memory_space<vmem_shared>>
      %dma_start3A_78 = arith.constant 0 : i32
      %dma_start3A_79 = tpu.memref_slice %arg4[%add3A_64, %dma_start3A_78] : memref<10240x16xf32, #tpu.memory_space<vmem_shared>> -> memref<128x16xf32, #tpu.memory_space<vmem_shared>>
      tpu.enqueue_dma source(%dma_start3A_79 : memref<128x16xf32, #tpu.memory_space<vmem_shared>>) target(%arg6 : memref<128x16xf32, #tpu.memory_space<vmem>>) target_semaphore(%run_scoped3A : memref<!tpu.dma_semaphore, #tpu.memory_space<semaphore_mem>>)
      %dma_wait3A = arith.constant 0 : i32
      %dma_wait3A_80 = tpu.memref_slice %arg4[%add3A_64, %dma_wait3A] : memref<10240x16xf32, #tpu.memory_space<vmem_shared>> -> memref<128x16xf32, #tpu.memory_space<vmem_shared>>
      %dma_wait3A_81 = arith.constant 0 : i32
      %dma_wait3A_82 = tpu.memref_slice %arg4[%add3A_64, %dma_wait3A_81] : memref<10240x16xf32, #tpu.memory_space<vmem_shared>> -> memref<128x16xf32, #tpu.memory_space<vmem_shared>>
      tpu.wait_dma2 semaphore(%run_scoped3A : memref<!tpu.dma_semaphore, #tpu.memory_space<semaphore_mem>>) src(%dma_wait3A_82 : memref<128x16xf32, #tpu.memory_space<vmem_shared>>) dst(%arg6 : memref<128x16xf32, #tpu.memory_space<vmem>>)
      tpu.yield
    }) : () -> ()
    %mul3A_65 = arith.constant 640 : i32
    %mul3A_66 = arith.muli %arg1, %mul3A_65 : i32
    %add3A_67 = arith.constant 384 : i32
    %add3A_68 = arith.addi %mul3A_66, %add3A_67 : i32
    "tpu.region"() ({
      %run_scoped3A = tpu.sem_alloc : memref<!tpu.dma_semaphore, #tpu.memory_space<semaphore_mem>>
      %dma_start3A = arith.constant 0 : i32
      %dma_start3A_77 = tpu.memref_slice %arg3[%arg0, %add3A_68, %dma_start3A] : memref<2x10240x16xf32, #tpu.memory_space<hbm>> -> memref<1x128x16xf32, #tpu.memory_space<hbm>>
      %dma_start3A_78 = tpu.memref_squeeze %dma_start3A_77 : memref<1x128x16xf32, #tpu.memory_space<hbm>> -> memref<128x16xf32, #tpu.memory_space<hbm>>
      %dma_start3A_79 = arith.constant 0 : i32
      %dma_start3A_80 = tpu.memref_slice %arg3[%arg0, %add3A_68, %dma_start3A_79] : memref<2x10240x16xf32, #tpu.memory_space<hbm>> -> memref<1x128x16xf32, #tpu.memory_space<hbm>>
      %dma_start3A_81 = tpu.memref_squeeze %dma_start3A_80 : memref<1x128x16xf32, #tpu.memory_space<hbm>> -> memref<128x16xf32, #tpu.memory_space<hbm>>
      tpu.enqueue_dma source(%arg6 : memref<128x16xf32, #tpu.memory_space<vmem>>) target(%dma_start3A_81 : memref<128x16xf32, #tpu.memory_space<hbm>>) target_semaphore(%run_scoped3A : memref<!tpu.dma_semaphore, #tpu.memory_space<semaphore_mem>>)
      %dma_wait3A = arith.constant 0 : i32
      %dma_wait3A_82 = tpu.memref_slice %arg3[%arg0, %add3A_68, %dma_wait3A] : memref<2x10240x16xf32, #tpu.memory_space<hbm>> -> memref<1x128x16xf32, #tpu.memory_space<hbm>>
      %dma_wait3A_83 = tpu.memref_squeeze %dma_wait3A_82 : memref<1x128x16xf32, #tpu.memory_space<hbm>> -> memref<128x16xf32, #tpu.memory_space<hbm>>
      %dma_wait3A_84 = arith.constant 0 : i32
      %dma_wait3A_85 = tpu.memref_slice %arg3[%arg0, %add3A_68, %dma_wait3A_84] : memref<2x10240x16xf32, #tpu.memory_space<hbm>> -> memref<1x128x16xf32, #tpu.memory_space<hbm>>
      %dma_wait3A_86 = tpu.memref_squeeze %dma_wait3A_85 : memref<1x128x16xf32, #tpu.memory_space<hbm>> -> memref<128x16xf32, #tpu.memory_space<hbm>>
      tpu.wait_dma2 semaphore(%run_scoped3A : memref<!tpu.dma_semaphore, #tpu.memory_space<semaphore_mem>>) src(%arg6 : memref<128x16xf32, #tpu.memory_space<vmem>>) dst(%dma_wait3A_86 : memref<128x16xf32, #tpu.memory_space<hbm>>)
      tpu.yield
    }) : () -> ()
    %mul3A_69 = arith.constant 640 : i32
    %mul3A_70 = arith.muli %arg1, %mul3A_69 : i32
    %add3A_71 = arith.constant 512 : i32
    %add3A_72 = arith.addi %mul3A_70, %add3A_71 : i32
    "tpu.region"() ({
      %run_scoped3A = tpu.sem_alloc : memref<!tpu.dma_semaphore, #tpu.memory_space<semaphore_mem>>
      %dma_start3A = arith.constant 0 : i32
      %dma_start3A_77 = tpu.memref_slice %arg4[%add3A_72, %dma_start3A] : memref<10240x16xf32, #tpu.memory_space<vmem_shared>> -> memref<128x16xf32, #tpu.memory_space<vmem_shared>>
      %dma_start3A_78 = arith.constant 0 : i32
      %dma_start3A_79 = tpu.memref_slice %arg4[%add3A_72, %dma_start3A_78] : memref<10240x16xf32, #tpu.memory_space<vmem_shared>> -> memref<128x16xf32, #tpu.memory_space<vmem_shared>>
      tpu.enqueue_dma source(%dma_start3A_79 : memref<128x16xf32, #tpu.memory_space<vmem_shared>>) target(%arg6 : memref<128x16xf32, #tpu.memory_space<vmem>>) target_semaphore(%run_scoped3A : memref<!tpu.dma_semaphore, #tpu.memory_space<semaphore_mem>>)
      %dma_wait3A = arith.constant 0 : i32
      %dma_wait3A_80 = tpu.memref_slice %arg4[%add3A_72, %dma_wait3A] : memref<10240x16xf32, #tpu.memory_space<vmem_shared>> -> memref<128x16xf32, #tpu.memory_space<vmem_shared>>
      %dma_wait3A_81 = arith.constant 0 : i32
      %dma_wait3A_82 = tpu.memref_slice %arg4[%add3A_72, %dma_wait3A_81] : memref<10240x16xf32, #tpu.memory_space<vmem_shared>> -> memref<128x16xf32, #tpu.memory_space<vmem_shared>>
      tpu.wait_dma2 semaphore(%run_scoped3A : memref<!tpu.dma_semaphore, #tpu.memory_space<semaphore_mem>>) src(%dma_wait3A_82 : memref<128x16xf32, #tpu.memory_space<vmem_shared>>) dst(%arg6 : memref<128x16xf32, #tpu.memory_space<vmem>>)
      tpu.yield
    }) : () -> ()
    %mul3A_73 = arith.constant 640 : i32
    %mul3A_74 = arith.muli %arg1, %mul3A_73 : i32
    %add3A_75 = arith.constant 512 : i32
    %add3A_76 = arith.addi %mul3A_74, %add3A_75 : i32
    "tpu.region"() ({
      %run_scoped3A = tpu.sem_alloc : memref<!tpu.dma_semaphore, #tpu.memory_space<semaphore_mem>>
      %dma_start3A = arith.constant 0 : i32
      %dma_start3A_77 = tpu.memref_slice %arg3[%arg0, %add3A_76, %dma_start3A] : memref<2x10240x16xf32, #tpu.memory_space<hbm>> -> memref<1x128x16xf32, #tpu.memory_space<hbm>>
      %dma_start3A_78 = tpu.memref_squeeze %dma_start3A_77 : memref<1x128x16xf32, #tpu.memory_space<hbm>> -> memref<128x16xf32, #tpu.memory_space<hbm>>
      %dma_start3A_79 = arith.constant 0 : i32
      %dma_start3A_80 = tpu.memref_slice %arg3[%arg0, %add3A_76, %dma_start3A_79] : memref<2x10240x16xf32, #tpu.memory_space<hbm>> -> memref<1x128x16xf32, #tpu.memory_space<hbm>>
      %dma_start3A_81 = tpu.memref_squeeze %dma_start3A_80 : memref<1x128x16xf32, #tpu.memory_space<hbm>> -> memref<128x16xf32, #tpu.memory_space<hbm>>
      tpu.enqueue_dma source(%arg6 : memref<128x16xf32, #tpu.memory_space<vmem>>) target(%dma_start3A_81 : memref<128x16xf32, #tpu.memory_space<hbm>>) target_semaphore(%run_scoped3A : memref<!tpu.dma_semaphore, #tpu.memory_space<semaphore_mem>>)
      %dma_wait3A = arith.constant 0 : i32
      %dma_wait3A_82 = tpu.memref_slice %arg3[%arg0, %add3A_76, %dma_wait3A] : memref<2x10240x16xf32, #tpu.memory_space<hbm>> -> memref<1x128x16xf32, #tpu.memory_space<hbm>>
      %dma_wait3A_83 = tpu.memref_squeeze %dma_wait3A_82 : memref<1x128x16xf32, #tpu.memory_space<hbm>> -> memref<128x16xf32, #tpu.memory_space<hbm>>
      %dma_wait3A_84 = arith.constant 0 : i32
      %dma_wait3A_85 = tpu.memref_slice %arg3[%arg0, %add3A_76, %dma_wait3A_84] : memref<2x10240x16xf32, #tpu.memory_space<hbm>> -> memref<1x128x16xf32, #tpu.memory_space<hbm>>
      %dma_wait3A_86 = tpu.memref_squeeze %dma_wait3A_85 : memref<1x128x16xf32, #tpu.memory_space<hbm>> -> memref<128x16xf32, #tpu.memory_space<hbm>>
      tpu.wait_dma2 semaphore(%run_scoped3A : memref<!tpu.dma_semaphore, #tpu.memory_space<semaphore_mem>>) src(%arg6 : memref<128x16xf32, #tpu.memory_space<vmem>>) dst(%dma_wait3A_86 : memref<128x16xf32, #tpu.memory_space<hbm>>)
      tpu.yield
    }) : () -> ()
    return
  }
}

#map = affine_map<(d0, d1) -> (0, 0)>
#map1 = affine_map<(d0, d1) -> (0)>
#map2 = affine_map<(d0, d1) -> (0, 0, 0)>
module attributes {stable_mosaic.version = 14 : i64} {
  func.func @seg_kernel(%arg0: i32, %arg1: i32, %arg2: memref<10000x128xf32, #tpu.memory_space<hbm>>, %arg3: memref<327680xi32, #tpu.memory_space<hbm>>, %arg4: memref<327680xi32, #tpu.memory_space<hbm>>, %arg5: memref<2x10240x128xf32, #tpu.memory_space<hbm>>, %arg6: memref<10240x128xf32, #tpu.memory_space<vmem_shared>>, %arg7: memref<128x128xf32, #tpu.memory_space<vmem>>, %arg8: memref<128x128xf32, #tpu.memory_space<vmem>>, %arg9: memref<2x1024xi32, #tpu.memory_space<vmem>>, %arg10: memref<128xi32, #tpu.memory_space<vmem>>, %arg11: memref<128xi32, #tpu.memory_space<vmem>>, %arg12: memref<!tpu.dma_semaphore, #tpu.memory_space<semaphore_mem>>, %arg13: memref<!tpu.dma_semaphore, #tpu.memory_space<semaphore_mem>>, %arg14: memref<!tpu.dma_semaphore, #tpu.memory_space<semaphore_mem>>, %arg15: memref<!tpu.dma_semaphore, #tpu.memory_space<semaphore_mem>>, %arg16: memref<!tpu.dma_semaphore, #tpu.memory_space<semaphore_mem>>, %arg17: memref<!tpu.dma_semaphore, #tpu.memory_space<semaphore_mem>>, %arg18: memref<!tpu.dma_semaphore, #tpu.memory_space<semaphore_mem>>) attributes {dimension_semantics = [#tpu.dimension_semantics<core_parallel>, #tpu.dimension_semantics<subcore_parallel>], iteration_bounds = array<i64: 2, 16>, scalar_prefetch = 0 : i64, scratch_operands = 13 : i64, tpu.core_type = #tpu.core_type<sc_vector_subcore>, window_params = [{transform_indices = #map}, {transform_indices = #map1}, {transform_indices = #map1}, {transform_indices = #map2}]} {
    %eq3A = arith.constant 0 : i32
    %eq3A_0 = arith.cmpi eq, %arg0, %eq3A : i32
    %jit3A = arith.constant 136 : i32
    %jit3A_1 = arith.constant 24 : i32
    %select_n3A = arith.select %eq3A_0, %jit3A, %jit3A_1 : i32
    %eq3A_2 = arith.constant 0 : i32
    %eq3A_3 = arith.cmpi eq, %arg0, %eq3A_2 : i32
    %mul3A = arith.constant 136 : i32
    %mul3A_4 = arith.muli %arg1, %mul3A : i32
    %mul3A_5 = arith.constant 24 : i32
    %mul3A_6 = arith.muli %arg1, %mul3A_5 : i32
    %add3A = arith.constant 2176 : i32
    %add3A_7 = arith.addi %add3A, %mul3A_6 : i32
    %select_n3A_8 = arith.select %eq3A_3, %mul3A_4, %add3A_7 : i32
    %jit3A_9 = arith.constant 8 : i32
    %div3A = arith.divsi %select_n3A, %jit3A_9 : i32
    %sign3A = arith.constant 0 : i32
    %sign3A_10 = arith.cmpi sgt, %select_n3A, %sign3A : i32
    %sign3A_11 = arith.extui %sign3A_10 : i1 to i32
    %sign3A_12 = arith.constant 0 : i32
    %sign3A_13 = arith.cmpi slt, %select_n3A, %sign3A_12 : i32
    %sign3A_14 = arith.extui %sign3A_13 : i1 to i32
    %sign3A_15 = arith.subi %sign3A_11, %sign3A_14 : i32
    %sign3A_16 = arith.constant 0 : i32
    %sign3A_17 = arith.cmpi sgt, %jit3A_9, %sign3A_16 : i32
    %sign3A_18 = arith.extui %sign3A_17 : i1 to i32
    %sign3A_19 = arith.constant 0 : i32
    %sign3A_20 = arith.cmpi slt, %jit3A_9, %sign3A_19 : i32
    %sign3A_21 = arith.extui %sign3A_20 : i1 to i32
    %sign3A_22 = arith.subi %sign3A_18, %sign3A_21 : i32
    %ne3A = arith.cmpi ne, %sign3A_15, %sign3A_22 : i32
    %rem3A = arith.remsi %select_n3A, %jit3A_9 : i32
    %ne3A_23 = arith.constant 0 : i32
    %ne3A_24 = arith.cmpi ne, %rem3A, %ne3A_23 : i32
    %and3A = arith.andi %ne3A, %ne3A_24 : i1
    %sub3A = arith.constant 1 : i32
    %sub3A_25 = arith.subi %div3A, %sub3A : i32
    %select_n3A_26 = arith.select %and3A, %sub3A_25, %div3A : i32
    %scan3A = arith.constant 0 : i32
    %scan3A_27 = arith.constant 0 : i32
    %scan3A_28 = arith.constant 128 : i32
    %scan3A_29 = arith.addi %scan3A_27, %scan3A_28 : i32
    %scan3A_30 = arith.constant 1 : i32
    %scan3A_31 = scf.for %scan3A_233 = %scan3A_27 to %scan3A_29 step %scan3A_30 iter_args(%scan3A_234 = %scan3A) -> (i32)  : i32 {
      %broadcast_in_dim3A = arith.constant 0.000000e+00 : f32
      %broadcast_in_dim3A_235 = vector.broadcast %broadcast_in_dim3A : f32 to vector<16xf32>
      %swap3A = arith.index_cast %scan3A_233 : i32 to index
      %swap3A_236 = arith.constant 0 : index
      %swap3A_237 = tpu.vector_load %arg7[%swap3A, %swap3A_236] {strides = array<i32>} : memref<128x128xf32, #tpu.memory_space<vmem>>, vector<1x16xf32>,
      %swap3A_238 = vector.shape_cast %swap3A_237 : vector<1x16xf32> to vector<16xf32>
      %swap3A_239 = vector.shape_cast %broadcast_in_dim3A_235 : vector<16xf32> to vector<1x16xf32>
      tpu.vector_store %arg7[%swap3A, %swap3A_236], %swap3A_239 {strides = array<i32>} : memref<128x128xf32, #tpu.memory_space<vmem>>, vector<1x16xf32>,
      %broadcast_in_dim3A_240 = arith.constant 0.000000e+00 : f32
      %broadcast_in_dim3A_241 = vector.broadcast %broadcast_in_dim3A_240 : f32 to vector<16xf32>
      %swap3A_242 = arith.index_cast %scan3A_233 : i32 to index
      %swap3A_243 = arith.constant 16 : index
      %swap3A_244 = tpu.vector_load %arg7[%swap3A_242, %swap3A_243] {strides = array<i32>} : memref<128x128xf32, #tpu.memory_space<vmem>>, vector<1x16xf32>,
      %swap3A_245 = vector.shape_cast %swap3A_244 : vector<1x16xf32> to vector<16xf32>
      %swap3A_246 = vector.shape_cast %broadcast_in_dim3A_241 : vector<16xf32> to vector<1x16xf32>
      tpu.vector_store %arg7[%swap3A_242, %swap3A_243], %swap3A_246 {strides = array<i32>} : memref<128x128xf32, #tpu.memory_space<vmem>>, vector<1x16xf32>,
      %broadcast_in_dim3A_247 = arith.constant 0.000000e+00 : f32
      %broadcast_in_dim3A_248 = vector.broadcast %broadcast_in_dim3A_247 : f32 to vector<16xf32>
      %swap3A_249 = arith.index_cast %scan3A_233 : i32 to index
      %swap3A_250 = arith.constant 32 : index
      %swap3A_251 = tpu.vector_load %arg7[%swap3A_249, %swap3A_250] {strides = array<i32>} : memref<128x128xf32, #tpu.memory_space<vmem>>, vector<1x16xf32>,
      %swap3A_252 = vector.shape_cast %swap3A_251 : vector<1x16xf32> to vector<16xf32>
      %swap3A_253 = vector.shape_cast %broadcast_in_dim3A_248 : vector<16xf32> to vector<1x16xf32>
      tpu.vector_store %arg7[%swap3A_249, %swap3A_250], %swap3A_253 {strides = array<i32>} : memref<128x128xf32, #tpu.memory_space<vmem>>, vector<1x16xf32>,
      %broadcast_in_dim3A_254 = arith.constant 0.000000e+00 : f32
      %broadcast_in_dim3A_255 = vector.broadcast %broadcast_in_dim3A_254 : f32 to vector<16xf32>
      %swap3A_256 = arith.index_cast %scan3A_233 : i32 to index
      %swap3A_257 = arith.constant 48 : index
      %swap3A_258 = tpu.vector_load %arg7[%swap3A_256, %swap3A_257] {strides = array<i32>} : memref<128x128xf32, #tpu.memory_space<vmem>>, vector<1x16xf32>,
      %swap3A_259 = vector.shape_cast %swap3A_258 : vector<1x16xf32> to vector<16xf32>
      %swap3A_260 = vector.shape_cast %broadcast_in_dim3A_255 : vector<16xf32> to vector<1x16xf32>
      tpu.vector_store %arg7[%swap3A_256, %swap3A_257], %swap3A_260 {strides = array<i32>} : memref<128x128xf32, #tpu.memory_space<vmem>>, vector<1x16xf32>,
      %broadcast_in_dim3A_261 = arith.constant 0.000000e+00 : f32
      %broadcast_in_dim3A_262 = vector.broadcast %broadcast_in_dim3A_261 : f32 to vector<16xf32>
      %swap3A_263 = arith.index_cast %scan3A_233 : i32 to index
      %swap3A_264 = arith.constant 64 : index
      %swap3A_265 = tpu.vector_load %arg7[%swap3A_263, %swap3A_264] {strides = array<i32>} : memref<128x128xf32, #tpu.memory_space<vmem>>, vector<1x16xf32>,
      %swap3A_266 = vector.shape_cast %swap3A_265 : vector<1x16xf32> to vector<16xf32>
      %swap3A_267 = vector.shape_cast %broadcast_in_dim3A_262 : vector<16xf32> to vector<1x16xf32>
      tpu.vector_store %arg7[%swap3A_263, %swap3A_264], %swap3A_267 {strides = array<i32>} : memref<128x128xf32, #tpu.memory_space<vmem>>, vector<1x16xf32>,
      %broadcast_in_dim3A_268 = arith.constant 0.000000e+00 : f32
      %broadcast_in_dim3A_269 = vector.broadcast %broadcast_in_dim3A_268 : f32 to vector<16xf32>
      %swap3A_270 = arith.index_cast %scan3A_233 : i32 to index
      %swap3A_271 = arith.constant 80 : index
      %swap3A_272 = tpu.vector_load %arg7[%swap3A_270, %swap3A_271] {strides = array<i32>} : memref<128x128xf32, #tpu.memory_space<vmem>>, vector<1x16xf32>,
      %swap3A_273 = vector.shape_cast %swap3A_272 : vector<1x16xf32> to vector<16xf32>
      %swap3A_274 = vector.shape_cast %broadcast_in_dim3A_269 : vector<16xf32> to vector<1x16xf32>
      tpu.vector_store %arg7[%swap3A_270, %swap3A_271], %swap3A_274 {strides = array<i32>} : memref<128x128xf32, #tpu.memory_space<vmem>>, vector<1x16xf32>,
      %broadcast_in_dim3A_275 = arith.constant 0.000000e+00 : f32
      %broadcast_in_dim3A_276 = vector.broadcast %broadcast_in_dim3A_275 : f32 to vector<16xf32>
      %swap3A_277 = arith.index_cast %scan3A_233 : i32 to index
      %swap3A_278 = arith.constant 96 : index
      %swap3A_279 = tpu.vector_load %arg7[%swap3A_277, %swap3A_278] {strides = array<i32>} : memref<128x128xf32, #tpu.memory_space<vmem>>, vector<1x16xf32>,
      %swap3A_280 = vector.shape_cast %swap3A_279 : vector<1x16xf32> to vector<16xf32>
      %swap3A_281 = vector.shape_cast %broadcast_in_dim3A_276 : vector<16xf32> to vector<1x16xf32>
      tpu.vector_store %arg7[%swap3A_277, %swap3A_278], %swap3A_281 {strides = array<i32>} : memref<128x128xf32, #tpu.memory_space<vmem>>, vector<1x16xf32>,
      %broadcast_in_dim3A_282 = arith.constant 0.000000e+00 : f32
      %broadcast_in_dim3A_283 = vector.broadcast %broadcast_in_dim3A_282 : f32 to vector<16xf32>
      %swap3A_284 = arith.index_cast %scan3A_233 : i32 to index
      %swap3A_285 = arith.constant 112 : index
      %swap3A_286 = tpu.vector_load %arg7[%swap3A_284, %swap3A_285] {strides = array<i32>} : memref<128x128xf32, #tpu.memory_space<vmem>>, vector<1x16xf32>,
      %swap3A_287 = vector.shape_cast %swap3A_286 : vector<1x16xf32> to vector<16xf32>
      %swap3A_288 = vector.shape_cast %broadcast_in_dim3A_283 : vector<16xf32> to vector<1x16xf32>
      tpu.vector_store %arg7[%swap3A_284, %swap3A_285], %swap3A_288 {strides = array<i32>} : memref<128x128xf32, #tpu.memory_space<vmem>>, vector<1x16xf32>,
      %scan3A_289 = arith.constant 0 : i32
      scf.yield %scan3A_289 : i32
    }
    %scan3A_32 = arith.constant 128 : i32
    %mul3A_33 = arith.constant 640 : i32
    %mul3A_34 = arith.muli %arg1, %mul3A_33 : i32
    %add3A_35 = arith.constant 0 : i32
    %add3A_36 = arith.addi %mul3A_34, %add3A_35 : i32
    "tpu.region"() ({
      %run_scoped3A = tpu.sem_alloc : memref<!tpu.dma_semaphore, #tpu.memory_space<semaphore_mem>>
      %dma_start3A_233 = arith.constant 0 : i32
      %dma_start3A_234 = tpu.memref_slice %arg6[%add3A_36, %dma_start3A_233] : memref<10240x128xf32, #tpu.memory_space<vmem_shared>> -> memref<128x128xf32, #tpu.memory_space<vmem_shared>>
      %dma_start3A_235 = arith.constant 0 : i32
      %dma_start3A_236 = tpu.memref_slice %arg6[%add3A_36, %dma_start3A_235] : memref<10240x128xf32, #tpu.memory_space<vmem_shared>> -> memref<128x128xf32, #tpu.memory_space<vmem_shared>>
      tpu.enqueue_dma source(%arg7 : memref<128x128xf32, #tpu.memory_space<vmem>>) target(%dma_start3A_236 : memref<128x128xf32, #tpu.memory_space<vmem_shared>>) target_semaphore(%run_scoped3A : memref<!tpu.dma_semaphore, #tpu.memory_space<semaphore_mem>>)
      %dma_wait3A_237 = arith.constant 0 : i32
      %dma_wait3A_238 = tpu.memref_slice %arg6[%add3A_36, %dma_wait3A_237] : memref<10240x128xf32, #tpu.memory_space<vmem_shared>> -> memref<128x128xf32, #tpu.memory_space<vmem_shared>>
      %dma_wait3A_239 = arith.constant 0 : i32
      %dma_wait3A_240 = tpu.memref_slice %arg6[%add3A_36, %dma_wait3A_239] : memref<10240x128xf32, #tpu.memory_space<vmem_shared>> -> memref<128x128xf32, #tpu.memory_space<vmem_shared>>
      tpu.wait_dma2 semaphore(%run_scoped3A : memref<!tpu.dma_semaphore, #tpu.memory_space<semaphore_mem>>) src(%arg7 : memref<128x128xf32, #tpu.memory_space<vmem>>) dst(%dma_wait3A_240 : memref<128x128xf32, #tpu.memory_space<vmem_shared>>)
      tpu.yield
    }) : () -> ()
    %mul3A_37 = arith.constant 640 : i32
    %mul3A_38 = arith.muli %arg1, %mul3A_37 : i32
    %add3A_39 = arith.constant 128 : i32
    %add3A_40 = arith.addi %mul3A_38, %add3A_39 : i32
    "tpu.region"() ({
      %run_scoped3A = tpu.sem_alloc : memref<!tpu.dma_semaphore, #tpu.memory_space<semaphore_mem>>
      %dma_start3A_233 = arith.constant 0 : i32
      %dma_start3A_234 = tpu.memref_slice %arg6[%add3A_40, %dma_start3A_233] : memref<10240x128xf32, #tpu.memory_space<vmem_shared>> -> memref<128x128xf32, #tpu.memory_space<vmem_shared>>
      %dma_start3A_235 = arith.constant 0 : i32
      %dma_start3A_236 = tpu.memref_slice %arg6[%add3A_40, %dma_start3A_235] : memref<10240x128xf32, #tpu.memory_space<vmem_shared>> -> memref<128x128xf32, #tpu.memory_space<vmem_shared>>
      tpu.enqueue_dma source(%arg7 : memref<128x128xf32, #tpu.memory_space<vmem>>) target(%dma_start3A_236 : memref<128x128xf32, #tpu.memory_space<vmem_shared>>) target_semaphore(%run_scoped3A : memref<!tpu.dma_semaphore, #tpu.memory_space<semaphore_mem>>)
      %dma_wait3A_237 = arith.constant 0 : i32
      %dma_wait3A_238 = tpu.memref_slice %arg6[%add3A_40, %dma_wait3A_237] : memref<10240x128xf32, #tpu.memory_space<vmem_shared>> -> memref<128x128xf32, #tpu.memory_space<vmem_shared>>
      %dma_wait3A_239 = arith.constant 0 : i32
      %dma_wait3A_240 = tpu.memref_slice %arg6[%add3A_40, %dma_wait3A_239] : memref<10240x128xf32, #tpu.memory_space<vmem_shared>> -> memref<128x128xf32, #tpu.memory_space<vmem_shared>>
      tpu.wait_dma2 semaphore(%run_scoped3A : memref<!tpu.dma_semaphore, #tpu.memory_space<semaphore_mem>>) src(%arg7 : memref<128x128xf32, #tpu.memory_space<vmem>>) dst(%dma_wait3A_240 : memref<128x128xf32, #tpu.memory_space<vmem_shared>>)
      tpu.yield
    }) : () -> ()
    %mul3A_41 = arith.constant 640 : i32
    %mul3A_42 = arith.muli %arg1, %mul3A_41 : i32
    %add3A_43 = arith.constant 256 : i32
    %add3A_44 = arith.addi %mul3A_42, %add3A_43 : i32
    "tpu.region"() ({
      %run_scoped3A = tpu.sem_alloc : memref<!tpu.dma_semaphore, #tpu.memory_space<semaphore_mem>>
      %dma_start3A_233 = arith.constant 0 : i32
      %dma_start3A_234 = tpu.memref_slice %arg6[%add3A_44, %dma_start3A_233] : memref<10240x128xf32, #tpu.memory_space<vmem_shared>> -> memref<128x128xf32, #tpu.memory_space<vmem_shared>>
      %dma_start3A_235 = arith.constant 0 : i32
      %dma_start3A_236 = tpu.memref_slice %arg6[%add3A_44, %dma_start3A_235] : memref<10240x128xf32, #tpu.memory_space<vmem_shared>> -> memref<128x128xf32, #tpu.memory_space<vmem_shared>>
      tpu.enqueue_dma source(%arg7 : memref<128x128xf32, #tpu.memory_space<vmem>>) target(%dma_start3A_236 : memref<128x128xf32, #tpu.memory_space<vmem_shared>>) target_semaphore(%run_scoped3A : memref<!tpu.dma_semaphore, #tpu.memory_space<semaphore_mem>>)
      %dma_wait3A_237 = arith.constant 0 : i32
      %dma_wait3A_238 = tpu.memref_slice %arg6[%add3A_44, %dma_wait3A_237] : memref<10240x128xf32, #tpu.memory_space<vmem_shared>> -> memref<128x128xf32, #tpu.memory_space<vmem_shared>>
      %dma_wait3A_239 = arith.constant 0 : i32
      %dma_wait3A_240 = tpu.memref_slice %arg6[%add3A_44, %dma_wait3A_239] : memref<10240x128xf32, #tpu.memory_space<vmem_shared>> -> memref<128x128xf32, #tpu.memory_space<vmem_shared>>
      tpu.wait_dma2 semaphore(%run_scoped3A : memref<!tpu.dma_semaphore, #tpu.memory_space<semaphore_mem>>) src(%arg7 : memref<128x128xf32, #tpu.memory_space<vmem>>) dst(%dma_wait3A_240 : memref<128x128xf32, #tpu.memory_space<vmem_shared>>)
      tpu.yield
    }) : () -> ()
    %mul3A_45 = arith.constant 640 : i32
    %mul3A_46 = arith.muli %arg1, %mul3A_45 : i32
    %add3A_47 = arith.constant 384 : i32
    %add3A_48 = arith.addi %mul3A_46, %add3A_47 : i32
    "tpu.region"() ({
      %run_scoped3A = tpu.sem_alloc : memref<!tpu.dma_semaphore, #tpu.memory_space<semaphore_mem>>
      %dma_start3A_233 = arith.constant 0 : i32
      %dma_start3A_234 = tpu.memref_slice %arg6[%add3A_48, %dma_start3A_233] : memref<10240x128xf32, #tpu.memory_space<vmem_shared>> -> memref<128x128xf32, #tpu.memory_space<vmem_shared>>
      %dma_start3A_235 = arith.constant 0 : i32
      %dma_start3A_236 = tpu.memref_slice %arg6[%add3A_48, %dma_start3A_235] : memref<10240x128xf32, #tpu.memory_space<vmem_shared>> -> memref<128x128xf32, #tpu.memory_space<vmem_shared>>
      tpu.enqueue_dma source(%arg7 : memref<128x128xf32, #tpu.memory_space<vmem>>) target(%dma_start3A_236 : memref<128x128xf32, #tpu.memory_space<vmem_shared>>) target_semaphore(%run_scoped3A : memref<!tpu.dma_semaphore, #tpu.memory_space<semaphore_mem>>)
      %dma_wait3A_237 = arith.constant 0 : i32
      %dma_wait3A_238 = tpu.memref_slice %arg6[%add3A_48, %dma_wait3A_237] : memref<10240x128xf32, #tpu.memory_space<vmem_shared>> -> memref<128x128xf32, #tpu.memory_space<vmem_shared>>
      %dma_wait3A_239 = arith.constant 0 : i32
      %dma_wait3A_240 = tpu.memref_slice %arg6[%add3A_48, %dma_wait3A_239] : memref<10240x128xf32, #tpu.memory_space<vmem_shared>> -> memref<128x128xf32, #tpu.memory_space<vmem_shared>>
      tpu.wait_dma2 semaphore(%run_scoped3A : memref<!tpu.dma_semaphore, #tpu.memory_space<semaphore_mem>>) src(%arg7 : memref<128x128xf32, #tpu.memory_space<vmem>>) dst(%dma_wait3A_240 : memref<128x128xf32, #tpu.memory_space<vmem_shared>>)
      tpu.yield
    }) : () -> ()
    %mul3A_49 = arith.constant 640 : i32
    %mul3A_50 = arith.muli %arg1, %mul3A_49 : i32
    %add3A_51 = arith.constant 512 : i32
    %add3A_52 = arith.addi %mul3A_50, %add3A_51 : i32
    "tpu.region"() ({
      %run_scoped3A = tpu.sem_alloc : memref<!tpu.dma_semaphore, #tpu.memory_space<semaphore_mem>>
      %dma_start3A_233 = arith.constant 0 : i32
      %dma_start3A_234 = tpu.memref_slice %arg6[%add3A_52, %dma_start3A_233] : memref<10240x128xf32, #tpu.memory_space<vmem_shared>> -> memref<128x128xf32, #tpu.memory_space<vmem_shared>>
      %dma_start3A_235 = arith.constant 0 : i32
      %dma_start3A_236 = tpu.memref_slice %arg6[%add3A_52, %dma_start3A_235] : memref<10240x128xf32, #tpu.memory_space<vmem_shared>> -> memref<128x128xf32, #tpu.memory_space<vmem_shared>>
      tpu.enqueue_dma source(%arg7 : memref<128x128xf32, #tpu.memory_space<vmem>>) target(%dma_start3A_236 : memref<128x128xf32, #tpu.memory_space<vmem_shared>>) target_semaphore(%run_scoped3A : memref<!tpu.dma_semaphore, #tpu.memory_space<semaphore_mem>>)
      %dma_wait3A_237 = arith.constant 0 : i32
      %dma_wait3A_238 = tpu.memref_slice %arg6[%add3A_52, %dma_wait3A_237] : memref<10240x128xf32, #tpu.memory_space<vmem_shared>> -> memref<128x128xf32, #tpu.memory_space<vmem_shared>>
      %dma_wait3A_239 = arith.constant 0 : i32
      %dma_wait3A_240 = tpu.memref_slice %arg6[%add3A_52, %dma_wait3A_239] : memref<10240x128xf32, #tpu.memory_space<vmem_shared>> -> memref<128x128xf32, #tpu.memory_space<vmem_shared>>
      tpu.wait_dma2 semaphore(%run_scoped3A : memref<!tpu.dma_semaphore, #tpu.memory_space<semaphore_mem>>) src(%arg7 : memref<128x128xf32, #tpu.memory_space<vmem>>) dst(%dma_wait3A_240 : memref<128x128xf32, #tpu.memory_space<vmem_shared>>)
      tpu.yield
    }) : () -> ()
    %barrier3A = arith.constant 0 : index
    tpu.barrier barrier_id(%barrier3A)
    %add3A_53 = arith.constant 0 : i32
    %add3A_54 = arith.addi %select_n3A_8, %add3A_53 : i32
    %mul3A_55 = arith.constant 128 : i32
    %mul3A_56 = arith.muli %add3A_54, %mul3A_55 : i32
    %dma_start3A = arith.constant 0 : i32
    %dma_start3A_57 = arith.constant 0 : i32
    %dma_start3A_58 = tpu.memref_slice %arg9[%dma_start3A, %dma_start3A_57] : memref<2x1024xi32, #tpu.memory_space<vmem>> -> memref<1x1024xi32, #tpu.memory_space<vmem>>
    %dma_start3A_59 = tpu.memref_squeeze %dma_start3A_58 : memref<1x1024xi32, #tpu.memory_space<vmem>> -> memref<1024xi32, #tpu.memory_space<vmem>>
    %dma_start3A_60 = tpu.memref_slice %arg3[%mul3A_56] : memref<327680xi32, #tpu.memory_space<hbm>> -> memref<1024xi32, #tpu.memory_space<hbm>>
    %dma_start3A_61 = arith.constant 0 : i32
    %dma_start3A_62 = tpu.memref_slice %arg9[%dma_start3A, %dma_start3A_61] : memref<2x1024xi32, #tpu.memory_space<vmem>> -> memref<1x1024xi32, #tpu.memory_space<vmem>>
    %dma_start3A_63 = tpu.memref_squeeze %dma_start3A_62 : memref<1x1024xi32, #tpu.memory_space<vmem>> -> memref<1024xi32, #tpu.memory_space<vmem>>
    %dma_start3A_64 = tpu.memref_slice %arg3[%mul3A_56] : memref<327680xi32, #tpu.memory_space<hbm>> -> memref<1024xi32, #tpu.memory_space<hbm>>
    tpu.enqueue_dma source(%dma_start3A_64 : memref<1024xi32, #tpu.memory_space<hbm>>) target(%dma_start3A_63 : memref<1024xi32, #tpu.memory_space<vmem>>) target_semaphore(%arg16 : memref<!tpu.dma_semaphore, #tpu.memory_space<semaphore_mem>>)
    %add3A_65 = arith.constant 0 : i32
    %add3A_66 = arith.addi %select_n3A_8, %add3A_65 : i32
    %mul3A_67 = arith.constant 128 : i32
    %mul3A_68 = arith.muli %add3A_66, %mul3A_67 : i32
    %dma_wait3A = arith.constant 0 : i32
    %dma_wait3A_69 = arith.constant 0 : i32
    %dma_wait3A_70 = tpu.memref_slice %arg9[%dma_wait3A, %dma_wait3A_69] : memref<2x1024xi32, #tpu.memory_space<vmem>> -> memref<1x1024xi32, #tpu.memory_space<vmem>>
    %dma_wait3A_71 = tpu.memref_squeeze %dma_wait3A_70 : memref<1x1024xi32, #tpu.memory_space<vmem>> -> memref<1024xi32, #tpu.memory_space<vmem>>
    %dma_wait3A_72 = tpu.memref_slice %arg3[%mul3A_68] : memref<327680xi32, #tpu.memory_space<hbm>> -> memref<1024xi32, #tpu.memory_space<hbm>>
    %dma_wait3A_73 = arith.constant 0 : i32
    %dma_wait3A_74 = tpu.memref_slice %arg9[%dma_wait3A, %dma_wait3A_73] : memref<2x1024xi32, #tpu.memory_space<vmem>> -> memref<1x1024xi32, #tpu.memory_space<vmem>>
    %dma_wait3A_75 = tpu.memref_squeeze %dma_wait3A_74 : memref<1x1024xi32, #tpu.memory_space<vmem>> -> memref<1024xi32, #tpu.memory_space<vmem>>
    %dma_wait3A_76 = tpu.memref_slice %arg3[%mul3A_68] : memref<327680xi32, #tpu.memory_space<hbm>> -> memref<1024xi32, #tpu.memory_space<hbm>>
    tpu.wait_dma2 semaphore(%arg16 : memref<!tpu.dma_semaphore, #tpu.memory_space<semaphore_mem>>) src(%dma_wait3A_76 : memref<1024xi32, #tpu.memory_space<hbm>>) dst(%dma_wait3A_75 : memref<1024xi32, #tpu.memory_space<vmem>>)
    %jit3A_77 = arith.constant 2 : i32
    %div3A_78 = arith.divsi %select_n3A, %jit3A_77 : i32
    %sign3A_79 = arith.constant 0 : i32
    %sign3A_80 = arith.cmpi sgt, %select_n3A, %sign3A_79 : i32
    %sign3A_81 = arith.extui %sign3A_80 : i1 to i32
    %sign3A_82 = arith.constant 0 : i32
    %sign3A_83 = arith.cmpi slt, %select_n3A, %sign3A_82 : i32
    %sign3A_84 = arith.extui %sign3A_83 : i1 to i32
    %sign3A_85 = arith.subi %sign3A_81, %sign3A_84 : i32
    %sign3A_86 = arith.constant 0 : i32
    %sign3A_87 = arith.cmpi sgt, %jit3A_77, %sign3A_86 : i32
    %sign3A_88 = arith.extui %sign3A_87 : i1 to i32
    %sign3A_89 = arith.constant 0 : i32
    %sign3A_90 = arith.cmpi slt, %jit3A_77, %sign3A_89 : i32
    %sign3A_91 = arith.extui %sign3A_90 : i1 to i32
    %sign3A_92 = arith.subi %sign3A_88, %sign3A_91 : i32
    %ne3A_93 = arith.cmpi ne, %sign3A_85, %sign3A_92 : i32
    %rem3A_94 = arith.remsi %select_n3A, %jit3A_77 : i32
    %ne3A_95 = arith.constant 0 : i32
    %ne3A_96 = arith.cmpi ne, %rem3A_94, %ne3A_95 : i32
    %and3A_97 = arith.andi %ne3A_93, %ne3A_96 : i1
    %sub3A_98 = arith.constant 1 : i32
    %sub3A_99 = arith.subi %div3A_78, %sub3A_98 : i32
    %select_n3A_100 = arith.select %and3A_97, %sub3A_99, %div3A_78 : i32
    %while3A = arith.constant 0 : i32
    %while3A_101 = arith.constant 0 : i32
    %while3A_102 = arith.subi %select_n3A_100, %while3A : i32
    %while3A_103 = arith.addi %while3A, %while3A_102 : i32
    %while3A_104 = arith.constant 1 : i32
    %while3A_105 = arith.divsi %while3A_102, %while3A_104 : i32
    %while3A_106 = arith.muli %while3A_105, %while3A_104 : i32
    %while3A_107 = arith.addi %while3A, %while3A_106 : i32
    %while3A_108 = arith.constant 1 : i32
    %while3A_109 = scf.for %while3A_233 = %while3A to %while3A_107 step %while3A_108 iter_args(%while3A_234 = %while3A_101) -> (i32)  : i32 {
      %mul3A_235 = arith.constant 2 : i32
      %mul3A_236 = arith.muli %mul3A_235, %while3A_233 : i32
      %add3A_237 = arith.constant 1 : i32
      %add3A_238 = arith.addi %mul3A_236, %add3A_237 : i32
      %jit3A_239 = arith.constant 4 : i32
      %div3A_240 = arith.divsi %while3A_233, %jit3A_239 : i32
      %sign3A_241 = arith.constant 0 : i32
      %sign3A_242 = arith.cmpi sgt, %while3A_233, %sign3A_241 : i32
      %sign3A_243 = arith.extui %sign3A_242 : i1 to i32
      %sign3A_244 = arith.constant 0 : i32
      %sign3A_245 = arith.cmpi slt, %while3A_233, %sign3A_244 : i32
      %sign3A_246 = arith.extui %sign3A_245 : i1 to i32
      %sign3A_247 = arith.subi %sign3A_243, %sign3A_246 : i32
      %sign3A_248 = arith.constant 0 : i32
      %sign3A_249 = arith.cmpi sgt, %jit3A_239, %sign3A_248 : i32
      %sign3A_250 = arith.extui %sign3A_249 : i1 to i32
      %sign3A_251 = arith.constant 0 : i32
      %sign3A_252 = arith.cmpi slt, %jit3A_239, %sign3A_251 : i32
      %sign3A_253 = arith.extui %sign3A_252 : i1 to i32
      %sign3A_254 = arith.subi %sign3A_250, %sign3A_253 : i32
      %ne3A_255 = arith.cmpi ne, %sign3A_247, %sign3A_254 : i32
      %rem3A_256 = arith.remsi %while3A_233, %jit3A_239 : i32
      %ne3A_257 = arith.constant 0 : i32
      %ne3A_258 = arith.cmpi ne, %rem3A_256, %ne3A_257 : i32
      %and3A_259 = arith.andi %ne3A_255, %ne3A_258 : i1
      %sub3A_260 = arith.constant 1 : i32
      %sub3A_261 = arith.subi %div3A_240, %sub3A_260 : i32
      %select_n3A_262 = arith.select %and3A_259, %sub3A_261, %div3A_240 : i32
      %rem3A_263 = arith.constant 2 : i32
      %rem3A_264 = arith.remsi %select_n3A_262, %rem3A_263 : i32
      %mul3A_265 = arith.constant 8 : i32
      %mul3A_266 = arith.muli %select_n3A_262, %mul3A_265 : i32
      %sub3A_267 = arith.subi %mul3A_236, %mul3A_266 : i32
      %add3A_268 = arith.constant 1 : i32
      %add3A_269 = arith.addi %sub3A_267, %add3A_268 : i32
      %rem3A_270 = arith.constant 4 : i32
      %rem3A_271 = arith.remsi %while3A_233, %rem3A_270 : i32
      %eq3A_272 = arith.constant 0 : i32
      %eq3A_273 = arith.cmpi eq, %rem3A_271, %eq3A_272 : i32
      %gt3A = arith.constant 0 : i32
      %gt3A_274 = arith.cmpi sgt, %while3A_233, %gt3A : i32
      %and3A_275 = arith.andi %eq3A_273, %gt3A_274 : i1
      %convert_element_type3A = arith.extui %and3A_275 : i1 to i32
      %cond3A = arith.constant 0 : i32
      %cond3A_276 = arith.cmpi ne, %convert_element_type3A, %cond3A : i32
      scf.if %cond3A_276 {
        %mul3A_336 = arith.constant 8 : i32
        %mul3A_337 = arith.muli %select_n3A_262, %mul3A_336 : i32
        %add3A_338 = arith.addi %select_n3A_8, %mul3A_337 : i32
        %mul3A_339 = arith.constant 128 : i32
        %mul3A_340 = arith.muli %add3A_338, %mul3A_339 : i32
        %dma_wait3A_341 = arith.constant 0 : i32
        %dma_wait3A_342 = tpu.memref_slice %arg9[%rem3A_264, %dma_wait3A_341] : memref<2x1024xi32, #tpu.memory_space<vmem>> -> memref<1x1024xi32, #tpu.memory_space<vmem>>
        %dma_wait3A_343 = tpu.memref_squeeze %dma_wait3A_342 : memref<1x1024xi32, #tpu.memory_space<vmem>> -> memref<1024xi32, #tpu.memory_space<vmem>>
        %dma_wait3A_344 = tpu.memref_slice %arg3[%mul3A_340] : memref<327680xi32, #tpu.memory_space<hbm>> -> memref<1024xi32, #tpu.memory_space<hbm>>
        %dma_wait3A_345 = arith.constant 0 : i32
        %dma_wait3A_346 = tpu.memref_slice %arg9[%rem3A_264, %dma_wait3A_345] : memref<2x1024xi32, #tpu.memory_space<vmem>> -> memref<1x1024xi32, #tpu.memory_space<vmem>>
        %dma_wait3A_347 = tpu.memref_squeeze %dma_wait3A_346 : memref<1x1024xi32, #tpu.memory_space<vmem>> -> memref<1024xi32, #tpu.memory_space<vmem>>
        %dma_wait3A_348 = tpu.memref_slice %arg3[%mul3A_340] : memref<327680xi32, #tpu.memory_space<hbm>> -> memref<1024xi32, #tpu.memory_space<hbm>>
        tpu.wait_dma2 semaphore(%arg16 : memref<!tpu.dma_semaphore, #tpu.memory_space<semaphore_mem>>) src(%dma_wait3A_348 : memref<1024xi32, #tpu.memory_space<hbm>>) dst(%dma_wait3A_347 : memref<1024xi32, #tpu.memory_space<vmem>>)
      } else {
      }
      %add3A_277 = arith.addi %select_n3A_8, %mul3A_236 : i32
      %mul3A_278 = arith.constant 128 : i32
      %mul3A_279 = arith.muli %add3A_277, %mul3A_278 : i32
      %dma_start3A_280 = tpu.memref_slice %arg4[%mul3A_279] : memref<327680xi32, #tpu.memory_space<hbm>> -> memref<128xi32, #tpu.memory_space<hbm>>
      %dma_start3A_281 = tpu.memref_slice %arg4[%mul3A_279] : memref<327680xi32, #tpu.memory_space<hbm>> -> memref<128xi32, #tpu.memory_space<hbm>>
      tpu.enqueue_dma source(%dma_start3A_281 : memref<128xi32, #tpu.memory_space<hbm>>) target(%arg10 : memref<128xi32, #tpu.memory_space<vmem>>) target_semaphore(%arg17 : memref<!tpu.dma_semaphore, #tpu.memory_space<semaphore_mem>>)
      %mul3A_282 = arith.constant 128 : i32
      %mul3A_283 = arith.muli %sub3A_267, %mul3A_282 : i32
      %dma_start3A_284 = tpu.memref_slice %arg9[%rem3A_264, %mul3A_283] : memref<2x1024xi32, #tpu.memory_space<vmem>> -> memref<1x128xi32, #tpu.memory_space<vmem>>
      %dma_start3A_285 = tpu.memref_squeeze %dma_start3A_284 : memref<1x128xi32, #tpu.memory_space<vmem>> -> memref<128xi32, #tpu.memory_space<vmem>>
      %dma_start3A_286 = arith.constant 0 : i32
      %dma_start3A_287 = arith.constant 0 : i32
      %dma_start3A_288 = tpu.memref_slice %arg2[%dma_start3A_286, %dma_start3A_287] : memref<10000x128xf32, #tpu.memory_space<hbm>> -> memref<10000x128xf32, #tpu.memory_space<hbm>>
      tpu.enqueue_indirect_dma source(%dma_start3A_288 : memref<10000x128xf32, #tpu.memory_space<hbm>>) target(%arg7 : memref<128x128xf32, #tpu.memory_space<vmem>>) offsets(%dma_start3A_285 : memref<128xi32, #tpu.memory_space<vmem>>) semaphore(%arg12 : memref<!tpu.dma_semaphore, #tpu.memory_space<semaphore_mem>>)
      %add3A_289 = arith.addi %select_n3A_8, %add3A_238 : i32
      %mul3A_290 = arith.constant 128 : i32
      %mul3A_291 = arith.muli %add3A_289, %mul3A_290 : i32
      %dma_start3A_292 = tpu.memref_slice %arg4[%mul3A_291] : memref<327680xi32, #tpu.memory_space<hbm>> -> memref<128xi32, #tpu.memory_space<hbm>>
      %dma_start3A_293 = tpu.memref_slice %arg4[%mul3A_291] : memref<327680xi32, #tpu.memory_space<hbm>> -> memref<128xi32, #tpu.memory_space<hbm>>
      tpu.enqueue_dma source(%dma_start3A_293 : memref<128xi32, #tpu.memory_space<hbm>>) target(%arg11 : memref<128xi32, #tpu.memory_space<vmem>>) target_semaphore(%arg18 : memref<!tpu.dma_semaphore, #tpu.memory_space<semaphore_mem>>)
      %mul3A_294 = arith.constant 128 : i32
      %mul3A_295 = arith.muli %add3A_269, %mul3A_294 : i32
      %dma_start3A_296 = tpu.memref_slice %arg9[%rem3A_264, %mul3A_295] : memref<2x1024xi32, #tpu.memory_space<vmem>> -> memref<1x128xi32, #tpu.memory_space<vmem>>
      %dma_start3A_297 = tpu.memref_squeeze %dma_start3A_296 : memref<1x128xi32, #tpu.memory_space<vmem>> -> memref<128xi32, #tpu.memory_space<vmem>>
      %dma_start3A_298 = arith.constant 0 : i32
      %dma_start3A_299 = arith.constant 0 : i32
      %dma_start3A_300 = tpu.memref_slice %arg2[%dma_start3A_298, %dma_start3A_299] : memref<10000x128xf32, #tpu.memory_space<hbm>> -> memref<10000x128xf32, #tpu.memory_space<hbm>>
      tpu.enqueue_indirect_dma source(%dma_start3A_300 : memref<10000x128xf32, #tpu.memory_space<hbm>>) target(%arg8 : memref<128x128xf32, #tpu.memory_space<vmem>>) offsets(%dma_start3A_297 : memref<128xi32, #tpu.memory_space<vmem>>) semaphore(%arg13 : memref<!tpu.dma_semaphore, #tpu.memory_space<semaphore_mem>>)
      %rem3A_301 = arith.constant 4 : i32
      %rem3A_302 = arith.remsi %while3A_233, %rem3A_301 : i32
      %eq3A_303 = arith.constant 1 : i32
      %eq3A_304 = arith.cmpi eq, %rem3A_302, %eq3A_303 : i32
      %add3A_305 = arith.constant 1 : i32
      %add3A_306 = arith.addi %select_n3A_262, %add3A_305 : i32
      %lt3A = arith.cmpi slt, %add3A_306, %select_n3A_26 : i32
      %and3A_307 = arith.andi %eq3A_304, %lt3A : i1
      %convert_element_type3A_308 = arith.extui %and3A_307 : i1 to i32
      %cond3A_309 = arith.constant 0 : i32
      %cond3A_310 = arith.cmpi ne, %convert_element_type3A_308, %cond3A_309 : i32
      scf.if %cond3A_310 {
        %add3A_336 = arith.constant 1 : i32
        %add3A_337 = arith.addi %select_n3A_262, %add3A_336 : i32
        %sub3A_338 = arith.constant 1 : i32
        %sub3A_339 = arith.subi %sub3A_338, %rem3A_264 : i32
        %mul3A_340 = arith.constant 8 : i32
        %mul3A_341 = arith.muli %add3A_337, %mul3A_340 : i32
        %add3A_342 = arith.addi %select_n3A_8, %mul3A_341 : i32
        %mul3A_343 = arith.constant 128 : i32
        %mul3A_344 = arith.muli %add3A_342, %mul3A_343 : i32
        %dma_start3A_345 = arith.constant 0 : i32
        %dma_start3A_346 = tpu.memref_slice %arg9[%sub3A_339, %dma_start3A_345] : memref<2x1024xi32, #tpu.memory_space<vmem>> -> memref<1x1024xi32, #tpu.memory_space<vmem>>
        %dma_start3A_347 = tpu.memref_squeeze %dma_start3A_346 : memref<1x1024xi32, #tpu.memory_space<vmem>> -> memref<1024xi32, #tpu.memory_space<vmem>>
        %dma_start3A_348 = tpu.memref_slice %arg3[%mul3A_344] : memref<327680xi32, #tpu.memory_space<hbm>> -> memref<1024xi32, #tpu.memory_space<hbm>>
        %dma_start3A_349 = arith.constant 0 : i32
        %dma_start3A_350 = tpu.memref_slice %arg9[%sub3A_339, %dma_start3A_349] : memref<2x1024xi32, #tpu.memory_space<vmem>> -> memref<1x1024xi32, #tpu.memory_space<vmem>>
        %dma_start3A_351 = tpu.memref_squeeze %dma_start3A_350 : memref<1x1024xi32, #tpu.memory_space<vmem>> -> memref<1024xi32, #tpu.memory_space<vmem>>
        %dma_start3A_352 = tpu.memref_slice %arg3[%mul3A_344] : memref<327680xi32, #tpu.memory_space<hbm>> -> memref<1024xi32, #tpu.memory_space<hbm>>
        tpu.enqueue_dma source(%dma_start3A_352 : memref<1024xi32, #tpu.memory_space<hbm>>) target(%dma_start3A_351 : memref<1024xi32, #tpu.memory_space<vmem>>) target_semaphore(%arg16 : memref<!tpu.dma_semaphore, #tpu.memory_space<semaphore_mem>>)
      } else {
      }
      %mul3A_311 = arith.constant 128 : i32
      %mul3A_312 = arith.muli %sub3A_267, %mul3A_311 : i32
      %dma_wait3A_313 = tpu.memref_slice %arg9[%rem3A_264, %mul3A_312] : memref<2x1024xi32, #tpu.memory_space<vmem>> -> memref<1x128xi32, #tpu.memory_space<vmem>>
      %dma_wait3A_314 = tpu.memref_squeeze %dma_wait3A_313 : memref<1x128xi32, #tpu.memory_space<vmem>> -> memref<128xi32, #tpu.memory_space<vmem>>
      %dma_wait3A_315 = arith.constant 0 : i32
      %dma_wait3A_316 = arith.constant 0 : i32
      %dma_wait3A_317 = tpu.memref_slice %arg2[%dma_wait3A_315, %dma_wait3A_316] : memref<10000x128xf32, #tpu.memory_space<hbm>> -> memref<10000x128xf32, #tpu.memory_space<hbm>>
      tpu.wait_indirect_dma semaphore(%arg12 : memref<!tpu.dma_semaphore, #tpu.memory_space<semaphore_mem>>) src(%dma_wait3A_317 : memref<10000x128xf32, #tpu.memory_space<hbm>>) dst(%arg7 : memref<128x128xf32, #tpu.memory_space<vmem>>)
      %add3A_318 = arith.addi %select_n3A_8, %mul3A_236 : i32
      %mul3A_319 = arith.constant 128 : i32
      %mul3A_320 = arith.muli %add3A_318, %mul3A_319 : i32
      %dma_wait3A_321 = tpu.memref_slice %arg4[%mul3A_320] : memref<327680xi32, #tpu.memory_space<hbm>> -> memref<128xi32, #tpu.memory_space<hbm>>
      %dma_wait3A_322 = tpu.memref_slice %arg4[%mul3A_320] : memref<327680xi32, #tpu.memory_space<hbm>> -> memref<128xi32, #tpu.memory_space<hbm>>
      tpu.wait_dma2 semaphore(%arg17 : memref<!tpu.dma_semaphore, #tpu.memory_space<semaphore_mem>>) src(%dma_wait3A_322 : memref<128xi32, #tpu.memory_space<hbm>>) dst(%arg10 : memref<128xi32, #tpu.memory_space<vmem>>)
      "tpu.region"() ({
        %run_scoped3A = tpu.sem_alloc : memref<!tpu.dma_semaphore, #tpu.memory_space<semaphore_mem>>
        %dma_start3A_336 = arith.constant 0 : i32
        %dma_start3A_337 = arith.constant 0 : i32
        %dma_start3A_338 = tpu.memref_slice %arg6[%dma_start3A_336, %dma_start3A_337] : memref<10240x128xf32, #tpu.memory_space<vmem_shared>> -> memref<10240x128xf32, #tpu.memory_space<vmem_shared>>
        tpu.enqueue_indirect_dma source(%arg7 : memref<128x128xf32, #tpu.memory_space<vmem>>) target(%dma_start3A_338 : memref<10240x128xf32, #tpu.memory_space<vmem_shared>>) offsets(%arg10 : memref<128xi32, #tpu.memory_space<vmem>>) semaphore(%run_scoped3A : memref<!tpu.dma_semaphore, #tpu.memory_space<semaphore_mem>>) {add = true}
        %dma_wait3A_339 = arith.constant 0 : i32
        %dma_wait3A_340 = arith.constant 0 : i32
        %dma_wait3A_341 = tpu.memref_slice %arg6[%dma_wait3A_339, %dma_wait3A_340] : memref<10240x128xf32, #tpu.memory_space<vmem_shared>> -> memref<10240x128xf32, #tpu.memory_space<vmem_shared>>
        tpu.wait_indirect_dma semaphore(%run_scoped3A : memref<!tpu.dma_semaphore, #tpu.memory_space<semaphore_mem>>) src(%arg7 : memref<128x128xf32, #tpu.memory_space<vmem>>) dst(%dma_wait3A_341 : memref<10240x128xf32, #tpu.memory_space<vmem_shared>>)
        tpu.yield
      }) : () -> ()
      %mul3A_323 = arith.constant 128 : i32
      %mul3A_324 = arith.muli %add3A_269, %mul3A_323 : i32
      %dma_wait3A_325 = tpu.memref_slice %arg9[%rem3A_264, %mul3A_324] : memref<2x1024xi32, #tpu.memory_space<vmem>> -> memref<1x128xi32, #tpu.memory_space<vmem>>
      %dma_wait3A_326 = tpu.memref_squeeze %dma_wait3A_325 : memref<1x128xi32, #tpu.memory_space<vmem>> -> memref<128xi32, #tpu.memory_space<vmem>>
      %dma_wait3A_327 = arith.constant 0 : i32
      %dma_wait3A_328 = arith.constant 0 : i32
      %dma_wait3A_329 = tpu.memref_slice %arg2[%dma_wait3A_327, %dma_wait3A_328] : memref<10000x128xf32, #tpu.memory_space<hbm>> -> memref<10000x128xf32, #tpu.memory_space<hbm>>
      tpu.wait_indirect_dma semaphore(%arg13 : memref<!tpu.dma_semaphore, #tpu.memory_space<semaphore_mem>>) src(%dma_wait3A_329 : memref<10000x128xf32, #tpu.memory_space<hbm>>) dst(%arg8 : memref<128x128xf32, #tpu.memory_space<vmem>>)
      %add3A_330 = arith.addi %select_n3A_8, %add3A_238 : i32
      %mul3A_331 = arith.constant 128 : i32
      %mul3A_332 = arith.muli %add3A_330, %mul3A_331 : i32
      %dma_wait3A_333 = tpu.memref_slice %arg4[%mul3A_332] : memref<327680xi32, #tpu.memory_space<hbm>> -> memref<128xi32, #tpu.memory_space<hbm>>
      %dma_wait3A_334 = tpu.memref_slice %arg4[%mul3A_332] : memref<327680xi32, #tpu.memory_space<hbm>> -> memref<128xi32, #tpu.memory_space<hbm>>
      tpu.wait_dma2 semaphore(%arg18 : memref<!tpu.dma_semaphore, #tpu.memory_space<semaphore_mem>>) src(%dma_wait3A_334 : memref<128xi32, #tpu.memory_space<hbm>>) dst(%arg11 : memref<128xi32, #tpu.memory_space<vmem>>)
      "tpu.region"() ({
        %run_scoped3A = tpu.sem_alloc : memref<!tpu.dma_semaphore, #tpu.memory_space<semaphore_mem>>
        %dma_start3A_336 = arith.constant 0 : i32
        %dma_start3A_337 = arith.constant 0 : i32
        %dma_start3A_338 = tpu.memref_slice %arg6[%dma_start3A_336, %dma_start3A_337] : memref<10240x128xf32, #tpu.memory_space<vmem_shared>> -> memref<10240x128xf32, #tpu.memory_space<vmem_shared>>
        tpu.enqueue_indirect_dma source(%arg8 : memref<128x128xf32, #tpu.memory_space<vmem>>) target(%dma_start3A_338 : memref<10240x128xf32, #tpu.memory_space<vmem_shared>>) offsets(%arg11 : memref<128xi32, #tpu.memory_space<vmem>>) semaphore(%run_scoped3A : memref<!tpu.dma_semaphore, #tpu.memory_space<semaphore_mem>>) {add = true}
        %dma_wait3A_339 = arith.constant 0 : i32
        %dma_wait3A_340 = arith.constant 0 : i32
        %dma_wait3A_341 = tpu.memref_slice %arg6[%dma_wait3A_339, %dma_wait3A_340] : memref<10240x128xf32, #tpu.memory_space<vmem_shared>> -> memref<10240x128xf32, #tpu.memory_space<vmem_shared>>
        tpu.wait_indirect_dma semaphore(%run_scoped3A : memref<!tpu.dma_semaphore, #tpu.memory_space<semaphore_mem>>) src(%arg8 : memref<128x128xf32, #tpu.memory_space<vmem>>) dst(%dma_wait3A_341 : memref<10240x128xf32, #tpu.memory_space<vmem_shared>>)
        tpu.yield
      }) : () -> ()
      %while3A_335 = arith.constant 0 : i32
      scf.yield %while3A_335 : i32
    }
    %while3A_110 = arith.constant 1 : i32
    %while3A_111 = scf.for %while3A_233 = %while3A_107 to %while3A_103 step %while3A_110 iter_args(%while3A_234 = %while3A_109) -> (i32)  : i32 {
      %mul3A_235 = arith.constant 2 : i32
      %mul3A_236 = arith.muli %mul3A_235, %while3A_233 : i32
      %add3A_237 = arith.constant 1 : i32
      %add3A_238 = arith.addi %mul3A_236, %add3A_237 : i32
      %jit3A_239 = arith.constant 4 : i32
      %div3A_240 = arith.divsi %while3A_233, %jit3A_239 : i32
      %sign3A_241 = arith.constant 0 : i32
      %sign3A_242 = arith.cmpi sgt, %while3A_233, %sign3A_241 : i32
      %sign3A_243 = arith.extui %sign3A_242 : i1 to i32
      %sign3A_244 = arith.constant 0 : i32
      %sign3A_245 = arith.cmpi slt, %while3A_233, %sign3A_244 : i32
      %sign3A_246 = arith.extui %sign3A_245 : i1 to i32
      %sign3A_247 = arith.subi %sign3A_243, %sign3A_246 : i32
      %sign3A_248 = arith.constant 0 : i32
      %sign3A_249 = arith.cmpi sgt, %jit3A_239, %sign3A_248 : i32
      %sign3A_250 = arith.extui %sign3A_249 : i1 to i32
      %sign3A_251 = arith.constant 0 : i32
      %sign3A_252 = arith.cmpi slt, %jit3A_239, %sign3A_251 : i32
      %sign3A_253 = arith.extui %sign3A_252 : i1 to i32
      %sign3A_254 = arith.subi %sign3A_250, %sign3A_253 : i32
      %ne3A_255 = arith.cmpi ne, %sign3A_247, %sign3A_254 : i32
      %rem3A_256 = arith.remsi %while3A_233, %jit3A_239 : i32
      %ne3A_257 = arith.constant 0 : i32
      %ne3A_258 = arith.cmpi ne, %rem3A_256, %ne3A_257 : i32
      %and3A_259 = arith.andi %ne3A_255, %ne3A_258 : i1
      %sub3A_260 = arith.constant 1 : i32
      %sub3A_261 = arith.subi %div3A_240, %sub3A_260 : i32
      %select_n3A_262 = arith.select %and3A_259, %sub3A_261, %div3A_240 : i32
      %rem3A_263 = arith.constant 2 : i32
      %rem3A_264 = arith.remsi %select_n3A_262, %rem3A_263 : i32
      %mul3A_265 = arith.constant 8 : i32
      %mul3A_266 = arith.muli %select_n3A_262, %mul3A_265 : i32
      %sub3A_267 = arith.subi %mul3A_236, %mul3A_266 : i32
      %add3A_268 = arith.constant 1 : i32
      %add3A_269 = arith.addi %sub3A_267, %add3A_268 : i32
      %rem3A_270 = arith.constant 4 : i32
      %rem3A_271 = arith.remsi %while3A_233, %rem3A_270 : i32
      %eq3A_272 = arith.constant 0 : i32
      %eq3A_273 = arith.cmpi eq, %rem3A_271, %eq3A_272 : i32
      %gt3A = arith.constant 0 : i32
      %gt3A_274 = arith.cmpi sgt, %while3A_233, %gt3A : i32
      %and3A_275 = arith.andi %eq3A_273, %gt3A_274 : i1
      %convert_element_type3A = arith.extui %and3A_275 : i1 to i32
      %cond3A = arith.constant 0 : i32
      %cond3A_276 = arith.cmpi ne, %convert_element_type3A, %cond3A : i32
      scf.if %cond3A_276 {
        %mul3A_336 = arith.constant 8 : i32
        %mul3A_337 = arith.muli %select_n3A_262, %mul3A_336 : i32
        %add3A_338 = arith.addi %select_n3A_8, %mul3A_337 : i32
        %mul3A_339 = arith.constant 128 : i32
        %mul3A_340 = arith.muli %add3A_338, %mul3A_339 : i32
        %dma_wait3A_341 = arith.constant 0 : i32
        %dma_wait3A_342 = tpu.memref_slice %arg9[%rem3A_264, %dma_wait3A_341] : memref<2x1024xi32, #tpu.memory_space<vmem>> -> memref<1x1024xi32, #tpu.memory_space<vmem>>
        %dma_wait3A_343 = tpu.memref_squeeze %dma_wait3A_342 : memref<1x1024xi32, #tpu.memory_space<vmem>> -> memref<1024xi32, #tpu.memory_space<vmem>>
        %dma_wait3A_344 = tpu.memref_slice %arg3[%mul3A_340] : memref<327680xi32, #tpu.memory_space<hbm>> -> memref<1024xi32, #tpu.memory_space<hbm>>
        %dma_wait3A_345 = arith.constant 0 : i32
        %dma_wait3A_346 = tpu.memref_slice %arg9[%rem3A_264, %dma_wait3A_345] : memref<2x1024xi32, #tpu.memory_space<vmem>> -> memref<1x1024xi32, #tpu.memory_space<vmem>>
        %dma_wait3A_347 = tpu.memref_squeeze %dma_wait3A_346 : memref<1x1024xi32, #tpu.memory_space<vmem>> -> memref<1024xi32, #tpu.memory_space<vmem>>
        %dma_wait3A_348 = tpu.memref_slice %arg3[%mul3A_340] : memref<327680xi32, #tpu.memory_space<hbm>> -> memref<1024xi32, #tpu.memory_space<hbm>>
        tpu.wait_dma2 semaphore(%arg16 : memref<!tpu.dma_semaphore, #tpu.memory_space<semaphore_mem>>) src(%dma_wait3A_348 : memref<1024xi32, #tpu.memory_space<hbm>>) dst(%dma_wait3A_347 : memref<1024xi32, #tpu.memory_space<vmem>>)
      } else {
      }
      %add3A_277 = arith.addi %select_n3A_8, %mul3A_236 : i32
      %mul3A_278 = arith.constant 128 : i32
      %mul3A_279 = arith.muli %add3A_277, %mul3A_278 : i32
      %dma_start3A_280 = tpu.memref_slice %arg4[%mul3A_279] : memref<327680xi32, #tpu.memory_space<hbm>> -> memref<128xi32, #tpu.memory_space<hbm>>
      %dma_start3A_281 = tpu.memref_slice %arg4[%mul3A_279] : memref<327680xi32, #tpu.memory_space<hbm>> -> memref<128xi32, #tpu.memory_space<hbm>>
      tpu.enqueue_dma source(%dma_start3A_281 : memref<128xi32, #tpu.memory_space<hbm>>) target(%arg10 : memref<128xi32, #tpu.memory_space<vmem>>) target_semaphore(%arg17 : memref<!tpu.dma_semaphore, #tpu.memory_space<semaphore_mem>>)
      %mul3A_282 = arith.constant 128 : i32
      %mul3A_283 = arith.muli %sub3A_267, %mul3A_282 : i32
      %dma_start3A_284 = tpu.memref_slice %arg9[%rem3A_264, %mul3A_283] : memref<2x1024xi32, #tpu.memory_space<vmem>> -> memref<1x128xi32, #tpu.memory_space<vmem>>
      %dma_start3A_285 = tpu.memref_squeeze %dma_start3A_284 : memref<1x128xi32, #tpu.memory_space<vmem>> -> memref<128xi32, #tpu.memory_space<vmem>>
      %dma_start3A_286 = arith.constant 0 : i32
      %dma_start3A_287 = arith.constant 0 : i32
      %dma_start3A_288 = tpu.memref_slice %arg2[%dma_start3A_286, %dma_start3A_287] : memref<10000x128xf32, #tpu.memory_space<hbm>> -> memref<10000x128xf32, #tpu.memory_space<hbm>>
      tpu.enqueue_indirect_dma source(%dma_start3A_288 : memref<10000x128xf32, #tpu.memory_space<hbm>>) target(%arg7 : memref<128x128xf32, #tpu.memory_space<vmem>>) offsets(%dma_start3A_285 : memref<128xi32, #tpu.memory_space<vmem>>) semaphore(%arg12 : memref<!tpu.dma_semaphore, #tpu.memory_space<semaphore_mem>>)
      %add3A_289 = arith.addi %select_n3A_8, %add3A_238 : i32
      %mul3A_290 = arith.constant 128 : i32
      %mul3A_291 = arith.muli %add3A_289, %mul3A_290 : i32
      %dma_start3A_292 = tpu.memref_slice %arg4[%mul3A_291] : memref<327680xi32, #tpu.memory_space<hbm>> -> memref<128xi32, #tpu.memory_space<hbm>>
      %dma_start3A_293 = tpu.memref_slice %arg4[%mul3A_291] : memref<327680xi32, #tpu.memory_space<hbm>> -> memref<128xi32, #tpu.memory_space<hbm>>
      tpu.enqueue_dma source(%dma_start3A_293 : memref<128xi32, #tpu.memory_space<hbm>>) target(%arg11 : memref<128xi32, #tpu.memory_space<vmem>>) target_semaphore(%arg18 : memref<!tpu.dma_semaphore, #tpu.memory_space<semaphore_mem>>)
      %mul3A_294 = arith.constant 128 : i32
      %mul3A_295 = arith.muli %add3A_269, %mul3A_294 : i32
      %dma_start3A_296 = tpu.memref_slice %arg9[%rem3A_264, %mul3A_295] : memref<2x1024xi32, #tpu.memory_space<vmem>> -> memref<1x128xi32, #tpu.memory_space<vmem>>
      %dma_start3A_297 = tpu.memref_squeeze %dma_start3A_296 : memref<1x128xi32, #tpu.memory_space<vmem>> -> memref<128xi32, #tpu.memory_space<vmem>>
      %dma_start3A_298 = arith.constant 0 : i32
      %dma_start3A_299 = arith.constant 0 : i32
      %dma_start3A_300 = tpu.memref_slice %arg2[%dma_start3A_298, %dma_start3A_299] : memref<10000x128xf32, #tpu.memory_space<hbm>> -> memref<10000x128xf32, #tpu.memory_space<hbm>>
      tpu.enqueue_indirect_dma source(%dma_start3A_300 : memref<10000x128xf32, #tpu.memory_space<hbm>>) target(%arg8 : memref<128x128xf32, #tpu.memory_space<vmem>>) offsets(%dma_start3A_297 : memref<128xi32, #tpu.memory_space<vmem>>) semaphore(%arg13 : memref<!tpu.dma_semaphore, #tpu.memory_space<semaphore_mem>>)
      %rem3A_301 = arith.constant 4 : i32
      %rem3A_302 = arith.remsi %while3A_233, %rem3A_301 : i32
      %eq3A_303 = arith.constant 1 : i32
      %eq3A_304 = arith.cmpi eq, %rem3A_302, %eq3A_303 : i32
      %add3A_305 = arith.constant 1 : i32
      %add3A_306 = arith.addi %select_n3A_262, %add3A_305 : i32
      %lt3A = arith.cmpi slt, %add3A_306, %select_n3A_26 : i32
      %and3A_307 = arith.andi %eq3A_304, %lt3A : i1
      %convert_element_type3A_308 = arith.extui %and3A_307 : i1 to i32
      %cond3A_309 = arith.constant 0 : i32
      %cond3A_310 = arith.cmpi ne, %convert_element_type3A_308, %cond3A_309 : i32
      scf.if %cond3A_310 {
        %add3A_336 = arith.constant 1 : i32
        %add3A_337 = arith.addi %select_n3A_262, %add3A_336 : i32
        %sub3A_338 = arith.constant 1 : i32
        %sub3A_339 = arith.subi %sub3A_338, %rem3A_264 : i32
        %mul3A_340 = arith.constant 8 : i32
        %mul3A_341 = arith.muli %add3A_337, %mul3A_340 : i32
        %add3A_342 = arith.addi %select_n3A_8, %mul3A_341 : i32
        %mul3A_343 = arith.constant 128 : i32
        %mul3A_344 = arith.muli %add3A_342, %mul3A_343 : i32
        %dma_start3A_345 = arith.constant 0 : i32
        %dma_start3A_346 = tpu.memref_slice %arg9[%sub3A_339, %dma_start3A_345] : memref<2x1024xi32, #tpu.memory_space<vmem>> -> memref<1x1024xi32, #tpu.memory_space<vmem>>
        %dma_start3A_347 = tpu.memref_squeeze %dma_start3A_346 : memref<1x1024xi32, #tpu.memory_space<vmem>> -> memref<1024xi32, #tpu.memory_space<vmem>>
        %dma_start3A_348 = tpu.memref_slice %arg3[%mul3A_344] : memref<327680xi32, #tpu.memory_space<hbm>> -> memref<1024xi32, #tpu.memory_space<hbm>>
        %dma_start3A_349 = arith.constant 0 : i32
        %dma_start3A_350 = tpu.memref_slice %arg9[%sub3A_339, %dma_start3A_349] : memref<2x1024xi32, #tpu.memory_space<vmem>> -> memref<1x1024xi32, #tpu.memory_space<vmem>>
        %dma_start3A_351 = tpu.memref_squeeze %dma_start3A_350 : memref<1x1024xi32, #tpu.memory_space<vmem>> -> memref<1024xi32, #tpu.memory_space<vmem>>
        %dma_start3A_352 = tpu.memref_slice %arg3[%mul3A_344] : memref<327680xi32, #tpu.memory_space<hbm>> -> memref<1024xi32, #tpu.memory_space<hbm>>
        tpu.enqueue_dma source(%dma_start3A_352 : memref<1024xi32, #tpu.memory_space<hbm>>) target(%dma_start3A_351 : memref<1024xi32, #tpu.memory_space<vmem>>) target_semaphore(%arg16 : memref<!tpu.dma_semaphore, #tpu.memory_space<semaphore_mem>>)
      } else {
      }
      %mul3A_311 = arith.constant 128 : i32
      %mul3A_312 = arith.muli %sub3A_267, %mul3A_311 : i32
      %dma_wait3A_313 = tpu.memref_slice %arg9[%rem3A_264, %mul3A_312] : memref<2x1024xi32, #tpu.memory_space<vmem>> -> memref<1x128xi32, #tpu.memory_space<vmem>>
      %dma_wait3A_314 = tpu.memref_squeeze %dma_wait3A_313 : memref<1x128xi32, #tpu.memory_space<vmem>> -> memref<128xi32, #tpu.memory_space<vmem>>
      %dma_wait3A_315 = arith.constant 0 : i32
      %dma_wait3A_316 = arith.constant 0 : i32
      %dma_wait3A_317 = tpu.memref_slice %arg2[%dma_wait3A_315, %dma_wait3A_316] : memref<10000x128xf32, #tpu.memory_space<hbm>> -> memref<10000x128xf32, #tpu.memory_space<hbm>>
      tpu.wait_indirect_dma semaphore(%arg12 : memref<!tpu.dma_semaphore, #tpu.memory_space<semaphore_mem>>) src(%dma_wait3A_317 : memref<10000x128xf32, #tpu.memory_space<hbm>>) dst(%arg7 : memref<128x128xf32, #tpu.memory_space<vmem>>)
      %add3A_318 = arith.addi %select_n3A_8, %mul3A_236 : i32
      %mul3A_319 = arith.constant 128 : i32
      %mul3A_320 = arith.muli %add3A_318, %mul3A_319 : i32
      %dma_wait3A_321 = tpu.memref_slice %arg4[%mul3A_320] : memref<327680xi32, #tpu.memory_space<hbm>> -> memref<128xi32, #tpu.memory_space<hbm>>
      %dma_wait3A_322 = tpu.memref_slice %arg4[%mul3A_320] : memref<327680xi32, #tpu.memory_space<hbm>> -> memref<128xi32, #tpu.memory_space<hbm>>
      tpu.wait_dma2 semaphore(%arg17 : memref<!tpu.dma_semaphore, #tpu.memory_space<semaphore_mem>>) src(%dma_wait3A_322 : memref<128xi32, #tpu.memory_space<hbm>>) dst(%arg10 : memref<128xi32, #tpu.memory_space<vmem>>)
      "tpu.region"() ({
        %run_scoped3A = tpu.sem_alloc : memref<!tpu.dma_semaphore, #tpu.memory_space<semaphore_mem>>
        %dma_start3A_336 = arith.constant 0 : i32
        %dma_start3A_337 = arith.constant 0 : i32
        %dma_start3A_338 = tpu.memref_slice %arg6[%dma_start3A_336, %dma_start3A_337] : memref<10240x128xf32, #tpu.memory_space<vmem_shared>> -> memref<10240x128xf32, #tpu.memory_space<vmem_shared>>
        tpu.enqueue_indirect_dma source(%arg7 : memref<128x128xf32, #tpu.memory_space<vmem>>) target(%dma_start3A_338 : memref<10240x128xf32, #tpu.memory_space<vmem_shared>>) offsets(%arg10 : memref<128xi32, #tpu.memory_space<vmem>>) semaphore(%run_scoped3A : memref<!tpu.dma_semaphore, #tpu.memory_space<semaphore_mem>>) {add = true}
        %dma_wait3A_339 = arith.constant 0 : i32
        %dma_wait3A_340 = arith.constant 0 : i32
        %dma_wait3A_341 = tpu.memref_slice %arg6[%dma_wait3A_339, %dma_wait3A_340] : memref<10240x128xf32, #tpu.memory_space<vmem_shared>> -> memref<10240x128xf32, #tpu.memory_space<vmem_shared>>
        tpu.wait_indirect_dma semaphore(%run_scoped3A : memref<!tpu.dma_semaphore, #tpu.memory_space<semaphore_mem>>) src(%arg7 : memref<128x128xf32, #tpu.memory_space<vmem>>) dst(%dma_wait3A_341 : memref<10240x128xf32, #tpu.memory_space<vmem_shared>>)
        tpu.yield
      }) : () -> ()
      %mul3A_323 = arith.constant 128 : i32
      %mul3A_324 = arith.muli %add3A_269, %mul3A_323 : i32
      %dma_wait3A_325 = tpu.memref_slice %arg9[%rem3A_264, %mul3A_324] : memref<2x1024xi32, #tpu.memory_space<vmem>> -> memref<1x128xi32, #tpu.memory_space<vmem>>
      %dma_wait3A_326 = tpu.memref_squeeze %dma_wait3A_325 : memref<1x128xi32, #tpu.memory_space<vmem>> -> memref<128xi32, #tpu.memory_space<vmem>>
      %dma_wait3A_327 = arith.constant 0 : i32
      %dma_wait3A_328 = arith.constant 0 : i32
      %dma_wait3A_329 = tpu.memref_slice %arg2[%dma_wait3A_327, %dma_wait3A_328] : memref<10000x128xf32, #tpu.memory_space<hbm>> -> memref<10000x128xf32, #tpu.memory_space<hbm>>
      tpu.wait_indirect_dma semaphore(%arg13 : memref<!tpu.dma_semaphore, #tpu.memory_space<semaphore_mem>>) src(%dma_wait3A_329 : memref<10000x128xf32, #tpu.memory_space<hbm>>) dst(%arg8 : memref<128x128xf32, #tpu.memory_space<vmem>>)
      %add3A_330 = arith.addi %select_n3A_8, %add3A_238 : i32
      %mul3A_331 = arith.constant 128 : i32
      %mul3A_332 = arith.muli %add3A_330, %mul3A_331 : i32
      %dma_wait3A_333 = tpu.memref_slice %arg4[%mul3A_332] : memref<327680xi32, #tpu.memory_space<hbm>> -> memref<128xi32, #tpu.memory_space<hbm>>
      %dma_wait3A_334 = tpu.memref_slice %arg4[%mul3A_332] : memref<327680xi32, #tpu.memory_space<hbm>> -> memref<128xi32, #tpu.memory_space<hbm>>
      tpu.wait_dma2 semaphore(%arg18 : memref<!tpu.dma_semaphore, #tpu.memory_space<semaphore_mem>>) src(%dma_wait3A_334 : memref<128xi32, #tpu.memory_space<hbm>>) dst(%arg11 : memref<128xi32, #tpu.memory_space<vmem>>)
      "tpu.region"() ({
        %run_scoped3A = tpu.sem_alloc : memref<!tpu.dma_semaphore, #tpu.memory_space<semaphore_mem>>
        %dma_start3A_336 = arith.constant 0 : i32
        %dma_start3A_337 = arith.constant 0 : i32
        %dma_start3A_338 = tpu.memref_slice %arg6[%dma_start3A_336, %dma_start3A_337] : memref<10240x128xf32, #tpu.memory_space<vmem_shared>> -> memref<10240x128xf32, #tpu.memory_space<vmem_shared>>
        tpu.enqueue_indirect_dma source(%arg8 : memref<128x128xf32, #tpu.memory_space<vmem>>) target(%dma_start3A_338 : memref<10240x128xf32, #tpu.memory_space<vmem_shared>>) offsets(%arg11 : memref<128xi32, #tpu.memory_space<vmem>>) semaphore(%run_scoped3A : memref<!tpu.dma_semaphore, #tpu.memory_space<semaphore_mem>>) {add = true}
        %dma_wait3A_339 = arith.constant 0 : i32
        %dma_wait3A_340 = arith.constant 0 : i32
        %dma_wait3A_341 = tpu.memref_slice %arg6[%dma_wait3A_339, %dma_wait3A_340] : memref<10240x128xf32, #tpu.memory_space<vmem_shared>> -> memref<10240x128xf32, #tpu.memory_space<vmem_shared>>
        tpu.wait_indirect_dma semaphore(%run_scoped3A : memref<!tpu.dma_semaphore, #tpu.memory_space<semaphore_mem>>) src(%arg8 : memref<128x128xf32, #tpu.memory_space<vmem>>) dst(%dma_wait3A_341 : memref<10240x128xf32, #tpu.memory_space<vmem_shared>>)
        tpu.yield
      }) : () -> ()
      %while3A_335 = arith.constant 0 : i32
      scf.yield %while3A_335 : i32
    }
    %barrier3A_112 = arith.constant 0 : index
    tpu.barrier barrier_id(%barrier3A_112)
    %mul3A_113 = arith.constant 640 : i32
    %mul3A_114 = arith.muli %arg1, %mul3A_113 : i32
    %add3A_115 = arith.constant 0 : i32
    %add3A_116 = arith.addi %mul3A_114, %add3A_115 : i32
    "tpu.region"() ({
      %run_scoped3A = tpu.sem_alloc : memref<!tpu.dma_semaphore, #tpu.memory_space<semaphore_mem>>
      %dma_start3A_233 = arith.constant 0 : i32
      %dma_start3A_234 = tpu.memref_slice %arg6[%add3A_116, %dma_start3A_233] : memref<10240x128xf32, #tpu.memory_space<vmem_shared>> -> memref<128x128xf32, #tpu.memory_space<vmem_shared>>
      %dma_start3A_235 = arith.constant 0 : i32
      %dma_start3A_236 = tpu.memref_slice %arg6[%add3A_116, %dma_start3A_235] : memref<10240x128xf32, #tpu.memory_space<vmem_shared>> -> memref<128x128xf32, #tpu.memory_space<vmem_shared>>
      tpu.enqueue_dma source(%dma_start3A_236 : memref<128x128xf32, #tpu.memory_space<vmem_shared>>) target(%arg7 : memref<128x128xf32, #tpu.memory_space<vmem>>) target_semaphore(%run_scoped3A : memref<!tpu.dma_semaphore, #tpu.memory_space<semaphore_mem>>)
      %dma_wait3A_237 = arith.constant 0 : i32
      %dma_wait3A_238 = tpu.memref_slice %arg6[%add3A_116, %dma_wait3A_237] : memref<10240x128xf32, #tpu.memory_space<vmem_shared>> -> memref<128x128xf32, #tpu.memory_space<vmem_shared>>
      %dma_wait3A_239 = arith.constant 0 : i32
      %dma_wait3A_240 = tpu.memref_slice %arg6[%add3A_116, %dma_wait3A_239] : memref<10240x128xf32, #tpu.memory_space<vmem_shared>> -> memref<128x128xf32, #tpu.memory_space<vmem_shared>>
      tpu.wait_dma2 semaphore(%run_scoped3A : memref<!tpu.dma_semaphore, #tpu.memory_space<semaphore_mem>>) src(%dma_wait3A_240 : memref<128x128xf32, #tpu.memory_space<vmem_shared>>) dst(%arg7 : memref<128x128xf32, #tpu.memory_space<vmem>>)
      tpu.yield
    }) : () -> ()
    %mul3A_117 = arith.constant 640 : i32
    %mul3A_118 = arith.muli %arg1, %mul3A_117 : i32
    %add3A_119 = arith.constant 0 : i32
    %add3A_120 = arith.addi %mul3A_118, %add3A_119 : i32
    %dma_start3A_121 = arith.constant 0 : i32
    %dma_start3A_122 = tpu.memref_slice %arg5[%arg0, %add3A_120, %dma_start3A_121] : memref<2x10240x128xf32, #tpu.memory_space<hbm>> -> memref<1x128x128xf32, #tpu.memory_space<hbm>>
    %dma_start3A_123 = tpu.memref_squeeze %dma_start3A_122 : memref<1x128x128xf32, #tpu.memory_space<hbm>> -> memref<128x128xf32, #tpu.memory_space<hbm>>
    %dma_start3A_124 = arith.constant 0 : i32
    %dma_start3A_125 = tpu.memref_slice %arg5[%arg0, %add3A_120, %dma_start3A_124] : memref<2x10240x128xf32, #tpu.memory_space<hbm>> -> memref<1x128x128xf32, #tpu.memory_space<hbm>>
    %dma_start3A_126 = tpu.memref_squeeze %dma_start3A_125 : memref<1x128x128xf32, #tpu.memory_space<hbm>> -> memref<128x128xf32, #tpu.memory_space<hbm>>
    tpu.enqueue_dma source(%arg7 : memref<128x128xf32, #tpu.memory_space<vmem>>) target(%dma_start3A_126 : memref<128x128xf32, #tpu.memory_space<hbm>>) target_semaphore(%arg14 : memref<!tpu.dma_semaphore, #tpu.memory_space<semaphore_mem>>)
    %mul3A_127 = arith.constant 640 : i32
    %mul3A_128 = arith.muli %arg1, %mul3A_127 : i32
    %add3A_129 = arith.constant 128 : i32
    %add3A_130 = arith.addi %mul3A_128, %add3A_129 : i32
    "tpu.region"() ({
      %run_scoped3A = tpu.sem_alloc : memref<!tpu.dma_semaphore, #tpu.memory_space<semaphore_mem>>
      %dma_start3A_233 = arith.constant 0 : i32
      %dma_start3A_234 = tpu.memref_slice %arg6[%add3A_130, %dma_start3A_233] : memref<10240x128xf32, #tpu.memory_space<vmem_shared>> -> memref<128x128xf32, #tpu.memory_space<vmem_shared>>
      %dma_start3A_235 = arith.constant 0 : i32
      %dma_start3A_236 = tpu.memref_slice %arg6[%add3A_130, %dma_start3A_235] : memref<10240x128xf32, #tpu.memory_space<vmem_shared>> -> memref<128x128xf32, #tpu.memory_space<vmem_shared>>
      tpu.enqueue_dma source(%dma_start3A_236 : memref<128x128xf32, #tpu.memory_space<vmem_shared>>) target(%arg8 : memref<128x128xf32, #tpu.memory_space<vmem>>) target_semaphore(%run_scoped3A : memref<!tpu.dma_semaphore, #tpu.memory_space<semaphore_mem>>)
      %dma_wait3A_237 = arith.constant 0 : i32
      %dma_wait3A_238 = tpu.memref_slice %arg6[%add3A_130, %dma_wait3A_237] : memref<10240x128xf32, #tpu.memory_space<vmem_shared>> -> memref<128x128xf32, #tpu.memory_space<vmem_shared>>
      %dma_wait3A_239 = arith.constant 0 : i32
      %dma_wait3A_240 = tpu.memref_slice %arg6[%add3A_130, %dma_wait3A_239] : memref<10240x128xf32, #tpu.memory_space<vmem_shared>> -> memref<128x128xf32, #tpu.memory_space<vmem_shared>>
      tpu.wait_dma2 semaphore(%run_scoped3A : memref<!tpu.dma_semaphore, #tpu.memory_space<semaphore_mem>>) src(%dma_wait3A_240 : memref<128x128xf32, #tpu.memory_space<vmem_shared>>) dst(%arg8 : memref<128x128xf32, #tpu.memory_space<vmem>>)
      tpu.yield
    }) : () -> ()
    %mul3A_131 = arith.constant 640 : i32
    %mul3A_132 = arith.muli %arg1, %mul3A_131 : i32
    %add3A_133 = arith.constant 128 : i32
    %add3A_134 = arith.addi %mul3A_132, %add3A_133 : i32
    %dma_start3A_135 = arith.constant 0 : i32
    %dma_start3A_136 = tpu.memref_slice %arg5[%arg0, %add3A_134, %dma_start3A_135] : memref<2x10240x128xf32, #tpu.memory_space<hbm>> -> memref<1x128x128xf32, #tpu.memory_space<hbm>>
    %dma_start3A_137 = tpu.memref_squeeze %dma_start3A_136 : memref<1x128x128xf32, #tpu.memory_space<hbm>> -> memref<128x128xf32, #tpu.memory_space<hbm>>
    %dma_start3A_138 = arith.constant 0 : i32
    %dma_start3A_139 = tpu.memref_slice %arg5[%arg0, %add3A_134, %dma_start3A_138] : memref<2x10240x128xf32, #tpu.memory_space<hbm>> -> memref<1x128x128xf32, #tpu.memory_space<hbm>>
    %dma_start3A_140 = tpu.memref_squeeze %dma_start3A_139 : memref<1x128x128xf32, #tpu.memory_space<hbm>> -> memref<128x128xf32, #tpu.memory_space<hbm>>
    tpu.enqueue_dma source(%arg8 : memref<128x128xf32, #tpu.memory_space<vmem>>) target(%dma_start3A_140 : memref<128x128xf32, #tpu.memory_space<hbm>>) target_semaphore(%arg15 : memref<!tpu.dma_semaphore, #tpu.memory_space<semaphore_mem>>)
    %mul3A_141 = arith.constant 640 : i32
    %mul3A_142 = arith.muli %arg1, %mul3A_141 : i32
    %add3A_143 = arith.constant 0 : i32
    %add3A_144 = arith.addi %mul3A_142, %add3A_143 : i32
    %dma_wait3A_145 = arith.constant 0 : i32
    %dma_wait3A_146 = tpu.memref_slice %arg5[%arg0, %add3A_144, %dma_wait3A_145] : memref<2x10240x128xf32, #tpu.memory_space<hbm>> -> memref<1x128x128xf32, #tpu.memory_space<hbm>>
    %dma_wait3A_147 = tpu.memref_squeeze %dma_wait3A_146 : memref<1x128x128xf32, #tpu.memory_space<hbm>> -> memref<128x128xf32, #tpu.memory_space<hbm>>
    %dma_wait3A_148 = arith.constant 0 : i32
    %dma_wait3A_149 = tpu.memref_slice %arg5[%arg0, %add3A_144, %dma_wait3A_148] : memref<2x10240x128xf32, #tpu.memory_space<hbm>> -> memref<1x128x128xf32, #tpu.memory_space<hbm>>
    %dma_wait3A_150 = tpu.memref_squeeze %dma_wait3A_149 : memref<1x128x128xf32, #tpu.memory_space<hbm>> -> memref<128x128xf32, #tpu.memory_space<hbm>>
    tpu.wait_dma2 semaphore(%arg14 : memref<!tpu.dma_semaphore, #tpu.memory_space<semaphore_mem>>) src(%arg7 : memref<128x128xf32, #tpu.memory_space<vmem>>) dst(%dma_wait3A_150 : memref<128x128xf32, #tpu.memory_space<hbm>>)
    %mul3A_151 = arith.constant 640 : i32
    %mul3A_152 = arith.muli %arg1, %mul3A_151 : i32
    %add3A_153 = arith.constant 256 : i32
    %add3A_154 = arith.addi %mul3A_152, %add3A_153 : i32
    "tpu.region"() ({
      %run_scoped3A = tpu.sem_alloc : memref<!tpu.dma_semaphore, #tpu.memory_space<semaphore_mem>>
      %dma_start3A_233 = arith.constant 0 : i32
      %dma_start3A_234 = tpu.memref_slice %arg6[%add3A_154, %dma_start3A_233] : memref<10240x128xf32, #tpu.memory_space<vmem_shared>> -> memref<128x128xf32, #tpu.memory_space<vmem_shared>>
      %dma_start3A_235 = arith.constant 0 : i32
      %dma_start3A_236 = tpu.memref_slice %arg6[%add3A_154, %dma_start3A_235] : memref<10240x128xf32, #tpu.memory_space<vmem_shared>> -> memref<128x128xf32, #tpu.memory_space<vmem_shared>>
      tpu.enqueue_dma source(%dma_start3A_236 : memref<128x128xf32, #tpu.memory_space<vmem_shared>>) target(%arg7 : memref<128x128xf32, #tpu.memory_space<vmem>>) target_semaphore(%run_scoped3A : memref<!tpu.dma_semaphore, #tpu.memory_space<semaphore_mem>>)
      %dma_wait3A_237 = arith.constant 0 : i32
      %dma_wait3A_238 = tpu.memref_slice %arg6[%add3A_154, %dma_wait3A_237] : memref<10240x128xf32, #tpu.memory_space<vmem_shared>> -> memref<128x128xf32, #tpu.memory_space<vmem_shared>>
      %dma_wait3A_239 = arith.constant 0 : i32
      %dma_wait3A_240 = tpu.memref_slice %arg6[%add3A_154, %dma_wait3A_239] : memref<10240x128xf32, #tpu.memory_space<vmem_shared>> -> memref<128x128xf32, #tpu.memory_space<vmem_shared>>
      tpu.wait_dma2 semaphore(%run_scoped3A : memref<!tpu.dma_semaphore, #tpu.memory_space<semaphore_mem>>) src(%dma_wait3A_240 : memref<128x128xf32, #tpu.memory_space<vmem_shared>>) dst(%arg7 : memref<128x128xf32, #tpu.memory_space<vmem>>)
      tpu.yield
    }) : () -> ()
    %mul3A_155 = arith.constant 640 : i32
    %mul3A_156 = arith.muli %arg1, %mul3A_155 : i32
    %add3A_157 = arith.constant 256 : i32
    %add3A_158 = arith.addi %mul3A_156, %add3A_157 : i32
    %dma_start3A_159 = arith.constant 0 : i32
    %dma_start3A_160 = tpu.memref_slice %arg5[%arg0, %add3A_158, %dma_start3A_159] : memref<2x10240x128xf32, #tpu.memory_space<hbm>> -> memref<1x128x128xf32, #tpu.memory_space<hbm>>
    %dma_start3A_161 = tpu.memref_squeeze %dma_start3A_160 : memref<1x128x128xf32, #tpu.memory_space<hbm>> -> memref<128x128xf32, #tpu.memory_space<hbm>>
    %dma_start3A_162 = arith.constant 0 : i32
    %dma_start3A_163 = tpu.memref_slice %arg5[%arg0, %add3A_158, %dma_start3A_162] : memref<2x10240x128xf32, #tpu.memory_space<hbm>> -> memref<1x128x128xf32, #tpu.memory_space<hbm>>
    %dma_start3A_164 = tpu.memref_squeeze %dma_start3A_163 : memref<1x128x128xf32, #tpu.memory_space<hbm>> -> memref<128x128xf32, #tpu.memory_space<hbm>>
    tpu.enqueue_dma source(%arg7 : memref<128x128xf32, #tpu.memory_space<vmem>>) target(%dma_start3A_164 : memref<128x128xf32, #tpu.memory_space<hbm>>) target_semaphore(%arg14 : memref<!tpu.dma_semaphore, #tpu.memory_space<semaphore_mem>>)
    %mul3A_165 = arith.constant 640 : i32
    %mul3A_166 = arith.muli %arg1, %mul3A_165 : i32
    %add3A_167 = arith.constant 128 : i32
    %add3A_168 = arith.addi %mul3A_166, %add3A_167 : i32
    %dma_wait3A_169 = arith.constant 0 : i32
    %dma_wait3A_170 = tpu.memref_slice %arg5[%arg0, %add3A_168, %dma_wait3A_169] : memref<2x10240x128xf32, #tpu.memory_space<hbm>> -> memref<1x128x128xf32, #tpu.memory_space<hbm>>
    %dma_wait3A_171 = tpu.memref_squeeze %dma_wait3A_170 : memref<1x128x128xf32, #tpu.memory_space<hbm>> -> memref<128x128xf32, #tpu.memory_space<hbm>>
    %dma_wait3A_172 = arith.constant 0 : i32
    %dma_wait3A_173 = tpu.memref_slice %arg5[%arg0, %add3A_168, %dma_wait3A_172] : memref<2x10240x128xf32, #tpu.memory_space<hbm>> -> memref<1x128x128xf32, #tpu.memory_space<hbm>>
    %dma_wait3A_174 = tpu.memref_squeeze %dma_wait3A_173 : memref<1x128x128xf32, #tpu.memory_space<hbm>> -> memref<128x128xf32, #tpu.memory_space<hbm>>
    tpu.wait_dma2 semaphore(%arg15 : memref<!tpu.dma_semaphore, #tpu.memory_space<semaphore_mem>>) src(%arg8 : memref<128x128xf32, #tpu.memory_space<vmem>>) dst(%dma_wait3A_174 : memref<128x128xf32, #tpu.memory_space<hbm>>)
    %mul3A_175 = arith.constant 640 : i32
    %mul3A_176 = arith.muli %arg1, %mul3A_175 : i32
    %add3A_177 = arith.constant 384 : i32
    %add3A_178 = arith.addi %mul3A_176, %add3A_177 : i32
    "tpu.region"() ({
      %run_scoped3A = tpu.sem_alloc : memref<!tpu.dma_semaphore, #tpu.memory_space<semaphore_mem>>
      %dma_start3A_233 = arith.constant 0 : i32
      %dma_start3A_234 = tpu.memref_slice %arg6[%add3A_178, %dma_start3A_233] : memref<10240x128xf32, #tpu.memory_space<vmem_shared>> -> memref<128x128xf32, #tpu.memory_space<vmem_shared>>
      %dma_start3A_235 = arith.constant 0 : i32
      %dma_start3A_236 = tpu.memref_slice %arg6[%add3A_178, %dma_start3A_235] : memref<10240x128xf32, #tpu.memory_space<vmem_shared>> -> memref<128x128xf32, #tpu.memory_space<vmem_shared>>
      tpu.enqueue_dma source(%dma_start3A_236 : memref<128x128xf32, #tpu.memory_space<vmem_shared>>) target(%arg8 : memref<128x128xf32, #tpu.memory_space<vmem>>) target_semaphore(%run_scoped3A : memref<!tpu.dma_semaphore, #tpu.memory_space<semaphore_mem>>)
      %dma_wait3A_237 = arith.constant 0 : i32
      %dma_wait3A_238 = tpu.memref_slice %arg6[%add3A_178, %dma_wait3A_237] : memref<10240x128xf32, #tpu.memory_space<vmem_shared>> -> memref<128x128xf32, #tpu.memory_space<vmem_shared>>
      %dma_wait3A_239 = arith.constant 0 : i32
      %dma_wait3A_240 = tpu.memref_slice %arg6[%add3A_178, %dma_wait3A_239] : memref<10240x128xf32, #tpu.memory_space<vmem_shared>> -> memref<128x128xf32, #tpu.memory_space<vmem_shared>>
      tpu.wait_dma2 semaphore(%run_scoped3A : memref<!tpu.dma_semaphore, #tpu.memory_space<semaphore_mem>>) src(%dma_wait3A_240 : memref<128x128xf32, #tpu.memory_space<vmem_shared>>) dst(%arg8 : memref<128x128xf32, #tpu.memory_space<vmem>>)
      tpu.yield
    }) : () -> ()
    %mul3A_179 = arith.constant 640 : i32
    %mul3A_180 = arith.muli %arg1, %mul3A_179 : i32
    %add3A_181 = arith.constant 384 : i32
    %add3A_182 = arith.addi %mul3A_180, %add3A_181 : i32
    %dma_start3A_183 = arith.constant 0 : i32
    %dma_start3A_184 = tpu.memref_slice %arg5[%arg0, %add3A_182, %dma_start3A_183] : memref<2x10240x128xf32, #tpu.memory_space<hbm>> -> memref<1x128x128xf32, #tpu.memory_space<hbm>>
    %dma_start3A_185 = tpu.memref_squeeze %dma_start3A_184 : memref<1x128x128xf32, #tpu.memory_space<hbm>> -> memref<128x128xf32, #tpu.memory_space<hbm>>
    %dma_start3A_186 = arith.constant 0 : i32
    %dma_start3A_187 = tpu.memref_slice %arg5[%arg0, %add3A_182, %dma_start3A_186] : memref<2x10240x128xf32, #tpu.memory_space<hbm>> -> memref<1x128x128xf32, #tpu.memory_space<hbm>>
    %dma_start3A_188 = tpu.memref_squeeze %dma_start3A_187 : memref<1x128x128xf32, #tpu.memory_space<hbm>> -> memref<128x128xf32, #tpu.memory_space<hbm>>
    tpu.enqueue_dma source(%arg8 : memref<128x128xf32, #tpu.memory_space<vmem>>) target(%dma_start3A_188 : memref<128x128xf32, #tpu.memory_space<hbm>>) target_semaphore(%arg15 : memref<!tpu.dma_semaphore, #tpu.memory_space<semaphore_mem>>)
    %mul3A_189 = arith.constant 640 : i32
    %mul3A_190 = arith.muli %arg1, %mul3A_189 : i32
    %add3A_191 = arith.constant 256 : i32
    %add3A_192 = arith.addi %mul3A_190, %add3A_191 : i32
    %dma_wait3A_193 = arith.constant 0 : i32
    %dma_wait3A_194 = tpu.memref_slice %arg5[%arg0, %add3A_192, %dma_wait3A_193] : memref<2x10240x128xf32, #tpu.memory_space<hbm>> -> memref<1x128x128xf32, #tpu.memory_space<hbm>>
    %dma_wait3A_195 = tpu.memref_squeeze %dma_wait3A_194 : memref<1x128x128xf32, #tpu.memory_space<hbm>> -> memref<128x128xf32, #tpu.memory_space<hbm>>
    %dma_wait3A_196 = arith.constant 0 : i32
    %dma_wait3A_197 = tpu.memref_slice %arg5[%arg0, %add3A_192, %dma_wait3A_196] : memref<2x10240x128xf32, #tpu.memory_space<hbm>> -> memref<1x128x128xf32, #tpu.memory_space<hbm>>
    %dma_wait3A_198 = tpu.memref_squeeze %dma_wait3A_197 : memref<1x128x128xf32, #tpu.memory_space<hbm>> -> memref<128x128xf32, #tpu.memory_space<hbm>>
    tpu.wait_dma2 semaphore(%arg14 : memref<!tpu.dma_semaphore, #tpu.memory_space<semaphore_mem>>) src(%arg7 : memref<128x128xf32, #tpu.memory_space<vmem>>) dst(%dma_wait3A_198 : memref<128x128xf32, #tpu.memory_space<hbm>>)
    %mul3A_199 = arith.constant 640 : i32
    %mul3A_200 = arith.muli %arg1, %mul3A_199 : i32
    %add3A_201 = arith.constant 512 : i32
    %add3A_202 = arith.addi %mul3A_200, %add3A_201 : i32
    "tpu.region"() ({
      %run_scoped3A = tpu.sem_alloc : memref<!tpu.dma_semaphore, #tpu.memory_space<semaphore_mem>>
      %dma_start3A_233 = arith.constant 0 : i32
      %dma_start3A_234 = tpu.memref_slice %arg6[%add3A_202, %dma_start3A_233] : memref<10240x128xf32, #tpu.memory_space<vmem_shared>> -> memref<128x128xf32, #tpu.memory_space<vmem_shared>>
      %dma_start3A_235 = arith.constant 0 : i32
      %dma_start3A_236 = tpu.memref_slice %arg6[%add3A_202, %dma_start3A_235] : memref<10240x128xf32, #tpu.memory_space<vmem_shared>> -> memref<128x128xf32, #tpu.memory_space<vmem_shared>>
      tpu.enqueue_dma source(%dma_start3A_236 : memref<128x128xf32, #tpu.memory_space<vmem_shared>>) target(%arg7 : memref<128x128xf32, #tpu.memory_space<vmem>>) target_semaphore(%run_scoped3A : memref<!tpu.dma_semaphore, #tpu.memory_space<semaphore_mem>>)
      %dma_wait3A_237 = arith.constant 0 : i32
      %dma_wait3A_238 = tpu.memref_slice %arg6[%add3A_202, %dma_wait3A_237] : memref<10240x128xf32, #tpu.memory_space<vmem_shared>> -> memref<128x128xf32, #tpu.memory_space<vmem_shared>>
      %dma_wait3A_239 = arith.constant 0 : i32
      %dma_wait3A_240 = tpu.memref_slice %arg6[%add3A_202, %dma_wait3A_239] : memref<10240x128xf32, #tpu.memory_space<vmem_shared>> -> memref<128x128xf32, #tpu.memory_space<vmem_shared>>
      tpu.wait_dma2 semaphore(%run_scoped3A : memref<!tpu.dma_semaphore, #tpu.memory_space<semaphore_mem>>) src(%dma_wait3A_240 : memref<128x128xf32, #tpu.memory_space<vmem_shared>>) dst(%arg7 : memref<128x128xf32, #tpu.memory_space<vmem>>)
      tpu.yield
    }) : () -> ()
    %mul3A_203 = arith.constant 640 : i32
    %mul3A_204 = arith.muli %arg1, %mul3A_203 : i32
    %add3A_205 = arith.constant 512 : i32
    %add3A_206 = arith.addi %mul3A_204, %add3A_205 : i32
    %dma_start3A_207 = arith.constant 0 : i32
    %dma_start3A_208 = tpu.memref_slice %arg5[%arg0, %add3A_206, %dma_start3A_207] : memref<2x10240x128xf32, #tpu.memory_space<hbm>> -> memref<1x128x128xf32, #tpu.memory_space<hbm>>
    %dma_start3A_209 = tpu.memref_squeeze %dma_start3A_208 : memref<1x128x128xf32, #tpu.memory_space<hbm>> -> memref<128x128xf32, #tpu.memory_space<hbm>>
    %dma_start3A_210 = arith.constant 0 : i32
    %dma_start3A_211 = tpu.memref_slice %arg5[%arg0, %add3A_206, %dma_start3A_210] : memref<2x10240x128xf32, #tpu.memory_space<hbm>> -> memref<1x128x128xf32, #tpu.memory_space<hbm>>
    %dma_start3A_212 = tpu.memref_squeeze %dma_start3A_211 : memref<1x128x128xf32, #tpu.memory_space<hbm>> -> memref<128x128xf32, #tpu.memory_space<hbm>>
    tpu.enqueue_dma source(%arg7 : memref<128x128xf32, #tpu.memory_space<vmem>>) target(%dma_start3A_212 : memref<128x128xf32, #tpu.memory_space<hbm>>) target_semaphore(%arg14 : memref<!tpu.dma_semaphore, #tpu.memory_space<semaphore_mem>>)
    %mul3A_213 = arith.constant 640 : i32
    %mul3A_214 = arith.muli %arg1, %mul3A_213 : i32
    %add3A_215 = arith.constant 384 : i32
    %add3A_216 = arith.addi %mul3A_214, %add3A_215 : i32
    %dma_wait3A_217 = arith.constant 0 : i32
    %dma_wait3A_218 = tpu.memref_slice %arg5[%arg0, %add3A_216, %dma_wait3A_217] : memref<2x10240x128xf32, #tpu.memory_space<hbm>> -> memref<1x128x128xf32, #tpu.memory_space<hbm>>
    %dma_wait3A_219 = tpu.memref_squeeze %dma_wait3A_218 : memref<1x128x128xf32, #tpu.memory_space<hbm>> -> memref<128x128xf32, #tpu.memory_space<hbm>>
    %dma_wait3A_220 = arith.constant 0 : i32
    %dma_wait3A_221 = tpu.memref_slice %arg5[%arg0, %add3A_216, %dma_wait3A_220] : memref<2x10240x128xf32, #tpu.memory_space<hbm>> -> memref<1x128x128xf32, #tpu.memory_space<hbm>>
    %dma_wait3A_222 = tpu.memref_squeeze %dma_wait3A_221 : memref<1x128x128xf32, #tpu.memory_space<hbm>> -> memref<128x128xf32, #tpu.memory_space<hbm>>
    tpu.wait_dma2 semaphore(%arg15 : memref<!tpu.dma_semaphore, #tpu.memory_space<semaphore_mem>>) src(%arg8 : memref<128x128xf32, #tpu.memory_space<vmem>>) dst(%dma_wait3A_222 : memref<128x128xf32, #tpu.memory_space<hbm>>)
    %mul3A_223 = arith.constant 640 : i32
    %mul3A_224 = arith.muli %arg1, %mul3A_223 : i32
    %add3A_225 = arith.constant 512 : i32
    %add3A_226 = arith.addi %mul3A_224, %add3A_225 : i32
    %dma_wait3A_227 = arith.constant 0 : i32
    %dma_wait3A_228 = tpu.memref_slice %arg5[%arg0, %add3A_226, %dma_wait3A_227] : memref<2x10240x128xf32, #tpu.memory_space<hbm>> -> memref<1x128x128xf32, #tpu.memory_space<hbm>>
    %dma_wait3A_229 = tpu.memref_squeeze %dma_wait3A_228 : memref<1x128x128xf32, #tpu.memory_space<hbm>> -> memref<128x128xf32, #tpu.memory_space<hbm>>
    %dma_wait3A_230 = arith.constant 0 : i32
    %dma_wait3A_231 = tpu.memref_slice %arg5[%arg0, %add3A_226, %dma_wait3A_230] : memref<2x10240x128xf32, #tpu.memory_space<hbm>> -> memref<1x128x128xf32, #tpu.memory_space<hbm>>
    %dma_wait3A_232 = tpu.memref_squeeze %dma_wait3A_231 : memref<1x128x128xf32, #tpu.memory_space<hbm>> -> memref<128x128xf32, #tpu.memory_space<hbm>>
    tpu.wait_dma2 semaphore(%arg14 : memref<!tpu.dma_semaphore, #tpu.memory_space<semaphore_mem>>) src(%arg7 : memref<128x128xf32, #tpu.memory_space<vmem>>) dst(%dma_wait3A_232 : memref<128x128xf32, #tpu.memory_space<hbm>>)
    return
  }
}

module attributes {stable_mosaic.version = 14 : i64} {
  func.func @_tc_b1(%arg0: i32, %arg1: memref<2x1000x16xf32, #tpu.memory_space<vmem>>, %arg2: memref<1000x128xf32, #tpu.memory_space<vmem>>, %arg3: memref<128x128xf32, #tpu.memory_space<vmem>>, %arg4: memref<1000x128xf32, #tpu.memory_space<vmem>>) attributes {dimension_semantics = [#tpu.dimension_semantics<arbitrary>], iteration_bounds = array<i64: 10>, scalar_prefetch = 0 : i64, scratch_operands = 0 : i64, tpu.core_type = #tpu.core_type<tc>, window_params = [{transform_indices = @transform_0, window_bounds = array<i64: 2, 1000, 16>}, {transform_indices = @transform_1, window_bounds = array<i64: 1000, 128>}, {pipeline_mode = #tpu.pipeline_mode<synchronous>, transform_indices = @transform_2, window_bounds = array<i64: 128, 128>}, {transform_indices = @transform_3, window_bounds = array<i64: 1000, 128>}]} {
    %get3A = arith.constant 0 : index
    %get3A_0 = arith.constant 0 : index
    %get3A_1 = arith.constant 0 : index
    %get3A_2 = vector.load %arg1[%get3A, %get3A_0, %get3A_1] : memref<2x1000x16xf32, #tpu.memory_space<vmem>>, vector<1x1000x16xf32>
    %get3A_3 = vector.shape_cast %get3A_2 : vector<1x1000x16xf32> to vector<1000x16xf32>
    %get3A_4 = arith.constant 1 : index
    %get3A_5 = arith.constant 0 : index
    %get3A_6 = arith.constant 0 : index
    %get3A_7 = vector.load %arg1[%get3A_4, %get3A_5, %get3A_6] : memref<2x1000x16xf32, #tpu.memory_space<vmem>>, vector<1x1000x16xf32>
    %get3A_8 = vector.shape_cast %get3A_7 : vector<1x1000x16xf32> to vector<1000x16xf32>
    %add3A = arith.addf %get3A_3, %get3A_8 : vector<1000x16xf32>
    %slice3A = vector.extract_strided_slice %add3A {offsets = [0, 0], sizes = [1000, 1], strides = [1, 1]} : vector<1000x16xf32> to vector<1000x1xf32>
    %add3A_9 = arith.constant 1.000000e+00 : f32
    %add3A_10 = vector.broadcast %add3A_9 : f32 to vector<1000x1xf32>
    %add3A_11 = arith.addf %slice3A, %add3A_10 : vector<1000x1xf32>
    %rsqrt3A = math.rsqrt %add3A_11 : vector<1000x1xf32>
    %get3A_12 = arith.constant 0 : index
    %get3A_13 = arith.constant 0 : index
    %get3A_14 = vector.load %arg2[%get3A_12, %get3A_13] : memref<1000x128xf32, #tpu.memory_space<vmem>>, vector<1000x128xf32>
    %get3A_15 = arith.constant 0 : index
    %get3A_16 = arith.constant 0 : index
    %get3A_17 = vector.load %arg3[%get3A_15, %get3A_16] : memref<128x128xf32, #tpu.memory_space<vmem>>, vector<128x128xf32>
    %dot_general3A = arith.constant dense<0.000000e+00> : vector<1000x128xf32>
    %dot_general3A_18 = tpu.matmul %get3A_14, %get3A_17, %dot_general3A {dimension_numbers = #tpu.dot_dimension_numbers<[1], [0], [0], [1], [0, 0, 1, 1], [], []>, transpose_lhs_hint = false} : vector<1000x128xf32>, vector<128x128xf32>, vector<1000x128xf32> -> vector<1000x128xf32>
    %mul3A = vector.broadcast %rsqrt3A : vector<1000x1xf32> to vector<1000x128xf32>
    %mul3A_19 = arith.mulf %dot_general3A_18, %mul3A : vector<1000x128xf32>
    %swap3A = arith.constant 0 : index
    %swap3A_20 = arith.constant 0 : index
    %swap3A_21 = vector.load %arg4[%swap3A, %swap3A_20] : memref<1000x128xf32, #tpu.memory_space<vmem>>, vector<1000x128xf32>
    tpu.vector_store %arg4[%swap3A, %swap3A_20], %mul3A_19 {strides = array<i32>} : memref<1000x128xf32, #tpu.memory_space<vmem>>, vector<1000x128xf32>,
    return
  }
  func.func @transform_0(%arg0: i32) -> (i32, i32, i32) {
    %c0_i32 = arith.constant 0 : i32
    %c0_i32_0 = arith.constant 0 : i32
    %c0_i32_1 = arith.constant 0 : i32
    return %c0_i32, %arg0, %c0_i32_0 : i32, i32, i32
  }
  func.func @transform_1(%arg0: i32) -> (i32, i32) {
    %c0_i32 = arith.constant 0 : i32
    %c0_i32_0 = arith.constant 0 : i32
    return %arg0, %c0_i32 : i32, i32
  }
  func.func @transform_2(%arg0: i32) -> (i32, i32) {
    %c0_i32 = arith.constant 0 : i32
    %c0_i32_0 = arith.constant 0 : i32
    %c0_i32_1 = arith.constant 0 : i32
    return %c0_i32, %c0_i32_0 : i32, i32
  }
  func.func @transform_3(%arg0: i32) -> (i32, i32) {
    %c0_i32 = arith.constant 0 : i32
    %c0_i32_0 = arith.constant 0 : i32
    return %arg0, %c0_i32 : i32, i32
  }
}

module attributes {stable_mosaic.version = 14 : i64} {
  func.func @_tc_b2(%arg0: i32, %arg1: memref<2x1000x16xf32, #tpu.memory_space<vmem>>, %arg2: memref<2x1000x128xf32, #tpu.memory_space<vmem>>, %arg3: memref<1000x128xf32, #tpu.memory_space<vmem>>, %arg4: memref<1x128xf32, #tpu.memory_space<vmem>>, %arg5: memref<128x128xf32, #tpu.memory_space<vmem>>, %arg6: memref<1000x128xf32, #tpu.memory_space<vmem>>) attributes {dimension_semantics = [#tpu.dimension_semantics<arbitrary>], iteration_bounds = array<i64: 10>, scalar_prefetch = 0 : i64, scratch_operands = 0 : i64, tpu.core_type = #tpu.core_type<tc>, window_params = [{transform_indices = @transform_0, window_bounds = array<i64: 2, 1000, 16>}, {transform_indices = @transform_1, window_bounds = array<i64: 2, 1000, 128>}, {transform_indices = @transform_2, window_bounds = array<i64: 1000, 128>}, {pipeline_mode = #tpu.pipeline_mode<synchronous>, transform_indices = @transform_3, window_bounds = array<i64: 1, 128>}, {pipeline_mode = #tpu.pipeline_mode<synchronous>, transform_indices = @transform_4, window_bounds = array<i64: 128, 128>}, {transform_indices = @transform_5, window_bounds = array<i64: 1000, 128>}]} {
    %get3A = arith.constant 0 : index
    %get3A_0 = arith.constant 0 : index
    %get3A_1 = arith.constant 0 : index
    %get3A_2 = vector.load %arg1[%get3A, %get3A_0, %get3A_1] : memref<2x1000x16xf32, #tpu.memory_space<vmem>>, vector<1x1000x16xf32>
    %get3A_3 = vector.shape_cast %get3A_2 : vector<1x1000x16xf32> to vector<1000x16xf32>
    %get3A_4 = arith.constant 1 : index
    %get3A_5 = arith.constant 0 : index
    %get3A_6 = arith.constant 0 : index
    %get3A_7 = vector.load %arg1[%get3A_4, %get3A_5, %get3A_6] : memref<2x1000x16xf32, #tpu.memory_space<vmem>>, vector<1x1000x16xf32>
    %get3A_8 = vector.shape_cast %get3A_7 : vector<1x1000x16xf32> to vector<1000x16xf32>
    %add3A = arith.addf %get3A_3, %get3A_8 : vector<1000x16xf32>
    %slice3A = vector.extract_strided_slice %add3A {offsets = [0, 0], sizes = [1000, 1], strides = [1, 1]} : vector<1000x16xf32> to vector<1000x1xf32>
    %add3A_9 = arith.constant 1.000000e+00 : f32
    %add3A_10 = vector.broadcast %add3A_9 : f32 to vector<1000x1xf32>
    %add3A_11 = arith.addf %slice3A, %add3A_10 : vector<1000x1xf32>
    %rsqrt3A = math.rsqrt %add3A_11 : vector<1000x1xf32>
    %get3A_12 = arith.constant 0 : index
    %get3A_13 = arith.constant 0 : index
    %get3A_14 = arith.constant 0 : index
    %get3A_15 = vector.load %arg2[%get3A_12, %get3A_13, %get3A_14] : memref<2x1000x128xf32, #tpu.memory_space<vmem>>, vector<1x1000x128xf32>
    %get3A_16 = vector.shape_cast %get3A_15 : vector<1x1000x128xf32> to vector<1000x128xf32>
    %get3A_17 = arith.constant 1 : index
    %get3A_18 = arith.constant 0 : index
    %get3A_19 = arith.constant 0 : index
    %get3A_20 = vector.load %arg2[%get3A_17, %get3A_18, %get3A_19] : memref<2x1000x128xf32, #tpu.memory_space<vmem>>, vector<1x1000x128xf32>
    %get3A_21 = vector.shape_cast %get3A_20 : vector<1x1000x128xf32> to vector<1000x128xf32>
    %add3A_22 = arith.addf %get3A_16, %get3A_21 : vector<1000x128xf32>
    %get3A_23 = arith.constant 0 : index
    %get3A_24 = arith.constant 0 : index
    %get3A_25 = vector.load %arg3[%get3A_23, %get3A_24] : memref<1000x128xf32, #tpu.memory_space<vmem>>, vector<1000x128xf32>
    %add3A_26 = arith.addf %add3A_22, %get3A_25 : vector<1000x128xf32>
    %mul3A = vector.broadcast %rsqrt3A : vector<1000x1xf32> to vector<1000x128xf32>
    %mul3A_27 = arith.mulf %add3A_26, %mul3A : vector<1000x128xf32>
    %get3A_28 = arith.constant 0 : index
    %get3A_29 = arith.constant 0 : index
    %get3A_30 = vector.load %arg4[%get3A_28, %get3A_29] : memref<1x128xf32, #tpu.memory_space<vmem>>, vector<1x128xf32>
    %add3A_31 = vector.broadcast %get3A_30 : vector<1x128xf32> to vector<1000x128xf32>
    %add3A_32 = arith.addf %mul3A_27, %add3A_31 : vector<1000x128xf32>
    %max3A = arith.constant 0.000000e+00 : f32
    %max3A_33 = vector.broadcast %max3A : f32 to vector<1000x128xf32>
    %max3A_34 = arith.maximumf %add3A_32, %max3A_33 : vector<1000x128xf32>
    %get3A_35 = arith.constant 0 : index
    %get3A_36 = arith.constant 0 : index
    %get3A_37 = vector.load %arg5[%get3A_35, %get3A_36] : memref<128x128xf32, #tpu.memory_space<vmem>>, vector<128x128xf32>
    %dot_general3A = arith.constant dense<0.000000e+00> : vector<1000x128xf32>
    %dot_general3A_38 = tpu.matmul %max3A_34, %get3A_37, %dot_general3A {dimension_numbers = #tpu.dot_dimension_numbers<[1], [0], [0], [1], [0, 0, 1, 1], [], []>, transpose_lhs_hint = false} : vector<1000x128xf32>, vector<128x128xf32>, vector<1000x128xf32> -> vector<1000x128xf32>
    %mul3A_39 = vector.broadcast %rsqrt3A : vector<1000x1xf32> to vector<1000x128xf32>
    %mul3A_40 = arith.mulf %dot_general3A_38, %mul3A_39 : vector<1000x128xf32>
    %swap3A = arith.constant 0 : index
    %swap3A_41 = arith.constant 0 : index
    %swap3A_42 = vector.load %arg6[%swap3A, %swap3A_41] : memref<1000x128xf32, #tpu.memory_space<vmem>>, vector<1000x128xf32>
    tpu.vector_store %arg6[%swap3A, %swap3A_41], %mul3A_40 {strides = array<i32>} : memref<1000x128xf32, #tpu.memory_space<vmem>>, vector<1000x128xf32>,
    return
  }
  func.func @transform_0(%arg0: i32) -> (i32, i32, i32) {
    %c0_i32 = arith.constant 0 : i32
    %c0_i32_0 = arith.constant 0 : i32
    %c0_i32_1 = arith.constant 0 : i32
    return %c0_i32, %arg0, %c0_i32_0 : i32, i32, i32
  }
  func.func @transform_1(%arg0: i32) -> (i32, i32, i32) {
    %c0_i32 = arith.constant 0 : i32
    %c0_i32_0 = arith.constant 0 : i32
    %c0_i32_1 = arith.constant 0 : i32
    return %c0_i32, %arg0, %c0_i32_0 : i32, i32, i32
  }
  func.func @transform_2(%arg0: i32) -> (i32, i32) {
    %c0_i32 = arith.constant 0 : i32
    %c0_i32_0 = arith.constant 0 : i32
    return %arg0, %c0_i32 : i32, i32
  }
  func.func @transform_3(%arg0: i32) -> (i32, i32) {
    %c0_i32 = arith.constant 0 : i32
    %c0_i32_0 = arith.constant 0 : i32
    %c0_i32_1 = arith.constant 0 : i32
    return %c0_i32, %c0_i32_0 : i32, i32
  }
  func.func @transform_4(%arg0: i32) -> (i32, i32) {
    %c0_i32 = arith.constant 0 : i32
    %c0_i32_0 = arith.constant 0 : i32
    %c0_i32_1 = arith.constant 0 : i32
    return %c0_i32, %c0_i32_0 : i32, i32
  }
  func.func @transform_5(%arg0: i32) -> (i32, i32) {
    %c0_i32 = arith.constant 0 : i32
    %c0_i32_0 = arith.constant 0 : i32
    return %arg0, %c0_i32 : i32, i32
  }
}

module attributes {stable_mosaic.version = 14 : i64} {
  func.func @_tc_b3(%arg0: i32, %arg1: memref<2x1000x16xf32, #tpu.memory_space<vmem>>, %arg2: memref<2x1000x128xf32, #tpu.memory_space<vmem>>, %arg3: memref<1000x128xf32, #tpu.memory_space<vmem>>, %arg4: memref<1x128xf32, #tpu.memory_space<vmem>>, %arg5: memref<1000x128xf32, #tpu.memory_space<vmem>>, %arg6: memref<1000x128xf32, #tpu.memory_space<vmem>>, %arg7: memref<1000x128xf32, #tpu.memory_space<vmem>>, %arg8: memref<128x384xf32, #tpu.memory_space<vmem>>, %arg9: memref<128x384xf32, #tpu.memory_space<vmem>>, %arg10: memref<1x384xf32, #tpu.memory_space<vmem>>, %arg11: memref<1x384xf32, #tpu.memory_space<vmem>>, %arg12: memref<128x384xf32, #tpu.memory_space<vmem>>, %arg13: memref<128x384xf32, #tpu.memory_space<vmem>>, %arg14: memref<1x384xf32, #tpu.memory_space<vmem>>, %arg15: memref<1x384xf32, #tpu.memory_space<vmem>>, %arg16: memref<128x384xf32, #tpu.memory_space<vmem>>, %arg17: memref<128x384xf32, #tpu.memory_space<vmem>>, %arg18: memref<1x384xf32, #tpu.memory_space<vmem>>, %arg19: memref<1x384xf32, #tpu.memory_space<vmem>>, %arg20: memref<1000x128xf32, #tpu.memory_space<vmem>>, %arg21: memref<1000x128xf32, #tpu.memory_space<vmem>>, %arg22: memref<1000x128xf32, #tpu.memory_space<vmem>>) attributes {dimension_semantics = [#tpu.dimension_semantics<arbitrary>], iteration_bounds = array<i64: 10>, scalar_prefetch = 0 : i64, scratch_operands = 0 : i64, tpu.core_type = #tpu.core_type<tc>, window_params = [{transform_indices = @transform_0, window_bounds = array<i64: 2, 1000, 16>}, {transform_indices = @transform_1, window_bounds = array<i64: 2, 1000, 128>}, {transform_indices = @transform_2, window_bounds = array<i64: 1000, 128>}, {pipeline_mode = #tpu.pipeline_mode<synchronous>, transform_indices = @transform_3, window_bounds = array<i64: 1, 128>}, {transform_indices = @transform_4, window_bounds = array<i64: 1000, 128>}, {transform_indices = @transform_5, window_bounds = array<i64: 1000, 128>}, {transform_indices = @transform_6, window_bounds = array<i64: 1000, 128>}, {pipeline_mode = #tpu.pipeline_mode<synchronous>, transform_indices = @transform_7, window_bounds = array<i64: 128, 384>}, {pipeline_mode = #tpu.pipeline_mode<synchronous>, transform_indices = @transform_8, window_bounds = array<i64: 128, 384>}, {pipeline_mode = #tpu.pipeline_mode<synchronous>, transform_indices = @transform_9, window_bounds = array<i64: 1, 384>}, {pipeline_mode = #tpu.pipeline_mode<synchronous>, transform_indices = @transform_10, window_bounds = array<i64: 1, 384>}, {pipeline_mode = #tpu.pipeline_mode<synchronous>, transform_indices = @transform_11, window_bounds = array<i64: 128, 384>}, {pipeline_mode = #tpu.pipeline_mode<synchronous>, transform_indices = @transform_12, window_bounds = array<i64: 128, 384>}, {pipeline_mode = #tpu.pipeline_mode<synchronous>, transform_indices = @transform_13, window_bounds = array<i64: 1, 384>}, {pipeline_mode = #tpu.pipeline_mode<synchronous>, transform_indices = @transform_14, window_bounds = array<i64: 1, 384>}, {pipeline_mode = #tpu.pipeline_mode<synchronous>, transform_indices = @transform_15, window_bounds = array<i64: 128, 384>}, {pipeline_mode = #tpu.pipeline_mode<synchronous>, transform_indices = @transform_16, window_bounds = array<i64: 128, 384>}, {pipeline_mode = #tpu.pipeline_mode<synchronous>, transform_indices = @transform_17, window_bounds = array<i64: 1, 384>}, {pipeline_mode = #tpu.pipeline_mode<synchronous>, transform_indices = @transform_18, window_bounds = array<i64: 1, 384>}, {transform_indices = @transform_19, window_bounds = array<i64: 1000, 128>}, {transform_indices = @transform_20, window_bounds = array<i64: 1000, 128>}, {transform_indices = @transform_21, window_bounds = array<i64: 1000, 128>}]} {
    %get3A = arith.constant 0 : index
    %get3A_0 = arith.constant 0 : index
    %get3A_1 = arith.constant 0 : index
    %get3A_2 = vector.load %arg1[%get3A, %get3A_0, %get3A_1] : memref<2x1000x16xf32, #tpu.memory_space<vmem>>, vector<1x1000x16xf32>
    %get3A_3 = vector.shape_cast %get3A_2 : vector<1x1000x16xf32> to vector<1000x16xf32>
    %get3A_4 = arith.constant 1 : index
    %get3A_5 = arith.constant 0 : index
    %get3A_6 = arith.constant 0 : index
    %get3A_7 = vector.load %arg1[%get3A_4, %get3A_5, %get3A_6] : memref<2x1000x16xf32, #tpu.memory_space<vmem>>, vector<1x1000x16xf32>
    %get3A_8 = vector.shape_cast %get3A_7 : vector<1x1000x16xf32> to vector<1000x16xf32>
    %add3A = arith.addf %get3A_3, %get3A_8 : vector<1000x16xf32>
    %slice3A = vector.extract_strided_slice %add3A {offsets = [0, 0], sizes = [1000, 1], strides = [1, 1]} : vector<1000x16xf32> to vector<1000x1xf32>
    %add3A_9 = arith.constant 1.000000e+00 : f32
    %add3A_10 = vector.broadcast %add3A_9 : f32 to vector<1000x1xf32>
    %add3A_11 = arith.addf %slice3A, %add3A_10 : vector<1000x1xf32>
    %rsqrt3A = math.rsqrt %add3A_11 : vector<1000x1xf32>
    %get3A_12 = arith.constant 0 : index
    %get3A_13 = arith.constant 0 : index
    %get3A_14 = arith.constant 0 : index
    %get3A_15 = vector.load %arg2[%get3A_12, %get3A_13, %get3A_14] : memref<2x1000x128xf32, #tpu.memory_space<vmem>>, vector<1x1000x128xf32>
    %get3A_16 = vector.shape_cast %get3A_15 : vector<1x1000x128xf32> to vector<1000x128xf32>
    %get3A_17 = arith.constant 1 : index
    %get3A_18 = arith.constant 0 : index
    %get3A_19 = arith.constant 0 : index
    %get3A_20 = vector.load %arg2[%get3A_17, %get3A_18, %get3A_19] : memref<2x1000x128xf32, #tpu.memory_space<vmem>>, vector<1x1000x128xf32>
    %get3A_21 = vector.shape_cast %get3A_20 : vector<1x1000x128xf32> to vector<1000x128xf32>
    %add3A_22 = arith.addf %get3A_16, %get3A_21 : vector<1000x128xf32>
    %get3A_23 = arith.constant 0 : index
    %get3A_24 = arith.constant 0 : index
    %get3A_25 = vector.load %arg3[%get3A_23, %get3A_24] : memref<1000x128xf32, #tpu.memory_space<vmem>>, vector<1000x128xf32>
    %add3A_26 = arith.addf %add3A_22, %get3A_25 : vector<1000x128xf32>
    %mul3A = vector.broadcast %rsqrt3A : vector<1000x1xf32> to vector<1000x128xf32>
    %mul3A_27 = arith.mulf %add3A_26, %mul3A : vector<1000x128xf32>
    %get3A_28 = arith.constant 0 : index
    %get3A_29 = arith.constant 0 : index
    %get3A_30 = vector.load %arg4[%get3A_28, %get3A_29] : memref<1x128xf32, #tpu.memory_space<vmem>>, vector<1x128xf32>
    %add3A_31 = vector.broadcast %get3A_30 : vector<1x128xf32> to vector<1000x128xf32>
    %add3A_32 = arith.addf %mul3A_27, %add3A_31 : vector<1000x128xf32>
    %max3A = arith.constant 0.000000e+00 : f32
    %max3A_33 = vector.broadcast %max3A : f32 to vector<1000x128xf32>
    %max3A_34 = arith.maximumf %add3A_32, %max3A_33 : vector<1000x128xf32>
    %get3A_35 = arith.constant 0 : index
    %get3A_36 = arith.constant 0 : index
    %get3A_37 = vector.load %arg5[%get3A_35, %get3A_36] : memref<1000x128xf32, #tpu.memory_space<vmem>>, vector<1000x128xf32>
    %get3A_38 = arith.constant 0 : index
    %get3A_39 = arith.constant 0 : index
    %get3A_40 = vector.load %arg8[%get3A_38, %get3A_39] : memref<128x384xf32, #tpu.memory_space<vmem>>, vector<128x384xf32>
    %get3A_41 = arith.constant 0 : index
    %get3A_42 = arith.constant 0 : index
    %get3A_43 = vector.load %arg9[%get3A_41, %get3A_42] : memref<128x384xf32, #tpu.memory_space<vmem>>, vector<128x384xf32>
    %get3A_44 = arith.constant 0 : index
    %get3A_45 = arith.constant 0 : index
    %get3A_46 = vector.load %arg10[%get3A_44, %get3A_45] : memref<1x384xf32, #tpu.memory_space<vmem>>, vector<1x384xf32>
    %get3A_47 = arith.constant 0 : index
    %get3A_48 = arith.constant 0 : index
    %get3A_49 = vector.load %arg11[%get3A_47, %get3A_48] : memref<1x384xf32, #tpu.memory_space<vmem>>, vector<1x384xf32>
    %dot_general3A = arith.constant dense<0.000000e+00> : vector<1000x384xf32>
    %dot_general3A_50 = tpu.matmul %max3A_34, %get3A_40, %dot_general3A {dimension_numbers = #tpu.dot_dimension_numbers<[1], [0], [0], [1], [0, 0, 1, 1], [], []>, transpose_lhs_hint = false} : vector<1000x128xf32>, vector<128x384xf32>, vector<1000x384xf32> -> vector<1000x384xf32>
    %add3A_51 = vector.broadcast %get3A_46 : vector<1x384xf32> to vector<1000x384xf32>
    %add3A_52 = arith.addf %dot_general3A_50, %add3A_51 : vector<1000x384xf32>
    %dot_general3A_53 = arith.constant dense<0.000000e+00> : vector<1000x384xf32>
    %dot_general3A_54 = tpu.matmul %get3A_37, %get3A_43, %dot_general3A_53 {dimension_numbers = #tpu.dot_dimension_numbers<[1], [0], [0], [1], [0, 0, 1, 1], [], []>, transpose_lhs_hint = false} : vector<1000x128xf32>, vector<128x384xf32>, vector<1000x384xf32> -> vector<1000x384xf32>
    %add3A_55 = vector.broadcast %get3A_49 : vector<1x384xf32> to vector<1000x384xf32>
    %add3A_56 = arith.addf %dot_general3A_54, %add3A_55 : vector<1000x384xf32>
    %slice3A_57 = vector.extract_strided_slice %add3A_52 {offsets = [0, 0], sizes = [1000, 128], strides = [1, 1]} : vector<1000x384xf32> to vector<1000x128xf32>
    %slice3A_58 = vector.extract_strided_slice %add3A_52 {offsets = [0, 128], sizes = [1000, 128], strides = [1, 1]} : vector<1000x384xf32> to vector<1000x128xf32>
    %slice3A_59 = vector.extract_strided_slice %add3A_52 {offsets = [0, 256], sizes = [1000, 128], strides = [1, 1]} : vector<1000x384xf32> to vector<1000x128xf32>
    %slice3A_60 = vector.extract_strided_slice %add3A_56 {offsets = [0, 0], sizes = [1000, 128], strides = [1, 1]} : vector<1000x384xf32> to vector<1000x128xf32>
    %slice3A_61 = vector.extract_strided_slice %add3A_56 {offsets = [0, 128], sizes = [1000, 128], strides = [1, 1]} : vector<1000x384xf32> to vector<1000x128xf32>
    %slice3A_62 = vector.extract_strided_slice %add3A_56 {offsets = [0, 256], sizes = [1000, 128], strides = [1, 1]} : vector<1000x384xf32> to vector<1000x128xf32>
    %add3A_63 = arith.addf %slice3A_57, %slice3A_60 : vector<1000x128xf32>
    %logistic3A = arith.negf %add3A_63 : vector<1000x128xf32>
    %logistic3A_64 = math.exp %logistic3A : vector<1000x128xf32>
    %logistic3A_65 = arith.constant 1.000000e+00 : f32
    %logistic3A_66 = vector.broadcast %logistic3A_65 : f32 to vector<1000x128xf32>
    %logistic3A_67 = arith.addf %logistic3A_66, %logistic3A_64 : vector<1000x128xf32>
    %logistic3A_68 = arith.divf %logistic3A_66, %logistic3A_67 : vector<1000x128xf32>
    %add3A_69 = arith.addf %slice3A_58, %slice3A_61 : vector<1000x128xf32>
    %logistic3A_70 = arith.negf %add3A_69 : vector<1000x128xf32>
    %logistic3A_71 = math.exp %logistic3A_70 : vector<1000x128xf32>
    %logistic3A_72 = arith.constant 1.000000e+00 : f32
    %logistic3A_73 = vector.broadcast %logistic3A_72 : f32 to vector<1000x128xf32>
    %logistic3A_74 = arith.addf %logistic3A_73, %logistic3A_71 : vector<1000x128xf32>
    %logistic3A_75 = arith.divf %logistic3A_73, %logistic3A_74 : vector<1000x128xf32>
    %mul3A_76 = arith.mulf %logistic3A_68, %slice3A_62 : vector<1000x128xf32>
    %add3A_77 = arith.addf %slice3A_59, %mul3A_76 : vector<1000x128xf32>
    %tanh3A = math.tanh %add3A_77 : vector<1000x128xf32>
    %sub3A = arith.constant 1.000000e+00 : f32
    %sub3A_78 = vector.broadcast %sub3A : f32 to vector<1000x128xf32>
    %sub3A_79 = arith.subf %sub3A_78, %logistic3A_75 : vector<1000x128xf32>
    %mul3A_80 = arith.mulf %sub3A_79, %tanh3A : vector<1000x128xf32>
    %mul3A_81 = arith.mulf %logistic3A_75, %get3A_37 : vector<1000x128xf32>
    %add3A_82 = arith.addf %mul3A_80, %mul3A_81 : vector<1000x128xf32>
    %get3A_83 = arith.constant 0 : index
    %get3A_84 = arith.constant 0 : index
    %get3A_85 = vector.load %arg6[%get3A_83, %get3A_84] : memref<1000x128xf32, #tpu.memory_space<vmem>>, vector<1000x128xf32>
    %get3A_86 = arith.constant 0 : index
    %get3A_87 = arith.constant 0 : index
    %get3A_88 = vector.load %arg12[%get3A_86, %get3A_87] : memref<128x384xf32, #tpu.memory_space<vmem>>, vector<128x384xf32>
    %get3A_89 = arith.constant 0 : index
    %get3A_90 = arith.constant 0 : index
    %get3A_91 = vector.load %arg13[%get3A_89, %get3A_90] : memref<128x384xf32, #tpu.memory_space<vmem>>, vector<128x384xf32>
    %get3A_92 = arith.constant 0 : index
    %get3A_93 = arith.constant 0 : index
    %get3A_94 = vector.load %arg14[%get3A_92, %get3A_93] : memref<1x384xf32, #tpu.memory_space<vmem>>, vector<1x384xf32>
    %get3A_95 = arith.constant 0 : index
    %get3A_96 = arith.constant 0 : index
    %get3A_97 = vector.load %arg15[%get3A_95, %get3A_96] : memref<1x384xf32, #tpu.memory_space<vmem>>, vector<1x384xf32>
    %dot_general3A_98 = arith.constant dense<0.000000e+00> : vector<1000x384xf32>
    %dot_general3A_99 = tpu.matmul %add3A_82, %get3A_88, %dot_general3A_98 {dimension_numbers = #tpu.dot_dimension_numbers<[1], [0], [0], [1], [0, 0, 1, 1], [], []>, transpose_lhs_hint = false} : vector<1000x128xf32>, vector<128x384xf32>, vector<1000x384xf32> -> vector<1000x384xf32>
    %add3A_100 = vector.broadcast %get3A_94 : vector<1x384xf32> to vector<1000x384xf32>
    %add3A_101 = arith.addf %dot_general3A_99, %add3A_100 : vector<1000x384xf32>
    %dot_general3A_102 = arith.constant dense<0.000000e+00> : vector<1000x384xf32>
    %dot_general3A_103 = tpu.matmul %get3A_85, %get3A_91, %dot_general3A_102 {dimension_numbers = #tpu.dot_dimension_numbers<[1], [0], [0], [1], [0, 0, 1, 1], [], []>, transpose_lhs_hint = false} : vector<1000x128xf32>, vector<128x384xf32>, vector<1000x384xf32> -> vector<1000x384xf32>
    %add3A_104 = vector.broadcast %get3A_97 : vector<1x384xf32> to vector<1000x384xf32>
    %add3A_105 = arith.addf %dot_general3A_103, %add3A_104 : vector<1000x384xf32>
    %slice3A_106 = vector.extract_strided_slice %add3A_101 {offsets = [0, 0], sizes = [1000, 128], strides = [1, 1]} : vector<1000x384xf32> to vector<1000x128xf32>
    %slice3A_107 = vector.extract_strided_slice %add3A_101 {offsets = [0, 128], sizes = [1000, 128], strides = [1, 1]} : vector<1000x384xf32> to vector<1000x128xf32>
    %slice3A_108 = vector.extract_strided_slice %add3A_101 {offsets = [0, 256], sizes = [1000, 128], strides = [1, 1]} : vector<1000x384xf32> to vector<1000x128xf32>
    %slice3A_109 = vector.extract_strided_slice %add3A_105 {offsets = [0, 0], sizes = [1000, 128], strides = [1, 1]} : vector<1000x384xf32> to vector<1000x128xf32>
    %slice3A_110 = vector.extract_strided_slice %add3A_105 {offsets = [0, 128], sizes = [1000, 128], strides = [1, 1]} : vector<1000x384xf32> to vector<1000x128xf32>
    %slice3A_111 = vector.extract_strided_slice %add3A_105 {offsets = [0, 256], sizes = [1000, 128], strides = [1, 1]} : vector<1000x384xf32> to vector<1000x128xf32>
    %add3A_112 = arith.addf %slice3A_106, %slice3A_109 : vector<1000x128xf32>
    %logistic3A_113 = arith.negf %add3A_112 : vector<1000x128xf32>
    %logistic3A_114 = math.exp %logistic3A_113 : vector<1000x128xf32>
    %logistic3A_115 = arith.constant 1.000000e+00 : f32
    %logistic3A_116 = vector.broadcast %logistic3A_115 : f32 to vector<1000x128xf32>
    %logistic3A_117 = arith.addf %logistic3A_116, %logistic3A_114 : vector<1000x128xf32>
    %logistic3A_118 = arith.divf %logistic3A_116, %logistic3A_117 : vector<1000x128xf32>
    %add3A_119 = arith.addf %slice3A_107, %slice3A_110 : vector<1000x128xf32>
    %logistic3A_120 = arith.negf %add3A_119 : vector<1000x128xf32>
    %logistic3A_121 = math.exp %logistic3A_120 : vector<1000x128xf32>
    %logistic3A_122 = arith.constant 1.000000e+00 : f32
    %logistic3A_123 = vector.broadcast %logistic3A_122 : f32 to vector<1000x128xf32>
    %logistic3A_124 = arith.addf %logistic3A_123, %logistic3A_121 : vector<1000x128xf32>
    %logistic3A_125 = arith.divf %logistic3A_123, %logistic3A_124 : vector<1000x128xf32>
    %mul3A_126 = arith.mulf %logistic3A_118, %slice3A_111 : vector<1000x128xf32>
    %add3A_127 = arith.addf %slice3A_108, %mul3A_126 : vector<1000x128xf32>
    %tanh3A_128 = math.tanh %add3A_127 : vector<1000x128xf32>
    %sub3A_129 = arith.constant 1.000000e+00 : f32
    %sub3A_130 = vector.broadcast %sub3A_129 : f32 to vector<1000x128xf32>
    %sub3A_131 = arith.subf %sub3A_130, %logistic3A_125 : vector<1000x128xf32>
    %mul3A_132 = arith.mulf %sub3A_131, %tanh3A_128 : vector<1000x128xf32>
    %mul3A_133 = arith.mulf %logistic3A_125, %get3A_85 : vector<1000x128xf32>
    %add3A_134 = arith.addf %mul3A_132, %mul3A_133 : vector<1000x128xf32>
    %get3A_135 = arith.constant 0 : index
    %get3A_136 = arith.constant 0 : index
    %get3A_137 = vector.load %arg7[%get3A_135, %get3A_136] : memref<1000x128xf32, #tpu.memory_space<vmem>>, vector<1000x128xf32>
    %get3A_138 = arith.constant 0 : index
    %get3A_139 = arith.constant 0 : index
    %get3A_140 = vector.load %arg16[%get3A_138, %get3A_139] : memref<128x384xf32, #tpu.memory_space<vmem>>, vector<128x384xf32>
    %get3A_141 = arith.constant 0 : index
    %get3A_142 = arith.constant 0 : index
    %get3A_143 = vector.load %arg17[%get3A_141, %get3A_142] : memref<128x384xf32, #tpu.memory_space<vmem>>, vector<128x384xf32>
    %get3A_144 = arith.constant 0 : index
    %get3A_145 = arith.constant 0 : index
    %get3A_146 = vector.load %arg18[%get3A_144, %get3A_145] : memref<1x384xf32, #tpu.memory_space<vmem>>, vector<1x384xf32>
    %get3A_147 = arith.constant 0 : index
    %get3A_148 = arith.constant 0 : index
    %get3A_149 = vector.load %arg19[%get3A_147, %get3A_148] : memref<1x384xf32, #tpu.memory_space<vmem>>, vector<1x384xf32>
    %dot_general3A_150 = arith.constant dense<0.000000e+00> : vector<1000x384xf32>
    %dot_general3A_151 = tpu.matmul %add3A_134, %get3A_140, %dot_general3A_150 {dimension_numbers = #tpu.dot_dimension_numbers<[1], [0], [0], [1], [0, 0, 1, 1], [], []>, transpose_lhs_hint = false} : vector<1000x128xf32>, vector<128x384xf32>, vector<1000x384xf32> -> vector<1000x384xf32>
    %add3A_152 = vector.broadcast %get3A_146 : vector<1x384xf32> to vector<1000x384xf32>
    %add3A_153 = arith.addf %dot_general3A_151, %add3A_152 : vector<1000x384xf32>
    %dot_general3A_154 = arith.constant dense<0.000000e+00> : vector<1000x384xf32>
    %dot_general3A_155 = tpu.matmul %get3A_137, %get3A_143, %dot_general3A_154 {dimension_numbers = #tpu.dot_dimension_numbers<[1], [0], [0], [1], [0, 0, 1, 1], [], []>, transpose_lhs_hint = false} : vector<1000x128xf32>, vector<128x384xf32>, vector<1000x384xf32> -> vector<1000x384xf32>
    %add3A_156 = vector.broadcast %get3A_149 : vector<1x384xf32> to vector<1000x384xf32>
    %add3A_157 = arith.addf %dot_general3A_155, %add3A_156 : vector<1000x384xf32>
    %slice3A_158 = vector.extract_strided_slice %add3A_153 {offsets = [0, 0], sizes = [1000, 128], strides = [1, 1]} : vector<1000x384xf32> to vector<1000x128xf32>
    %slice3A_159 = vector.extract_strided_slice %add3A_153 {offsets = [0, 128], sizes = [1000, 128], strides = [1, 1]} : vector<1000x384xf32> to vector<1000x128xf32>
    %slice3A_160 = vector.extract_strided_slice %add3A_153 {offsets = [0, 256], sizes = [1000, 128], strides = [1, 1]} : vector<1000x384xf32> to vector<1000x128xf32>
    %slice3A_161 = vector.extract_strided_slice %add3A_157 {offsets = [0, 0], sizes = [1000, 128], strides = [1, 1]} : vector<1000x384xf32> to vector<1000x128xf32>
    %slice3A_162 = vector.extract_strided_slice %add3A_157 {offsets = [0, 128], sizes = [1000, 128], strides = [1, 1]} : vector<1000x384xf32> to vector<1000x128xf32>
    %slice3A_163 = vector.extract_strided_slice %add3A_157 {offsets = [0, 256], sizes = [1000, 128], strides = [1, 1]} : vector<1000x384xf32> to vector<1000x128xf32>
    %add3A_164 = arith.addf %slice3A_158, %slice3A_161 : vector<1000x128xf32>
    %logistic3A_165 = arith.negf %add3A_164 : vector<1000x128xf32>
    %logistic3A_166 = math.exp %logistic3A_165 : vector<1000x128xf32>
    %logistic3A_167 = arith.constant 1.000000e+00 : f32
    %logistic3A_168 = vector.broadcast %logistic3A_167 : f32 to vector<1000x128xf32>
    %logistic3A_169 = arith.addf %logistic3A_168, %logistic3A_166 : vector<1000x128xf32>
    %logistic3A_170 = arith.divf %logistic3A_168, %logistic3A_169 : vector<1000x128xf32>
    %add3A_171 = arith.addf %slice3A_159, %slice3A_162 : vector<1000x128xf32>
    %logistic3A_172 = arith.negf %add3A_171 : vector<1000x128xf32>
    %logistic3A_173 = math.exp %logistic3A_172 : vector<1000x128xf32>
    %logistic3A_174 = arith.constant 1.000000e+00 : f32
    %logistic3A_175 = vector.broadcast %logistic3A_174 : f32 to vector<1000x128xf32>
    %logistic3A_176 = arith.addf %logistic3A_175, %logistic3A_173 : vector<1000x128xf32>
    %logistic3A_177 = arith.divf %logistic3A_175, %logistic3A_176 : vector<1000x128xf32>
    %mul3A_178 = arith.mulf %logistic3A_170, %slice3A_163 : vector<1000x128xf32>
    %add3A_179 = arith.addf %slice3A_160, %mul3A_178 : vector<1000x128xf32>
    %tanh3A_180 = math.tanh %add3A_179 : vector<1000x128xf32>
    %sub3A_181 = arith.constant 1.000000e+00 : f32
    %sub3A_182 = vector.broadcast %sub3A_181 : f32 to vector<1000x128xf32>
    %sub3A_183 = arith.subf %sub3A_182, %logistic3A_177 : vector<1000x128xf32>
    %mul3A_184 = arith.mulf %sub3A_183, %tanh3A_180 : vector<1000x128xf32>
    %mul3A_185 = arith.mulf %logistic3A_177, %get3A_137 : vector<1000x128xf32>
    %add3A_186 = arith.addf %mul3A_184, %mul3A_185 : vector<1000x128xf32>
    %swap3A = arith.constant 0 : index
    %swap3A_187 = arith.constant 0 : index
    %swap3A_188 = vector.load %arg20[%swap3A, %swap3A_187] : memref<1000x128xf32, #tpu.memory_space<vmem>>, vector<1000x128xf32>
    tpu.vector_store %arg20[%swap3A, %swap3A_187], %add3A_82 {strides = array<i32>} : memref<1000x128xf32, #tpu.memory_space<vmem>>, vector<1000x128xf32>,
    %swap3A_189 = arith.constant 0 : index
    %swap3A_190 = arith.constant 0 : index
    %swap3A_191 = vector.load %arg21[%swap3A_189, %swap3A_190] : memref<1000x128xf32, #tpu.memory_space<vmem>>, vector<1000x128xf32>
    tpu.vector_store %arg21[%swap3A_189, %swap3A_190], %add3A_134 {strides = array<i32>} : memref<1000x128xf32, #tpu.memory_space<vmem>>, vector<1000x128xf32>,
    %swap3A_192 = arith.constant 0 : index
    %swap3A_193 = arith.constant 0 : index
    %swap3A_194 = vector.load %arg22[%swap3A_192, %swap3A_193] : memref<1000x128xf32, #tpu.memory_space<vmem>>, vector<1000x128xf32>
    tpu.vector_store %arg22[%swap3A_192, %swap3A_193], %add3A_186 {strides = array<i32>} : memref<1000x128xf32, #tpu.memory_space<vmem>>, vector<1000x128xf32>,
    return
  }
  func.func @transform_0(%arg0: i32) -> (i32, i32, i32) {
    %c0_i32 = arith.constant 0 : i32
    %c0_i32_0 = arith.constant 0 : i32
    %c0_i32_1 = arith.constant 0 : i32
    return %c0_i32, %arg0, %c0_i32_0 : i32, i32, i32
  }
  func.func @transform_1(%arg0: i32) -> (i32, i32, i32) {
    %c0_i32 = arith.constant 0 : i32
    %c0_i32_0 = arith.constant 0 : i32
    %c0_i32_1 = arith.constant 0 : i32
    return %c0_i32, %arg0, %c0_i32_0 : i32, i32, i32
  }
  func.func @transform_2(%arg0: i32) -> (i32, i32) {
    %c0_i32 = arith.constant 0 : i32
    %c0_i32_0 = arith.constant 0 : i32
    return %arg0, %c0_i32 : i32, i32
  }
  func.func @transform_3(%arg0: i32) -> (i32, i32) {
    %c0_i32 = arith.constant 0 : i32
    %c0_i32_0 = arith.constant 0 : i32
    %c0_i32_1 = arith.constant 0 : i32
    return %c0_i32, %c0_i32_0 : i32, i32
  }
  func.func @transform_4(%arg0: i32) -> (i32, i32) {
    %c0_i32 = arith.constant 0 : i32
    %c0_i32_0 = arith.constant 0 : i32
    return %arg0, %c0_i32 : i32, i32
  }
  func.func @transform_5(%arg0: i32) -> (i32, i32) {
    %c0_i32 = arith.constant 0 : i32
    %c0_i32_0 = arith.constant 0 : i32
    return %arg0, %c0_i32 : i32, i32
  }
  func.func @transform_6(%arg0: i32) -> (i32, i32) {
    %c0_i32 = arith.constant 0 : i32
    %c0_i32_0 = arith.constant 0 : i32
    return %arg0, %c0_i32 : i32, i32
  }
  func.func @transform_7(%arg0: i32) -> (i32, i32) {
    %c0_i32 = arith.constant 0 : i32
    %c0_i32_0 = arith.constant 0 : i32
    %c0_i32_1 = arith.constant 0 : i32
    return %c0_i32, %c0_i32_0 : i32, i32
  }
  func.func @transform_8(%arg0: i32) -> (i32, i32) {
    %c0_i32 = arith.constant 0 : i32
    %c0_i32_0 = arith.constant 0 : i32
    %c0_i32_1 = arith.constant 0 : i32
    return %c0_i32, %c0_i32_0 : i32, i32
  }
  func.func @transform_9(%arg0: i32) -> (i32, i32) {
    %c0_i32 = arith.constant 0 : i32
    %c0_i32_0 = arith.constant 0 : i32
    %c0_i32_1 = arith.constant 0 : i32
    return %c0_i32, %c0_i32_0 : i32, i32
  }
  func.func @transform_10(%arg0: i32) -> (i32, i32) {
    %c0_i32 = arith.constant 0 : i32
    %c0_i32_0 = arith.constant 0 : i32
    %c0_i32_1 = arith.constant 0 : i32
    return %c0_i32, %c0_i32_0 : i32, i32
  }
  func.func @transform_11(%arg0: i32) -> (i32, i32) {
    %c0_i32 = arith.constant 0 : i32
    %c0_i32_0 = arith.constant 0 : i32
    %c0_i32_1 = arith.constant 0 : i32
    return %c0_i32, %c0_i32_0 : i32, i32
  }
  func.func @transform_12(%arg0: i32) -> (i32, i32) {
    %c0_i32 = arith.constant 0 : i32
    %c0_i32_0 = arith.constant 0 : i32
    %c0_i32_1 = arith.constant 0 : i32
    return %c0_i32, %c0_i32_0 : i32, i32
  }
  func.func @transform_13(%arg0: i32) -> (i32, i32) {
    %c0_i32 = arith.constant 0 : i32
    %c0_i32_0 = arith.constant 0 : i32
    %c0_i32_1 = arith.constant 0 : i32
    return %c0_i32, %c0_i32_0 : i32, i32
  }
  func.func @transform_14(%arg0: i32) -> (i32, i32) {
    %c0_i32 = arith.constant 0 : i32
    %c0_i32_0 = arith.constant 0 : i32
    %c0_i32_1 = arith.constant 0 : i32
    return %c0_i32, %c0_i32_0 : i32, i32
  }
  func.func @transform_15(%arg0: i32) -> (i32, i32) {
    %c0_i32 = arith.constant 0 : i32
    %c0_i32_0 = arith.constant 0 : i32
    %c0_i32_1 = arith.constant 0 : i32
    return %c0_i32, %c0_i32_0 : i32, i32
  }
  func.func @transform_16(%arg0: i32) -> (i32, i32) {
    %c0_i32 = arith.constant 0 : i32
    %c0_i32_0 = arith.constant 0 : i32
    %c0_i32_1 = arith.constant 0 : i32
    return %c0_i32, %c0_i32_0 : i32, i32
  }
  func.func @transform_17(%arg0: i32) -> (i32, i32) {
    %c0_i32 = arith.constant 0 : i32
    %c0_i32_0 = arith.constant 0 : i32
    %c0_i32_1 = arith.constant 0 : i32
    return %c0_i32, %c0_i32_0 : i32, i32
  }
  func.func @transform_18(%arg0: i32) -> (i32, i32) {
    %c0_i32 = arith.constant 0 : i32
    %c0_i32_0 = arith.constant 0 : i32
    %c0_i32_1 = arith.constant 0 : i32
    return %c0_i32, %c0_i32_0 : i32, i32
  }
  func.func @transform_19(%arg0: i32) -> (i32, i32) {
    %c0_i32 = arith.constant 0 : i32
    %c0_i32_0 = arith.constant 0 : i32
    return %arg0, %c0_i32 : i32, i32
  }
  func.func @transform_20(%arg0: i32) -> (i32, i32) {
    %c0_i32 = arith.constant 0 : i32
    %c0_i32_0 = arith.constant 0 : i32
    return %arg0, %c0_i32 : i32, i32
  }
  func.func @transform_21(%arg0: i32) -> (i32, i32) {
    %c0_i32 = arith.constant 0 : i32
    %c0_i32_0 = arith.constant 0 : i32
    return %arg0, %c0_i32 : i32, i32
  }
}

</mosaic_0001>

<sc_bundles>
// kernel: kernel.11.cloned.1.call-start
scs
__scs_entry_jumppad:
0x0: {  	(pc) =	sbr.rel $0x88, $3  }
0x1: {  	(tag) =	ssettag $0x0;
	lr =	simm.s32 $0x1  }
0x2: {  	[smem:$0x3F8C] =	sst lr;
	_ =	strace $0xD0000000  }
0x3: {  	_ = 	snop  }
0x4: {  	_ = 	snop  }
0x5: {  	_ = 	snop  }
0x6: {  	_ = 	snop  }
0x7: {  	_ = 	snop  }
__scs_overlays_trampoline_lowered:
0x8: {  	[smem:$0x3F9B] =	sst s0  }
0x9: {  	[smem:$0x3F9C] =	sst s1  }
0xa: {  	[smem:$0x3F9D] =	sst s2  }
0xb: {  	[smem:$0x3F9E] =	sst s3  }
0xc: {  	[smem:$0x3F9F] =	sst s4  }
0xd: {  	[smem:$0x3FA0] =	sst s5  }
0xe: {  	[smem:$0x3FA1] =	sst s6  }
0xf: {  	[smem:$0x3FA2] =	sst s7  }
0x10: {  	[smem:$0x3FA3] =	sst s8  }
0x11: {  	[smem:$0x3FA4] =	sst s9;
	s0 =	simm.s32 @!p0 $0x0  }
0x12: {  	s1 =	sld [smem:$0x3F8A];
	s0 =	simm.s32 @p0 $0x1  }
0x13: {  	[smem:$0x3FA5] =	sst s0;
	s0 =	simm.s32 @!p1 $0x0  }
0x14: {  	s2 =	sld [smem:$0x3F89];
	s0 =	simm.s32 @p1 $0x1  }
0x15: {  	[smem:$0x3FA6] =	sst s0;
	s0 =	simm.s32 @!p2 $0x0  }
0x16: {  	s3 =	sld [smem:$0x3FDB];
	s0 =	simm.s32 @p2 $0x1  }
0x17: {  	s4 =	simm.s32 $0x1BF5;
	[smem:$0x3FA8] =	sst s0  }
0x18: {  	s0 =	sld [smem:$0x3F8B];
	_ =	swait.ge [sflag:s4], $0x0  }
0x19: {  	s7 =	sld [smem:$0x3F8C]  }
0x1a: {  	s8 =	sadd.s32 $0xFFFFE003, lr  }
0x1b: {  	s9 =	sadd.s32 $0xFFFFFEF7, lr;
	s5 =	simm.s32 $0xFFFFFFFF;
	p2 =	slt.u32 s8, $0xFFFFF086  }
0x1c: {  	p1 =	slt.u32 s9, $0xF7A;
	s5 =	simm.s32 @!p2 $0x0  }
0x1d: {  	s5 =	simm.s32 @p1 $0x1;
	p0 =	seq.s32 s7, s2  }
0x1e: {  	s7 =	smul.u32 @!p0 $0xF7A, s2;
	p2 =	seq.s32 @!p0 s5, $0x0  }
0x1f: {  	s9 =	smul.u32 $0xF7A, s1;
	s8 =	simm.s32 @!p0 $0x1BF5;
	p2 =	por !p2, p0  }
0x20: {  	[sflag:s8] =	ssyncset.s32 @!p0 $0xFFFFF086;
	s6 =	sadd.s32 @!p0 s3, s7;
	s7 =	simm.s32 @!p0 $0x108  }
0x21: {  	s3 =	sadd.s32 s3, s9;
	s6 =	sadd.s32 @!p0 $0x88, s6;
	s7 =	simm.s32 @p2 $0x1082  }
0x22: {  	[simem:s7], [sflag:s8] =	dma.local @!p0 [hbm:s6], $0xF7A  }
0x23: {  	s9 =	sor.u32 $0xD0000000, s2;
	s6 =	simm.s32 $0x108;
	_ =	swait.ge @!p0 [sflag:s8], $0x0  }
0x24: {  	s3 =	sadd.s32 $0x88, s3;
	s6 =	simm.s32 @!p1 $0x1082;
	[sflag:s4] =	ssyncset.s32 $0xFFFFF086  }
0x25: {  	[simem:s6], [sflag:s4] =	dma.local [hbm:s3], $0xF7A  }
0x26: {  	[smem:$0x3F8C] =	sst s1;
	(tag) =	ssettag s2;
	_ =	strace s9  }
0x27: {  	s1 =	sld [smem:$0x3F9C]  }
0x28: {  	s2 =	sld [smem:$0x3F9D]  }
0x29: {  	s4 =	sld [smem:$0x3F9F]  }
0x2a: {  	p0 =	seq.s32 s5, $0x0;
	s5 =	sld [smem:$0x3FA0]  }
0x2b: {  	s6 =	sld [smem:$0x3FA1]  }
0x2c: {  	s7 =	sld [smem:$0x3FA2]  }
0x2d: {  	s3 =	simm.s32 $0x108;
	s8 =	sld [smem:$0x3FA3]  }
0x2e: {  	s3 =	simm.s32 @!p0 $0x1082;
	s9 =	sld [smem:$0x3FA4]  }
0x2f: {  	lr =	sadd.s32 s0, s3;
	s0 =	sld [smem:$0x3F9B]  }
0x30: {  	s3 =	sld [smem:$0x3F9E]  }
0x31: {  	[smem:$0x3FA7] =	sst s10  }
0x32: {  	s10 =	sld [smem:$0x3FA5];
	_ =	sdelay $0x3  }
0x33: {  	p0 =	seq.s32 s10, $0x1;
	s10 =	sld [smem:$0x3FA7];
	_ =	sdelay $0x3  }
0x34: {  	[smem:$0x3FA7] =	sst s10  }
0x35: {  	s10 =	sld [smem:$0x3FA6];
	_ =	sdelay $0x3  }
0x36: {  	p1 =	seq.s32 s10, $0x1;
	s10 =	sld [smem:$0x3FA7];
	_ =	sdelay $0x3  }
0x37: {  	[smem:$0x3FA7] =	sst s10  }
0x38: {  	s10 =	sld [smem:$0x3FA8]  }
0x39: {  	_ = 	snop;
	(pc) =	sbr.ind lr, $3  }
0x3a: {  	_ = 	snop  }
0x3b: {  	_ = 	snop  }
0x3c: {  	p2 =	seq.s32 s10, $0x1;
	s10 =	sld [smem:$0x3FA7]  }
0x3d: {  	_ =	shalt  }
0x3e: {  	_ =	shalt  }
0x3f: {  	_ =	shalt  }
0x40: {  	_ =	shalt  }
0x41: {  	_ =	shalt  }
0x42: {  	_ =	shalt  }
0x43: {  	_ =	shalt  }
0x44: {  	_ =	shalt  }
0x45: {  	_ =	shalt  }
0x46: {  	_ =	shalt  }
0x47: {  	_ =	shalt  }
0x48: {  	_ =	shalt  }
0x49: {  	_ =	shalt  }
0x4a: {  	_ =	shalt  }
0x4b: {  	_ =	shalt  }
0x4c: {  	_ =	shalt  }
0x4d: {  	_ =	shalt  }
0x4e: {  	_ =	shalt  }
0x4f: {  	_ =	shalt  }
0x50: {  	_ =	shalt  }
0x51: {  	_ =	shalt  }
0x52: {  	_ =	shalt  }
0x53: {  	_ =	shalt  }
0x54: {  	_ =	shalt  }
0x55: {  	_ =	shalt  }
0x56: {  	_ =	shalt  }
0x57: {  	_ =	shalt  }
0x58: {  	_ =	shalt  }
0x59: {  	_ =	shalt  }
0x5a: {  	_ =	shalt  }
0x5b: {  	_ =	shalt  }
0x5c: {  	_ =	shalt  }
0x5d: {  	_ =	shalt  }
0x5e: {  	_ =	shalt  }
0x5f: {  	_ =	shalt  }
0x60: {  	_ =	shalt  }
0x61: {  	_ =	shalt  }
0x62: {  	_ =	shalt  }
0x63: {  	_ =	shalt  }
0x64: {  	_ =	shalt  }
0x65: {  	_ =	shalt  }
0x66: {  	_ =	shalt  }
0x67: {  	_ =	shalt  }
0x68: {  	_ =	shalt  }
0x69: {  	_ =	shalt  }
0x6a: {  	_ =	shalt  }
0x6b: {  	_ =	shalt  }
0x6c: {  	_ =	shalt  }
0x6d: {  	_ =	shalt  }
0x6e: {  	_ =	shalt  }
0x6f: {  	_ =	shalt  }
0x70: {  	_ =	shalt  }
0x71: {  	_ =	shalt  }
0x72: {  	_ =	shalt  }
0x73: {  	_ =	shalt  }
0x74: {  	_ =	shalt  }
0x75: {  	_ =	shalt  }
0x76: {  	_ =	shalt  }
0x77: {  	_ =	shalt  }
0x78: {  	_ =	shalt  }
0x79: {  	_ =	shalt  }
0x7a: {  	_ =	shalt  }
0x7b: {  	_ =	shalt  }
0x7c: {  	_ =	shalt  }
0x7d: {  	_ =	shalt  }
0x7e: {  	_ =	shalt  }
0x7f: {  	_ =	shalt  }
0x80: {  	_ =	shalt  }
0x81: {  	_ =	shalt  }
0x82: {  	_ =	shalt  }
0x83: {  	_ =	shalt  }
0x84: {  	_ =	shalt  }
0x85: {  	_ =	shalt  }
0x86: {  	_ =	shalt  }
0x87: {  	_ =	shalt  }
.Lfunc_end0:
.L_simem_size_0:
called_computation.1_lowered:
.L_overlay_start_0:
0x88: {  	s2 =	sld [smem:$0x3FD9]  }
0x89: {  	s3 =	sld [smem:$0x3FFE];
	_ =	sdelay $0x1  }
0x8a: {  	s1 =	srdreg.scid  }
0x8b: {  	s0 =	sand.u32 $0x1, s1  }
0x8c: {  	s14 =	sshll.u32 s0, $0xA;
	s2 =	sadd.s32 s3, s2  }
0x8d: {  	s2 =	sadd.s32 s2, s14  }
0x8e: {  	[smem:$0x3FB3] =	sst s2  }
0x8f: {  	_ = 	snop  }
0x90: {  	s2 =	sld [smem:$0x3FD0];
	_ =	sdelay $0x2  }
0x91: {  	s15 =	simm.s32 $0xA;
	s4 =	simm.s32 $0x10  }
0x92: {  	[smem:s4], [sflag:s15] =	dma.local [hbm:s2], $0x1  }
0x93: {  	_ =	swait.eq [sflag:s15], $0x1  }
0x94: {  	s16 =	sld [smem:$0x10];
	[sflag:s15] =	ssyncset.done $0x0  }
0x95: {  	s17 =	sld [smem:$0x11];
	[sflag:s15] =	ssyncadd.s32 $0xFFFFFFFF  }
0x96: {  	s18 =	sld [smem:$0x12];
	(tm) =	ssettm $0x1  }
0x97: {  	s5 =	sld [smem:$0x3FFB];
	_ =	sdelay $0x3  }
0x98: {  	_ =	strace s5  }
0x99: {  	s5 =	sld [smem:$0x3FFC];
	_ =	sdelay $0x3  }
0x9a: {  	_ =	strace s5  }
0x9b: {  	s5 =	sld [smem:$0x3FFD];
	_ =	sdelay $0x3  }
0x9c: {  	_ =	strace s5  }
0x9d: {  	_ =	strace $0x8FFFFFFF  }
0x9e: {  	s19 =	sld [smem:$0x3FDB];
	_ =	sdelay $0x1  }
0x9f: {  	s6 =	simm.s32 $_scs_section_size  }
0xa0: {  	s7 =	simm.s32 $_size__tile_overlayer_lowered;
	s8 =	simm.s32 $_tile_overlayer_lowered  }
0xa1: {  	s22 =	simm.s32 $0x1BFF;
	s21 =	sshll.u32 s8, $0x1;
	s5 =	sadd.s32 s6, s19  }
0xa2: {  	s9 =	simm.s32 $0x0;
	s20 =	sshll.u32 s7, $0x1;
	s7 =	sadd.s32 s21, s5  }
0xa3: {  	[timem:s9], [sflag:s22] =	dma.local [hbm:s7], s20  }
0xa4: {  	_ =	swait.ge [sflag:s22], s20  }
0xa5: {  	s6 =	ssub.s32 $0x0, s20;
	[sflag:s22] =	ssyncset.done $0x0  }
0xa6: {  	[sflag:s22] =	ssyncadd.s32 s6;
	_ =	sdelay $0x1  }
0xa7: {  	s23 =	simm.s32 $0x1B8B  }
0xa8: {  	_ =	swait.ge [sflag:s23], $0x1  }
0xa9: {  	[sflag:s23] =	ssyncset.done $0x0  }
0xaa: {  	s25 =	simm.s32 $0x1B8E;
	s24 =	sld [smem:$0x3FFE];
	[sflag:s23] =	ssyncadd.s32 $0xFFFFFFFF  }
0xab: {  	s26 =	simm.s32 $execute0_lowered;
	[smem:$0x3FD2] =	sst s25  }
0xac: {  	s7 =	sshll.u32 s26, $0x1;
	_ =	strace $0x80000049;
	[dreg:$0x1] =	wrdreg $0xFFFFFFFF  }
0xad: {  	s28 =	simm.s32 $_size_execute0_lowered;
	s5 =	sadd.s32 s5, s7;
	[dreg:$0x0] =	wrdreg $0x0  }
0xae: {  	s7 =	sshll.u32 s28, $0x1;
	[dreg:$0x2] =	wrdreg s5  }
0xaf: {  	[dreg:$0x3] =	wrdreg s7  }
0xb0: {  	[dreg:$0x4] =	wrdreg $0xC0  }
0xb1: {  	_ =	task [dreg:s9], $0x5FFFF  }
0xb2: {  	[dreg:$0x1] =	wrdreg $0xFFFFFFFF  }
0xb3: {  	[dreg:$0x0] =	wrdreg $0x60  }
0xb4: {  	[dreg:$0x2] =	wrdreg s18  }
0xb5: {  	[dreg:$0x3] =	wrdreg s16  }
0xb6: {  	[dreg:$0x4] =	wrdreg s17  }
0xb7: {  	[dreg:$0x5] =	wrdreg s24  }
0xb8: {  	[dreg:$0x6] =	wrdreg $0x0  }
0xb9: {  	[dreg:$0x7] =	wrdreg $0x9  }
0xba: {  	_ =	task.clear_ibuf [dreg:s9], $0x8FFFF;
	_ =	strace $0x90000049  }
0xbb: {  	s29 =	simm.s32 $0x9;
	_ =	strace $0x8000004B  }
0xbc: {  	_ =	swait.ge [sflag:s29], $0x1  }
0xbd: {  	[sflag:s29] =	ssyncadd.s32 $0xFFFFFFFF  }
0xbe: {  	_ =	strace $0x9000004B  }
0xbf: {  	_ =	sfence  }
0xc0: {  	s30 =	sld [smem:$0x0];
	_ =	sdelay $0x2  }
0xc1: {  	s31 =	sshll.u32 s1, $0xD;
	s1 =	sshrl.u32 s1, $0x2  }
0xc2: {  	s3 =	sand.u32 $0x4000, s31;
	s1 =	sadd.s32 s1, s30  }
0xc3: {  	s0 =	sor.u32 s3, s0;
	s1 =	sshll.u32 s1, $0x11  }
0xc4: {  	s0 =	sor.u32 s1, s0  }
0xc5: {  	s0 =	sadd.s32 $0x8F2B, s0  }
0xc6: {  	[sflag:s0] =	ssyncadd.remote.s32 $0x1  }
0xc7: {  	_ =	sfence.sel $0xFFFF  }
0xc8: {  	[dreg:$0x0] =	wrdreg $0xFFFFFFFF;
	(pc) =	sbr.abs _section_cstart, $3  }
0xc9: {  	[dreg:$0x1] =	wrdreg $0xFFFFFFFF  }
0xca: {  	_ =	task.clear_ibuf [dreg:s9], $0x2FFFF;
	_ =	strace $0x9FFFFFFF  }
0xcb: {  	(tm) =	ssettm $0x7FFFFFFF  }
tec
execute0_lowered:
.L_overlay_start_1:
0x0: {  	(tag) =	ssettag $0x1  }
0x1: {  	s1 =	rddreg [dreg:$0x0]  }
0x2: {  	s2 =	rddreg [dreg:$0x1]  }
0x3: {  	s0 =	rddreg [dreg:$0x2]  }
0x4: {  	s4 =	rddreg [dreg:$0x3]  }
0x5: {  	s3 =	rddreg [dreg:$0x4]  }
0x6: {  	s6 =	srdreg.scid;
	s10 =	stileid.u32  }
0x7: {  	s5 =	simm.s32 $0x0;
	s13 =	simm.s32 $0x88;
	s9 =	smul.u32 $0x88, s10  }
0x8: {  	s30 =	simm.s32 $0x1C800;
	s31 =	simm.s32 $0x80;
	s21 =	smul.u32 $0x18, s10  }
0x9: {  	s28 =	simm.s32 $0x0;
	s8 =	sand.u32 $0x1, s6;
	s22 =	smul.u32 $0x50000, s10  }
0xa: {  	[smem:$0x7FF] =	sst s5;
	s4 =	sadd.s32 $0x53C00, s4;
	s14 =	smul.u32 $0x14000, s10  }
0xb: {  	s6 =	ssub.s32 $0x2, s8;
	_ =	strace $0x8000004A;
	p0 =	seq.s32 s8, $0x0  }
0xc: {  	s17 =	smul.u32 $0x140000, s8;
	s7 =	sshrl.u32 s6, $0x1;
	s13 =	simm.s32 @!p0 $0x18  }
0xd: {  	s11 =	sadd.s32 $0x880, s21;
	s15 =	sadd.s32 $0x4000, s14;
	s16 =	sadd.s32 $0x8000, s14  }
0xe: {  	s18 =	sadd.s32 $0xC000, s14;
	s19 =	sadd.s32 $0x10000, s14;
	s12 =	ssub.s32 s6, s7  }
0xf: {  	s11 =	smov.u32 @p0 s9;
	s23 =	sshrl.u32 s13, $0x3;
	s7 =	sshrl.u32 s22, $0x2  }
0x10: {  	s29 =	sadd.s32 s15, s3;
	s24 =	sadd.s32 s16, s3;
	s9 =	sadd.s32 s18, s3  }
0x11: {  	s10 =	sadd.s32 s19, s3;
	s14 =	sadd.s32 s14, s17;
	s26 =	sadd.s32 s17, s15  }
0x12: {  	s8 =	sadd.s32 s17, s18;
	s13 =	sshll.u32 s13, $0x4;
	[dreg:$0x6] =	wrdreg s23  }
0x13: {  	s6 =	sadd.s32 s7, s3;
	[dreg:$0xa] =	wrdreg s24;
	s20 =	sshll.u32 s11, $0x4  }
0x14: {  	s21 =	sshll.u32 s11, $0x7;
	s14 =	sshrl.u32 s14, $0x3;
	s7 =	sadd.s32 s17, s16  }
0x15: {  	s16 =	sshrl.u32 s8, $0x3;
	s23 =	sadd.s32 s17, s19;
	[dreg:$0x8] =	wrdreg s13  }
0x16: {  	s19 =	simm.s32 $0x14000;
	s11 =	sadd.s32 s2, s20;
	[dreg:$0x7] =	wrdreg s21  }
0x17: {  	s25 =	sadd.s32 s4, s14;
	s14 =	sshrl.u32 s26, $0x3;
	s15 =	sshrl.u32 s7, $0x3  }
0x18: {  	s22 =	sadd.s32 s4, s16;
	s16 =	sadd.s32 s20, s0;
	[dreg:$0xb] =	wrdreg s25  }
0x19: {  	s24 =	sshrl.u32 s23, $0x3;
	s26 =	smax.u32 s12, $0x1;
	[dreg:$0xe] =	wrdreg s22  }
0x1a: {  	s20 =	simm.s32 $0x8;
	s18 =	sadd.s32 s4, s14;
	[dreg:$0x10] =	wrdreg s26  }
0x1b: {  	s23 =	simm.s32 $0x2;
	s21 =	sadd.s32 s4, s15;
	[dreg:$0xc] =	wrdreg s18  }
0x1c: {  	s25 =	sadd.s32 $0x10, s16;
	s0 =	sadd.s32 s4, s24;
	[dreg:$0xd] =	wrdreg s21  }
0x1d: {  	s4 =	simm.s32 $0x18000;
	s22 =	simm.s32 $0x6;
	[dreg:$0xf] =	wrdreg s0  }
0x1e: {  	s24 =	simm.s32 $0x7;
	s26 =	simm.s32 $0x4;
	[dreg:$0x9] =	wrdreg s25  }
0x1f: {  	v0 =	vimm.f32 $0.0e+00;
	s0 =	simm.s32 $0x1C880;
	s21 =	simm.s32 $0x1;
	s25 =	simm.s32 $0x3  }
.LBB2_1:
0x20: {  	s12 =	simm.s32 $0x0;
	s13 =	simm.s32 $0x200  }
.LBB2_2:
0x21: {  	p0 =	sne.s32 s13, $0xFE00;
	[tilespmem:s12+$0x14070] =	vst v0  }
0x22: {  	[tilespmem:s12+$0x14000] =	vst v0  }
0x23: {  	[tilespmem:s12+$0x14010] =	vst v0  }
.Ltmp0:
0x24: {  	[tilespmem:s12+$0x14020] =	vst v0;
	(pc) =	sbr.rel @p0 .LBB2_2-.Ltmp0, $4  }
0x25: {  	[tilespmem:s12+$0x14030] =	vst v0  }
0x26: {  	[tilespmem:s12+$0x14040] =	vst v0  }
0x27: {  	[tilespmem:s12+$0x14050] =	vst v0  }
0x28: {  	[tilespmem:s12+$0x14060] =	vst v0;
	s12 =	sshra.s32 s13, $0x2;
	s13 =	sadd.s32 $0x200, s13  }
0x29: {  	[tilespmem:s12+$0x14070] =	vst v0  }
0x2a: {  	[tilespmem:s12+$0x14000] =	vst v0  }
0x2b: {  	[tilespmem:s12+$0x14010] =	vst v0  }
0x2c: {  	[tilespmem:s12+$0x14020] =	vst v0  }
0x2d: {  	[tilespmem:s12+$0x14030] =	vst v0  }
0x2e: {  	[tilespmem:s12+$0x14040] =	vst v0  }
0x2f: {  	[tilespmem:s12+$0x14050] =	vst v0  }
0x30: {  	[tilespmem:s12+$0x14060] =	vst v0  }
0x31: {  	[spmem:s6] =	stream.linear.scatter [tilespmem:s19], [sflag:$0x8], $0x4000, $0x38;
	[tilespmem:$0x1C900] =	vst v63  }
0x32: {  	_ =	swait.ge [sflag:s20], $0x4000  }
0x33: {  	[sflag:s20] =	ssyncset.done $0x0  }
0x34: {  	[sflag:s20] =	ssyncadd.s32 $0xFFFFC000  }
0x35: {  	[spmem:s29] =	stream.linear.scatter [tilespmem:s19], [sflag:$0x8], $0x4000, $0x38;
	[tilespmem:$0x1C900] =	vst v63  }
0x36: {  	_ =	swait.ge [sflag:s20], $0x4000  }
0x37: {  	[sflag:s20] =	ssyncset.done $0x0  }
0x38: {  	s18 =	rddreg [dreg:$0xa];
	[sflag:s20] =	ssyncadd.s32 $0xFFFFC000  }
0x39: {  	[spmem:s18] =	stream.linear.scatter [tilespmem:s19], [sflag:$0x8], $0x4000, $0x38;
	[tilespmem:$0x1C900] =	vst v63  }
0x3a: {  	_ =	swait.ge [sflag:s20], $0x4000  }
0x3b: {  	[sflag:s20] =	ssyncset.done $0x0  }
0x3c: {  	[sflag:s20] =	ssyncadd.s32 $0xFFFFC000  }
0x3d: {  	[spmem:s9] =	stream.linear.scatter [tilespmem:s19], [sflag:$0x8], $0x4000, $0x38;
	[tilespmem:$0x1C900] =	vst v63  }
0x3e: {  	_ =	swait.ge [sflag:s20], $0x4000  }
0x3f: {  	[sflag:s20] =	ssyncset.done $0x0  }
0x40: {  	[sflag:s20] =	ssyncadd.s32 $0xFFFFC000  }
0x41: {  	[spmem:s10] =	stream.linear.scatter [tilespmem:s19], [sflag:$0x8], $0x4000, $0x38;
	[tilespmem:$0x1C900] =	vst v63  }
0x42: {  	_ =	swait.ge [sflag:s20], $0x4000  }
0x43: {  	[sflag:s20] =	ssyncset.done $0x0  }
0x44: {  	[sflag:s20] =	ssyncadd.s32 $0xFFFFC000  }
0x45: {  	s12 =	simm.s32 $0x0;
	s13 =	simm.s32 $0x1C000;
	[bflag:$0x0] =	sbarrier.arrive $0xFFFF  }
0x46: {  	[tilespmem:s13], [sflag:$0x5] =	stream.linear.gather [hbm4b:s11+s12], $0x80, $0x38;
	[tilespmem:$0x1C900] =	vst v63  }
0x47: {  	s8 =	smov.u32 s29;
	s14 =	sadd.s32 $0x10, s11;
	s29 =	simm.s32 $0x1C100  }
0x48: {  	[tilespmem:s29], [sflag:$0x5] =	stream.linear.gather [hbm4b:s14+s12], $0x80, $0x38;
	[tilespmem:$0x1C900] =	vst v63  }
0x49: {  	s15 =	sadd.s32 $0x20, s11;
	s17 =	simm.s32 $0x1C200  }
0x4a: {  	[tilespmem:s17], [sflag:$0x5] =	stream.linear.gather [hbm4b:s15+s12], $0x80, $0x38;
	[tilespmem:$0x1C900] =	vst v63  }
0x4b: {  	s18 =	sadd.s32 $0x30, s11;
	s29 =	simm.s32 $0x1C300  }
0x4c: {  	[tilespmem:s29], [sflag:$0x5] =	stream.linear.gather [hbm4b:s18+s12], $0x80, $0x38;
	[tilespmem:$0x1C900] =	vst v63  }
0x4d: {  	s15 =	sadd.s32 $0x40, s11;
	s17 =	simm.s32 $0x1C400  }
0x4e: {  	[tilespmem:s17], [sflag:$0x5] =	stream.linear.gather [hbm4b:s15+s12], $0x80, $0x38;
	[tilespmem:$0x1C900] =	vst v63  }
0x4f: {  	s18 =	sadd.s32 $0x50, s11;
	s29 =	simm.s32 $0x1C500  }
0x50: {  	[tilespmem:s29], [sflag:$0x5] =	stream.linear.gather [hbm4b:s18+s12], $0x80, $0x38;
	[tilespmem:$0x1C900] =	vst v63  }
0x51: {  	s7 =	smov.u32 s6;
	s6 =	sadd.s32 $0x60, s11;
	s15 =	simm.s32 $0x1C600  }
0x52: {  	[tilespmem:s15], [sflag:$0x5] =	stream.linear.gather [hbm4b:s6+s12], $0x80, $0x38;
	[tilespmem:$0x1C900] =	vst v63  }
0x53: {  	s17 =	sadd.s32 $0x70, s11;
	s18 =	simm.s32 $0x1C700;
	s29 =	simm.s32 $0x5  }
0x54: {  	[tilespmem:s18], [sflag:$0x5] =	stream.linear.gather [hbm4b:s17+s12], $0x80, $0x38;
	[tilespmem:$0x1C900] =	vst v63  }
0x55: {  	_ =	swait.ge [sflag:s29], $0x400  }
0x56: {  	[sflag:s29] =	ssyncset.done $0x0  }
0x57: {  	s14 =	simm.s32 $0x0;
	[sflag:s29] =	ssyncadd.s32 $0xFFFFFC00  }
.LBB2_4:
0x58: {  	p0 =	seq.s32 s12, $0x0;
	s15 =	sand.u32 $0x3, s14  }
0x59: {  	p1 =	sne.s32 @!p0 s15, $0x0  }
0x5a: {  	p0 =	por p1, p0  }
0x5b: {  	s18 =	sshrl.u32 s14, $0x2;
	s29 =	sshll.u32 s14, $0x7;
	s17 =	simm.s32 @!p0 $0x5  }
0x5c: {  	s29 =	sand.u32 $0x200, s29;
	s6 =	sshll.u32 s18, $0xD;
	_ =	swait.ge @!p0 [sflag:s17], $0x400  }
0x5d: {  	s6 =	ssub.s32 s29, s6;
	[sflag:s17] =	ssyncset.done @!p0 $0x0  }
0x5e: {  	s29 =	sadd.s32 s12, s16;
	s6 =	sshra.s32 s6, $0x2;
	[sflag:s17] =	ssyncadd.s32 @!p0 $0xFFFFFC00  }
0x5f: {  	[tilespmem:s30], [sflag:$0x6] =	stream.linear.gather [hbm4b:s29+s5], $0x80, $0x38;
	[tilespmem:$0x1C900] =	vst v63  }
0x60: {  	s6 =	sadd.s32 s6, s13;
	s29 =	rddreg [dreg:$0x9]  }
0x61: {  	[tilespmem:s19], [sflag:$0x1] =	stream.indirect.gather [hbm4b:s1+s31], $0x80, s6, s31, $0xb8;
	[tilespmem:$0x1C900] =	vst v63  }
0x62: {  	s17 =	sadd.s32 s12, s29  }
0x63: {  	[tilespmem:s0], [sflag:$0x7] =	stream.linear.gather [hbm4b:s17+s5], $0x80, $0x38;
	[tilespmem:$0x1C900] =	vst v63  }
0x64: {  	s6 =	sadd.s32 $0x100, s6  }
0x65: {  	[tilespmem:s4], [sflag:$0x2] =	stream.indirect.gather [hbm4b:s1+s31], $0x80, s6, s31, $0xb8;
	[tilespmem:$0x1C900] =	vst v63  }
0x66: {  	p0 =	sne.s32 s15, $0x1;
	s17 =	rddreg [dreg:$0x6];
	s6 =	sadd.s32 $0x1, s18  }
0x67: {  	p1 =	sge.u32 @!p0 s6, s17  }
0x68: {  	p0 =	por p1, p0  }
0x69: {  	s15 =	rddreg [dreg:$0x7];
	s18 =	sshll.u32 s18, $0x7;
	s6 =	sshll.u32 @!p0 s6, $0xA  }
0x6a: {  	s17 =	sand.u32 $0x80, s18;
	s6 =	sadd.s32 @!p0 s15, s6  }
0x6b: {  	s15 =	sxor.u32 @!p0 $0x80, s17;
	s6 =	sshrl.u32 @!p0 s6, $0x3  }
0x6c: {  	s18 =	simm.s32 @!p0 $0x0;
	s17 =	sor.u32 @!p0 $0x1C000, s15;
	s6 =	sadd.s32 @!p0 s2, s6  }
0x6d: {  	[tilespmem:s17], [sflag:$0x5] =	stream.linear.gather @!p0 [hbm4b:s6+s18], $0x80, $0x38;
	[tilespmem:$0x1C900] =	vst v63  }
0x6e: {  	s29 =	sor.u32 @!p0 $0x1C100, s15;
	s17 =	sadd.s32 @!p0 $0x10, s6  }
0x6f: {  	[tilespmem:s29], [sflag:$0x5] =	stream.linear.gather @!p0 [hbm4b:s17+s18], $0x80, $0x38;
	[tilespmem:$0x1C900] =	vst v63  }
0x70: {  	s17 =	sadd.s32 @!p0 $0x20, s6;
	s29 =	sor.u32 @!p0 $0x1C200, s15  }
0x71: {  	[tilespmem:s29], [sflag:$0x5] =	stream.linear.gather @!p0 [hbm4b:s17+s18], $0x80, $0x38;
	[tilespmem:$0x1C900] =	vst v63  }
0x72: {  	s17 =	sadd.s32 @!p0 $0x30, s6;
	s29 =	sor.u32 @!p0 $0x1C300, s15  }
0x73: {  	[tilespmem:s29], [sflag:$0x5] =	stream.linear.gather @!p0 [hbm4b:s17+s18], $0x80, $0x38;
	[tilespmem:$0x1C900] =	vst v63  }
0x74: {  	s17 =	sadd.s32 @!p0 $0x40, s6;
	s29 =	sor.u32 @!p0 $0x1C400, s15  }
0x75: {  	[tilespmem:s29], [sflag:$0x5] =	stream.linear.gather @!p0 [hbm4b:s17+s18], $0x80, $0x38;
	[tilespmem:$0x1C900] =	vst v63  }
0x76: {  	s17 =	sadd.s32 @!p0 $0x50, s6;
	s29 =	sor.u32 @!p0 $0x1C500, s15  }
0x77: {  	[tilespmem:s29], [sflag:$0x5] =	stream.linear.gather @!p0 [hbm4b:s17+s18], $0x80, $0x38;
	[tilespmem:$0x1C900] =	vst v63  }
0x78: {  	s17 =	sadd.s32 @!p0 $0x60, s6;
	s29 =	sor.u32 @!p0 $0x1C600, s15  }
0x79: {  	[tilespmem:s29], [sflag:$0x5] =	stream.linear.gather @!p0 [hbm4b:s17+s18], $0x80, $0x38;
	[tilespmem:$0x1C900] =	vst v63  }
0x7a: {  	s6 =	sadd.s32 @!p0 $0x70, s6;
	s15 =	sor.u32 @!p0 $0x1C700, s15  }
0x7b: {  	[tilespmem:s15], [sflag:$0x5] =	stream.linear.gather @!p0 [hbm4b:s6+s18], $0x80, $0x38;
	[tilespmem:$0x1C900] =	vst v63  }
0x7c: {  	_ =	swait.ge [sflag:s21], $0x4000  }
0x7d: {  	[sflag:s21] =	ssyncset.done $0x0  }
0x7e: {  	[sflag:s21] =	ssyncadd.s32 $0xFFFFC000  }
0x7f: {  	_ =	swait.ge [sflag:s22], $0x80  }
0x80: {  	[sflag:s22] =	ssyncset.done $0x0  }
0x81: {  	[sflag:s22] =	ssyncadd.s32 $0xFFFFFF80  }
0x82: {  	[spmem:s3] =	stream.indirect.scatter.add.f32 [tilespmem:s19], [sflag:$0x8], $0x80, s30, s31, $0xb8;
	[tilespmem:$0x1C900] =	vst v63  }
0x83: {  	_ =	swait.ge [sflag:s20], $0x4000  }
0x84: {  	[sflag:s20] =	ssyncset.done $0x0  }
0x85: {  	[sflag:s20] =	ssyncadd.s32 $0xFFFFC000  }
0x86: {  	_ =	swait.ge [sflag:s23], $0x4000  }
0x87: {  	[sflag:s23] =	ssyncset.done $0x0  }
0x88: {  	[sflag:s23] =	ssyncadd.s32 $0xFFFFC000  }
0x89: {  	_ =	swait.ge [sflag:s24], $0x80  }
0x8a: {  	[sflag:s24] =	ssyncset.done $0x0  }
0x8b: {  	[sflag:s24] =	ssyncadd.s32 $0xFFFFFF80  }
0x8c: {  	[spmem:s3] =	stream.indirect.scatter.add.f32 [tilespmem:s4], [sflag:$0x8], $0x80, s0, s31, $0xb8;
	[tilespmem:$0x1C900] =	vst v63  }
0x8d: {  	_ =	swait.ge [sflag:s20], $0x4000  }
0x8e: {  	s12 =	sadd.s32 $0x20, s12;
	s29 =	rddreg [dreg:$0x8]  }
0x8f: {  	p0 =	sne.s32 s29, s12  }
.Ltmp1:
0x90: {  	_ = 	snop;
	(pc) =	sbr.rel @p0 .LBB2_4-.Ltmp1, $3  }
0x91: {  	_ =	sdelay $0x1  }
0x92: {  	[sflag:s20] =	ssyncset.done $0x0  }
0x93: {  	s14 =	sadd.s32 $0x1, s14;
	s13 =	sadd.s32 $0x200, s13;
	[sflag:s20] =	ssyncadd.s32 $0xFFFFC000  }
0x94: {  	[bflag:$0x0] =	sbarrier.arrive $0xFFFF  }
0x95: {  	[tilespmem:s19], [sflag:$0x8] =	stream.linear.gather [spmem:s7], $0x4000, $0x38;
	[tilespmem:$0x1C900] =	vst v63  }
0x96: {  	_ =	swait.ge [sflag:s20], $0x4000  }
0x97: {  	[sflag:s20] =	ssyncset.done $0x0  }
0x98: {  	s18 =	rddreg [dreg:$0xb];
	[sflag:s20] =	ssyncadd.s32 $0xFFFFC000  }
0x99: {  	[hbm4b:s18+s5] =	stream.linear.scatter [tilespmem:s19], [sflag:$0x3], $0x4000, $0x38;
	[tilespmem:$0x1C900] =	vst v63  }
0x9a: {  	_ = 	snop  }
0x9b: {  	[tilespmem:s4], [sflag:$0x8] =	stream.linear.gather [spmem:s8], $0x4000, $0x38;
	[tilespmem:$0x1C900] =	vst v63  }
0x9c: {  	_ =	swait.ge [sflag:s20], $0x4000  }
0x9d: {  	[sflag:s20] =	ssyncset.done $0x0  }
0x9e: {  	s12 =	rddreg [dreg:$0xc];
	[sflag:s20] =	ssyncadd.s32 $0xFFFFC000  }
0x9f: {  	[hbm4b:s12+s5] =	stream.linear.scatter [tilespmem:s4], [sflag:$0x4], $0x4000, $0x38;
	[tilespmem:$0x1C900] =	vst v63  }
0xa0: {  	_ =	swait.ge [sflag:s25], $0x4000  }
0xa1: {  	[sflag:s25] =	ssyncset.done $0x0  }
0xa2: {  	s13 =	rddreg [dreg:$0xa];
	[sflag:s25] =	ssyncadd.s32 $0xFFFFC000  }
0xa3: {  	[tilespmem:s19], [sflag:$0x8] =	stream.linear.gather [spmem:s13], $0x4000, $0x38;
	[tilespmem:$0x1C900] =	vst v63  }
0xa4: {  	_ =	swait.ge [sflag:s20], $0x4000  }
0xa5: {  	[sflag:s20] =	ssyncset.done $0x0  }
0xa6: {  	s14 =	rddreg [dreg:$0xd];
	[sflag:s20] =	ssyncadd.s32 $0xFFFFC000  }
0xa7: {  	[hbm4b:s14+s5] =	stream.linear.scatter [tilespmem:s19], [sflag:$0x3], $0x4000, $0x38;
	[tilespmem:$0x1C900] =	vst v63  }
0xa8: {  	_ =	swait.ge [sflag:s26], $0x4000  }
0xa9: {  	[sflag:s26] =	ssyncset.done $0x0  }
0xaa: {  	[sflag:s26] =	ssyncadd.s32 $0xFFFFC000  }
0xab: {  	[tilespmem:s4], [sflag:$0x8] =	stream.linear.gather [spmem:s9], $0x4000, $0x38;
	[tilespmem:$0x1C900] =	vst v63  }
0xac: {  	_ =	swait.ge [sflag:s20], $0x4000  }
0xad: {  	[sflag:s20] =	ssyncset.done $0x0  }
0xae: {  	s15 =	rddreg [dreg:$0xe];
	[sflag:s20] =	ssyncadd.s32 $0xFFFFC000  }
0xaf: {  	[hbm4b:s15+s5] =	stream.linear.scatter [tilespmem:s4], [sflag:$0x4], $0x4000, $0x38;
	[tilespmem:$0x1C900] =	vst v63  }
0xb0: {  	_ =	swait.ge [sflag:s25], $0x4000  }
0xb1: {  	[sflag:s25] =	ssyncset.done $0x0  }
0xb2: {  	[sflag:s25] =	ssyncadd.s32 $0xFFFFC000  }
0xb3: {  	[tilespmem:s19], [sflag:$0x8] =	stream.linear.gather [spmem:s10], $0x4000, $0x38;
	[tilespmem:$0x1C900] =	vst v63  }
0xb4: {  	_ =	swait.ge [sflag:s20], $0x4000  }
0xb5: {  	[sflag:s20] =	ssyncset.done $0x0  }
0xb6: {  	s17 =	rddreg [dreg:$0xf];
	[sflag:s20] =	ssyncadd.s32 $0xFFFFC000  }
0xb7: {  	[hbm4b:s17+s5] =	stream.linear.scatter [tilespmem:s19], [sflag:$0x3], $0x4000, $0x38;
	[tilespmem:$0x1C900] =	vst v63  }
0xb8: {  	_ =	swait.ge [sflag:s26], $0x4000  }
0xb9: {  	[sflag:s26] =	ssyncset.done $0x0  }
0xba: {  	[sflag:s26] =	ssyncadd.s32 $0xFFFFC000  }
0xbb: {  	_ =	swait.ge [sflag:s25], $0x4000  }
0xbc: {  	s28 =	sadd.s32 $0x1, s28;
	s18 =	rddreg [dreg:$0x10]  }
0xbd: {  	p0 =	sne.s32 s28, s18  }
.Ltmp2:
0xbe: {  	_ = 	snop;
	(pc) =	sbr.rel @p0 .LBB2_1-.Ltmp2, $3  }
0xbf: {  	_ =	sdelay $0x1  }
0xc0: {  	[sflag:s25] =	ssyncset.done $0x0  }
0xc1: {  	s6 =	smov.u32 s7;
	s29 =	smov.u32 s8;
	[sflag:s25] =	ssyncadd.s32 $0xFFFFC000  }
0xc2: {  	_ =	sfence.sel $0x180000  }
0xc3: {  	[bflag:$0x0] =	sbarrier.arrive $0xFFFF  }
0xc4: {  	_ =	strace $0x9000004A  }
0xc5: {  	s0 =	stileid.u32;
	[bflag:$0x2] =	sbarrier.arrive $0xFFFF  }
0xc6: {  	p0 =	sne.s32 s0, $0x0;
	s0 =	rddreg [dreg:$0x5]  }
0xc7: {  	s0 =	sadd.s32 @!p0 $0x100000, s0  }
0xc8: {  	[sflag:s0] =	ssyncadd.tile.s32 @!p0 $0x1;
	_ =	shalt  }
.Lfunc_end2:
_tile_overlayer_lowered:
.L_overlay_start_2:
0xc9: {  	(tag) =	ssettag $0x2  }
0xca: {  	s0 =	rddreg [dreg:$0x0];
	s2 =	stileid.u32  }
0xcb: {  	s1 =	rddreg [dreg:$0x1];
	p0 =	sne.s32 s2, $0x0  }
0xcc: {  	s3 =	rddreg [dreg:$0x2];
	[bflag:$0x3] =	sbarrier.arrive $0xFFFF;
	s2 =	simm.s32 @!p0 $0x1C08  }
0xcd: {  	[timem:s3], [sflag:s2] =	dma.local @!p0 [hbm:s0], s1  }
0xce: {  	s0 =	simm.s32 @!p0 $0x8  }
0xcf: {  	_ =	swait.ge @!p0 [sflag:s0], s1  }
0xd0: {  	s1 =	ssub.s32 @!p0 $0x0, s1;
	[sflag:s0] =	ssyncset.done @!p0 $0x0  }
0xd1: {  	[sflag:s0] =	ssyncadd.s32 @!p0 s1  }
0xd2: {  	[bflag:$0x3] =	sbarrier.arrive $0xFFFF  }
0xd3: {  	_ =	shalt  }

// kernel: kernel.14.cloned.1.call-start
scs
__scs_entry_jumppad:
0x0: {  	(pc) =	sbr.rel $0x88, $3  }
0x1: {  	(tag) =	ssettag $0x0;
	lr =	simm.s32 $0x1  }
0x2: {  	[smem:$0x3F8C] =	sst lr;
	_ =	strace $0xD0000000  }
0x3: {  	_ = 	snop  }
0x4: {  	_ = 	snop  }
0x5: {  	_ = 	snop  }
0x6: {  	_ = 	snop  }
0x7: {  	_ = 	snop  }
__scs_overlays_trampoline_lowered:
0x8: {  	[smem:$0x3F9B] =	sst s0  }
0x9: {  	[smem:$0x3F9C] =	sst s1  }
0xa: {  	[smem:$0x3F9D] =	sst s2  }
0xb: {  	[smem:$0x3F9E] =	sst s3  }
0xc: {  	[smem:$0x3F9F] =	sst s4  }
0xd: {  	[smem:$0x3FA0] =	sst s5  }
0xe: {  	[smem:$0x3FA1] =	sst s6  }
0xf: {  	[smem:$0x3FA2] =	sst s7  }
0x10: {  	[smem:$0x3FA3] =	sst s8  }
0x11: {  	[smem:$0x3FA4] =	sst s9;
	s0 =	simm.s32 @!p0 $0x0  }
0x12: {  	s1 =	sld [smem:$0x3F8A];
	s0 =	simm.s32 @p0 $0x1  }
0x13: {  	[smem:$0x3FA5] =	sst s0;
	s0 =	simm.s32 @!p1 $0x0  }
0x14: {  	s2 =	sld [smem:$0x3F89];
	s0 =	simm.s32 @p1 $0x1  }
0x15: {  	[smem:$0x3FA6] =	sst s0;
	s0 =	simm.s32 @!p2 $0x0  }
0x16: {  	s3 =	sld [smem:$0x3FDB];
	s0 =	simm.s32 @p2 $0x1  }
0x17: {  	s4 =	simm.s32 $0x1BF5;
	[smem:$0x3FA8] =	sst s0  }
0x18: {  	s0 =	sld [smem:$0x3F8B];
	_ =	swait.ge [sflag:s4], $0x0  }
0x19: {  	s7 =	sld [smem:$0x3F8C]  }
0x1a: {  	s8 =	sadd.s32 $0xFFFFE003, lr  }
0x1b: {  	s9 =	sadd.s32 $0xFFFFFEF7, lr;
	s5 =	simm.s32 $0xFFFFFFFF;
	p2 =	slt.u32 s8, $0xFFFFF086  }
0x1c: {  	p1 =	slt.u32 s9, $0xF7A;
	s5 =	simm.s32 @!p2 $0x0  }
0x1d: {  	s5 =	simm.s32 @p1 $0x1;
	p0 =	seq.s32 s7, s2  }
0x1e: {  	s7 =	smul.u32 @!p0 $0xF7A, s2;
	p2 =	seq.s32 @!p0 s5, $0x0  }
0x1f: {  	s9 =	smul.u32 $0xF7A, s1;
	s8 =	simm.s32 @!p0 $0x1BF5;
	p2 =	por !p2, p0  }
0x20: {  	[sflag:s8] =	ssyncset.s32 @!p0 $0xFFFFF086;
	s6 =	sadd.s32 @!p0 s3, s7;
	s7 =	simm.s32 @!p0 $0x108  }
0x21: {  	s3 =	sadd.s32 s3, s9;
	s6 =	sadd.s32 @!p0 $0x88, s6;
	s7 =	simm.s32 @p2 $0x1082  }
0x22: {  	[simem:s7], [sflag:s8] =	dma.local @!p0 [hbm:s6], $0xF7A  }
0x23: {  	s9 =	sor.u32 $0xD0000000, s2;
	s6 =	simm.s32 $0x108;
	_ =	swait.ge @!p0 [sflag:s8], $0x0  }
0x24: {  	s3 =	sadd.s32 $0x88, s3;
	s6 =	simm.s32 @!p1 $0x1082;
	[sflag:s4] =	ssyncset.s32 $0xFFFFF086  }
0x25: {  	[simem:s6], [sflag:s4] =	dma.local [hbm:s3], $0xF7A  }
0x26: {  	[smem:$0x3F8C] =	sst s1;
	(tag) =	ssettag s2;
	_ =	strace s9  }
0x27: {  	s1 =	sld [smem:$0x3F9C]  }
0x28: {  	s2 =	sld [smem:$0x3F9D]  }
0x29: {  	s4 =	sld [smem:$0x3F9F]  }
0x2a: {  	p0 =	seq.s32 s5, $0x0;
	s5 =	sld [smem:$0x3FA0]  }
0x2b: {  	s6 =	sld [smem:$0x3FA1]  }
0x2c: {  	s7 =	sld [smem:$0x3FA2]  }
0x2d: {  	s3 =	simm.s32 $0x108;
	s8 =	sld [smem:$0x3FA3]  }
0x2e: {  	s3 =	simm.s32 @!p0 $0x1082;
	s9 =	sld [smem:$0x3FA4]  }
0x2f: {  	lr =	sadd.s32 s0, s3;
	s0 =	sld [smem:$0x3F9B]  }
0x30: {  	s3 =	sld [smem:$0x3F9E]  }
0x31: {  	[smem:$0x3FA7] =	sst s10  }
0x32: {  	s10 =	sld [smem:$0x3FA5];
	_ =	sdelay $0x3  }
0x33: {  	p0 =	seq.s32 s10, $0x1;
	s10 =	sld [smem:$0x3FA7];
	_ =	sdelay $0x3  }
0x34: {  	[smem:$0x3FA7] =	sst s10  }
0x35: {  	s10 =	sld [smem:$0x3FA6];
	_ =	sdelay $0x3  }
0x36: {  	p1 =	seq.s32 s10, $0x1;
	s10 =	sld [smem:$0x3FA7];
	_ =	sdelay $0x3  }
0x37: {  	[smem:$0x3FA7] =	sst s10  }
0x38: {  	s10 =	sld [smem:$0x3FA8]  }
0x39: {  	_ = 	snop;
	(pc) =	sbr.ind lr, $3  }
0x3a: {  	_ = 	snop  }
0x3b: {  	_ = 	snop  }
0x3c: {  	p2 =	seq.s32 s10, $0x1;
	s10 =	sld [smem:$0x3FA7]  }
0x3d: {  	_ =	shalt  }
0x3e: {  	_ =	shalt  }
0x3f: {  	_ =	shalt  }
0x40: {  	_ =	shalt  }
0x41: {  	_ =	shalt  }
0x42: {  	_ =	shalt  }
0x43: {  	_ =	shalt  }
0x44: {  	_ =	shalt  }
0x45: {  	_ =	shalt  }
0x46: {  	_ =	shalt  }
0x47: {  	_ =	shalt  }
0x48: {  	_ =	shalt  }
0x49: {  	_ =	shalt  }
0x4a: {  	_ =	shalt  }
0x4b: {  	_ =	shalt  }
0x4c: {  	_ =	shalt  }
0x4d: {  	_ =	shalt  }
0x4e: {  	_ =	shalt  }
0x4f: {  	_ =	shalt  }
0x50: {  	_ =	shalt  }
0x51: {  	_ =	shalt  }
0x52: {  	_ =	shalt  }
0x53: {  	_ =	shalt  }
0x54: {  	_ =	shalt  }
0x55: {  	_ =	shalt  }
0x56: {  	_ =	shalt  }
0x57: {  	_ =	shalt  }
0x58: {  	_ =	shalt  }
0x59: {  	_ =	shalt  }
0x5a: {  	_ =	shalt  }
0x5b: {  	_ =	shalt  }
0x5c: {  	_ =	shalt  }
0x5d: {  	_ =	shalt  }
0x5e: {  	_ =	shalt  }
0x5f: {  	_ =	shalt  }
0x60: {  	_ =	shalt  }
0x61: {  	_ =	shalt  }
0x62: {  	_ =	shalt  }
0x63: {  	_ =	shalt  }
0x64: {  	_ =	shalt  }
0x65: {  	_ =	shalt  }
0x66: {  	_ =	shalt  }
0x67: {  	_ =	shalt  }
0x68: {  	_ =	shalt  }
0x69: {  	_ =	shalt  }
0x6a: {  	_ =	shalt  }
0x6b: {  	_ =	shalt  }
0x6c: {  	_ =	shalt  }
0x6d: {  	_ =	shalt  }
0x6e: {  	_ =	shalt  }
0x6f: {  	_ =	shalt  }
0x70: {  	_ =	shalt  }
0x71: {  	_ =	shalt  }
0x72: {  	_ =	shalt  }
0x73: {  	_ =	shalt  }
0x74: {  	_ =	shalt  }
0x75: {  	_ =	shalt  }
0x76: {  	_ =	shalt  }
0x77: {  	_ =	shalt  }
0x78: {  	_ =	shalt  }
0x79: {  	_ =	shalt  }
0x7a: {  	_ =	shalt  }
0x7b: {  	_ =	shalt  }
0x7c: {  	_ =	shalt  }
0x7d: {  	_ =	shalt  }
0x7e: {  	_ =	shalt  }
0x7f: {  	_ =	shalt  }
0x80: {  	_ =	shalt  }
0x81: {  	_ =	shalt  }
0x82: {  	_ =	shalt  }
0x83: {  	_ =	shalt  }
0x84: {  	_ =	shalt  }
0x85: {  	_ =	shalt  }
0x86: {  	_ =	shalt  }
0x87: {  	_ =	shalt  }
.Lfunc_end0:
.L_simem_size_0:
called_computation.2_lowered:
.L_overlay_start_0:
0x88: {  	s2 =	sld [smem:$0x3FD9]  }
0x89: {  	s3 =	sld [smem:$0x3FFE];
	_ =	sdelay $0x1  }
0x8a: {  	s1 =	srdreg.scid  }
0x8b: {  	s0 =	sand.u32 $0x1, s1  }
0x8c: {  	s14 =	sshll.u32 s0, $0xA;
	s2 =	sadd.s32 s3, s2  }
0x8d: {  	s2 =	sadd.s32 s2, s14  }
0x8e: {  	[smem:$0x3FB3] =	sst s2  }
0x8f: {  	_ = 	snop  }
0x90: {  	s2 =	sld [smem:$0x3FD0];
	_ =	sdelay $0x2  }
0x91: {  	s15 =	simm.s32 $0xA;
	s4 =	simm.s32 $0x10  }
0x92: {  	[smem:s4], [sflag:s15] =	dma.local [hbm:s2], $0x1  }
0x93: {  	_ =	swait.eq [sflag:s15], $0x1  }
0x94: {  	s16 =	sld [smem:$0x10];
	[sflag:s15] =	ssyncset.done $0x0  }
0x95: {  	s17 =	sld [smem:$0x11];
	[sflag:s15] =	ssyncadd.s32 $0xFFFFFFFF  }
0x96: {  	s18 =	sld [smem:$0x12];
	(tm) =	ssettm $0x1  }
0x97: {  	s5 =	sld [smem:$0x3FFB];
	_ =	sdelay $0x3  }
0x98: {  	_ =	strace s5  }
0x99: {  	s5 =	sld [smem:$0x3FFC];
	_ =	sdelay $0x3  }
0x9a: {  	_ =	strace s5  }
0x9b: {  	s5 =	sld [smem:$0x3FFD];
	_ =	sdelay $0x3  }
0x9c: {  	_ =	strace s5  }
0x9d: {  	_ =	strace $0x8FFFFFFF  }
0x9e: {  	s19 =	sld [smem:$0x3FDB];
	_ =	sdelay $0x1  }
0x9f: {  	s6 =	simm.s32 $_scs_section_size  }
0xa0: {  	s7 =	simm.s32 $_size__tile_overlayer_lowered;
	s8 =	simm.s32 $_tile_overlayer_lowered  }
0xa1: {  	s22 =	simm.s32 $0x1BFF;
	s21 =	sshll.u32 s8, $0x1;
	s5 =	sadd.s32 s6, s19  }
0xa2: {  	s9 =	simm.s32 $0x0;
	s20 =	sshll.u32 s7, $0x1;
	s7 =	sadd.s32 s21, s5  }
0xa3: {  	[timem:s9], [sflag:s22] =	dma.local [hbm:s7], s20  }
0xa4: {  	_ =	swait.ge [sflag:s22], s20  }
0xa5: {  	s6 =	ssub.s32 $0x0, s20;
	[sflag:s22] =	ssyncset.done $0x0  }
0xa6: {  	[sflag:s22] =	ssyncadd.s32 s6;
	_ =	sdelay $0x1  }
0xa7: {  	s23 =	simm.s32 $0x1B8B  }
0xa8: {  	_ =	swait.ge [sflag:s23], $0x1  }
0xa9: {  	[sflag:s23] =	ssyncset.done $0x0  }
0xaa: {  	s25 =	simm.s32 $0x1B8E;
	s24 =	sld [smem:$0x3FFE];
	[sflag:s23] =	ssyncadd.s32 $0xFFFFFFFF  }
0xab: {  	s26 =	simm.s32 $execute0_lowered;
	[smem:$0x3FD2] =	sst s25  }
0xac: {  	s7 =	sshll.u32 s26, $0x1;
	_ =	strace $0x8000004C;
	[dreg:$0x1] =	wrdreg $0xFFFFFFFF  }
0xad: {  	s28 =	simm.s32 $_size_execute0_lowered;
	s5 =	sadd.s32 s5, s7;
	[dreg:$0x0] =	wrdreg $0x0  }
0xae: {  	s7 =	sshll.u32 s28, $0x1;
	[dreg:$0x2] =	wrdreg s5  }
0xaf: {  	[dreg:$0x3] =	wrdreg s7  }
0xb0: {  	[dreg:$0x4] =	wrdreg $0xC0  }
0xb1: {  	_ =	task [dreg:s9], $0x5FFFF  }
0xb2: {  	[dreg:$0x1] =	wrdreg $0xFFFFFFFF  }
0xb3: {  	[dreg:$0x0] =	wrdreg $0x60  }
0xb4: {  	[dreg:$0x2] =	wrdreg s18  }
0xb5: {  	[dreg:$0x3] =	wrdreg s16  }
0xb6: {  	[dreg:$0x4] =	wrdreg s17  }
0xb7: {  	[dreg:$0x5] =	wrdreg s24  }
0xb8: {  	[dreg:$0x6] =	wrdreg $0x0  }
0xb9: {  	[dreg:$0x7] =	wrdreg $0x9  }
0xba: {  	_ =	task.clear_ibuf [dreg:s9], $0x8FFFF;
	_ =	strace $0x9000004C  }
0xbb: {  	s29 =	simm.s32 $0x9;
	_ =	strace $0x8000004E  }
0xbc: {  	_ =	swait.ge [sflag:s29], $0x1  }
0xbd: {  	[sflag:s29] =	ssyncadd.s32 $0xFFFFFFFF  }
0xbe: {  	_ =	strace $0x9000004E  }
0xbf: {  	_ =	sfence  }
0xc0: {  	s30 =	sld [smem:$0x0];
	_ =	sdelay $0x2  }
0xc1: {  	s31 =	sshll.u32 s1, $0xD;
	s1 =	sshrl.u32 s1, $0x2  }
0xc2: {  	s3 =	sand.u32 $0x4000, s31;
	s1 =	sadd.s32 s1, s30  }
0xc3: {  	s0 =	sor.u32 s3, s0;
	s1 =	sshll.u32 s1, $0x11  }
0xc4: {  	s0 =	sor.u32 s1, s0  }
0xc5: {  	s0 =	sadd.s32 $0x8F2B, s0  }
0xc6: {  	[sflag:s0] =	ssyncadd.remote.s32 $0x1  }
0xc7: {  	_ =	sfence.sel $0xFFFF  }
0xc8: {  	[dreg:$0x0] =	wrdreg $0xFFFFFFFF;
	(pc) =	sbr.abs _section_cstart, $3  }
0xc9: {  	[dreg:$0x1] =	wrdreg $0xFFFFFFFF  }
0xca: {  	_ =	task.clear_ibuf [dreg:s9], $0x2FFFF;
	_ =	strace $0x9FFFFFFF  }
0xcb: {  	(tm) =	ssettm $0x7FFFFFFF  }
tec
execute0_lowered:
.L_overlay_start_1:
0x0: {  	(tag) =	ssettag $0x1  }
0x1: {  	s1 =	rddreg [dreg:$0x0]  }
0x2: {  	s2 =	rddreg [dreg:$0x1]  }
0x3: {  	s0 =	rddreg [dreg:$0x2]  }
0x4: {  	s4 =	rddreg [dreg:$0x3]  }
0x5: {  	s3 =	rddreg [dreg:$0x4]  }
0x6: {  	s6 =	srdreg.scid;
	s10 =	stileid.u32  }
0x7: {  	s5 =	simm.s32 $0x0;
	s13 =	simm.s32 $0x88;
	s9 =	smul.u32 $0x88, s10  }
0x8: {  	s30 =	simm.s32 $0x1C800;
	s31 =	simm.s32 $0x80;
	s21 =	smul.u32 $0x18, s10  }
0x9: {  	s28 =	simm.s32 $0x0;
	s8 =	sand.u32 $0x1, s6;
	s22 =	smul.u32 $0x50000, s10  }
0xa: {  	[smem:$0x7FF] =	sst s5;
	s4 =	sadd.s32 $0x53C00, s4;
	s14 =	smul.u32 $0x14000, s10  }
0xb: {  	s6 =	ssub.s32 $0x2, s8;
	_ =	strace $0x8000004D;
	p0 =	seq.s32 s8, $0x0  }
0xc: {  	s17 =	smul.u32 $0x140000, s8;
	s7 =	sshrl.u32 s6, $0x1;
	s13 =	simm.s32 @!p0 $0x18  }
0xd: {  	s11 =	sadd.s32 $0x880, s21;
	s15 =	sadd.s32 $0x4000, s14;
	s16 =	sadd.s32 $0x8000, s14  }
0xe: {  	s18 =	sadd.s32 $0xC000, s14;
	s19 =	sadd.s32 $0x10000, s14;
	s12 =	ssub.s32 s6, s7  }
0xf: {  	s11 =	smov.u32 @p0 s9;
	s23 =	sshrl.u32 s13, $0x3;
	s7 =	sshrl.u32 s22, $0x2  }
0x10: {  	s29 =	sadd.s32 s15, s3;
	s24 =	sadd.s32 s16, s3;
	s9 =	sadd.s32 s18, s3  }
0x11: {  	s10 =	sadd.s32 s19, s3;
	s14 =	sadd.s32 s14, s17;
	s26 =	sadd.s32 s17, s15  }
0x12: {  	s8 =	sadd.s32 s17, s18;
	s13 =	sshll.u32 s13, $0x4;
	[dreg:$0x6] =	wrdreg s23  }
0x13: {  	s6 =	sadd.s32 s7, s3;
	[dreg:$0xa] =	wrdreg s24;
	s20 =	sshll.u32 s11, $0x4  }
0x14: {  	s21 =	sshll.u32 s11, $0x7;
	s14 =	sshrl.u32 s14, $0x3;
	s7 =	sadd.s32 s17, s16  }
0x15: {  	s16 =	sshrl.u32 s8, $0x3;
	s23 =	sadd.s32 s17, s19;
	[dreg:$0x8] =	wrdreg s13  }
0x16: {  	s19 =	simm.s32 $0x14000;
	s11 =	sadd.s32 s2, s20;
	[dreg:$0x7] =	wrdreg s21  }
0x17: {  	s25 =	sadd.s32 s4, s14;
	s14 =	sshrl.u32 s26, $0x3;
	s15 =	sshrl.u32 s7, $0x3  }
0x18: {  	s22 =	sadd.s32 s4, s16;
	s16 =	sadd.s32 s20, s0;
	[dreg:$0xb] =	wrdreg s25  }
0x19: {  	s24 =	sshrl.u32 s23, $0x3;
	s26 =	smax.u32 s12, $0x1;
	[dreg:$0xe] =	wrdreg s22  }
0x1a: {  	s20 =	simm.s32 $0x8;
	s18 =	sadd.s32 s4, s14;
	[dreg:$0x10] =	wrdreg s26  }
0x1b: {  	s23 =	simm.s32 $0x2;
	s21 =	sadd.s32 s4, s15;
	[dreg:$0xc] =	wrdreg s18  }
0x1c: {  	s25 =	sadd.s32 $0x10, s16;
	s0 =	sadd.s32 s4, s24;
	[dreg:$0xd] =	wrdreg s21  }
0x1d: {  	s4 =	simm.s32 $0x18000;
	s22 =	simm.s32 $0x6;
	[dreg:$0xf] =	wrdreg s0  }
0x1e: {  	s24 =	simm.s32 $0x7;
	s26 =	simm.s32 $0x4;
	[dreg:$0x9] =	wrdreg s25  }
0x1f: {  	v0 =	vimm.f32 $0.0e+00;
	s0 =	simm.s32 $0x1C880;
	s21 =	simm.s32 $0x1;
	s25 =	simm.s32 $0x3  }
.LBB2_1:
0x20: {  	s12 =	simm.s32 $0x0;
	s13 =	simm.s32 $0x200  }
.LBB2_2:
0x21: {  	p0 =	sne.s32 s13, $0xFE00;
	[tilespmem:s12+$0x14070] =	vst v0  }
0x22: {  	[tilespmem:s12+$0x14000] =	vst v0  }
0x23: {  	[tilespmem:s12+$0x14010] =	vst v0  }
.Ltmp0:
0x24: {  	[tilespmem:s12+$0x14020] =	vst v0;
	(pc) =	sbr.rel @p0 .LBB2_2-.Ltmp0, $4  }
0x25: {  	[tilespmem:s12+$0x14030] =	vst v0  }
0x26: {  	[tilespmem:s12+$0x14040] =	vst v0  }
0x27: {  	[tilespmem:s12+$0x14050] =	vst v0  }
0x28: {  	[tilespmem:s12+$0x14060] =	vst v0;
	s12 =	sshra.s32 s13, $0x2;
	s13 =	sadd.s32 $0x200, s13  }
0x29: {  	[tilespmem:s12+$0x14070] =	vst v0  }
0x2a: {  	[tilespmem:s12+$0x14000] =	vst v0  }
0x2b: {  	[tilespmem:s12+$0x14010] =	vst v0  }
0x2c: {  	[tilespmem:s12+$0x14020] =	vst v0  }
0x2d: {  	[tilespmem:s12+$0x14030] =	vst v0  }
0x2e: {  	[tilespmem:s12+$0x14040] =	vst v0  }
0x2f: {  	[tilespmem:s12+$0x14050] =	vst v0  }
0x30: {  	[tilespmem:s12+$0x14060] =	vst v0  }
0x31: {  	[spmem:s6] =	stream.linear.scatter [tilespmem:s19], [sflag:$0x8], $0x4000, $0x38;
	[tilespmem:$0x1C900] =	vst v63  }
0x32: {  	_ =	swait.ge [sflag:s20], $0x4000  }
0x33: {  	[sflag:s20] =	ssyncset.done $0x0  }
0x34: {  	[sflag:s20] =	ssyncadd.s32 $0xFFFFC000  }
0x35: {  	[spmem:s29] =	stream.linear.scatter [tilespmem:s19], [sflag:$0x8], $0x4000, $0x38;
	[tilespmem:$0x1C900] =	vst v63  }
0x36: {  	_ =	swait.ge [sflag:s20], $0x4000  }
0x37: {  	[sflag:s20] =	ssyncset.done $0x0  }
0x38: {  	s18 =	rddreg [dreg:$0xa];
	[sflag:s20] =	ssyncadd.s32 $0xFFFFC000  }
0x39: {  	[spmem:s18] =	stream.linear.scatter [tilespmem:s19], [sflag:$0x8], $0x4000, $0x38;
	[tilespmem:$0x1C900] =	vst v63  }
0x3a: {  	_ =	swait.ge [sflag:s20], $0x4000  }
0x3b: {  	[sflag:s20] =	ssyncset.done $0x0  }
0x3c: {  	[sflag:s20] =	ssyncadd.s32 $0xFFFFC000  }
0x3d: {  	[spmem:s9] =	stream.linear.scatter [tilespmem:s19], [sflag:$0x8], $0x4000, $0x38;
	[tilespmem:$0x1C900] =	vst v63  }
0x3e: {  	_ =	swait.ge [sflag:s20], $0x4000  }
0x3f: {  	[sflag:s20] =	ssyncset.done $0x0  }
0x40: {  	[sflag:s20] =	ssyncadd.s32 $0xFFFFC000  }
0x41: {  	[spmem:s10] =	stream.linear.scatter [tilespmem:s19], [sflag:$0x8], $0x4000, $0x38;
	[tilespmem:$0x1C900] =	vst v63  }
0x42: {  	_ =	swait.ge [sflag:s20], $0x4000  }
0x43: {  	[sflag:s20] =	ssyncset.done $0x0  }
0x44: {  	[sflag:s20] =	ssyncadd.s32 $0xFFFFC000  }
0x45: {  	s12 =	simm.s32 $0x0;
	s13 =	simm.s32 $0x1C000;
	[bflag:$0x0] =	sbarrier.arrive $0xFFFF  }
0x46: {  	[tilespmem:s13], [sflag:$0x5] =	stream.linear.gather [hbm4b:s11+s12], $0x80, $0x38;
	[tilespmem:$0x1C900] =	vst v63  }
0x47: {  	s8 =	smov.u32 s29;
	s14 =	sadd.s32 $0x10, s11;
	s29 =	simm.s32 $0x1C100  }
0x48: {  	[tilespmem:s29], [sflag:$0x5] =	stream.linear.gather [hbm4b:s14+s12], $0x80, $0x38;
	[tilespmem:$0x1C900] =	vst v63  }
0x49: {  	s15 =	sadd.s32 $0x20, s11;
	s17 =	simm.s32 $0x1C200  }
0x4a: {  	[tilespmem:s17], [sflag:$0x5] =	stream.linear.gather [hbm4b:s15+s12], $0x80, $0x38;
	[tilespmem:$0x1C900] =	vst v63  }
0x4b: {  	s18 =	sadd.s32 $0x30, s11;
	s29 =	simm.s32 $0x1C300  }
0x4c: {  	[tilespmem:s29], [sflag:$0x5] =	stream.linear.gather [hbm4b:s18+s12], $0x80, $0x38;
	[tilespmem:$0x1C900] =	vst v63  }
0x4d: {  	s15 =	sadd.s32 $0x40, s11;
	s17 =	simm.s32 $0x1C400  }
0x4e: {  	[tilespmem:s17], [sflag:$0x5] =	stream.linear.gather [hbm4b:s15+s12], $0x80, $0x38;
	[tilespmem:$0x1C900] =	vst v63  }
0x4f: {  	s18 =	sadd.s32 $0x50, s11;
	s29 =	simm.s32 $0x1C500  }
0x50: {  	[tilespmem:s29], [sflag:$0x5] =	stream.linear.gather [hbm4b:s18+s12], $0x80, $0x38;
	[tilespmem:$0x1C900] =	vst v63  }
0x51: {  	s7 =	smov.u32 s6;
	s6 =	sadd.s32 $0x60, s11;
	s15 =	simm.s32 $0x1C600  }
0x52: {  	[tilespmem:s15], [sflag:$0x5] =	stream.linear.gather [hbm4b:s6+s12], $0x80, $0x38;
	[tilespmem:$0x1C900] =	vst v63  }
0x53: {  	s17 =	sadd.s32 $0x70, s11;
	s18 =	simm.s32 $0x1C700;
	s29 =	simm.s32 $0x5  }
0x54: {  	[tilespmem:s18], [sflag:$0x5] =	stream.linear.gather [hbm4b:s17+s12], $0x80, $0x38;
	[tilespmem:$0x1C900] =	vst v63  }
0x55: {  	_ =	swait.ge [sflag:s29], $0x400  }
0x56: {  	[sflag:s29] =	ssyncset.done $0x0  }
0x57: {  	s14 =	simm.s32 $0x0;
	[sflag:s29] =	ssyncadd.s32 $0xFFFFFC00  }
.LBB2_4:
0x58: {  	p0 =	seq.s32 s12, $0x0;
	s15 =	sand.u32 $0x3, s14  }
0x59: {  	p1 =	sne.s32 @!p0 s15, $0x0  }
0x5a: {  	p0 =	por p1, p0  }
0x5b: {  	s18 =	sshrl.u32 s14, $0x2;
	s29 =	sshll.u32 s14, $0x7;
	s17 =	simm.s32 @!p0 $0x5  }
0x5c: {  	s29 =	sand.u32 $0x200, s29;
	s6 =	sshll.u32 s18, $0xD;
	_ =	swait.ge @!p0 [sflag:s17], $0x400  }
0x5d: {  	s6 =	ssub.s32 s29, s6;
	[sflag:s17] =	ssyncset.done @!p0 $0x0  }
0x5e: {  	s29 =	sadd.s32 s12, s16;
	s6 =	sshra.s32 s6, $0x2;
	[sflag:s17] =	ssyncadd.s32 @!p0 $0xFFFFFC00  }
0x5f: {  	[tilespmem:s30], [sflag:$0x6] =	stream.linear.gather [hbm4b:s29+s5], $0x80, $0x38;
	[tilespmem:$0x1C900] =	vst v63  }
0x60: {  	s6 =	sadd.s32 s6, s13;
	s29 =	rddreg [dreg:$0x9]  }
0x61: {  	[tilespmem:s19], [sflag:$0x1] =	stream.indirect.gather [hbm4b:s1+s31], $0x80, s6, s31, $0xb8;
	[tilespmem:$0x1C900] =	vst v63  }
0x62: {  	s17 =	sadd.s32 s12, s29  }
0x63: {  	[tilespmem:s0], [sflag:$0x7] =	stream.linear.gather [hbm4b:s17+s5], $0x80, $0x38;
	[tilespmem:$0x1C900] =	vst v63  }
0x64: {  	s6 =	sadd.s32 $0x100, s6  }
0x65: {  	[tilespmem:s4], [sflag:$0x2] =	stream.indirect.gather [hbm4b:s1+s31], $0x80, s6, s31, $0xb8;
	[tilespmem:$0x1C900] =	vst v63  }
0x66: {  	p0 =	sne.s32 s15, $0x1;
	s17 =	rddreg [dreg:$0x6];
	s6 =	sadd.s32 $0x1, s18  }
0x67: {  	p1 =	sge.u32 @!p0 s6, s17  }
0x68: {  	p0 =	por p1, p0  }
0x69: {  	s15 =	rddreg [dreg:$0x7];
	s18 =	sshll.u32 s18, $0x7;
	s6 =	sshll.u32 @!p0 s6, $0xA  }
0x6a: {  	s17 =	sand.u32 $0x80, s18;
	s6 =	sadd.s32 @!p0 s15, s6  }
0x6b: {  	s15 =	sxor.u32 @!p0 $0x80, s17;
	s6 =	sshrl.u32 @!p0 s6, $0x3  }
0x6c: {  	s18 =	simm.s32 @!p0 $0x0;
	s17 =	sor.u32 @!p0 $0x1C000, s15;
	s6 =	sadd.s32 @!p0 s2, s6  }
0x6d: {  	[tilespmem:s17], [sflag:$0x5] =	stream.linear.gather @!p0 [hbm4b:s6+s18], $0x80, $0x38;
	[tilespmem:$0x1C900] =	vst v63  }
0x6e: {  	s29 =	sor.u32 @!p0 $0x1C100, s15;
	s17 =	sadd.s32 @!p0 $0x10, s6  }
0x6f: {  	[tilespmem:s29], [sflag:$0x5] =	stream.linear.gather @!p0 [hbm4b:s17+s18], $0x80, $0x38;
	[tilespmem:$0x1C900] =	vst v63  }
0x70: {  	s17 =	sadd.s32 @!p0 $0x20, s6;
	s29 =	sor.u32 @!p0 $0x1C200, s15  }
0x71: {  	[tilespmem:s29], [sflag:$0x5] =	stream.linear.gather @!p0 [hbm4b:s17+s18], $0x80, $0x38;
	[tilespmem:$0x1C900] =	vst v63  }
0x72: {  	s17 =	sadd.s32 @!p0 $0x30, s6;
	s29 =	sor.u32 @!p0 $0x1C300, s15  }
0x73: {  	[tilespmem:s29], [sflag:$0x5] =	stream.linear.gather @!p0 [hbm4b:s17+s18], $0x80, $0x38;
	[tilespmem:$0x1C900] =	vst v63  }
0x74: {  	s17 =	sadd.s32 @!p0 $0x40, s6;
	s29 =	sor.u32 @!p0 $0x1C400, s15  }
0x75: {  	[tilespmem:s29], [sflag:$0x5] =	stream.linear.gather @!p0 [hbm4b:s17+s18], $0x80, $0x38;
	[tilespmem:$0x1C900] =	vst v63  }
0x76: {  	s17 =	sadd.s32 @!p0 $0x50, s6;
	s29 =	sor.u32 @!p0 $0x1C500, s15  }
0x77: {  	[tilespmem:s29], [sflag:$0x5] =	stream.linear.gather @!p0 [hbm4b:s17+s18], $0x80, $0x38;
	[tilespmem:$0x1C900] =	vst v63  }
0x78: {  	s17 =	sadd.s32 @!p0 $0x60, s6;
	s29 =	sor.u32 @!p0 $0x1C600, s15  }
0x79: {  	[tilespmem:s29], [sflag:$0x5] =	stream.linear.gather @!p0 [hbm4b:s17+s18], $0x80, $0x38;
	[tilespmem:$0x1C900] =	vst v63  }
0x7a: {  	s6 =	sadd.s32 @!p0 $0x70, s6;
	s15 =	sor.u32 @!p0 $0x1C700, s15  }
0x7b: {  	[tilespmem:s15], [sflag:$0x5] =	stream.linear.gather @!p0 [hbm4b:s6+s18], $0x80, $0x38;
	[tilespmem:$0x1C900] =	vst v63  }
0x7c: {  	_ =	swait.ge [sflag:s21], $0x4000  }
0x7d: {  	[sflag:s21] =	ssyncset.done $0x0  }
0x7e: {  	[sflag:s21] =	ssyncadd.s32 $0xFFFFC000  }
0x7f: {  	_ =	swait.ge [sflag:s22], $0x80  }
0x80: {  	[sflag:s22] =	ssyncset.done $0x0  }
0x81: {  	[sflag:s22] =	ssyncadd.s32 $0xFFFFFF80  }
0x82: {  	[spmem:s3] =	stream.indirect.scatter.add.f32 [tilespmem:s19], [sflag:$0x8], $0x80, s30, s31, $0xb8;
	[tilespmem:$0x1C900] =	vst v63  }
0x83: {  	_ =	swait.ge [sflag:s20], $0x4000  }
0x84: {  	[sflag:s20] =	ssyncset.done $0x0  }
0x85: {  	[sflag:s20] =	ssyncadd.s32 $0xFFFFC000  }
0x86: {  	_ =	swait.ge [sflag:s23], $0x4000  }
0x87: {  	[sflag:s23] =	ssyncset.done $0x0  }
0x88: {  	[sflag:s23] =	ssyncadd.s32 $0xFFFFC000  }
0x89: {  	_ =	swait.ge [sflag:s24], $0x80  }
0x8a: {  	[sflag:s24] =	ssyncset.done $0x0  }
0x8b: {  	[sflag:s24] =	ssyncadd.s32 $0xFFFFFF80  }
0x8c: {  	[spmem:s3] =	stream.indirect.scatter.add.f32 [tilespmem:s4], [sflag:$0x8], $0x80, s0, s31, $0xb8;
	[tilespmem:$0x1C900] =	vst v63  }
0x8d: {  	_ =	swait.ge [sflag:s20], $0x4000  }
0x8e: {  	s12 =	sadd.s32 $0x20, s12;
	s29 =	rddreg [dreg:$0x8]  }
0x8f: {  	p0 =	sne.s32 s29, s12  }
.Ltmp1:
0x90: {  	_ = 	snop;
	(pc) =	sbr.rel @p0 .LBB2_4-.Ltmp1, $3  }
0x91: {  	_ =	sdelay $0x1  }
0x92: {  	[sflag:s20] =	ssyncset.done $0x0  }
0x93: {  	s14 =	sadd.s32 $0x1, s14;
	s13 =	sadd.s32 $0x200, s13;
	[sflag:s20] =	ssyncadd.s32 $0xFFFFC000  }
0x94: {  	[bflag:$0x0] =	sbarrier.arrive $0xFFFF  }
0x95: {  	[tilespmem:s19], [sflag:$0x8] =	stream.linear.gather [spmem:s7], $0x4000, $0x38;
	[tilespmem:$0x1C900] =	vst v63  }
0x96: {  	_ =	swait.ge [sflag:s20], $0x4000  }
0x97: {  	[sflag:s20] =	ssyncset.done $0x0  }
0x98: {  	s18 =	rddreg [dreg:$0xb];
	[sflag:s20] =	ssyncadd.s32 $0xFFFFC000  }
0x99: {  	[hbm4b:s18+s5] =	stream.linear.scatter [tilespmem:s19], [sflag:$0x3], $0x4000, $0x38;
	[tilespmem:$0x1C900] =	vst v63  }
0x9a: {  	_ = 	snop  }
0x9b: {  	[tilespmem:s4], [sflag:$0x8] =	stream.linear.gather [spmem:s8], $0x4000, $0x38;
	[tilespmem:$0x1C900] =	vst v63  }
0x9c: {  	_ =	swait.ge [sflag:s20], $0x4000  }
0x9d: {  	[sflag:s20] =	ssyncset.done $0x0  }
0x9e: {  	s12 =	rddreg [dreg:$0xc];
	[sflag:s20] =	ssyncadd.s32 $0xFFFFC000  }
0x9f: {  	[hbm4b:s12+s5] =	stream.linear.scatter [tilespmem:s4], [sflag:$0x4], $0x4000, $0x38;
	[tilespmem:$0x1C900] =	vst v63  }
0xa0: {  	_ =	swait.ge [sflag:s25], $0x4000  }
0xa1: {  	[sflag:s25] =	ssyncset.done $0x0  }
0xa2: {  	s13 =	rddreg [dreg:$0xa];
	[sflag:s25] =	ssyncadd.s32 $0xFFFFC000  }
0xa3: {  	[tilespmem:s19], [sflag:$0x8] =	stream.linear.gather [spmem:s13], $0x4000, $0x38;
	[tilespmem:$0x1C900] =	vst v63  }
0xa4: {  	_ =	swait.ge [sflag:s20], $0x4000  }
0xa5: {  	[sflag:s20] =	ssyncset.done $0x0  }
0xa6: {  	s14 =	rddreg [dreg:$0xd];
	[sflag:s20] =	ssyncadd.s32 $0xFFFFC000  }
0xa7: {  	[hbm4b:s14+s5] =	stream.linear.scatter [tilespmem:s19], [sflag:$0x3], $0x4000, $0x38;
	[tilespmem:$0x1C900] =	vst v63  }
0xa8: {  	_ =	swait.ge [sflag:s26], $0x4000  }
0xa9: {  	[sflag:s26] =	ssyncset.done $0x0  }
0xaa: {  	[sflag:s26] =	ssyncadd.s32 $0xFFFFC000  }
0xab: {  	[tilespmem:s4], [sflag:$0x8] =	stream.linear.gather [spmem:s9], $0x4000, $0x38;
	[tilespmem:$0x1C900] =	vst v63  }
0xac: {  	_ =	swait.ge [sflag:s20], $0x4000  }
0xad: {  	[sflag:s20] =	ssyncset.done $0x0  }
0xae: {  	s15 =	rddreg [dreg:$0xe];
	[sflag:s20] =	ssyncadd.s32 $0xFFFFC000  }
0xaf: {  	[hbm4b:s15+s5] =	stream.linear.scatter [tilespmem:s4], [sflag:$0x4], $0x4000, $0x38;
	[tilespmem:$0x1C900] =	vst v63  }
0xb0: {  	_ =	swait.ge [sflag:s25], $0x4000  }
0xb1: {  	[sflag:s25] =	ssyncset.done $0x0  }
0xb2: {  	[sflag:s25] =	ssyncadd.s32 $0xFFFFC000  }
0xb3: {  	[tilespmem:s19], [sflag:$0x8] =	stream.linear.gather [spmem:s10], $0x4000, $0x38;
	[tilespmem:$0x1C900] =	vst v63  }
0xb4: {  	_ =	swait.ge [sflag:s20], $0x4000  }
0xb5: {  	[sflag:s20] =	ssyncset.done $0x0  }
0xb6: {  	s17 =	rddreg [dreg:$0xf];
	[sflag:s20] =	ssyncadd.s32 $0xFFFFC000  }
0xb7: {  	[hbm4b:s17+s5] =	stream.linear.scatter [tilespmem:s19], [sflag:$0x3], $0x4000, $0x38;
	[tilespmem:$0x1C900] =	vst v63  }
0xb8: {  	_ =	swait.ge [sflag:s26], $0x4000  }
0xb9: {  	[sflag:s26] =	ssyncset.done $0x0  }
0xba: {  	[sflag:s26] =	ssyncadd.s32 $0xFFFFC000  }
0xbb: {  	_ =	swait.ge [sflag:s25], $0x4000  }
0xbc: {  	s28 =	sadd.s32 $0x1, s28;
	s18 =	rddreg [dreg:$0x10]  }
0xbd: {  	p0 =	sne.s32 s28, s18  }
.Ltmp2:
0xbe: {  	_ = 	snop;
	(pc) =	sbr.rel @p0 .LBB2_1-.Ltmp2, $3  }
0xbf: {  	_ =	sdelay $0x1  }
0xc0: {  	[sflag:s25] =	ssyncset.done $0x0  }
0xc1: {  	s6 =	smov.u32 s7;
	s29 =	smov.u32 s8;
	[sflag:s25] =	ssyncadd.s32 $0xFFFFC000  }
0xc2: {  	_ =	sfence.sel $0x180000  }
0xc3: {  	[bflag:$0x0] =	sbarrier.arrive $0xFFFF  }
0xc4: {  	_ =	strace $0x9000004D  }
0xc5: {  	s0 =	stileid.u32;
	[bflag:$0x2] =	sbarrier.arrive $0xFFFF  }
0xc6: {  	p0 =	sne.s32 s0, $0x0;
	s0 =	rddreg [dreg:$0x5]  }
0xc7: {  	s0 =	sadd.s32 @!p0 $0x100000, s0  }
0xc8: {  	[sflag:s0] =	ssyncadd.tile.s32 @!p0 $0x1;
	_ =	shalt  }
.Lfunc_end2:
_tile_overlayer_lowered:
.L_overlay_start_2:
0xc9: {  	(tag) =	ssettag $0x2  }
0xca: {  	s0 =	rddreg [dreg:$0x0];
	s2 =	stileid.u32  }
0xcb: {  	s1 =	rddreg [dreg:$0x1];
	p0 =	sne.s32 s2, $0x0  }
0xcc: {  	s3 =	rddreg [dreg:$0x2];
	[bflag:$0x3] =	sbarrier.arrive $0xFFFF;
	s2 =	simm.s32 @!p0 $0x1C08  }
0xcd: {  	[timem:s3], [sflag:s2] =	dma.local @!p0 [hbm:s0], s1  }
0xce: {  	s0 =	simm.s32 @!p0 $0x8  }
0xcf: {  	_ =	swait.ge @!p0 [sflag:s0], s1  }
0xd0: {  	s1 =	ssub.s32 @!p0 $0x0, s1;
	[sflag:s0] =	ssyncset.done @!p0 $0x0  }
0xd1: {  	[sflag:s0] =	ssyncadd.s32 @!p0 s1  }
0xd2: {  	[bflag:$0x3] =	sbarrier.arrive $0xFFFF  }
0xd3: {  	_ =	shalt  }

// kernel: kernel.8.cloned.1.call-start
scs
__scs_entry_jumppad:
0x0: {  	(pc) =	sbr.rel $0x88, $3  }
0x1: {  	(tag) =	ssettag $0x0;
	lr =	simm.s32 $0x1  }
0x2: {  	[smem:$0x3F8C] =	sst lr;
	_ =	strace $0xD0000000  }
0x3: {  	_ = 	snop  }
0x4: {  	_ = 	snop  }
0x5: {  	_ = 	snop  }
0x6: {  	_ = 	snop  }
0x7: {  	_ = 	snop  }
__scs_overlays_trampoline_lowered:
0x8: {  	[smem:$0x3F9B] =	sst s0  }
0x9: {  	[smem:$0x3F9C] =	sst s1  }
0xa: {  	[smem:$0x3F9D] =	sst s2  }
0xb: {  	[smem:$0x3F9E] =	sst s3  }
0xc: {  	[smem:$0x3F9F] =	sst s4  }
0xd: {  	[smem:$0x3FA0] =	sst s5  }
0xe: {  	[smem:$0x3FA1] =	sst s6  }
0xf: {  	[smem:$0x3FA2] =	sst s7  }
0x10: {  	[smem:$0x3FA3] =	sst s8  }
0x11: {  	[smem:$0x3FA4] =	sst s9;
	s0 =	simm.s32 @!p0 $0x0  }
0x12: {  	s1 =	sld [smem:$0x3F8A];
	s0 =	simm.s32 @p0 $0x1  }
0x13: {  	[smem:$0x3FA5] =	sst s0;
	s0 =	simm.s32 @!p1 $0x0  }
0x14: {  	s2 =	sld [smem:$0x3F89];
	s0 =	simm.s32 @p1 $0x1  }
0x15: {  	[smem:$0x3FA6] =	sst s0;
	s0 =	simm.s32 @!p2 $0x0  }
0x16: {  	s3 =	sld [smem:$0x3FDB];
	s0 =	simm.s32 @p2 $0x1  }
0x17: {  	s4 =	simm.s32 $0x1BF5;
	[smem:$0x3FA8] =	sst s0  }
0x18: {  	s0 =	sld [smem:$0x3F8B];
	_ =	swait.ge [sflag:s4], $0x0  }
0x19: {  	s7 =	sld [smem:$0x3F8C]  }
0x1a: {  	s8 =	sadd.s32 $0xFFFFE003, lr  }
0x1b: {  	s9 =	sadd.s32 $0xFFFFFEF7, lr;
	s5 =	simm.s32 $0xFFFFFFFF;
	p2 =	slt.u32 s8, $0xFFFFF086  }
0x1c: {  	p1 =	slt.u32 s9, $0xF7A;
	s5 =	simm.s32 @!p2 $0x0  }
0x1d: {  	s5 =	simm.s32 @p1 $0x1;
	p0 =	seq.s32 s7, s2  }
0x1e: {  	s7 =	smul.u32 @!p0 $0xF7A, s2;
	p2 =	seq.s32 @!p0 s5, $0x0  }
0x1f: {  	s9 =	smul.u32 $0xF7A, s1;
	s8 =	simm.s32 @!p0 $0x1BF5;
	p2 =	por !p2, p0  }
0x20: {  	[sflag:s8] =	ssyncset.s32 @!p0 $0xFFFFF086;
	s6 =	sadd.s32 @!p0 s3, s7;
	s7 =	simm.s32 @!p0 $0x108  }
0x21: {  	s3 =	sadd.s32 s3, s9;
	s6 =	sadd.s32 @!p0 $0x88, s6;
	s7 =	simm.s32 @p2 $0x1082  }
0x22: {  	[simem:s7], [sflag:s8] =	dma.local @!p0 [hbm:s6], $0xF7A  }
0x23: {  	s9 =	sor.u32 $0xD0000000, s2;
	s6 =	simm.s32 $0x108;
	_ =	swait.ge @!p0 [sflag:s8], $0x0  }
0x24: {  	s3 =	sadd.s32 $0x88, s3;
	s6 =	simm.s32 @!p1 $0x1082;
	[sflag:s4] =	ssyncset.s32 $0xFFFFF086  }
0x25: {  	[simem:s6], [sflag:s4] =	dma.local [hbm:s3], $0xF7A  }
0x26: {  	[smem:$0x3F8C] =	sst s1;
	(tag) =	ssettag s2;
	_ =	strace s9  }
0x27: {  	s1 =	sld [smem:$0x3F9C]  }
0x28: {  	s2 =	sld [smem:$0x3F9D]  }
0x29: {  	s4 =	sld [smem:$0x3F9F]  }
0x2a: {  	p0 =	seq.s32 s5, $0x0;
	s5 =	sld [smem:$0x3FA0]  }
0x2b: {  	s6 =	sld [smem:$0x3FA1]  }
0x2c: {  	s7 =	sld [smem:$0x3FA2]  }
0x2d: {  	s3 =	simm.s32 $0x108;
	s8 =	sld [smem:$0x3FA3]  }
0x2e: {  	s3 =	simm.s32 @!p0 $0x1082;
	s9 =	sld [smem:$0x3FA4]  }
0x2f: {  	lr =	sadd.s32 s0, s3;
	s0 =	sld [smem:$0x3F9B]  }
0x30: {  	s3 =	sld [smem:$0x3F9E]  }
0x31: {  	[smem:$0x3FA7] =	sst s10  }
0x32: {  	s10 =	sld [smem:$0x3FA5];
	_ =	sdelay $0x3  }
0x33: {  	p0 =	seq.s32 s10, $0x1;
	s10 =	sld [smem:$0x3FA7];
	_ =	sdelay $0x3  }
0x34: {  	[smem:$0x3FA7] =	sst s10  }
0x35: {  	s10 =	sld [smem:$0x3FA6];
	_ =	sdelay $0x3  }
0x36: {  	p1 =	seq.s32 s10, $0x1;
	s10 =	sld [smem:$0x3FA7];
	_ =	sdelay $0x3  }
0x37: {  	[smem:$0x3FA7] =	sst s10  }
0x38: {  	s10 =	sld [smem:$0x3FA8]  }
0x39: {  	_ = 	snop;
	(pc) =	sbr.ind lr, $3  }
0x3a: {  	_ = 	snop  }
0x3b: {  	_ = 	snop  }
0x3c: {  	p2 =	seq.s32 s10, $0x1;
	s10 =	sld [smem:$0x3FA7]  }
0x3d: {  	_ =	shalt  }
0x3e: {  	_ =	shalt  }
0x3f: {  	_ =	shalt  }
0x40: {  	_ =	shalt  }
0x41: {  	_ =	shalt  }
0x42: {  	_ =	shalt  }
0x43: {  	_ =	shalt  }
0x44: {  	_ =	shalt  }
0x45: {  	_ =	shalt  }
0x46: {  	_ =	shalt  }
0x47: {  	_ =	shalt  }
0x48: {  	_ =	shalt  }
0x49: {  	_ =	shalt  }
0x4a: {  	_ =	shalt  }
0x4b: {  	_ =	shalt  }
0x4c: {  	_ =	shalt  }
0x4d: {  	_ =	shalt  }
0x4e: {  	_ =	shalt  }
0x4f: {  	_ =	shalt  }
0x50: {  	_ =	shalt  }
0x51: {  	_ =	shalt  }
0x52: {  	_ =	shalt  }
0x53: {  	_ =	shalt  }
0x54: {  	_ =	shalt  }
0x55: {  	_ =	shalt  }
0x56: {  	_ =	shalt  }
0x57: {  	_ =	shalt  }
0x58: {  	_ =	shalt  }
0x59: {  	_ =	shalt  }
0x5a: {  	_ =	shalt  }
0x5b: {  	_ =	shalt  }
0x5c: {  	_ =	shalt  }
0x5d: {  	_ =	shalt  }
0x5e: {  	_ =	shalt  }
0x5f: {  	_ =	shalt  }
0x60: {  	_ =	shalt  }
0x61: {  	_ =	shalt  }
0x62: {  	_ =	shalt  }
0x63: {  	_ =	shalt  }
0x64: {  	_ =	shalt  }
0x65: {  	_ =	shalt  }
0x66: {  	_ =	shalt  }
0x67: {  	_ =	shalt  }
0x68: {  	_ =	shalt  }
0x69: {  	_ =	shalt  }
0x6a: {  	_ =	shalt  }
0x6b: {  	_ =	shalt  }
0x6c: {  	_ =	shalt  }
0x6d: {  	_ =	shalt  }
0x6e: {  	_ =	shalt  }
0x6f: {  	_ =	shalt  }
0x70: {  	_ =	shalt  }
0x71: {  	_ =	shalt  }
0x72: {  	_ =	shalt  }
0x73: {  	_ =	shalt  }
0x74: {  	_ =	shalt  }
0x75: {  	_ =	shalt  }
0x76: {  	_ =	shalt  }
0x77: {  	_ =	shalt  }
0x78: {  	_ =	shalt  }
0x79: {  	_ =	shalt  }
0x7a: {  	_ =	shalt  }
0x7b: {  	_ =	shalt  }
0x7c: {  	_ =	shalt  }
0x7d: {  	_ =	shalt  }
0x7e: {  	_ =	shalt  }
0x7f: {  	_ =	shalt  }
0x80: {  	_ =	shalt  }
0x81: {  	_ =	shalt  }
0x82: {  	_ =	shalt  }
0x83: {  	_ =	shalt  }
0x84: {  	_ =	shalt  }
0x85: {  	_ =	shalt  }
0x86: {  	_ =	shalt  }
0x87: {  	_ =	shalt  }
.Lfunc_end0:
.L_simem_size_0:
called_computation_lowered:
.L_overlay_start_0:
0x88: {  	s2 =	sld [smem:$0x3FD9]  }
0x89: {  	s3 =	sld [smem:$0x3FFE];
	_ =	sdelay $0x1  }
0x8a: {  	s1 =	srdreg.scid  }
0x8b: {  	s0 =	sand.u32 $0x1, s1  }
0x8c: {  	s14 =	sshll.u32 s0, $0xA;
	s2 =	sadd.s32 s3, s2  }
0x8d: {  	s2 =	sadd.s32 s2, s14  }
0x8e: {  	[smem:$0x3FB3] =	sst s2  }
0x8f: {  	_ = 	snop  }
0x90: {  	s2 =	sld [smem:$0x3FD0];
	_ =	sdelay $0x2  }
0x91: {  	s15 =	simm.s32 $0xA;
	s4 =	simm.s32 $0x10  }
0x92: {  	[smem:s4], [sflag:s15] =	dma.local [hbm:s2], $0x1  }
0x93: {  	_ =	swait.eq [sflag:s15], $0x1  }
0x94: {  	[sflag:s15] =	ssyncset.done $0x0  }
0x95: {  	[sflag:s15] =	ssyncadd.s32 $0xFFFFFFFF  }
0x96: {  	s16 =	sld [smem:$0x11];
	(tm) =	ssettm $0x1  }
0x97: {  	s17 =	sld [smem:$0x3FFB];
	_ =	sdelay $0x3  }
0x98: {  	_ =	strace s17  }
0x99: {  	s3 =	sld [smem:$0x3FFC];
	_ =	sdelay $0x3  }
0x9a: {  	_ =	strace s3  }
0x9b: {  	s3 =	sld [smem:$0x3FFD];
	_ =	sdelay $0x3  }
0x9c: {  	_ =	strace s3  }
0x9d: {  	_ =	strace $0x8FFFFFFF  }
0x9e: {  	s18 =	sld [smem:$0x3FDB];
	_ =	sdelay $0x1  }
0x9f: {  	s19 =	simm.s32 $_scs_section_size  }
0xa0: {  	s5 =	simm.s32 $_size__tile_overlayer_lowered;
	s6 =	simm.s32 $_tile_overlayer_lowered  }
0xa1: {  	s22 =	simm.s32 $0x1BFF;
	s21 =	sshll.u32 s6, $0x1;
	s3 =	sadd.s32 s19, s18  }
0xa2: {  	s7 =	simm.s32 $0x0;
	s20 =	sshll.u32 s5, $0x1;
	s5 =	sadd.s32 s21, s3  }
0xa3: {  	[timem:s7], [sflag:s22] =	dma.local [hbm:s5], s20  }
0xa4: {  	_ =	swait.ge [sflag:s22], s20  }
0xa5: {  	s4 =	ssub.s32 $0x0, s20;
	[sflag:s22] =	ssyncset.done $0x0  }
0xa6: {  	[sflag:s22] =	ssyncadd.s32 s4;
	_ =	sdelay $0x1  }
0xa7: {  	s23 =	simm.s32 $0x1B8B  }
0xa8: {  	_ =	swait.ge [sflag:s23], $0x1  }
0xa9: {  	[sflag:s23] =	ssyncset.done $0x0  }
0xaa: {  	s25 =	simm.s32 $0x1B8E;
	s24 =	sld [smem:$0x3FFE];
	[sflag:s23] =	ssyncadd.s32 $0xFFFFFFFF  }
0xab: {  	s26 =	simm.s32 $execute0_lowered;
	[smem:$0x3FD2] =	sst s25  }
0xac: {  	s5 =	sshll.u32 s26, $0x1;
	_ =	strace $0x80000046;
	[dreg:$0x1] =	wrdreg $0xFFFFFFFF  }
0xad: {  	s28 =	simm.s32 $_size_execute0_lowered;
	s3 =	sadd.s32 s3, s5;
	[dreg:$0x0] =	wrdreg $0x0  }
0xae: {  	s5 =	sshll.u32 s28, $0x1;
	[dreg:$0x2] =	wrdreg s3  }
0xaf: {  	[dreg:$0x3] =	wrdreg s5  }
0xb0: {  	[dreg:$0x4] =	wrdreg $0xC0  }
0xb1: {  	_ =	task [dreg:s7], $0x5FFFF  }
0xb2: {  	[dreg:$0x1] =	wrdreg $0xFFFFFFFF  }
0xb3: {  	[dreg:$0x0] =	wrdreg $0x60  }
0xb4: {  	[dreg:$0x2] =	wrdreg s16  }
0xb5: {  	[dreg:$0x3] =	wrdreg s24  }
0xb6: {  	[dreg:$0x4] =	wrdreg $0x0  }
0xb7: {  	[dreg:$0x5] =	wrdreg $0x9  }
0xb8: {  	_ =	task.clear_ibuf [dreg:s7], $0x6FFFF;
	_ =	strace $0x90000046  }
0xb9: {  	s29 =	simm.s32 $0x9;
	_ =	strace $0x80000048  }
0xba: {  	_ =	swait.ge [sflag:s29], $0x1  }
0xbb: {  	[sflag:s29] =	ssyncadd.s32 $0xFFFFFFFF  }
0xbc: {  	_ =	strace $0x90000048  }
0xbd: {  	_ =	sfence  }
0xbe: {  	s30 =	sld [smem:$0x0];
	_ =	sdelay $0x2  }
0xbf: {  	s31 =	sshll.u32 s1, $0xD;
	s1 =	sshrl.u32 s1, $0x2  }
0xc0: {  	s3 =	sand.u32 $0x4000, s31;
	s1 =	sadd.s32 s1, s30  }
0xc1: {  	s0 =	sor.u32 s3, s0;
	s1 =	sshll.u32 s1, $0x11  }
0xc2: {  	s0 =	sor.u32 s1, s0  }
0xc3: {  	s0 =	sadd.s32 $0x8F2B, s0  }
0xc4: {  	[sflag:s0] =	ssyncadd.remote.s32 $0x1  }
0xc5: {  	_ =	sfence.sel $0xFFFF  }
0xc6: {  	[dreg:$0x0] =	wrdreg $0xFFFFFFFF;
	(pc) =	sbr.abs _section_cstart, $3  }
0xc7: {  	[dreg:$0x1] =	wrdreg $0xFFFFFFFF  }
0xc8: {  	_ =	task.clear_ibuf [dreg:s7], $0x2FFFF;
	_ =	strace $0x9FFFFFFF  }
0xc9: {  	(tm) =	ssettm $0x7FFFFFFF  }
tec
execute0_lowered:
.L_overlay_start_1:
0x0: {  	(tag) =	ssettag $0x1  }
0x1: {  	s14 =	rddreg [dreg:$0x0]  }
0x2: {  	s4 =	rddreg [dreg:$0x1];
	s1 =	stileid.u32  }
0x3: {  	s2 =	rddreg [dreg:$0x2];
	s6 =	smul.u32 $0x50000, s1  }
0x4: {  	s0 =	rddreg [dreg:$0x3];
	s8 =	smul.u32 $0x14000, s1  }
0x5: {  	s5 =	srdreg.scid;
	s25 =	smul.u32 $0xA0, s1  }
0x6: {  	s3 =	simm.s32 $0x0;
	s13 =	sand.u32 $0x1, s5;
	s28 =	smul.u32 $0xA00, s1  }
0x7: {  	[smem:$0x7FF] =	sst s3;
	s17 =	smul.u32 $0x140000, s13  }
0x8: {  	s15 =	sadd.s32 $0x5A00, s4;
	s5 =	ssub.s32 $0x2, s13;
	s22 =	smul.u32 $0x50, s13  }
0x9: {  	_ =	strace $0x80000047;
	s29 =	smul.u32 $0x500, s13;
	s7 =	sshrl.u32 s5, $0x1  }
0xa: {  	s23 =	sshrl.u32 s6, $0x2;
	s9 =	sadd.s32 $0x4000, s8;
	s10 =	sadd.s32 $0x8000, s8  }
0xb: {  	s11 =	sadd.s32 $0xC000, s8;
	s18 =	sadd.s32 $0x10000, s8;
	s31 =	sadd.s32 s28, s14  }
0xc: {  	s16 =	ssub.s32 s5, s7;
	s4 =	sadd.s32 s23, s2;
	s5 =	sadd.s32 s9, s2  }
0xd: {  	s6 =	sadd.s32 s10, s2;
	s7 =	sadd.s32 s11, s2;
	s12 =	sadd.s32 s8, s17  }
0xe: {  	s19 =	sadd.s32 s17, s9;
	s8 =	sadd.s32 s18, s2;
	s10 =	sadd.s32 s17, s10  }
0xf: {  	s11 =	sadd.s32 s17, s11;
	s17 =	sadd.s32 s17, s18;
	s26 =	sadd.s32 s22, s25  }
0x10: {  	s22 =	simm.s32 $0x80;
	s23 =	simm.s32 $0x2800;
	s25 =	simm.s32 $0x0  }
0x11: {  	s12 =	sshrl.u32 s12, $0x3;
	s24 =	sshrl.u32 s19, $0x3;
	s20 =	sshrl.u32 s10, $0x3  }
0x12: {  	s21 =	sshrl.u32 s11, $0x3;
	s17 =	sshrl.u32 s17, $0x3;
	s18 =	sshll.u32 s26, $0x4  }
0x13: {  	s19 =	simm.s32 $0xA800;
	s9 =	sadd.s32 s15, s12;
	s10 =	sadd.s32 s15, s24  }
0x14: {  	s11 =	sadd.s32 s15, s20;
	s12 =	sadd.s32 s15, s21;
	s13 =	sadd.s32 s15, s17  }
0x15: {  	s30 =	sadd.s32 s18, s14;
	s14 =	smax.u32 s16, $0x1;
	s16 =	sadd.s32 s29, s31  }
0x16: {  	s17 =	simm.s32 $0x6800;
	s18 =	simm.s32 $0x3;
	s20 =	simm.s32 $0xA880  }
0x17: {  	v0 =	vimm.f32 $1.000000000e+00;
	v1 =	vimm.f32 $0.0e+00;
	s21 =	simm.s32 $0x1;
	s24 =	simm.s32 $0x2;
	s15 =	sadd.s32 $0x10, s30  }
.LBB2_1:
0x18: {  	s26 =	simm.s32 $0x200;
	s28 =	simm.s32 $0x0  }
.LBB2_2:
0x19: {  	p0 =	sne.s32 s26, $0xFE00;
	[tilespmem:s28+$0x2800] =	vst v0;
	s29 =	smov.u32 s26;
	s26 =	sadd.s32 $0x200, s26  }
.Ltmp0:
0x1a: {  	[tilespmem:s28+$0x6800] =	vst v1;
	(pc) =	sbr.rel @p0 .LBB2_2-.Ltmp0, $2  }
0x1b: {  	_ =	sdelay $0x2  }
0x1c: {  	s28 =	sshra.s32 s29, $0x2  }
0x1d: {  	[tilespmem:s28+$0x2800] =	vst v0  }
0x1e: {  	[tilespmem:s28+$0x6800] =	vst v1  }
0x1f: {  	[spmem:s4] =	stream.linear.scatter [tilespmem:s17], [sflag:$0x3], $0x4000, $0x38;
	[tilespmem:$0xA900] =	vst v63  }
0x20: {  	_ =	swait.ge [sflag:s18], $0x4000  }
0x21: {  	[sflag:s18] =	ssyncset.done $0x0  }
0x22: {  	[sflag:s18] =	ssyncadd.s32 $0xFFFFC000  }
0x23: {  	[spmem:s5] =	stream.linear.scatter [tilespmem:s17], [sflag:$0x3], $0x4000, $0x38;
	[tilespmem:$0xA900] =	vst v63  }
0x24: {  	_ =	swait.ge [sflag:s18], $0x4000  }
0x25: {  	[sflag:s18] =	ssyncset.done $0x0  }
0x26: {  	[sflag:s18] =	ssyncadd.s32 $0xFFFFC000  }
0x27: {  	[spmem:s6] =	stream.linear.scatter [tilespmem:s17], [sflag:$0x3], $0x4000, $0x38;
	[tilespmem:$0xA900] =	vst v63  }
0x28: {  	_ =	swait.ge [sflag:s18], $0x4000  }
0x29: {  	[sflag:s18] =	ssyncset.done $0x0  }
0x2a: {  	[sflag:s18] =	ssyncadd.s32 $0xFFFFC000  }
0x2b: {  	[spmem:s7] =	stream.linear.scatter [tilespmem:s17], [sflag:$0x3], $0x4000, $0x38;
	[tilespmem:$0xA900] =	vst v63  }
0x2c: {  	_ =	swait.ge [sflag:s18], $0x4000  }
0x2d: {  	[sflag:s18] =	ssyncset.done $0x0  }
0x2e: {  	[sflag:s18] =	ssyncadd.s32 $0xFFFFC000  }
0x2f: {  	[spmem:s8] =	stream.linear.scatter [tilespmem:s17], [sflag:$0x3], $0x4000, $0x38;
	[tilespmem:$0xA900] =	vst v63  }
0x30: {  	_ =	swait.ge [sflag:s18], $0x4000  }
0x31: {  	[sflag:s18] =	ssyncset.done $0x0  }
0x32: {  	[sflag:s18] =	ssyncadd.s32 $0xFFFFC000  }
0x33: {  	s26 =	sadd.s32 $0x0, s16;
	[bflag:$0x0] =	sbarrier.arrive $0xFFFF  }
0x34: {  	[tilespmem:s19], [sflag:$0x1] =	stream.linear.gather [hbm4b:s26+s3], $0x80, $0x38;
	[tilespmem:$0xA900] =	vst v63  }
0x35: {  	s31 =	sadd.s32 $0x0, s15  }
0x36: {  	[tilespmem:s20], [sflag:$0x2] =	stream.linear.gather [hbm4b:s31+s3], $0x80, $0x38;
	[tilespmem:$0xA900] =	vst v63  }
0x37: {  	_ =	swait.ge [sflag:s21], $0x80  }
0x38: {  	[sflag:s21] =	ssyncset.done $0x0  }
0x39: {  	[sflag:s21] =	ssyncadd.s32 $0xFFFFFF80  }
0x3a: {  	[spmem:s2] =	stream.indirect.scatter.add.f32 [tilespmem:s23], [sflag:$0x3], $0x10, s19, s22, $0xb8;
	[tilespmem:$0xA900] =	vst v63  }
0x3b: {  	_ =	swait.ge [sflag:s18], $0x800  }
0x3c: {  	[sflag:s18] =	ssyncset.done $0x0  }
0x3d: {  	[sflag:s18] =	ssyncadd.s32 $0xFFFFF800  }
0x3e: {  	_ =	swait.ge [sflag:s24], $0x80  }
0x3f: {  	[sflag:s24] =	ssyncset.done $0x0  }
0x40: {  	[sflag:s24] =	ssyncadd.s32 $0xFFFFFF80  }
0x41: {  	[spmem:s2] =	stream.indirect.scatter.add.f32 [tilespmem:s23], [sflag:$0x3], $0x10, s20, s22, $0xb8;
	[tilespmem:$0xA900] =	vst v63  }
0x42: {  	_ =	swait.ge [sflag:s18], $0x800  }
0x43: {  	s28 =	simm.s32 $0x40;
	s26 =	simm.s32 $0x20;
	[sflag:s18] =	ssyncset.done $0x0  }
.LBB2_4:
0x44: {  	s29 =	sadd.s32 s26, s16  }
0x45: {  	[sflag:s18] =	ssyncadd.s32 $0xFFFFF800;
	s30 =	smov.u32 s28;
	s31 =	sadd.s32 $0x20, s28  }
0x46: {  	[tilespmem:s19], [sflag:$0x1] =	stream.linear.gather [hbm4b:s29+s3], $0x80, $0x38;
	[tilespmem:$0xA900] =	vst v63  }
0x47: {  	p0 =	sne.s32 s28, $0x4E0;
	s28 =	sadd.s32 s26, s15;
	s26 =	smov.u32 s30  }
0x48: {  	[tilespmem:s20], [sflag:$0x2] =	stream.linear.gather [hbm4b:s28+s3], $0x80, $0x38;
	[tilespmem:$0xA900] =	vst v63  }
0x49: {  	_ =	swait.ge [sflag:s21], $0x80  }
0x4a: {  	[sflag:s21] =	ssyncset.done $0x0  }
0x4b: {  	[sflag:s21] =	ssyncadd.s32 $0xFFFFFF80  }
0x4c: {  	[spmem:s2] =	stream.indirect.scatter.add.f32 [tilespmem:s23], [sflag:$0x3], $0x10, s19, s22, $0xb8;
	[tilespmem:$0xA900] =	vst v63  }
0x4d: {  	_ =	swait.ge [sflag:s18], $0x800  }
0x4e: {  	[sflag:s18] =	ssyncset.done $0x0  }
0x4f: {  	[sflag:s18] =	ssyncadd.s32 $0xFFFFF800  }
0x50: {  	_ =	swait.ge [sflag:s24], $0x80  }
.Ltmp1:
0x51: {  	[sflag:s24] =	ssyncset.done $0x0;
	(pc) =	sbr.rel @p0 .LBB2_4-.Ltmp1, $4  }
0x52: {  	[sflag:s24] =	ssyncadd.s32 $0xFFFFFF80  }
0x53: {  	[spmem:s2] =	stream.indirect.scatter.add.f32 [tilespmem:s23], [sflag:$0x3], $0x10, s20, s22, $0xb8;
	[tilespmem:$0xA900] =	vst v63  }
0x54: {  	_ =	swait.ge [sflag:s18], $0x800  }
0x55: {  	s28 =	smov.u32 s31;
	[sflag:s18] =	ssyncset.done $0x0  }
0x56: {  	s28 =	sadd.s32 s26, s16;
	[sflag:s18] =	ssyncadd.s32 $0xFFFFF800  }
0x57: {  	[tilespmem:s19], [sflag:$0x1] =	stream.linear.gather [hbm4b:s28+s3], $0x80, $0x38;
	[tilespmem:$0xA900] =	vst v63  }
0x58: {  	s31 =	sadd.s32 s26, s15  }
0x59: {  	[tilespmem:s20], [sflag:$0x2] =	stream.linear.gather [hbm4b:s31+s3], $0x80, $0x38;
	[tilespmem:$0xA900] =	vst v63  }
0x5a: {  	_ =	swait.ge [sflag:s21], $0x80  }
0x5b: {  	[sflag:s21] =	ssyncset.done $0x0  }
0x5c: {  	[sflag:s21] =	ssyncadd.s32 $0xFFFFFF80  }
0x5d: {  	[spmem:s2] =	stream.indirect.scatter.add.f32 [tilespmem:s23], [sflag:$0x3], $0x10, s19, s22, $0xb8;
	[tilespmem:$0xA900] =	vst v63  }
0x5e: {  	_ =	swait.ge [sflag:s18], $0x800  }
0x5f: {  	[sflag:s18] =	ssyncset.done $0x0  }
0x60: {  	[sflag:s18] =	ssyncadd.s32 $0xFFFFF800  }
0x61: {  	_ =	swait.ge [sflag:s24], $0x80  }
0x62: {  	[sflag:s24] =	ssyncset.done $0x0  }
0x63: {  	[sflag:s24] =	ssyncadd.s32 $0xFFFFFF80  }
0x64: {  	[spmem:s2] =	stream.indirect.scatter.add.f32 [tilespmem:s23], [sflag:$0x3], $0x10, s20, s22, $0xb8;
	[tilespmem:$0xA900] =	vst v63  }
0x65: {  	_ =	swait.ge [sflag:s18], $0x800  }
0x66: {  	[sflag:s18] =	ssyncset.done $0x0  }
0x67: {  	[sflag:s18] =	ssyncadd.s32 $0xFFFFF800  }
0x68: {  	[bflag:$0x0] =	sbarrier.arrive $0xFFFF  }
0x69: {  	[tilespmem:s17], [sflag:$0x3] =	stream.linear.gather [spmem:s4], $0x4000, $0x38;
	[tilespmem:$0xA900] =	vst v63  }
0x6a: {  	_ =	swait.ge [sflag:s18], $0x4000  }
0x6b: {  	[sflag:s18] =	ssyncset.done $0x0  }
0x6c: {  	[sflag:s18] =	ssyncadd.s32 $0xFFFFC000  }
0x6d: {  	[hbm4b:s9+s3] =	stream.linear.scatter [tilespmem:s17], [sflag:$0x3], $0x4000, $0x38;
	[tilespmem:$0xA900] =	vst v63  }
0x6e: {  	_ =	swait.ge [sflag:s18], $0x4000  }
0x6f: {  	[sflag:s18] =	ssyncset.done $0x0  }
0x70: {  	[sflag:s18] =	ssyncadd.s32 $0xFFFFC000  }
0x71: {  	[tilespmem:s17], [sflag:$0x3] =	stream.linear.gather [spmem:s5], $0x4000, $0x38;
	[tilespmem:$0xA900] =	vst v63  }
0x72: {  	_ =	swait.ge [sflag:s18], $0x4000  }
0x73: {  	[sflag:s18] =	ssyncset.done $0x0  }
0x74: {  	[sflag:s18] =	ssyncadd.s32 $0xFFFFC000  }
0x75: {  	[hbm4b:s10+s3] =	stream.linear.scatter [tilespmem:s17], [sflag:$0x3], $0x4000, $0x38;
	[tilespmem:$0xA900] =	vst v63  }
0x76: {  	_ =	swait.ge [sflag:s18], $0x4000  }
0x77: {  	[sflag:s18] =	ssyncset.done $0x0  }
0x78: {  	[sflag:s18] =	ssyncadd.s32 $0xFFFFC000  }
0x79: {  	[tilespmem:s17], [sflag:$0x3] =	stream.linear.gather [spmem:s6], $0x4000, $0x38;
	[tilespmem:$0xA900] =	vst v63  }
0x7a: {  	_ =	swait.ge [sflag:s18], $0x4000  }
0x7b: {  	[sflag:s18] =	ssyncset.done $0x0  }
0x7c: {  	[sflag:s18] =	ssyncadd.s32 $0xFFFFC000  }
0x7d: {  	[hbm4b:s11+s3] =	stream.linear.scatter [tilespmem:s17], [sflag:$0x3], $0x4000, $0x38;
	[tilespmem:$0xA900] =	vst v63  }
0x7e: {  	_ =	swait.ge [sflag:s18], $0x4000  }
0x7f: {  	[sflag:s18] =	ssyncset.done $0x0  }
0x80: {  	[sflag:s18] =	ssyncadd.s32 $0xFFFFC000  }
0x81: {  	[tilespmem:s17], [sflag:$0x3] =	stream.linear.gather [spmem:s7], $0x4000, $0x38;
	[tilespmem:$0xA900] =	vst v63  }
0x82: {  	_ =	swait.ge [sflag:s18], $0x4000  }
0x83: {  	[sflag:s18] =	ssyncset.done $0x0  }
0x84: {  	[sflag:s18] =	ssyncadd.s32 $0xFFFFC000  }
0x85: {  	[hbm4b:s12+s3] =	stream.linear.scatter [tilespmem:s17], [sflag:$0x3], $0x4000, $0x38;
	[tilespmem:$0xA900] =	vst v63  }
0x86: {  	_ =	swait.ge [sflag:s18], $0x4000  }
0x87: {  	[sflag:s18] =	ssyncset.done $0x0  }
0x88: {  	[sflag:s18] =	ssyncadd.s32 $0xFFFFC000  }
0x89: {  	[tilespmem:s17], [sflag:$0x3] =	stream.linear.gather [spmem:s8], $0x4000, $0x38;
	[tilespmem:$0xA900] =	vst v63  }
0x8a: {  	s25 =	sadd.s32 $0x1, s25;
	_ =	swait.ge [sflag:s18], $0x4000  }
0x8b: {  	p0 =	sne.s32 s25, s14;
	[sflag:s18] =	ssyncset.done $0x0  }
.Ltmp2:
0x8c: {  	[sflag:s18] =	ssyncadd.s32 $0xFFFFC000;
	(pc) =	sbr.rel @p0 .LBB2_1-.Ltmp2, $4  }
0x8d: {  	[hbm4b:s13+s3] =	stream.linear.scatter [tilespmem:s17], [sflag:$0x3], $0x4000, $0x38;
	[tilespmem:$0xA900] =	vst v63  }
0x8e: {  	_ =	swait.ge [sflag:s18], $0x4000  }
0x8f: {  	[sflag:s18] =	ssyncset.done $0x0  }
0x90: {  	[sflag:s18] =	ssyncadd.s32 $0xFFFFC000  }
0x91: {  	_ =	sfence.sel $0x180000  }
0x92: {  	[bflag:$0x0] =	sbarrier.arrive $0xFFFF  }
0x93: {  	p0 =	sne.s32 s1, $0x0;
	_ =	strace $0x90000047  }
0x94: {  	s0 =	sadd.s32 @!p0 $0x100000, s0;
	[bflag:$0x2] =	sbarrier.arrive $0xFFFF  }
0x95: {  	[sflag:s0] =	ssyncadd.tile.s32 @!p0 $0x1;
	_ =	shalt  }
.Lfunc_end2:
_tile_overlayer_lowered:
.L_overlay_start_2:
0x96: {  	(tag) =	ssettag $0x2  }
0x97: {  	s0 =	rddreg [dreg:$0x0];
	s2 =	stileid.u32  }
0x98: {  	s1 =	rddreg [dreg:$0x1];
	p0 =	sne.s32 s2, $0x0  }
0x99: {  	s3 =	rddreg [dreg:$0x2];
	[bflag:$0x3] =	sbarrier.arrive $0xFFFF;
	s2 =	simm.s32 @!p0 $0x1C03  }
0x9a: {  	[timem:s3], [sflag:s2] =	dma.local @!p0 [hbm:s0], s1  }
0x9b: {  	s0 =	simm.s32 @!p0 $0x3  }
0x9c: {  	_ =	swait.ge @!p0 [sflag:s0], s1  }
0x9d: {  	s1 =	ssub.s32 @!p0 $0x0, s1;
	[sflag:s0] =	ssyncset.done @!p0 $0x0  }
0x9e: {  	[sflag:s0] =	ssyncadd.s32 @!p0 s1  }
0x9f: {  	[bflag:$0x3] =	sbarrier.arrive $0xFFFF  }
0xa0: {  	_ =	shalt  }

</sc_bundles>
